<compile_context>
chip_gen: v7x
topology: tpu7x:2x2x1
jax: 0.10.2.dev20260603
libtpu: 0.0.44.dev20260713+nightly
codegen_flags: <defaults>
</compile_context>

<pallas_src>
import functools

import jax
import jax.numpy as jnp
from jax import lax
from jax.experimental import pallas as pl
from jax.experimental.pallas import tpu as pltpu
from jax.experimental.pallas import tpu_sc as plsc

N = 10000
E = 320000
D = 128
G = 16

NCORE = 2
NSUB = 16
NT = NCORE * NSUB

K = 128
NCH = 80
TCH = 2560
NCH0 = 152
NCH1 = 8
SUPS0 = (40, 40, 40, 32)
SUPS1 = (8,)
SGMAX = 40
EPT = K * NCH
E_PAD = EPT * NT
N_PAD = 10112
RZ = N_PAD // NSUB

BLK = 1000
GRID = N // BLK


def _mesh():
    return plsc.VectorSubcoreMesh(core_axis_name="c", subcore_axis_name="s")



def _sc_deg(dst3, z128):

    @functools.partial(
        pl.kernel,
        mesh=_mesh(),
        out_type=jax.ShapeDtypeStruct((NCORE, N_PAD, D), jnp.float32),
        scratch_types=[
            pltpu.VMEM((NCH, K), jnp.int32),
            pltpu.VMEM((K, D), jnp.float32),
            pltpu.VMEM_SHARED((N_PAD, D), jnp.float32),
        ],
    )
    def k(dst_hbm, z_hbm, out_hbm, dst_v, ones_v, acc):
        cid = lax.axis_index("c")
        sid = lax.axis_index("s")
        wid = sid * NCORE + cid
        pltpu.sync_copy(z_hbm, acc.at[pl.ds(sid * RZ, RZ)])

        def fill(r, carry):
            for g in range(D // 16):
                ones_v[r, pl.ds(g * 16, 16)] = jnp.full((16,), 1.0,
                                                        jnp.float32)
            return carry

        lax.fori_loop(0, K, fill, 0)
        pltpu.sync_copy(dst_hbm.at[pl.ds(wid * NCH, NCH)], dst_v)
        plsc.subcore_barrier()

        def body(c, carry):
            pltpu.sync_copy(ones_v, acc.at[dst_v.at[c]], add=True)
            return carry

        lax.fori_loop(0, NCH, body, 0)
        plsc.subcore_barrier()
        pltpu.sync_copy(acc.at[pl.ds(sid * RZ, RZ)],
                        out_hbm.at[cid, pl.ds(sid * RZ, RZ)])

    return k(dst3, z128)


def _sc_agg(hs_pad, src3, dst3, z128):

    @functools.partial(
        pl.kernel,
        mesh=_mesh(),
        out_type=jax.ShapeDtypeStruct((NCORE, N_PAD, D), jnp.float32),
        scratch_types=[
            pltpu.VMEM((SGMAX, K), jnp.int32),
            pltpu.VMEM((SGMAX, K), jnp.int32),
            pltpu.VMEM((K, D), jnp.float32),
            pltpu.VMEM((K, D), jnp.float32),
            pltpu.VMEM_SHARED((N_PAD, D), jnp.float32),
            pltpu.SemaphoreType.DMA,
            pltpu.SemaphoreType.DMA,
        ],
    )
    def k(hs_hbm, src_hbm, dst_hbm, z_hbm, out_hbm,
          ssup, dsup, r0, r1, acc, s0, s1):
        cid = lax.axis_index("c")
        sid = lax.axis_index("s")
        pltpu.sync_copy(z_hbm, acc.at[pl.ds(sid * RZ, RZ)])
        plsc.subcore_barrier()

        rows = (r0, r1)
        sems = (s0, s1)

        def run_part(base, supers):
            off = 0
            for sg in supers:
                sb = base + off
                pltpu.sync_copy(src_hbm.at[pl.ds(sb, sg)],
                                ssup.at[pl.ds(0, sg)])
                pltpu.sync_copy(dst_hbm.at[pl.ds(sb, sg)],
                                dsup.at[pl.ds(0, sg)])
                pltpu.async_copy(hs_hbm.at[ssup.at[0]], r0, s0)
                pltpu.async_copy(hs_hbm.at[ssup.at[1]], r1, s1)

                def pair(j, carry):
                    for b in range(2):
                        c = 2 * j + b
                        pltpu.make_async_copy(hs_hbm.at[ssup.at[c]],
                                              rows[b], sems[b]).wait()
                        pltpu.sync_copy(rows[b], acc.at[dsup.at[c]],
                                        add=True)

                        @pl.when(c + 2 < sg)
                        def _():
                            pltpu.async_copy(hs_hbm.at[ssup.at[c + 2]],
                                             rows[b], sems[b])
                    return carry

                lax.fori_loop(0, sg // 2, pair, 0)
                off += sg

        @pl.when(cid == 0)
        def _():
            run_part(sid * NCH0, SUPS0)

        @pl.when(cid == 1)
        def _():
            run_part(NSUB * NCH0 + sid * NCH1, SUPS1)

        plsc.subcore_barrier()
        pltpu.sync_copy(acc.at[pl.ds(sid * RZ, RZ)],
                        out_hbm.at[cid, pl.ds(sid * RZ, RZ)])

    return k(hs_pad, src3, dst3, z128)



def _dinv(deg):
    return jnp.where(deg > 0, lax.rsqrt(jnp.maximum(deg, 1e-12)), 0.0)


def _mm_scale_body(x_ref, w_ref, deg_ref, o_ref):
    o_ref[...] = (jnp.dot(x_ref[...], w_ref[...],
                          preferred_element_type=jnp.float32)
                  * _dinv(deg_ref[...]))


def _mm_scale(x, W, deg):
    return pl.pallas_call(
        _mm_scale_body,
        grid=(GRID,),
        in_specs=[
            pl.BlockSpec((BLK, D), lambda i: (i, 0)),
            pl.BlockSpec((D, D), lambda i: (0, 0)),
            pl.BlockSpec((BLK, 1), lambda i: (i, 0)),
        ],
        out_specs=pl.BlockSpec((BLK, D), lambda i: (i, 0)),
        out_shape=jax.ShapeDtypeStruct((N, D), jnp.float32),
    )(x, W, deg)


def _bn_relu_mm_scale_body(t_ref, sc_ref, sh_ref, w_ref, deg_ref, o_ref):
    r = jnp.maximum(t_ref[...] * sc_ref[...] + sh_ref[...], 0.0)
    o_ref[...] = (jnp.dot(r, w_ref[...], preferred_element_type=jnp.float32)
                  * _dinv(deg_ref[...]))


def _bn_relu_mm_scale(t, scale, shift, W, deg):
    return pl.pallas_call(
        _bn_relu_mm_scale_body,
        grid=(GRID,),
        in_specs=[
            pl.BlockSpec((BLK, D), lambda i: (i, 0)),
            pl.BlockSpec((1, D), lambda i: (0, 0)),
            pl.BlockSpec((1, D), lambda i: (0, 0)),
            pl.BlockSpec((D, D), lambda i: (0, 0)),
            pl.BlockSpec((BLK, 1), lambda i: (i, 0)),
        ],
        out_specs=pl.BlockSpec((BLK, D), lambda i: (i, 0)),
        out_shape=jax.ShapeDtypeStruct((N, D), jnp.float32),
    )(t, scale, shift, W, deg)


def _combine_stats_body(p0_ref, p1_ref, deg_ref, b_ref, t_ref, st_ref,
                        acc_ref):
    i = pl.program_id(0)
    t = (p0_ref[0] + p1_ref[0]) * _dinv(deg_ref[...]) + b_ref[...]
    t_ref[...] = t

    @pl.when(i == 0)
    def _():
        acc_ref[...] = jnp.zeros_like(acc_ref)

    acc_ref[...] += jnp.concatenate(
        [jnp.sum(t, axis=0, keepdims=True),
         jnp.sum(t * t, axis=0, keepdims=True),
         jnp.zeros((6, D), jnp.float32)], axis=0)
    st_ref[...] = acc_ref[...]


def _combine_stats(parts, deg, b):
    return pl.pallas_call(
        _combine_stats_body,
        grid=(GRID,),
        in_specs=[
            pl.BlockSpec((1, BLK, D), lambda i: (0, i, 0)),
            pl.BlockSpec((1, BLK, D), lambda i: (1, i, 0)),
            pl.BlockSpec((BLK, 1), lambda i: (i, 0)),
            pl.BlockSpec((1, D), lambda i: (0, 0)),
        ],
        out_specs=[
            pl.BlockSpec((BLK, D), lambda i: (i, 0)),
            pl.BlockSpec((8, D), lambda i: (0, 0)),
        ],
        out_shape=[
            jax.ShapeDtypeStruct((N, D), jnp.float32),
            jax.ShapeDtypeStruct((8, D), jnp.float32),
        ],
        scratch_shapes=[pltpu.VMEM((8, D), jnp.float32)],
    )(parts, parts, deg, b)


def _pool_head_body(t_ref, sc_ref, sh_ref, bt_ref, wh_ref, bh_ref,
                    o_ref, ps_ref, cn_ref):
    i = pl.program_id(0)

    @pl.when(i == 0)
    def _():
        ps_ref[...] = jnp.zeros_like(ps_ref)
        cn_ref[...] = jnp.zeros_like(cn_ref)

    r = jnp.maximum(t_ref[...] * sc_ref[...] + sh_ref[...], 0.0)
    oh = (bt_ref[...] == lax.broadcasted_iota(jnp.int32, (BLK, G), 1)
          ).astype(jnp.float32)
    dn = (((0,), (0,)), ((), ()))
    ps_ref[...] += lax.dot_general(oh, r, dn,
                                   preferred_element_type=jnp.float32)
    cn_ref[...] += lax.dot_general(oh, jnp.ones_like(r), dn,
                                   preferred_element_type=jnp.float32)

    @pl.when(i == GRID - 1)
    def _():
        pooled = ps_ref[...] / jnp.maximum(cn_ref[...], 1.0)
        o_ref[...] = (jnp.dot(pooled, wh_ref[...],
                              preferred_element_type=jnp.float32)
                      + bh_ref[...])


def _pool_head(t, scale, shift, batch2, Whp, bhp):
    return pl.pallas_call(
        _pool_head_body,
        grid=(GRID,),
        in_specs=[
            pl.BlockSpec((BLK, D), lambda i: (i, 0)),
            pl.BlockSpec((1, D), lambda i: (0, 0)),
            pl.BlockSpec((1, D), lambda i: (0, 0)),
            pl.BlockSpec((BLK, 1), lambda i: (i, 0)),
            pl.BlockSpec((D, D), lambda i: (0, 0)),
            pl.BlockSpec((1, D), lambda i: (0, 0)),
        ],
        out_specs=pl.BlockSpec((G, D), lambda i: (0, 0)),
        out_shape=jax.ShapeDtypeStruct((G, D), jnp.float32),
        scratch_shapes=[pltpu.VMEM((G, D), jnp.float32),
                        pltpu.VMEM((G, D), jnp.float32)],
    )(t, scale, shift, batch2, Whp, bhp)



def kernel(x, edge_index, batch, W1, b1, g1, bt1, W2, b2, g2, bt2, Wh, bh):
    f32 = jnp.float32
    ei = jnp.concatenate(
        [edge_index, jnp.full((2, E_PAD - E), N, dtype=jnp.int32)], axis=1)
    src3 = ei[0].reshape(TCH, K)
    dst3 = ei[1].reshape(TCH, K)

    z128 = jnp.zeros((RZ, D), f32)
    padrows = jnp.zeros((N_PAD - N, D), f32)

    deg_parts = _sc_deg(dst3, z128)
    deg = (deg_parts[0, :N, 0] + deg_parts[1, :N, 0]).reshape(N, 1)

    def bn_consts(st, g, bt):
        mean = st[0] / N
        var = st[1] / N - mean * mean
        scale = g * lax.rsqrt(var + 1e-5)
        shift = bt - mean * scale
        return scale.reshape(1, D), shift.reshape(1, D)

    def do_agg(hs_pad):
        return _sc_agg(hs_pad, src3, dst3, z128)

    hs1 = _mm_scale(x, W1, deg)
    parts1 = do_agg(jnp.concatenate([hs1, padrows], axis=0))
    t1, st1 = _combine_stats(parts1, deg, b1.reshape(1, D))
    sc1, sh1 = bn_consts(st1, g1, bt1)

    hs2 = _bn_relu_mm_scale(t1, sc1, sh1, W2, deg)
    parts2 = do_agg(jnp.concatenate([hs2, padrows], axis=0))
    t2, st2 = _combine_stats(parts2, deg, b2.reshape(1, D))
    sc2, sh2 = bn_consts(st2, g2, bt2)

    Whp = jnp.concatenate([Wh, jnp.zeros((D, D - Wh.shape[1]), f32)], axis=1)
    bhp = jnp.concatenate([bh, jnp.zeros((D - bh.shape[0],), f32)]).reshape(1, D)
    out = _pool_head(t2, sc2, sh2, batch.reshape(N, 1), Whp, bhp)
    return out[:, :bh.shape[0]]

# --- scband reference (transcript-rebuilt; emitter-appended) ---
"""Pipeline reference for scband-builtin-gnn-77326591197791 (READ-ONLY COPY).

The authoritative reference and input builder live on the scoring server;
editing this copy changes nothing except your own understanding.
"""

import jax, jax.numpy as jnp
import numpy as np

N_NODES = 10000
N_EDGES = 320000
D_IN = 128
D_HID = 128
D_OUT = 64
N_GRAPHS = 16


def setup_inputs(seed: int = 0) -> dict:
    key = jax.random.key(seed)
    ks = jax.random.split(key, 12)
    x = jax.random.normal(ks[0], (N_NODES, D_IN), dtype=jnp.float32)
    edge_index = jax.random.randint(ks[1], (2, N_EDGES), 0, N_NODES, dtype=jnp.int32)
    batch = jnp.sort(jax.random.randint(ks[2], (N_NODES,), 0, N_GRAPHS, dtype=jnp.int32))
    W1 = jax.random.normal(ks[3], (D_IN, D_HID), dtype=jnp.float32) * (1.0 / np.sqrt(D_IN))
    b1 = jnp.zeros((D_HID,), dtype=jnp.float32)
    g1 = jnp.ones((D_HID,), dtype=jnp.float32)
    bt1 = jnp.zeros((D_HID,), dtype=jnp.float32)
    W2 = jax.random.normal(ks[4], (D_HID, D_HID), dtype=jnp.float32) * (1.0 / np.sqrt(D_HID))
    b2 = jnp.zeros((D_HID,), dtype=jnp.float32)
    g2 = jnp.ones((D_HID,), dtype=jnp.float32)
    bt2 = jnp.zeros((D_HID,), dtype=jnp.float32)
    Wh = jax.random.normal(ks[5], (D_HID, D_OUT), dtype=jnp.float32) * (1.0 / np.sqrt(D_HID))
    bh = jnp.zeros((D_OUT,), dtype=jnp.float32)
    return {"x": x, "edge_index": edge_index, "batch": batch,
            "W1": W1, "b1": b1, "g1": g1, "bt1": bt1,
            "W2": W2, "b2": b2, "g2": g2, "bt2": bt2,
            "Wh": Wh, "bh": bh}


def _gcn_bn_relu(x, src, dst, W, b, g, bt):
    # GCNConv with add_self_loops=False, normalize=True (symmetric norm, deg from dst)
    h = x @ W
    deg = jnp.zeros((x.shape[0],), x.dtype).at[dst].add(1.0)
    dinv = jnp.where(deg > 0, jax.lax.rsqrt(jnp.maximum(deg, 1e-12)), 0.0)
    norm = dinv[src] * dinv[dst]
    msg = h[src] * norm[:, None]
    out = jnp.zeros_like(h).at[dst].add(msg) + b
    # BatchNorm1d (training-mode batch statistics, eps=1e-5)
    mean = out.mean(axis=0)
    var = out.var(axis=0)
    out = (out - mean) / jnp.sqrt(var + 1e-5) * g + bt
    return jax.nn.relu(out)


def reference(x, edge_index, batch, W1, b1, g1, bt1, W2, b2, g2, bt2, Wh, bh):
    src = edge_index[0]
    dst = edge_index[1]
    h = _gcn_bn_relu(x, src, dst, W1, b1, g1, bt1)
    h = _gcn_bn_relu(h, src, dst, W2, b2, g2, bt2)
    # global_mean_pool over batch assignment
    sums = jax.ops.segment_sum(h, batch, num_segments=N_GRAPHS)
    counts = jax.ops.segment_sum(jnp.ones((h.shape[0],), h.dtype), batch, num_segments=N_GRAPHS)
    pooled = sums / jnp.maximum(counts, 1.0)[:, None]
    return pooled @ Wh + bh

if __name__ == "__main__":
    import jax
    _d = setup_inputs()
    print(jax.jit(kernel)(*tuple(_d.values())))

</pallas_src>

<mosaic_0001>
#map = affine_map<(d0, d1) -> (0, 0)>
#map1 = affine_map<(d0, d1) -> (0, 0, 0)>
module attributes {stable_mosaic.version = 14 : i64} {
  func.func @k(%arg0: i32, %arg1: i32, %arg2: memref<2560x128xi32, #tpu.memory_space<hbm>>, %arg3: memref<632x128xf32, #tpu.memory_space<hbm>>, %arg4: memref<2x10112x128xf32, #tpu.memory_space<hbm>>, %arg5: memref<80x128xi32, #tpu.memory_space<vmem>>, %arg6: memref<128x128xf32, #tpu.memory_space<vmem>>, %arg7: memref<10112x128xf32, #tpu.memory_space<vmem_shared>>) attributes {dimension_semantics = [#tpu.dimension_semantics<core_parallel>, #tpu.dimension_semantics<subcore_parallel>], iteration_bounds = array<i64: 2, 16>, scalar_prefetch = 0 : i64, scratch_operands = 3 : i64, tpu.core_type = #tpu.core_type<sc_vector_subcore>, window_params = [{transform_indices = #map}, {transform_indices = #map}, {transform_indices = #map1}]} {
    %mul3A = arith.constant 2 : i32
    %mul3A_0 = arith.muli %arg1, %mul3A : i32
    %add3A = arith.addi %mul3A_0, %arg0 : i32
    %mul3A_1 = arith.constant 632 : i32
    %mul3A_2 = arith.muli %arg1, %mul3A_1 : i32
    "tpu.region"() ({
      %run_scoped3A = tpu.sem_alloc : memref<!tpu.dma_semaphore, #tpu.memory_space<semaphore_mem>>
      %dma_start3A = arith.constant 0 : i32
      %dma_start3A_21 = tpu.memref_slice %arg7[%mul3A_2, %dma_start3A] : memref<10112x128xf32, #tpu.memory_space<vmem_shared>> -> memref<632x128xf32, #tpu.memory_space<vmem_shared>>
      tpu.enqueue_dma source(%arg3 : memref<632x128xf32, #tpu.memory_space<hbm>>) target(%dma_start3A_21 : memref<632x128xf32, #tpu.memory_space<vmem_shared>>) target_semaphore(%run_scoped3A : memref<!tpu.dma_semaphore, #tpu.memory_space<semaphore_mem>>)
      %dma_wait3A = arith.constant 0 : i32
      %dma_wait3A_22 = tpu.memref_slice %arg7[%mul3A_2, %dma_wait3A] : memref<10112x128xf32, #tpu.memory_space<vmem_shared>> -> memref<632x128xf32, #tpu.memory_space<vmem_shared>>
      tpu.wait_dma2 semaphore(%run_scoped3A : memref<!tpu.dma_semaphore, #tpu.memory_space<semaphore_mem>>) src(%arg3 : memref<632x128xf32, #tpu.memory_space<hbm>>) dst(%dma_wait3A_22 : memref<632x128xf32, #tpu.memory_space<vmem_shared>>)
      tpu.yield
    }) : () -> ()
    %scan3A = arith.constant 0 : i32
    %scan3A_3 = arith.constant 0 : i32
    %scan3A_4 = arith.constant 128 : i32
    %scan3A_5 = arith.addi %scan3A_3, %scan3A_4 : i32
    %scan3A_6 = arith.constant 1 : i32
    scf.for %scan3A_21 = %scan3A_3 to %scan3A_5 step %scan3A_6  : i32 {
      %broadcast_in_dim3A = arith.constant 1.000000e+00 : f32
      %broadcast_in_dim3A_22 = vector.broadcast %broadcast_in_dim3A : f32 to vector<16xf32>
      %swap3A = arith.index_cast %scan3A_21 : i32 to index
      %swap3A_23 = arith.constant 0 : index
      %swap3A_24 = tpu.vector_load %arg6[%swap3A, %swap3A_23] {strides = array<i32>} : memref<128x128xf32, #tpu.memory_space<vmem>>, vector<1x16xf32>,
      %swap3A_25 = vector.shape_cast %swap3A_24 : vector<1x16xf32> to vector<16xf32>
      %swap3A_26 = vector.shape_cast %broadcast_in_dim3A_22 : vector<16xf32> to vector<1x16xf32>
      tpu.vector_store %arg6[%swap3A, %swap3A_23], %swap3A_26 {strides = array<i32>} : memref<128x128xf32, #tpu.memory_space<vmem>>, vector<1x16xf32>,
      %broadcast_in_dim3A_27 = arith.constant 1.000000e+00 : f32
      %broadcast_in_dim3A_28 = vector.broadcast %broadcast_in_dim3A_27 : f32 to vector<16xf32>
      %swap3A_29 = arith.index_cast %scan3A_21 : i32 to index
      %swap3A_30 = arith.constant 16 : index
      %swap3A_31 = tpu.vector_load %arg6[%swap3A_29, %swap3A_30] {strides = array<i32>} : memref<128x128xf32, #tpu.memory_space<vmem>>, vector<1x16xf32>,
      %swap3A_32 = vector.shape_cast %swap3A_31 : vector<1x16xf32> to vector<16xf32>
      %swap3A_33 = vector.shape_cast %broadcast_in_dim3A_28 : vector<16xf32> to vector<1x16xf32>
      tpu.vector_store %arg6[%swap3A_29, %swap3A_30], %swap3A_33 {strides = array<i32>} : memref<128x128xf32, #tpu.memory_space<vmem>>, vector<1x16xf32>,
      %broadcast_in_dim3A_34 = arith.constant 1.000000e+00 : f32
      %broadcast_in_dim3A_35 = vector.broadcast %broadcast_in_dim3A_34 : f32 to vector<16xf32>
      %swap3A_36 = arith.index_cast %scan3A_21 : i32 to index
      %swap3A_37 = arith.constant 32 : index
      %swap3A_38 = tpu.vector_load %arg6[%swap3A_36, %swap3A_37] {strides = array<i32>} : memref<128x128xf32, #tpu.memory_space<vmem>>, vector<1x16xf32>,
      %swap3A_39 = vector.shape_cast %swap3A_38 : vector<1x16xf32> to vector<16xf32>
      %swap3A_40 = vector.shape_cast %broadcast_in_dim3A_35 : vector<16xf32> to vector<1x16xf32>
      tpu.vector_store %arg6[%swap3A_36, %swap3A_37], %swap3A_40 {strides = array<i32>} : memref<128x128xf32, #tpu.memory_space<vmem>>, vector<1x16xf32>,
      %broadcast_in_dim3A_41 = arith.constant 1.000000e+00 : f32
      %broadcast_in_dim3A_42 = vector.broadcast %broadcast_in_dim3A_41 : f32 to vector<16xf32>
      %swap3A_43 = arith.index_cast %scan3A_21 : i32 to index
      %swap3A_44 = arith.constant 48 : index
      %swap3A_45 = tpu.vector_load %arg6[%swap3A_43, %swap3A_44] {strides = array<i32>} : memref<128x128xf32, #tpu.memory_space<vmem>>, vector<1x16xf32>,
      %swap3A_46 = vector.shape_cast %swap3A_45 : vector<1x16xf32> to vector<16xf32>
      %swap3A_47 = vector.shape_cast %broadcast_in_dim3A_42 : vector<16xf32> to vector<1x16xf32>
      tpu.vector_store %arg6[%swap3A_43, %swap3A_44], %swap3A_47 {strides = array<i32>} : memref<128x128xf32, #tpu.memory_space<vmem>>, vector<1x16xf32>,
      %broadcast_in_dim3A_48 = arith.constant 1.000000e+00 : f32
      %broadcast_in_dim3A_49 = vector.broadcast %broadcast_in_dim3A_48 : f32 to vector<16xf32>
      %swap3A_50 = arith.index_cast %scan3A_21 : i32 to index
      %swap3A_51 = arith.constant 64 : index
      %swap3A_52 = tpu.vector_load %arg6[%swap3A_50, %swap3A_51] {strides = array<i32>} : memref<128x128xf32, #tpu.memory_space<vmem>>, vector<1x16xf32>,
      %swap3A_53 = vector.shape_cast %swap3A_52 : vector<1x16xf32> to vector<16xf32>
      %swap3A_54 = vector.shape_cast %broadcast_in_dim3A_49 : vector<16xf32> to vector<1x16xf32>
      tpu.vector_store %arg6[%swap3A_50, %swap3A_51], %swap3A_54 {strides = array<i32>} : memref<128x128xf32, #tpu.memory_space<vmem>>, vector<1x16xf32>,
      %broadcast_in_dim3A_55 = arith.constant 1.000000e+00 : f32
      %broadcast_in_dim3A_56 = vector.broadcast %broadcast_in_dim3A_55 : f32 to vector<16xf32>
      %swap3A_57 = arith.index_cast %scan3A_21 : i32 to index
      %swap3A_58 = arith.constant 80 : index
      %swap3A_59 = tpu.vector_load %arg6[%swap3A_57, %swap3A_58] {strides = array<i32>} : memref<128x128xf32, #tpu.memory_space<vmem>>, vector<1x16xf32>,
      %swap3A_60 = vector.shape_cast %swap3A_59 : vector<1x16xf32> to vector<16xf32>
      %swap3A_61 = vector.shape_cast %broadcast_in_dim3A_56 : vector<16xf32> to vector<1x16xf32>
      tpu.vector_store %arg6[%swap3A_57, %swap3A_58], %swap3A_61 {strides = array<i32>} : memref<128x128xf32, #tpu.memory_space<vmem>>, vector<1x16xf32>,
      %broadcast_in_dim3A_62 = arith.constant 1.000000e+00 : f32
      %broadcast_in_dim3A_63 = vector.broadcast %broadcast_in_dim3A_62 : f32 to vector<16xf32>
      %swap3A_64 = arith.index_cast %scan3A_21 : i32 to index
      %swap3A_65 = arith.constant 96 : index
      %swap3A_66 = tpu.vector_load %arg6[%swap3A_64, %swap3A_65] {strides = array<i32>} : memref<128x128xf32, #tpu.memory_space<vmem>>, vector<1x16xf32>,
      %swap3A_67 = vector.shape_cast %swap3A_66 : vector<1x16xf32> to vector<16xf32>
      %swap3A_68 = vector.shape_cast %broadcast_in_dim3A_63 : vector<16xf32> to vector<1x16xf32>
      tpu.vector_store %arg6[%swap3A_64, %swap3A_65], %swap3A_68 {strides = array<i32>} : memref<128x128xf32, #tpu.memory_space<vmem>>, vector<1x16xf32>,
      %broadcast_in_dim3A_69 = arith.constant 1.000000e+00 : f32
      %broadcast_in_dim3A_70 = vector.broadcast %broadcast_in_dim3A_69 : f32 to vector<16xf32>
      %swap3A_71 = arith.index_cast %scan3A_21 : i32 to index
      %swap3A_72 = arith.constant 112 : index
      %swap3A_73 = tpu.vector_load %arg6[%swap3A_71, %swap3A_72] {strides = array<i32>} : memref<128x128xf32, #tpu.memory_space<vmem>>, vector<1x16xf32>,
      %swap3A_74 = vector.shape_cast %swap3A_73 : vector<1x16xf32> to vector<16xf32>
      %swap3A_75 = vector.shape_cast %broadcast_in_dim3A_70 : vector<16xf32> to vector<1x16xf32>
      tpu.vector_store %arg6[%swap3A_71, %swap3A_72], %swap3A_75 {strides = array<i32>} : memref<128x128xf32, #tpu.memory_space<vmem>>, vector<1x16xf32>,
    }
    %scan3A_7 = arith.constant 128 : i32
    %mul3A_8 = arith.constant 80 : i32
    %mul3A_9 = arith.muli %add3A, %mul3A_8 : i32
    "tpu.region"() ({
      %run_scoped3A = tpu.sem_alloc : memref<!tpu.dma_semaphore, #tpu.memory_space<semaphore_mem>>
      %dma_start3A = arith.constant 0 : i32
      %dma_start3A_21 = tpu.memref_slice %arg2[%mul3A_9, %dma_start3A] : memref<2560x128xi32, #tpu.memory_space<hbm>> -> memref<80x128xi32, #tpu.memory_space<hbm>>
      %dma_start3A_22 = arith.constant 0 : i32
      %dma_start3A_23 = tpu.memref_slice %arg2[%mul3A_9, %dma_start3A_22] : memref<2560x128xi32, #tpu.memory_space<hbm>> -> memref<80x128xi32, #tpu.memory_space<hbm>>
      tpu.enqueue_dma source(%dma_start3A_23 : memref<80x128xi32, #tpu.memory_space<hbm>>) target(%arg5 : memref<80x128xi32, #tpu.memory_space<vmem>>) target_semaphore(%run_scoped3A : memref<!tpu.dma_semaphore, #tpu.memory_space<semaphore_mem>>)
      %dma_wait3A = arith.constant 0 : i32
      %dma_wait3A_24 = tpu.memref_slice %arg2[%mul3A_9, %dma_wait3A] : memref<2560x128xi32, #tpu.memory_space<hbm>> -> memref<80x128xi32, #tpu.memory_space<hbm>>
      %dma_wait3A_25 = arith.constant 0 : i32
      %dma_wait3A_26 = tpu.memref_slice %arg2[%mul3A_9, %dma_wait3A_25] : memref<2560x128xi32, #tpu.memory_space<hbm>> -> memref<80x128xi32, #tpu.memory_space<hbm>>
      tpu.wait_dma2 semaphore(%run_scoped3A : memref<!tpu.dma_semaphore, #tpu.memory_space<semaphore_mem>>) src(%dma_wait3A_26 : memref<80x128xi32, #tpu.memory_space<hbm>>) dst(%arg5 : memref<80x128xi32, #tpu.memory_space<vmem>>)
      tpu.yield
    }) : () -> ()
    %barrier3A = arith.constant 0 : index
    tpu.barrier barrier_id(%barrier3A)
    %scan3A_10 = arith.constant 0 : i32
    %scan3A_11 = arith.constant 0 : i32
    %scan3A_12 = arith.constant 80 : i32
    %scan3A_13 = arith.addi %scan3A_11, %scan3A_12 : i32
    %scan3A_14 = arith.constant 1 : i32
    scf.for %scan3A_21 = %scan3A_11 to %scan3A_13 step %scan3A_14  : i32 {
      "tpu.region"() ({
        %run_scoped3A = tpu.sem_alloc : memref<!tpu.dma_semaphore, #tpu.memory_space<semaphore_mem>>
        %dma_start3A = arith.constant 0 : i32
        %dma_start3A_22 = tpu.memref_slice %arg5[%scan3A_21, %dma_start3A] : memref<80x128xi32, #tpu.memory_space<vmem>> -> memref<1x128xi32, #tpu.memory_space<vmem>>
        %dma_start3A_23 = tpu.memref_squeeze %dma_start3A_22 : memref<1x128xi32, #tpu.memory_space<vmem>> -> memref<128xi32, #tpu.memory_space<vmem>>
        %dma_start3A_24 = arith.constant 0 : i32
        %dma_start3A_25 = arith.constant 0 : i32
        %dma_start3A_26 = tpu.memref_slice %arg7[%dma_start3A_24, %dma_start3A_25] : memref<10112x128xf32, #tpu.memory_space<vmem_shared>> -> memref<10112x128xf32, #tpu.memory_space<vmem_shared>>
        tpu.enqueue_indirect_dma source(%arg6 : memref<128x128xf32, #tpu.memory_space<vmem>>) target(%dma_start3A_26 : memref<10112x128xf32, #tpu.memory_space<vmem_shared>>) offsets(%dma_start3A_23 : memref<128xi32, #tpu.memory_space<vmem>>) semaphore(%run_scoped3A : memref<!tpu.dma_semaphore, #tpu.memory_space<semaphore_mem>>) {add = true}
        %dma_wait3A = arith.constant 0 : i32
        %dma_wait3A_27 = tpu.memref_slice %arg5[%scan3A_21, %dma_wait3A] : memref<80x128xi32, #tpu.memory_space<vmem>> -> memref<1x128xi32, #tpu.memory_space<vmem>>
        %dma_wait3A_28 = tpu.memref_squeeze %dma_wait3A_27 : memref<1x128xi32, #tpu.memory_space<vmem>> -> memref<128xi32, #tpu.memory_space<vmem>>
        %dma_wait3A_29 = arith.constant 0 : i32
        %dma_wait3A_30 = arith.constant 0 : i32
        %dma_wait3A_31 = tpu.memref_slice %arg7[%dma_wait3A_29, %dma_wait3A_30] : memref<10112x128xf32, #tpu.memory_space<vmem_shared>> -> memref<10112x128xf32, #tpu.memory_space<vmem_shared>>
        tpu.wait_indirect_dma semaphore(%run_scoped3A : memref<!tpu.dma_semaphore, #tpu.memory_space<semaphore_mem>>) src(%arg6 : memref<128x128xf32, #tpu.memory_space<vmem>>) dst(%dma_wait3A_31 : memref<10112x128xf32, #tpu.memory_space<vmem_shared>>)
        tpu.yield
      }) : () -> ()
    }
    %scan3A_15 = arith.constant 80 : i32
    %barrier3A_16 = arith.constant 0 : index
    tpu.barrier barrier_id(%barrier3A_16)
    %mul3A_17 = arith.constant 632 : i32
    %mul3A_18 = arith.muli %arg1, %mul3A_17 : i32
    %mul3A_19 = arith.constant 632 : i32
    %mul3A_20 = arith.muli %arg1, %mul3A_19 : i32
    "tpu.region"() ({
      %run_scoped3A = tpu.sem_alloc : memref<!tpu.dma_semaphore, #tpu.memory_space<semaphore_mem>>
      %dma_start3A = arith.constant 0 : i32
      %dma_start3A_21 = tpu.memref_slice %arg4[%arg0, %mul3A_20, %dma_start3A] : memref<2x10112x128xf32, #tpu.memory_space<hbm>> -> memref<1x632x128xf32, #tpu.memory_space<hbm>>
      %dma_start3A_22 = tpu.memref_squeeze %dma_start3A_21 : memref<1x632x128xf32, #tpu.memory_space<hbm>> -> memref<632x128xf32, #tpu.memory_space<hbm>>
      %dma_start3A_23 = arith.constant 0 : i32
      %dma_start3A_24 = tpu.memref_slice %arg7[%mul3A_18, %dma_start3A_23] : memref<10112x128xf32, #tpu.memory_space<vmem_shared>> -> memref<632x128xf32, #tpu.memory_space<vmem_shared>>
      tpu.enqueue_dma source(%dma_start3A_24 : memref<632x128xf32, #tpu.memory_space<vmem_shared>>) target(%dma_start3A_22 : memref<632x128xf32, #tpu.memory_space<hbm>>) target_semaphore(%run_scoped3A : memref<!tpu.dma_semaphore, #tpu.memory_space<semaphore_mem>>)
      %dma_wait3A = arith.constant 0 : i32
      %dma_wait3A_25 = tpu.memref_slice %arg4[%arg0, %mul3A_20, %dma_wait3A] : memref<2x10112x128xf32, #tpu.memory_space<hbm>> -> memref<1x632x128xf32, #tpu.memory_space<hbm>>
      %dma_wait3A_26 = tpu.memref_squeeze %dma_wait3A_25 : memref<1x632x128xf32, #tpu.memory_space<hbm>> -> memref<632x128xf32, #tpu.memory_space<hbm>>
      %dma_wait3A_27 = arith.constant 0 : i32
      %dma_wait3A_28 = tpu.memref_slice %arg7[%mul3A_18, %dma_wait3A_27] : memref<10112x128xf32, #tpu.memory_space<vmem_shared>> -> memref<632x128xf32, #tpu.memory_space<vmem_shared>>
      tpu.wait_dma2 semaphore(%run_scoped3A : memref<!tpu.dma_semaphore, #tpu.memory_space<semaphore_mem>>) src(%dma_wait3A_28 : memref<632x128xf32, #tpu.memory_space<vmem_shared>>) dst(%dma_wait3A_26 : memref<632x128xf32, #tpu.memory_space<hbm>>)
      tpu.yield
    }) : () -> ()
    return
  }
}

#map = affine_map<(d0, d1) -> (0, 0)>
#map1 = affine_map<(d0, d1) -> (0, 0, 0)>
module attributes {stable_mosaic.version = 14 : i64} {
  func.func @k(%arg0: i32, %arg1: i32, %arg2: memref<10112x128xf32, #tpu.memory_space<hbm>>, %arg3: memref<2560x128xi32, #tpu.memory_space<hbm>>, %arg4: memref<2560x128xi32, #tpu.memory_space<hbm>>, %arg5: memref<632x128xf32, #tpu.memory_space<hbm>>, %arg6: memref<2x10112x128xf32, #tpu.memory_space<hbm>>, %arg7: memref<40x128xi32, #tpu.memory_space<vmem>>, %arg8: memref<40x128xi32, #tpu.memory_space<vmem>>, %arg9: memref<128x128xf32, #tpu.memory_space<vmem>>, %arg10: memref<128x128xf32, #tpu.memory_space<vmem>>, %arg11: memref<10112x128xf32, #tpu.memory_space<vmem_shared>>, %arg12: memref<!tpu.dma_semaphore, #tpu.memory_space<semaphore_mem>>, %arg13: memref<!tpu.dma_semaphore, #tpu.memory_space<semaphore_mem>>) attributes {dimension_semantics = [#tpu.dimension_semantics<core_parallel>, #tpu.dimension_semantics<subcore_parallel>], iteration_bounds = array<i64: 2, 16>, scalar_prefetch = 0 : i64, scratch_operands = 7 : i64, tpu.core_type = #tpu.core_type<sc_vector_subcore>, window_params = [{transform_indices = #map}, {transform_indices = #map}, {transform_indices = #map}, {transform_indices = #map}, {transform_indices = #map1}]} {
    %mul3A = arith.constant 632 : i32
    %mul3A_0 = arith.muli %arg1, %mul3A : i32
    "tpu.region"() ({
      %run_scoped3A = tpu.sem_alloc : memref<!tpu.dma_semaphore, #tpu.memory_space<semaphore_mem>>
      %dma_start3A = arith.constant 0 : i32
      %dma_start3A_13 = tpu.memref_slice %arg11[%mul3A_0, %dma_start3A] : memref<10112x128xf32, #tpu.memory_space<vmem_shared>> -> memref<632x128xf32, #tpu.memory_space<vmem_shared>>
      tpu.enqueue_dma source(%arg5 : memref<632x128xf32, #tpu.memory_space<hbm>>) target(%dma_start3A_13 : memref<632x128xf32, #tpu.memory_space<vmem_shared>>) target_semaphore(%run_scoped3A : memref<!tpu.dma_semaphore, #tpu.memory_space<semaphore_mem>>)
      %dma_wait3A = arith.constant 0 : i32
      %dma_wait3A_14 = tpu.memref_slice %arg11[%mul3A_0, %dma_wait3A] : memref<10112x128xf32, #tpu.memory_space<vmem_shared>> -> memref<632x128xf32, #tpu.memory_space<vmem_shared>>
      tpu.wait_dma2 semaphore(%run_scoped3A : memref<!tpu.dma_semaphore, #tpu.memory_space<semaphore_mem>>) src(%arg5 : memref<632x128xf32, #tpu.memory_space<hbm>>) dst(%dma_wait3A_14 : memref<632x128xf32, #tpu.memory_space<vmem_shared>>)
      tpu.yield
    }) : () -> ()
    %barrier3A = arith.constant 0 : index
    tpu.barrier barrier_id(%barrier3A)
    %eq3A = arith.constant 0 : i32
    %eq3A_1 = arith.cmpi eq, %arg0, %eq3A : i32
    %convert_element_type3A = arith.extui %eq3A_1 : i1 to i32
    %cond3A = arith.constant 0 : i32
    %cond3A_2 = arith.cmpi ne, %convert_element_type3A, %cond3A : i32
    scf.if %cond3A_2 {
      %mul3A_13 = arith.constant 152 : i32
      %mul3A_14 = arith.muli %arg1, %mul3A_13 : i32
      %add3A = arith.constant 0 : i32
      %add3A_15 = arith.addi %mul3A_14, %add3A : i32
      "tpu.region"() ({
        %run_scoped3A = tpu.sem_alloc : memref<!tpu.dma_semaphore, #tpu.memory_space<semaphore_mem>>
        %dma_start3A_100 = arith.constant 0 : i32
        %dma_start3A_101 = arith.constant 0 : i32
        %dma_start3A_102 = tpu.memref_slice %arg7[%dma_start3A_100, %dma_start3A_101] : memref<40x128xi32, #tpu.memory_space<vmem>> -> memref<40x128xi32, #tpu.memory_space<vmem>>
        %dma_start3A_103 = arith.constant 0 : i32
        %dma_start3A_104 = tpu.memref_slice %arg3[%add3A_15, %dma_start3A_103] : memref<2560x128xi32, #tpu.memory_space<hbm>> -> memref<40x128xi32, #tpu.memory_space<hbm>>
        %dma_start3A_105 = arith.constant 0 : i32
        %dma_start3A_106 = arith.constant 0 : i32
        %dma_start3A_107 = tpu.memref_slice %arg7[%dma_start3A_105, %dma_start3A_106] : memref<40x128xi32, #tpu.memory_space<vmem>> -> memref<40x128xi32, #tpu.memory_space<vmem>>
        %dma_start3A_108 = arith.constant 0 : i32
        %dma_start3A_109 = tpu.memref_slice %arg3[%add3A_15, %dma_start3A_108] : memref<2560x128xi32, #tpu.memory_space<hbm>> -> memref<40x128xi32, #tpu.memory_space<hbm>>
        tpu.enqueue_dma source(%dma_start3A_109 : memref<40x128xi32, #tpu.memory_space<hbm>>) target(%dma_start3A_107 : memref<40x128xi32, #tpu.memory_space<vmem>>) target_semaphore(%run_scoped3A : memref<!tpu.dma_semaphore, #tpu.memory_space<semaphore_mem>>)
        %dma_wait3A = arith.constant 0 : i32
        %dma_wait3A_110 = arith.constant 0 : i32
        %dma_wait3A_111 = tpu.memref_slice %arg7[%dma_wait3A, %dma_wait3A_110] : memref<40x128xi32, #tpu.memory_space<vmem>> -> memref<40x128xi32, #tpu.memory_space<vmem>>
        %dma_wait3A_112 = arith.constant 0 : i32
        %dma_wait3A_113 = tpu.memref_slice %arg3[%add3A_15, %dma_wait3A_112] : memref<2560x128xi32, #tpu.memory_space<hbm>> -> memref<40x128xi32, #tpu.memory_space<hbm>>
        %dma_wait3A_114 = arith.constant 0 : i32
        %dma_wait3A_115 = arith.constant 0 : i32
        %dma_wait3A_116 = tpu.memref_slice %arg7[%dma_wait3A_114, %dma_wait3A_115] : memref<40x128xi32, #tpu.memory_space<vmem>> -> memref<40x128xi32, #tpu.memory_space<vmem>>
        %dma_wait3A_117 = arith.constant 0 : i32
        %dma_wait3A_118 = tpu.memref_slice %arg3[%add3A_15, %dma_wait3A_117] : memref<2560x128xi32, #tpu.memory_space<hbm>> -> memref<40x128xi32, #tpu.memory_space<hbm>>
        tpu.wait_dma2 semaphore(%run_scoped3A : memref<!tpu.dma_semaphore, #tpu.memory_space<semaphore_mem>>) src(%dma_wait3A_118 : memref<40x128xi32, #tpu.memory_space<hbm>>) dst(%dma_wait3A_116 : memref<40x128xi32, #tpu.memory_space<vmem>>)
        tpu.yield
      }) : () -> ()
      "tpu.region"() ({
        %run_scoped3A = tpu.sem_alloc : memref<!tpu.dma_semaphore, #tpu.memory_space<semaphore_mem>>
        %dma_start3A_100 = arith.constant 0 : i32
        %dma_start3A_101 = arith.constant 0 : i32
        %dma_start3A_102 = tpu.memref_slice %arg8[%dma_start3A_100, %dma_start3A_101] : memref<40x128xi32, #tpu.memory_space<vmem>> -> memref<40x128xi32, #tpu.memory_space<vmem>>
        %dma_start3A_103 = arith.constant 0 : i32
        %dma_start3A_104 = tpu.memref_slice %arg4[%add3A_15, %dma_start3A_103] : memref<2560x128xi32, #tpu.memory_space<hbm>> -> memref<40x128xi32, #tpu.memory_space<hbm>>
        %dma_start3A_105 = arith.constant 0 : i32
        %dma_start3A_106 = arith.constant 0 : i32
        %dma_start3A_107 = tpu.memref_slice %arg8[%dma_start3A_105, %dma_start3A_106] : memref<40x128xi32, #tpu.memory_space<vmem>> -> memref<40x128xi32, #tpu.memory_space<vmem>>
        %dma_start3A_108 = arith.constant 0 : i32
        %dma_start3A_109 = tpu.memref_slice %arg4[%add3A_15, %dma_start3A_108] : memref<2560x128xi32, #tpu.memory_space<hbm>> -> memref<40x128xi32, #tpu.memory_space<hbm>>
        tpu.enqueue_dma source(%dma_start3A_109 : memref<40x128xi32, #tpu.memory_space<hbm>>) target(%dma_start3A_107 : memref<40x128xi32, #tpu.memory_space<vmem>>) target_semaphore(%run_scoped3A : memref<!tpu.dma_semaphore, #tpu.memory_space<semaphore_mem>>)
        %dma_wait3A = arith.constant 0 : i32
        %dma_wait3A_110 = arith.constant 0 : i32
        %dma_wait3A_111 = tpu.memref_slice %arg8[%dma_wait3A, %dma_wait3A_110] : memref<40x128xi32, #tpu.memory_space<vmem>> -> memref<40x128xi32, #tpu.memory_space<vmem>>
        %dma_wait3A_112 = arith.constant 0 : i32
        %dma_wait3A_113 = tpu.memref_slice %arg4[%add3A_15, %dma_wait3A_112] : memref<2560x128xi32, #tpu.memory_space<hbm>> -> memref<40x128xi32, #tpu.memory_space<hbm>>
        %dma_wait3A_114 = arith.constant 0 : i32
        %dma_wait3A_115 = arith.constant 0 : i32
        %dma_wait3A_116 = tpu.memref_slice %arg8[%dma_wait3A_114, %dma_wait3A_115] : memref<40x128xi32, #tpu.memory_space<vmem>> -> memref<40x128xi32, #tpu.memory_space<vmem>>
        %dma_wait3A_117 = arith.constant 0 : i32
        %dma_wait3A_118 = tpu.memref_slice %arg4[%add3A_15, %dma_wait3A_117] : memref<2560x128xi32, #tpu.memory_space<hbm>> -> memref<40x128xi32, #tpu.memory_space<hbm>>
        tpu.wait_dma2 semaphore(%run_scoped3A : memref<!tpu.dma_semaphore, #tpu.memory_space<semaphore_mem>>) src(%dma_wait3A_118 : memref<40x128xi32, #tpu.memory_space<hbm>>) dst(%dma_wait3A_116 : memref<40x128xi32, #tpu.memory_space<vmem>>)
        tpu.yield
      }) : () -> ()
      %dma_start3A = arith.constant 0 : i32
      %dma_start3A_16 = arith.constant 0 : i32
      %dma_start3A_17 = tpu.memref_slice %arg7[%dma_start3A, %dma_start3A_16] : memref<40x128xi32, #tpu.memory_space<vmem>> -> memref<1x128xi32, #tpu.memory_space<vmem>>
      %dma_start3A_18 = tpu.memref_squeeze %dma_start3A_17 : memref<1x128xi32, #tpu.memory_space<vmem>> -> memref<128xi32, #tpu.memory_space<vmem>>
      %dma_start3A_19 = arith.constant 0 : i32
      %dma_start3A_20 = arith.constant 0 : i32
      %dma_start3A_21 = tpu.memref_slice %arg2[%dma_start3A_19, %dma_start3A_20] : memref<10112x128xf32, #tpu.memory_space<hbm>> -> memref<10112x128xf32, #tpu.memory_space<hbm>>
      tpu.enqueue_indirect_dma source(%dma_start3A_21 : memref<10112x128xf32, #tpu.memory_space<hbm>>) target(%arg9 : memref<128x128xf32, #tpu.memory_space<vmem>>) offsets(%dma_start3A_18 : memref<128xi32, #tpu.memory_space<vmem>>) semaphore(%arg12 : memref<!tpu.dma_semaphore, #tpu.memory_space<semaphore_mem>>)
      %dma_start3A_22 = arith.constant 1 : i32
      %dma_start3A_23 = arith.constant 0 : i32
      %dma_start3A_24 = tpu.memref_slice %arg7[%dma_start3A_22, %dma_start3A_23] : memref<40x128xi32, #tpu.memory_space<vmem>> -> memref<1x128xi32, #tpu.memory_space<vmem>>
      %dma_start3A_25 = tpu.memref_squeeze %dma_start3A_24 : memref<1x128xi32, #tpu.memory_space<vmem>> -> memref<128xi32, #tpu.memory_space<vmem>>
      %dma_start3A_26 = arith.constant 0 : i32
      %dma_start3A_27 = arith.constant 0 : i32
      %dma_start3A_28 = tpu.memref_slice %arg2[%dma_start3A_26, %dma_start3A_27] : memref<10112x128xf32, #tpu.memory_space<hbm>> -> memref<10112x128xf32, #tpu.memory_space<hbm>>
      tpu.enqueue_indirect_dma source(%dma_start3A_28 : memref<10112x128xf32, #tpu.memory_space<hbm>>) target(%arg10 : memref<128x128xf32, #tpu.memory_space<vmem>>) offsets(%dma_start3A_25 : memref<128xi32, #tpu.memory_space<vmem>>) semaphore(%arg13 : memref<!tpu.dma_semaphore, #tpu.memory_space<semaphore_mem>>)
      %scan3A = arith.constant 0 : i32
      %scan3A_29 = arith.constant 0 : i32
      %scan3A_30 = arith.constant 20 : i32
      %scan3A_31 = arith.addi %scan3A_29, %scan3A_30 : i32
      %scan3A_32 = arith.constant 1 : i32
      scf.for %scan3A_100 = %scan3A_29 to %scan3A_31 step %scan3A_32  : i32 {
        %mul3A_101 = arith.constant 2 : i32
        %mul3A_102 = arith.muli %mul3A_101, %scan3A_100 : i32
        %add3A_103 = arith.constant 0 : i32
        %add3A_104 = arith.addi %mul3A_102, %add3A_103 : i32
        %dma_wait3A = arith.constant 0 : i32
        %dma_wait3A_105 = tpu.memref_slice %arg7[%add3A_104, %dma_wait3A] : memref<40x128xi32, #tpu.memory_space<vmem>> -> memref<1x128xi32, #tpu.memory_space<vmem>>
        %dma_wait3A_106 = tpu.memref_squeeze %dma_wait3A_105 : memref<1x128xi32, #tpu.memory_space<vmem>> -> memref<128xi32, #tpu.memory_space<vmem>>
        %dma_wait3A_107 = arith.constant 0 : i32
        %dma_wait3A_108 = arith.constant 0 : i32
        %dma_wait3A_109 = tpu.memref_slice %arg2[%dma_wait3A_107, %dma_wait3A_108] : memref<10112x128xf32, #tpu.memory_space<hbm>> -> memref<10112x128xf32, #tpu.memory_space<hbm>>
        tpu.wait_indirect_dma semaphore(%arg12 : memref<!tpu.dma_semaphore, #tpu.memory_space<semaphore_mem>>) src(%dma_wait3A_109 : memref<10112x128xf32, #tpu.memory_space<hbm>>) dst(%arg9 : memref<128x128xf32, #tpu.memory_space<vmem>>)
        "tpu.region"() ({
          %run_scoped3A = tpu.sem_alloc : memref<!tpu.dma_semaphore, #tpu.memory_space<semaphore_mem>>
          %dma_start3A_133 = arith.constant 0 : i32
          %dma_start3A_134 = tpu.memref_slice %arg8[%add3A_104, %dma_start3A_133] : memref<40x128xi32, #tpu.memory_space<vmem>> -> memref<1x128xi32, #tpu.memory_space<vmem>>
          %dma_start3A_135 = tpu.memref_squeeze %dma_start3A_134 : memref<1x128xi32, #tpu.memory_space<vmem>> -> memref<128xi32, #tpu.memory_space<vmem>>
          %dma_start3A_136 = arith.constant 0 : i32
          %dma_start3A_137 = arith.constant 0 : i32
          %dma_start3A_138 = tpu.memref_slice %arg11[%dma_start3A_136, %dma_start3A_137] : memref<10112x128xf32, #tpu.memory_space<vmem_shared>> -> memref<10112x128xf32, #tpu.memory_space<vmem_shared>>
          tpu.enqueue_indirect_dma source(%arg9 : memref<128x128xf32, #tpu.memory_space<vmem>>) target(%dma_start3A_138 : memref<10112x128xf32, #tpu.memory_space<vmem_shared>>) offsets(%dma_start3A_135 : memref<128xi32, #tpu.memory_space<vmem>>) semaphore(%run_scoped3A : memref<!tpu.dma_semaphore, #tpu.memory_space<semaphore_mem>>) {add = true}
          %dma_wait3A_139 = arith.constant 0 : i32
          %dma_wait3A_140 = tpu.memref_slice %arg8[%add3A_104, %dma_wait3A_139] : memref<40x128xi32, #tpu.memory_space<vmem>> -> memref<1x128xi32, #tpu.memory_space<vmem>>
          %dma_wait3A_141 = tpu.memref_squeeze %dma_wait3A_140 : memref<1x128xi32, #tpu.memory_space<vmem>> -> memref<128xi32, #tpu.memory_space<vmem>>
          %dma_wait3A_142 = arith.constant 0 : i32
          %dma_wait3A_143 = arith.constant 0 : i32
          %dma_wait3A_144 = tpu.memref_slice %arg11[%dma_wait3A_142, %dma_wait3A_143] : memref<10112x128xf32, #tpu.memory_space<vmem_shared>> -> memref<10112x128xf32, #tpu.memory_space<vmem_shared>>
          tpu.wait_indirect_dma semaphore(%run_scoped3A : memref<!tpu.dma_semaphore, #tpu.memory_space<semaphore_mem>>) src(%arg9 : memref<128x128xf32, #tpu.memory_space<vmem>>) dst(%dma_wait3A_144 : memref<10112x128xf32, #tpu.memory_space<vmem_shared>>)
          tpu.yield
        }) : () -> ()
        %add3A_110 = arith.constant 2 : i32
        %add3A_111 = arith.addi %add3A_104, %add3A_110 : i32
        %lt3A = arith.constant 40 : i32
        %lt3A_112 = arith.cmpi slt, %add3A_111, %lt3A : i32
        %convert_element_type3A_113 = arith.extui %lt3A_112 : i1 to i32
        %cond3A_114 = arith.constant 0 : i32
        %cond3A_115 = arith.cmpi ne, %convert_element_type3A_113, %cond3A_114 : i32
        scf.if %cond3A_115 {
          %add3A_133 = arith.constant 2 : i32
          %add3A_134 = arith.addi %add3A_104, %add3A_133 : i32
          %dma_start3A_135 = arith.constant 0 : i32
          %dma_start3A_136 = tpu.memref_slice %arg7[%add3A_134, %dma_start3A_135] : memref<40x128xi32, #tpu.memory_space<vmem>> -> memref<1x128xi32, #tpu.memory_space<vmem>>
          %dma_start3A_137 = tpu.memref_squeeze %dma_start3A_136 : memref<1x128xi32, #tpu.memory_space<vmem>> -> memref<128xi32, #tpu.memory_space<vmem>>
          %dma_start3A_138 = arith.constant 0 : i32
          %dma_start3A_139 = arith.constant 0 : i32
          %dma_start3A_140 = tpu.memref_slice %arg2[%dma_start3A_138, %dma_start3A_139] : memref<10112x128xf32, #tpu.memory_space<hbm>> -> memref<10112x128xf32, #tpu.memory_space<hbm>>
          tpu.enqueue_indirect_dma source(%dma_start3A_140 : memref<10112x128xf32, #tpu.memory_space<hbm>>) target(%arg9 : memref<128x128xf32, #tpu.memory_space<vmem>>) offsets(%dma_start3A_137 : memref<128xi32, #tpu.memory_space<vmem>>) semaphore(%arg12 : memref<!tpu.dma_semaphore, #tpu.memory_space<semaphore_mem>>)
        } else {
        }
        %mul3A_116 = arith.constant 2 : i32
        %mul3A_117 = arith.muli %mul3A_116, %scan3A_100 : i32
        %add3A_118 = arith.constant 1 : i32
        %add3A_119 = arith.addi %mul3A_117, %add3A_118 : i32
        %dma_wait3A_120 = arith.constant 0 : i32
        %dma_wait3A_121 = tpu.memref_slice %arg7[%add3A_119, %dma_wait3A_120] : memref<40x128xi32, #tpu.memory_space<vmem>> -> memref<1x128xi32, #tpu.memory_space<vmem>>
        %dma_wait3A_122 = tpu.memref_squeeze %dma_wait3A_121 : memref<1x128xi32, #tpu.memory_space<vmem>> -> memref<128xi32, #tpu.memory_space<vmem>>
        %dma_wait3A_123 = arith.constant 0 : i32
        %dma_wait3A_124 = arith.constant 0 : i32
        %dma_wait3A_125 = tpu.memref_slice %arg2[%dma_wait3A_123, %dma_wait3A_124] : memref<10112x128xf32, #tpu.memory_space<hbm>> -> memref<10112x128xf32, #tpu.memory_space<hbm>>
        tpu.wait_indirect_dma semaphore(%arg13 : memref<!tpu.dma_semaphore, #tpu.memory_space<semaphore_mem>>) src(%dma_wait3A_125 : memref<10112x128xf32, #tpu.memory_space<hbm>>) dst(%arg10 : memref<128x128xf32, #tpu.memory_space<vmem>>)
        "tpu.region"() ({
          %run_scoped3A = tpu.sem_alloc : memref<!tpu.dma_semaphore, #tpu.memory_space<semaphore_mem>>
          %dma_start3A_133 = arith.constant 0 : i32
          %dma_start3A_134 = tpu.memref_slice %arg8[%add3A_119, %dma_start3A_133] : memref<40x128xi32, #tpu.memory_space<vmem>> -> memref<1x128xi32, #tpu.memory_space<vmem>>
          %dma_start3A_135 = tpu.memref_squeeze %dma_start3A_134 : memref<1x128xi32, #tpu.memory_space<vmem>> -> memref<128xi32, #tpu.memory_space<vmem>>
          %dma_start3A_136 = arith.constant 0 : i32
          %dma_start3A_137 = arith.constant 0 : i32
          %dma_start3A_138 = tpu.memref_slice %arg11[%dma_start3A_136, %dma_start3A_137] : memref<10112x128xf32, #tpu.memory_space<vmem_shared>> -> memref<10112x128xf32, #tpu.memory_space<vmem_shared>>
          tpu.enqueue_indirect_dma source(%arg10 : memref<128x128xf32, #tpu.memory_space<vmem>>) target(%dma_start3A_138 : memref<10112x128xf32, #tpu.memory_space<vmem_shared>>) offsets(%dma_start3A_135 : memref<128xi32, #tpu.memory_space<vmem>>) semaphore(%run_scoped3A : memref<!tpu.dma_semaphore, #tpu.memory_space<semaphore_mem>>) {add = true}
          %dma_wait3A_139 = arith.constant 0 : i32
          %dma_wait3A_140 = tpu.memref_slice %arg8[%add3A_119, %dma_wait3A_139] : memref<40x128xi32, #tpu.memory_space<vmem>> -> memref<1x128xi32, #tpu.memory_space<vmem>>
          %dma_wait3A_141 = tpu.memref_squeeze %dma_wait3A_140 : memref<1x128xi32, #tpu.memory_space<vmem>> -> memref<128xi32, #tpu.memory_space<vmem>>
          %dma_wait3A_142 = arith.constant 0 : i32
          %dma_wait3A_143 = arith.constant 0 : i32
          %dma_wait3A_144 = tpu.memref_slice %arg11[%dma_wait3A_142, %dma_wait3A_143] : memref<10112x128xf32, #tpu.memory_space<vmem_shared>> -> memref<10112x128xf32, #tpu.memory_space<vmem_shared>>
          tpu.wait_indirect_dma semaphore(%run_scoped3A : memref<!tpu.dma_semaphore, #tpu.memory_space<semaphore_mem>>) src(%arg10 : memref<128x128xf32, #tpu.memory_space<vmem>>) dst(%dma_wait3A_144 : memref<10112x128xf32, #tpu.memory_space<vmem_shared>>)
          tpu.yield
        }) : () -> ()
        %add3A_126 = arith.constant 2 : i32
        %add3A_127 = arith.addi %add3A_119, %add3A_126 : i32
        %lt3A_128 = arith.constant 40 : i32
        %lt3A_129 = arith.cmpi slt, %add3A_127, %lt3A_128 : i32
        %convert_element_type3A_130 = arith.extui %lt3A_129 : i1 to i32
        %cond3A_131 = arith.constant 0 : i32
        %cond3A_132 = arith.cmpi ne, %convert_element_type3A_130, %cond3A_131 : i32
        scf.if %cond3A_132 {
          %add3A_133 = arith.constant 2 : i32
          %add3A_134 = arith.addi %add3A_119, %add3A_133 : i32
          %dma_start3A_135 = arith.constant 0 : i32
          %dma_start3A_136 = tpu.memref_slice %arg7[%add3A_134, %dma_start3A_135] : memref<40x128xi32, #tpu.memory_space<vmem>> -> memref<1x128xi32, #tpu.memory_space<vmem>>
          %dma_start3A_137 = tpu.memref_squeeze %dma_start3A_136 : memref<1x128xi32, #tpu.memory_space<vmem>> -> memref<128xi32, #tpu.memory_space<vmem>>
          %dma_start3A_138 = arith.constant 0 : i32
          %dma_start3A_139 = arith.constant 0 : i32
          %dma_start3A_140 = tpu.memref_slice %arg2[%dma_start3A_138, %dma_start3A_139] : memref<10112x128xf32, #tpu.memory_space<hbm>> -> memref<10112x128xf32, #tpu.memory_space<hbm>>
          tpu.enqueue_indirect_dma source(%dma_start3A_140 : memref<10112x128xf32, #tpu.memory_space<hbm>>) target(%arg10 : memref<128x128xf32, #tpu.memory_space<vmem>>) offsets(%dma_start3A_137 : memref<128xi32, #tpu.memory_space<vmem>>) semaphore(%arg13 : memref<!tpu.dma_semaphore, #tpu.memory_space<semaphore_mem>>)
        } else {
        }
      }
      %scan3A_33 = arith.constant 20 : i32
      %add3A_34 = arith.constant 40 : i32
      %add3A_35 = arith.addi %mul3A_14, %add3A_34 : i32
      "tpu.region"() ({
        %run_scoped3A = tpu.sem_alloc : memref<!tpu.dma_semaphore, #tpu.memory_space<semaphore_mem>>
        %dma_start3A_100 = arith.constant 0 : i32
        %dma_start3A_101 = arith.constant 0 : i32
        %dma_start3A_102 = tpu.memref_slice %arg7[%dma_start3A_100, %dma_start3A_101] : memref<40x128xi32, #tpu.memory_space<vmem>> -> memref<40x128xi32, #tpu.memory_space<vmem>>
        %dma_start3A_103 = arith.constant 0 : i32
        %dma_start3A_104 = tpu.memref_slice %arg3[%add3A_35, %dma_start3A_103] : memref<2560x128xi32, #tpu.memory_space<hbm>> -> memref<40x128xi32, #tpu.memory_space<hbm>>
        %dma_start3A_105 = arith.constant 0 : i32
        %dma_start3A_106 = arith.constant 0 : i32
        %dma_start3A_107 = tpu.memref_slice %arg7[%dma_start3A_105, %dma_start3A_106] : memref<40x128xi32, #tpu.memory_space<vmem>> -> memref<40x128xi32, #tpu.memory_space<vmem>>
        %dma_start3A_108 = arith.constant 0 : i32
        %dma_start3A_109 = tpu.memref_slice %arg3[%add3A_35, %dma_start3A_108] : memref<2560x128xi32, #tpu.memory_space<hbm>> -> memref<40x128xi32, #tpu.memory_space<hbm>>
        tpu.enqueue_dma source(%dma_start3A_109 : memref<40x128xi32, #tpu.memory_space<hbm>>) target(%dma_start3A_107 : memref<40x128xi32, #tpu.memory_space<vmem>>) target_semaphore(%run_scoped3A : memref<!tpu.dma_semaphore, #tpu.memory_space<semaphore_mem>>)
        %dma_wait3A = arith.constant 0 : i32
        %dma_wait3A_110 = arith.constant 0 : i32
        %dma_wait3A_111 = tpu.memref_slice %arg7[%dma_wait3A, %dma_wait3A_110] : memref<40x128xi32, #tpu.memory_space<vmem>> -> memref<40x128xi32, #tpu.memory_space<vmem>>
        %dma_wait3A_112 = arith.constant 0 : i32
        %dma_wait3A_113 = tpu.memref_slice %arg3[%add3A_35, %dma_wait3A_112] : memref<2560x128xi32, #tpu.memory_space<hbm>> -> memref<40x128xi32, #tpu.memory_space<hbm>>
        %dma_wait3A_114 = arith.constant 0 : i32
        %dma_wait3A_115 = arith.constant 0 : i32
        %dma_wait3A_116 = tpu.memref_slice %arg7[%dma_wait3A_114, %dma_wait3A_115] : memref<40x128xi32, #tpu.memory_space<vmem>> -> memref<40x128xi32, #tpu.memory_space<vmem>>
        %dma_wait3A_117 = arith.constant 0 : i32
        %dma_wait3A_118 = tpu.memref_slice %arg3[%add3A_35, %dma_wait3A_117] : memref<2560x128xi32, #tpu.memory_space<hbm>> -> memref<40x128xi32, #tpu.memory_space<hbm>>
        tpu.wait_dma2 semaphore(%run_scoped3A : memref<!tpu.dma_semaphore, #tpu.memory_space<semaphore_mem>>) src(%dma_wait3A_118 : memref<40x128xi32, #tpu.memory_space<hbm>>) dst(%dma_wait3A_116 : memref<40x128xi32, #tpu.memory_space<vmem>>)
        tpu.yield
      }) : () -> ()
      "tpu.region"() ({
        %run_scoped3A = tpu.sem_alloc : memref<!tpu.dma_semaphore, #tpu.memory_space<semaphore_mem>>
        %dma_start3A_100 = arith.constant 0 : i32
        %dma_start3A_101 = arith.constant 0 : i32
        %dma_start3A_102 = tpu.memref_slice %arg8[%dma_start3A_100, %dma_start3A_101] : memref<40x128xi32, #tpu.memory_space<vmem>> -> memref<40x128xi32, #tpu.memory_space<vmem>>
        %dma_start3A_103 = arith.constant 0 : i32
        %dma_start3A_104 = tpu.memref_slice %arg4[%add3A_35, %dma_start3A_103] : memref<2560x128xi32, #tpu.memory_space<hbm>> -> memref<40x128xi32, #tpu.memory_space<hbm>>
        %dma_start3A_105 = arith.constant 0 : i32
        %dma_start3A_106 = arith.constant 0 : i32
        %dma_start3A_107 = tpu.memref_slice %arg8[%dma_start3A_105, %dma_start3A_106] : memref<40x128xi32, #tpu.memory_space<vmem>> -> memref<40x128xi32, #tpu.memory_space<vmem>>
        %dma_start3A_108 = arith.constant 0 : i32
        %dma_start3A_109 = tpu.memref_slice %arg4[%add3A_35, %dma_start3A_108] : memref<2560x128xi32, #tpu.memory_space<hbm>> -> memref<40x128xi32, #tpu.memory_space<hbm>>
        tpu.enqueue_dma source(%dma_start3A_109 : memref<40x128xi32, #tpu.memory_space<hbm>>) target(%dma_start3A_107 : memref<40x128xi32, #tpu.memory_space<vmem>>) target_semaphore(%run_scoped3A : memref<!tpu.dma_semaphore, #tpu.memory_space<semaphore_mem>>)
        %dma_wait3A = arith.constant 0 : i32
        %dma_wait3A_110 = arith.constant 0 : i32
        %dma_wait3A_111 = tpu.memref_slice %arg8[%dma_wait3A, %dma_wait3A_110] : memref<40x128xi32, #tpu.memory_space<vmem>> -> memref<40x128xi32, #tpu.memory_space<vmem>>
        %dma_wait3A_112 = arith.constant 0 : i32
        %dma_wait3A_113 = tpu.memref_slice %arg4[%add3A_35, %dma_wait3A_112] : memref<2560x128xi32, #tpu.memory_space<hbm>> -> memref<40x128xi32, #tpu.memory_space<hbm>>
        %dma_wait3A_114 = arith.constant 0 : i32
        %dma_wait3A_115 = arith.constant 0 : i32
        %dma_wait3A_116 = tpu.memref_slice %arg8[%dma_wait3A_114, %dma_wait3A_115] : memref<40x128xi32, #tpu.memory_space<vmem>> -> memref<40x128xi32, #tpu.memory_space<vmem>>
        %dma_wait3A_117 = arith.constant 0 : i32
        %dma_wait3A_118 = tpu.memref_slice %arg4[%add3A_35, %dma_wait3A_117] : memref<2560x128xi32, #tpu.memory_space<hbm>> -> memref<40x128xi32, #tpu.memory_space<hbm>>
        tpu.wait_dma2 semaphore(%run_scoped3A : memref<!tpu.dma_semaphore, #tpu.memory_space<semaphore_mem>>) src(%dma_wait3A_118 : memref<40x128xi32, #tpu.memory_space<hbm>>) dst(%dma_wait3A_116 : memref<40x128xi32, #tpu.memory_space<vmem>>)
        tpu.yield
      }) : () -> ()
      %dma_start3A_36 = arith.constant 0 : i32
      %dma_start3A_37 = arith.constant 0 : i32
      %dma_start3A_38 = tpu.memref_slice %arg7[%dma_start3A_36, %dma_start3A_37] : memref<40x128xi32, #tpu.memory_space<vmem>> -> memref<1x128xi32, #tpu.memory_space<vmem>>
      %dma_start3A_39 = tpu.memref_squeeze %dma_start3A_38 : memref<1x128xi32, #tpu.memory_space<vmem>> -> memref<128xi32, #tpu.memory_space<vmem>>
      %dma_start3A_40 = arith.constant 0 : i32
      %dma_start3A_41 = arith.constant 0 : i32
      %dma_start3A_42 = tpu.memref_slice %arg2[%dma_start3A_40, %dma_start3A_41] : memref<10112x128xf32, #tpu.memory_space<hbm>> -> memref<10112x128xf32, #tpu.memory_space<hbm>>
      tpu.enqueue_indirect_dma source(%dma_start3A_42 : memref<10112x128xf32, #tpu.memory_space<hbm>>) target(%arg9 : memref<128x128xf32, #tpu.memory_space<vmem>>) offsets(%dma_start3A_39 : memref<128xi32, #tpu.memory_space<vmem>>) semaphore(%arg12 : memref<!tpu.dma_semaphore, #tpu.memory_space<semaphore_mem>>)
      %dma_start3A_43 = arith.constant 1 : i32
      %dma_start3A_44 = arith.constant 0 : i32
      %dma_start3A_45 = tpu.memref_slice %arg7[%dma_start3A_43, %dma_start3A_44] : memref<40x128xi32, #tpu.memory_space<vmem>> -> memref<1x128xi32, #tpu.memory_space<vmem>>
      %dma_start3A_46 = tpu.memref_squeeze %dma_start3A_45 : memref<1x128xi32, #tpu.memory_space<vmem>> -> memref<128xi32, #tpu.memory_space<vmem>>
      %dma_start3A_47 = arith.constant 0 : i32
      %dma_start3A_48 = arith.constant 0 : i32
      %dma_start3A_49 = tpu.memref_slice %arg2[%dma_start3A_47, %dma_start3A_48] : memref<10112x128xf32, #tpu.memory_space<hbm>> -> memref<10112x128xf32, #tpu.memory_space<hbm>>
      tpu.enqueue_indirect_dma source(%dma_start3A_49 : memref<10112x128xf32, #tpu.memory_space<hbm>>) target(%arg10 : memref<128x128xf32, #tpu.memory_space<vmem>>) offsets(%dma_start3A_46 : memref<128xi32, #tpu.memory_space<vmem>>) semaphore(%arg13 : memref<!tpu.dma_semaphore, #tpu.memory_space<semaphore_mem>>)
      %scan3A_50 = arith.constant 0 : i32
      %scan3A_51 = arith.constant 0 : i32
      %scan3A_52 = arith.constant 20 : i32
      %scan3A_53 = arith.addi %scan3A_51, %scan3A_52 : i32
      %scan3A_54 = arith.constant 1 : i32
      scf.for %scan3A_100 = %scan3A_51 to %scan3A_53 step %scan3A_54  : i32 {
        %mul3A_101 = arith.constant 2 : i32
        %mul3A_102 = arith.muli %mul3A_101, %scan3A_100 : i32
        %add3A_103 = arith.constant 0 : i32
        %add3A_104 = arith.addi %mul3A_102, %add3A_103 : i32
        %dma_wait3A = arith.constant 0 : i32
        %dma_wait3A_105 = tpu.memref_slice %arg7[%add3A_104, %dma_wait3A] : memref<40x128xi32, #tpu.memory_space<vmem>> -> memref<1x128xi32, #tpu.memory_space<vmem>>
        %dma_wait3A_106 = tpu.memref_squeeze %dma_wait3A_105 : memref<1x128xi32, #tpu.memory_space<vmem>> -> memref<128xi32, #tpu.memory_space<vmem>>
        %dma_wait3A_107 = arith.constant 0 : i32
        %dma_wait3A_108 = arith.constant 0 : i32
        %dma_wait3A_109 = tpu.memref_slice %arg2[%dma_wait3A_107, %dma_wait3A_108] : memref<10112x128xf32, #tpu.memory_space<hbm>> -> memref<10112x128xf32, #tpu.memory_space<hbm>>
        tpu.wait_indirect_dma semaphore(%arg12 : memref<!tpu.dma_semaphore, #tpu.memory_space<semaphore_mem>>) src(%dma_wait3A_109 : memref<10112x128xf32, #tpu.memory_space<hbm>>) dst(%arg9 : memref<128x128xf32, #tpu.memory_space<vmem>>)
        "tpu.region"() ({
          %run_scoped3A = tpu.sem_alloc : memref<!tpu.dma_semaphore, #tpu.memory_space<semaphore_mem>>
          %dma_start3A_133 = arith.constant 0 : i32
          %dma_start3A_134 = tpu.memref_slice %arg8[%add3A_104, %dma_start3A_133] : memref<40x128xi32, #tpu.memory_space<vmem>> -> memref<1x128xi32, #tpu.memory_space<vmem>>
          %dma_start3A_135 = tpu.memref_squeeze %dma_start3A_134 : memref<1x128xi32, #tpu.memory_space<vmem>> -> memref<128xi32, #tpu.memory_space<vmem>>
          %dma_start3A_136 = arith.constant 0 : i32
          %dma_start3A_137 = arith.constant 0 : i32
          %dma_start3A_138 = tpu.memref_slice %arg11[%dma_start3A_136, %dma_start3A_137] : memref<10112x128xf32, #tpu.memory_space<vmem_shared>> -> memref<10112x128xf32, #tpu.memory_space<vmem_shared>>
          tpu.enqueue_indirect_dma source(%arg9 : memref<128x128xf32, #tpu.memory_space<vmem>>) target(%dma_start3A_138 : memref<10112x128xf32, #tpu.memory_space<vmem_shared>>) offsets(%dma_start3A_135 : memref<128xi32, #tpu.memory_space<vmem>>) semaphore(%run_scoped3A : memref<!tpu.dma_semaphore, #tpu.memory_space<semaphore_mem>>) {add = true}
          %dma_wait3A_139 = arith.constant 0 : i32
          %dma_wait3A_140 = tpu.memref_slice %arg8[%add3A_104, %dma_wait3A_139] : memref<40x128xi32, #tpu.memory_space<vmem>> -> memref<1x128xi32, #tpu.memory_space<vmem>>
          %dma_wait3A_141 = tpu.memref_squeeze %dma_wait3A_140 : memref<1x128xi32, #tpu.memory_space<vmem>> -> memref<128xi32, #tpu.memory_space<vmem>>
          %dma_wait3A_142 = arith.constant 0 : i32
          %dma_wait3A_143 = arith.constant 0 : i32
          %dma_wait3A_144 = tpu.memref_slice %arg11[%dma_wait3A_142, %dma_wait3A_143] : memref<10112x128xf32, #tpu.memory_space<vmem_shared>> -> memref<10112x128xf32, #tpu.memory_space<vmem_shared>>
          tpu.wait_indirect_dma semaphore(%run_scoped3A : memref<!tpu.dma_semaphore, #tpu.memory_space<semaphore_mem>>) src(%arg9 : memref<128x128xf32, #tpu.memory_space<vmem>>) dst(%dma_wait3A_144 : memref<10112x128xf32, #tpu.memory_space<vmem_shared>>)
          tpu.yield
        }) : () -> ()
        %add3A_110 = arith.constant 2 : i32
        %add3A_111 = arith.addi %add3A_104, %add3A_110 : i32
        %lt3A = arith.constant 40 : i32
        %lt3A_112 = arith.cmpi slt, %add3A_111, %lt3A : i32
        %convert_element_type3A_113 = arith.extui %lt3A_112 : i1 to i32
        %cond3A_114 = arith.constant 0 : i32
        %cond3A_115 = arith.cmpi ne, %convert_element_type3A_113, %cond3A_114 : i32
        scf.if %cond3A_115 {
          %add3A_133 = arith.constant 2 : i32
          %add3A_134 = arith.addi %add3A_104, %add3A_133 : i32
          %dma_start3A_135 = arith.constant 0 : i32
          %dma_start3A_136 = tpu.memref_slice %arg7[%add3A_134, %dma_start3A_135] : memref<40x128xi32, #tpu.memory_space<vmem>> -> memref<1x128xi32, #tpu.memory_space<vmem>>
          %dma_start3A_137 = tpu.memref_squeeze %dma_start3A_136 : memref<1x128xi32, #tpu.memory_space<vmem>> -> memref<128xi32, #tpu.memory_space<vmem>>
          %dma_start3A_138 = arith.constant 0 : i32
          %dma_start3A_139 = arith.constant 0 : i32
          %dma_start3A_140 = tpu.memref_slice %arg2[%dma_start3A_138, %dma_start3A_139] : memref<10112x128xf32, #tpu.memory_space<hbm>> -> memref<10112x128xf32, #tpu.memory_space<hbm>>
          tpu.enqueue_indirect_dma source(%dma_start3A_140 : memref<10112x128xf32, #tpu.memory_space<hbm>>) target(%arg9 : memref<128x128xf32, #tpu.memory_space<vmem>>) offsets(%dma_start3A_137 : memref<128xi32, #tpu.memory_space<vmem>>) semaphore(%arg12 : memref<!tpu.dma_semaphore, #tpu.memory_space<semaphore_mem>>)
        } else {
        }
        %mul3A_116 = arith.constant 2 : i32
        %mul3A_117 = arith.muli %mul3A_116, %scan3A_100 : i32
        %add3A_118 = arith.constant 1 : i32
        %add3A_119 = arith.addi %mul3A_117, %add3A_118 : i32
        %dma_wait3A_120 = arith.constant 0 : i32
        %dma_wait3A_121 = tpu.memref_slice %arg7[%add3A_119, %dma_wait3A_120] : memref<40x128xi32, #tpu.memory_space<vmem>> -> memref<1x128xi32, #tpu.memory_space<vmem>>
        %dma_wait3A_122 = tpu.memref_squeeze %dma_wait3A_121 : memref<1x128xi32, #tpu.memory_space<vmem>> -> memref<128xi32, #tpu.memory_space<vmem>>
        %dma_wait3A_123 = arith.constant 0 : i32
        %dma_wait3A_124 = arith.constant 0 : i32
        %dma_wait3A_125 = tpu.memref_slice %arg2[%dma_wait3A_123, %dma_wait3A_124] : memref<10112x128xf32, #tpu.memory_space<hbm>> -> memref<10112x128xf32, #tpu.memory_space<hbm>>
        tpu.wait_indirect_dma semaphore(%arg13 : memref<!tpu.dma_semaphore, #tpu.memory_space<semaphore_mem>>) src(%dma_wait3A_125 : memref<10112x128xf32, #tpu.memory_space<hbm>>) dst(%arg10 : memref<128x128xf32, #tpu.memory_space<vmem>>)
        "tpu.region"() ({
          %run_scoped3A = tpu.sem_alloc : memref<!tpu.dma_semaphore, #tpu.memory_space<semaphore_mem>>
          %dma_start3A_133 = arith.constant 0 : i32
          %dma_start3A_134 = tpu.memref_slice %arg8[%add3A_119, %dma_start3A_133] : memref<40x128xi32, #tpu.memory_space<vmem>> -> memref<1x128xi32, #tpu.memory_space<vmem>>
          %dma_start3A_135 = tpu.memref_squeeze %dma_start3A_134 : memref<1x128xi32, #tpu.memory_space<vmem>> -> memref<128xi32, #tpu.memory_space<vmem>>
          %dma_start3A_136 = arith.constant 0 : i32
          %dma_start3A_137 = arith.constant 0 : i32
          %dma_start3A_138 = tpu.memref_slice %arg11[%dma_start3A_136, %dma_start3A_137] : memref<10112x128xf32, #tpu.memory_space<vmem_shared>> -> memref<10112x128xf32, #tpu.memory_space<vmem_shared>>
          tpu.enqueue_indirect_dma source(%arg10 : memref<128x128xf32, #tpu.memory_space<vmem>>) target(%dma_start3A_138 : memref<10112x128xf32, #tpu.memory_space<vmem_shared>>) offsets(%dma_start3A_135 : memref<128xi32, #tpu.memory_space<vmem>>) semaphore(%run_scoped3A : memref<!tpu.dma_semaphore, #tpu.memory_space<semaphore_mem>>) {add = true}
          %dma_wait3A_139 = arith.constant 0 : i32
          %dma_wait3A_140 = tpu.memref_slice %arg8[%add3A_119, %dma_wait3A_139] : memref<40x128xi32, #tpu.memory_space<vmem>> -> memref<1x128xi32, #tpu.memory_space<vmem>>
          %dma_wait3A_141 = tpu.memref_squeeze %dma_wait3A_140 : memref<1x128xi32, #tpu.memory_space<vmem>> -> memref<128xi32, #tpu.memory_space<vmem>>
          %dma_wait3A_142 = arith.constant 0 : i32
          %dma_wait3A_143 = arith.constant 0 : i32
          %dma_wait3A_144 = tpu.memref_slice %arg11[%dma_wait3A_142, %dma_wait3A_143] : memref<10112x128xf32, #tpu.memory_space<vmem_shared>> -> memref<10112x128xf32, #tpu.memory_space<vmem_shared>>
          tpu.wait_indirect_dma semaphore(%run_scoped3A : memref<!tpu.dma_semaphore, #tpu.memory_space<semaphore_mem>>) src(%arg10 : memref<128x128xf32, #tpu.memory_space<vmem>>) dst(%dma_wait3A_144 : memref<10112x128xf32, #tpu.memory_space<vmem_shared>>)
          tpu.yield
        }) : () -> ()
        %add3A_126 = arith.constant 2 : i32
        %add3A_127 = arith.addi %add3A_119, %add3A_126 : i32
        %lt3A_128 = arith.constant 40 : i32
        %lt3A_129 = arith.cmpi slt, %add3A_127, %lt3A_128 : i32
        %convert_element_type3A_130 = arith.extui %lt3A_129 : i1 to i32
        %cond3A_131 = arith.constant 0 : i32
        %cond3A_132 = arith.cmpi ne, %convert_element_type3A_130, %cond3A_131 : i32
        scf.if %cond3A_132 {
          %add3A_133 = arith.constant 2 : i32
          %add3A_134 = arith.addi %add3A_119, %add3A_133 : i32
          %dma_start3A_135 = arith.constant 0 : i32
          %dma_start3A_136 = tpu.memref_slice %arg7[%add3A_134, %dma_start3A_135] : memref<40x128xi32, #tpu.memory_space<vmem>> -> memref<1x128xi32, #tpu.memory_space<vmem>>
          %dma_start3A_137 = tpu.memref_squeeze %dma_start3A_136 : memref<1x128xi32, #tpu.memory_space<vmem>> -> memref<128xi32, #tpu.memory_space<vmem>>
          %dma_start3A_138 = arith.constant 0 : i32
          %dma_start3A_139 = arith.constant 0 : i32
          %dma_start3A_140 = tpu.memref_slice %arg2[%dma_start3A_138, %dma_start3A_139] : memref<10112x128xf32, #tpu.memory_space<hbm>> -> memref<10112x128xf32, #tpu.memory_space<hbm>>
          tpu.enqueue_indirect_dma source(%dma_start3A_140 : memref<10112x128xf32, #tpu.memory_space<hbm>>) target(%arg10 : memref<128x128xf32, #tpu.memory_space<vmem>>) offsets(%dma_start3A_137 : memref<128xi32, #tpu.memory_space<vmem>>) semaphore(%arg13 : memref<!tpu.dma_semaphore, #tpu.memory_space<semaphore_mem>>)
        } else {
        }
      }
      %scan3A_55 = arith.constant 20 : i32
      %add3A_56 = arith.constant 80 : i32
      %add3A_57 = arith.addi %mul3A_14, %add3A_56 : i32
      "tpu.region"() ({
        %run_scoped3A = tpu.sem_alloc : memref<!tpu.dma_semaphore, #tpu.memory_space<semaphore_mem>>
        %dma_start3A_100 = arith.constant 0 : i32
        %dma_start3A_101 = arith.constant 0 : i32
        %dma_start3A_102 = tpu.memref_slice %arg7[%dma_start3A_100, %dma_start3A_101] : memref<40x128xi32, #tpu.memory_space<vmem>> -> memref<40x128xi32, #tpu.memory_space<vmem>>
        %dma_start3A_103 = arith.constant 0 : i32
        %dma_start3A_104 = tpu.memref_slice %arg3[%add3A_57, %dma_start3A_103] : memref<2560x128xi32, #tpu.memory_space<hbm>> -> memref<40x128xi32, #tpu.memory_space<hbm>>
        %dma_start3A_105 = arith.constant 0 : i32
        %dma_start3A_106 = arith.constant 0 : i32
        %dma_start3A_107 = tpu.memref_slice %arg7[%dma_start3A_105, %dma_start3A_106] : memref<40x128xi32, #tpu.memory_space<vmem>> -> memref<40x128xi32, #tpu.memory_space<vmem>>
        %dma_start3A_108 = arith.constant 0 : i32
        %dma_start3A_109 = tpu.memref_slice %arg3[%add3A_57, %dma_start3A_108] : memref<2560x128xi32, #tpu.memory_space<hbm>> -> memref<40x128xi32, #tpu.memory_space<hbm>>
        tpu.enqueue_dma source(%dma_start3A_109 : memref<40x128xi32, #tpu.memory_space<hbm>>) target(%dma_start3A_107 : memref<40x128xi32, #tpu.memory_space<vmem>>) target_semaphore(%run_scoped3A : memref<!tpu.dma_semaphore, #tpu.memory_space<semaphore_mem>>)
        %dma_wait3A = arith.constant 0 : i32
        %dma_wait3A_110 = arith.constant 0 : i32
        %dma_wait3A_111 = tpu.memref_slice %arg7[%dma_wait3A, %dma_wait3A_110] : memref<40x128xi32, #tpu.memory_space<vmem>> -> memref<40x128xi32, #tpu.memory_space<vmem>>
        %dma_wait3A_112 = arith.constant 0 : i32
        %dma_wait3A_113 = tpu.memref_slice %arg3[%add3A_57, %dma_wait3A_112] : memref<2560x128xi32, #tpu.memory_space<hbm>> -> memref<40x128xi32, #tpu.memory_space<hbm>>
        %dma_wait3A_114 = arith.constant 0 : i32
        %dma_wait3A_115 = arith.constant 0 : i32
        %dma_wait3A_116 = tpu.memref_slice %arg7[%dma_wait3A_114, %dma_wait3A_115] : memref<40x128xi32, #tpu.memory_space<vmem>> -> memref<40x128xi32, #tpu.memory_space<vmem>>
        %dma_wait3A_117 = arith.constant 0 : i32
        %dma_wait3A_118 = tpu.memref_slice %arg3[%add3A_57, %dma_wait3A_117] : memref<2560x128xi32, #tpu.memory_space<hbm>> -> memref<40x128xi32, #tpu.memory_space<hbm>>
        tpu.wait_dma2 semaphore(%run_scoped3A : memref<!tpu.dma_semaphore, #tpu.memory_space<semaphore_mem>>) src(%dma_wait3A_118 : memref<40x128xi32, #tpu.memory_space<hbm>>) dst(%dma_wait3A_116 : memref<40x128xi32, #tpu.memory_space<vmem>>)
        tpu.yield
      }) : () -> ()
      "tpu.region"() ({
        %run_scoped3A = tpu.sem_alloc : memref<!tpu.dma_semaphore, #tpu.memory_space<semaphore_mem>>
        %dma_start3A_100 = arith.constant 0 : i32
        %dma_start3A_101 = arith.constant 0 : i32
        %dma_start3A_102 = tpu.memref_slice %arg8[%dma_start3A_100, %dma_start3A_101] : memref<40x128xi32, #tpu.memory_space<vmem>> -> memref<40x128xi32, #tpu.memory_space<vmem>>
        %dma_start3A_103 = arith.constant 0 : i32
        %dma_start3A_104 = tpu.memref_slice %arg4[%add3A_57, %dma_start3A_103] : memref<2560x128xi32, #tpu.memory_space<hbm>> -> memref<40x128xi32, #tpu.memory_space<hbm>>
        %dma_start3A_105 = arith.constant 0 : i32
        %dma_start3A_106 = arith.constant 0 : i32
        %dma_start3A_107 = tpu.memref_slice %arg8[%dma_start3A_105, %dma_start3A_106] : memref<40x128xi32, #tpu.memory_space<vmem>> -> memref<40x128xi32, #tpu.memory_space<vmem>>
        %dma_start3A_108 = arith.constant 0 : i32
        %dma_start3A_109 = tpu.memref_slice %arg4[%add3A_57, %dma_start3A_108] : memref<2560x128xi32, #tpu.memory_space<hbm>> -> memref<40x128xi32, #tpu.memory_space<hbm>>
        tpu.enqueue_dma source(%dma_start3A_109 : memref<40x128xi32, #tpu.memory_space<hbm>>) target(%dma_start3A_107 : memref<40x128xi32, #tpu.memory_space<vmem>>) target_semaphore(%run_scoped3A : memref<!tpu.dma_semaphore, #tpu.memory_space<semaphore_mem>>)
        %dma_wait3A = arith.constant 0 : i32
        %dma_wait3A_110 = arith.constant 0 : i32
        %dma_wait3A_111 = tpu.memref_slice %arg8[%dma_wait3A, %dma_wait3A_110] : memref<40x128xi32, #tpu.memory_space<vmem>> -> memref<40x128xi32, #tpu.memory_space<vmem>>
        %dma_wait3A_112 = arith.constant 0 : i32
        %dma_wait3A_113 = tpu.memref_slice %arg4[%add3A_57, %dma_wait3A_112] : memref<2560x128xi32, #tpu.memory_space<hbm>> -> memref<40x128xi32, #tpu.memory_space<hbm>>
        %dma_wait3A_114 = arith.constant 0 : i32
        %dma_wait3A_115 = arith.constant 0 : i32
        %dma_wait3A_116 = tpu.memref_slice %arg8[%dma_wait3A_114, %dma_wait3A_115] : memref<40x128xi32, #tpu.memory_space<vmem>> -> memref<40x128xi32, #tpu.memory_space<vmem>>
        %dma_wait3A_117 = arith.constant 0 : i32
        %dma_wait3A_118 = tpu.memref_slice %arg4[%add3A_57, %dma_wait3A_117] : memref<2560x128xi32, #tpu.memory_space<hbm>> -> memref<40x128xi32, #tpu.memory_space<hbm>>
        tpu.wait_dma2 semaphore(%run_scoped3A : memref<!tpu.dma_semaphore, #tpu.memory_space<semaphore_mem>>) src(%dma_wait3A_118 : memref<40x128xi32, #tpu.memory_space<hbm>>) dst(%dma_wait3A_116 : memref<40x128xi32, #tpu.memory_space<vmem>>)
        tpu.yield
      }) : () -> ()
      %dma_start3A_58 = arith.constant 0 : i32
      %dma_start3A_59 = arith.constant 0 : i32
      %dma_start3A_60 = tpu.memref_slice %arg7[%dma_start3A_58, %dma_start3A_59] : memref<40x128xi32, #tpu.memory_space<vmem>> -> memref<1x128xi32, #tpu.memory_space<vmem>>
      %dma_start3A_61 = tpu.memref_squeeze %dma_start3A_60 : memref<1x128xi32, #tpu.memory_space<vmem>> -> memref<128xi32, #tpu.memory_space<vmem>>
      %dma_start3A_62 = arith.constant 0 : i32
      %dma_start3A_63 = arith.constant 0 : i32
      %dma_start3A_64 = tpu.memref_slice %arg2[%dma_start3A_62, %dma_start3A_63] : memref<10112x128xf32, #tpu.memory_space<hbm>> -> memref<10112x128xf32, #tpu.memory_space<hbm>>
      tpu.enqueue_indirect_dma source(%dma_start3A_64 : memref<10112x128xf32, #tpu.memory_space<hbm>>) target(%arg9 : memref<128x128xf32, #tpu.memory_space<vmem>>) offsets(%dma_start3A_61 : memref<128xi32, #tpu.memory_space<vmem>>) semaphore(%arg12 : memref<!tpu.dma_semaphore, #tpu.memory_space<semaphore_mem>>)
      %dma_start3A_65 = arith.constant 1 : i32
      %dma_start3A_66 = arith.constant 0 : i32
      %dma_start3A_67 = tpu.memref_slice %arg7[%dma_start3A_65, %dma_start3A_66] : memref<40x128xi32, #tpu.memory_space<vmem>> -> memref<1x128xi32, #tpu.memory_space<vmem>>
      %dma_start3A_68 = tpu.memref_squeeze %dma_start3A_67 : memref<1x128xi32, #tpu.memory_space<vmem>> -> memref<128xi32, #tpu.memory_space<vmem>>
      %dma_start3A_69 = arith.constant 0 : i32
      %dma_start3A_70 = arith.constant 0 : i32
      %dma_start3A_71 = tpu.memref_slice %arg2[%dma_start3A_69, %dma_start3A_70] : memref<10112x128xf32, #tpu.memory_space<hbm>> -> memref<10112x128xf32, #tpu.memory_space<hbm>>
      tpu.enqueue_indirect_dma source(%dma_start3A_71 : memref<10112x128xf32, #tpu.memory_space<hbm>>) target(%arg10 : memref<128x128xf32, #tpu.memory_space<vmem>>) offsets(%dma_start3A_68 : memref<128xi32, #tpu.memory_space<vmem>>) semaphore(%arg13 : memref<!tpu.dma_semaphore, #tpu.memory_space<semaphore_mem>>)
      %scan3A_72 = arith.constant 0 : i32
      %scan3A_73 = arith.constant 0 : i32
      %scan3A_74 = arith.constant 20 : i32
      %scan3A_75 = arith.addi %scan3A_73, %scan3A_74 : i32
      %scan3A_76 = arith.constant 1 : i32
      scf.for %scan3A_100 = %scan3A_73 to %scan3A_75 step %scan3A_76  : i32 {
        %mul3A_101 = arith.constant 2 : i32
        %mul3A_102 = arith.muli %mul3A_101, %scan3A_100 : i32
        %add3A_103 = arith.constant 0 : i32
        %add3A_104 = arith.addi %mul3A_102, %add3A_103 : i32
        %dma_wait3A = arith.constant 0 : i32
        %dma_wait3A_105 = tpu.memref_slice %arg7[%add3A_104, %dma_wait3A] : memref<40x128xi32, #tpu.memory_space<vmem>> -> memref<1x128xi32, #tpu.memory_space<vmem>>
        %dma_wait3A_106 = tpu.memref_squeeze %dma_wait3A_105 : memref<1x128xi32, #tpu.memory_space<vmem>> -> memref<128xi32, #tpu.memory_space<vmem>>
        %dma_wait3A_107 = arith.constant 0 : i32
        %dma_wait3A_108 = arith.constant 0 : i32
        %dma_wait3A_109 = tpu.memref_slice %arg2[%dma_wait3A_107, %dma_wait3A_108] : memref<10112x128xf32, #tpu.memory_space<hbm>> -> memref<10112x128xf32, #tpu.memory_space<hbm>>
        tpu.wait_indirect_dma semaphore(%arg12 : memref<!tpu.dma_semaphore, #tpu.memory_space<semaphore_mem>>) src(%dma_wait3A_109 : memref<10112x128xf32, #tpu.memory_space<hbm>>) dst(%arg9 : memref<128x128xf32, #tpu.memory_space<vmem>>)
        "tpu.region"() ({
          %run_scoped3A = tpu.sem_alloc : memref<!tpu.dma_semaphore, #tpu.memory_space<semaphore_mem>>
          %dma_start3A_133 = arith.constant 0 : i32
          %dma_start3A_134 = tpu.memref_slice %arg8[%add3A_104, %dma_start3A_133] : memref<40x128xi32, #tpu.memory_space<vmem>> -> memref<1x128xi32, #tpu.memory_space<vmem>>
          %dma_start3A_135 = tpu.memref_squeeze %dma_start3A_134 : memref<1x128xi32, #tpu.memory_space<vmem>> -> memref<128xi32, #tpu.memory_space<vmem>>
          %dma_start3A_136 = arith.constant 0 : i32
          %dma_start3A_137 = arith.constant 0 : i32
          %dma_start3A_138 = tpu.memref_slice %arg11[%dma_start3A_136, %dma_start3A_137] : memref<10112x128xf32, #tpu.memory_space<vmem_shared>> -> memref<10112x128xf32, #tpu.memory_space<vmem_shared>>
          tpu.enqueue_indirect_dma source(%arg9 : memref<128x128xf32, #tpu.memory_space<vmem>>) target(%dma_start3A_138 : memref<10112x128xf32, #tpu.memory_space<vmem_shared>>) offsets(%dma_start3A_135 : memref<128xi32, #tpu.memory_space<vmem>>) semaphore(%run_scoped3A : memref<!tpu.dma_semaphore, #tpu.memory_space<semaphore_mem>>) {add = true}
          %dma_wait3A_139 = arith.constant 0 : i32
          %dma_wait3A_140 = tpu.memref_slice %arg8[%add3A_104, %dma_wait3A_139] : memref<40x128xi32, #tpu.memory_space<vmem>> -> memref<1x128xi32, #tpu.memory_space<vmem>>
          %dma_wait3A_141 = tpu.memref_squeeze %dma_wait3A_140 : memref<1x128xi32, #tpu.memory_space<vmem>> -> memref<128xi32, #tpu.memory_space<vmem>>
          %dma_wait3A_142 = arith.constant 0 : i32
          %dma_wait3A_143 = arith.constant 0 : i32
          %dma_wait3A_144 = tpu.memref_slice %arg11[%dma_wait3A_142, %dma_wait3A_143] : memref<10112x128xf32, #tpu.memory_space<vmem_shared>> -> memref<10112x128xf32, #tpu.memory_space<vmem_shared>>
          tpu.wait_indirect_dma semaphore(%run_scoped3A : memref<!tpu.dma_semaphore, #tpu.memory_space<semaphore_mem>>) src(%arg9 : memref<128x128xf32, #tpu.memory_space<vmem>>) dst(%dma_wait3A_144 : memref<10112x128xf32, #tpu.memory_space<vmem_shared>>)
          tpu.yield
        }) : () -> ()
        %add3A_110 = arith.constant 2 : i32
        %add3A_111 = arith.addi %add3A_104, %add3A_110 : i32
        %lt3A = arith.constant 40 : i32
        %lt3A_112 = arith.cmpi slt, %add3A_111, %lt3A : i32
        %convert_element_type3A_113 = arith.extui %lt3A_112 : i1 to i32
        %cond3A_114 = arith.constant 0 : i32
        %cond3A_115 = arith.cmpi ne, %convert_element_type3A_113, %cond3A_114 : i32
        scf.if %cond3A_115 {
          %add3A_133 = arith.constant 2 : i32
          %add3A_134 = arith.addi %add3A_104, %add3A_133 : i32
          %dma_start3A_135 = arith.constant 0 : i32
          %dma_start3A_136 = tpu.memref_slice %arg7[%add3A_134, %dma_start3A_135] : memref<40x128xi32, #tpu.memory_space<vmem>> -> memref<1x128xi32, #tpu.memory_space<vmem>>
          %dma_start3A_137 = tpu.memref_squeeze %dma_start3A_136 : memref<1x128xi32, #tpu.memory_space<vmem>> -> memref<128xi32, #tpu.memory_space<vmem>>
          %dma_start3A_138 = arith.constant 0 : i32
          %dma_start3A_139 = arith.constant 0 : i32
          %dma_start3A_140 = tpu.memref_slice %arg2[%dma_start3A_138, %dma_start3A_139] : memref<10112x128xf32, #tpu.memory_space<hbm>> -> memref<10112x128xf32, #tpu.memory_space<hbm>>
          tpu.enqueue_indirect_dma source(%dma_start3A_140 : memref<10112x128xf32, #tpu.memory_space<hbm>>) target(%arg9 : memref<128x128xf32, #tpu.memory_space<vmem>>) offsets(%dma_start3A_137 : memref<128xi32, #tpu.memory_space<vmem>>) semaphore(%arg12 : memref<!tpu.dma_semaphore, #tpu.memory_space<semaphore_mem>>)
        } else {
        }
        %mul3A_116 = arith.constant 2 : i32
        %mul3A_117 = arith.muli %mul3A_116, %scan3A_100 : i32
        %add3A_118 = arith.constant 1 : i32
        %add3A_119 = arith.addi %mul3A_117, %add3A_118 : i32
        %dma_wait3A_120 = arith.constant 0 : i32
        %dma_wait3A_121 = tpu.memref_slice %arg7[%add3A_119, %dma_wait3A_120] : memref<40x128xi32, #tpu.memory_space<vmem>> -> memref<1x128xi32, #tpu.memory_space<vmem>>
        %dma_wait3A_122 = tpu.memref_squeeze %dma_wait3A_121 : memref<1x128xi32, #tpu.memory_space<vmem>> -> memref<128xi32, #tpu.memory_space<vmem>>
        %dma_wait3A_123 = arith.constant 0 : i32
        %dma_wait3A_124 = arith.constant 0 : i32
        %dma_wait3A_125 = tpu.memref_slice %arg2[%dma_wait3A_123, %dma_wait3A_124] : memref<10112x128xf32, #tpu.memory_space<hbm>> -> memref<10112x128xf32, #tpu.memory_space<hbm>>
        tpu.wait_indirect_dma semaphore(%arg13 : memref<!tpu.dma_semaphore, #tpu.memory_space<semaphore_mem>>) src(%dma_wait3A_125 : memref<10112x128xf32, #tpu.memory_space<hbm>>) dst(%arg10 : memref<128x128xf32, #tpu.memory_space<vmem>>)
        "tpu.region"() ({
          %run_scoped3A = tpu.sem_alloc : memref<!tpu.dma_semaphore, #tpu.memory_space<semaphore_mem>>
          %dma_start3A_133 = arith.constant 0 : i32
          %dma_start3A_134 = tpu.memref_slice %arg8[%add3A_119, %dma_start3A_133] : memref<40x128xi32, #tpu.memory_space<vmem>> -> memref<1x128xi32, #tpu.memory_space<vmem>>
          %dma_start3A_135 = tpu.memref_squeeze %dma_start3A_134 : memref<1x128xi32, #tpu.memory_space<vmem>> -> memref<128xi32, #tpu.memory_space<vmem>>
          %dma_start3A_136 = arith.constant 0 : i32
          %dma_start3A_137 = arith.constant 0 : i32
          %dma_start3A_138 = tpu.memref_slice %arg11[%dma_start3A_136, %dma_start3A_137] : memref<10112x128xf32, #tpu.memory_space<vmem_shared>> -> memref<10112x128xf32, #tpu.memory_space<vmem_shared>>
          tpu.enqueue_indirect_dma source(%arg10 : memref<128x128xf32, #tpu.memory_space<vmem>>) target(%dma_start3A_138 : memref<10112x128xf32, #tpu.memory_space<vmem_shared>>) offsets(%dma_start3A_135 : memref<128xi32, #tpu.memory_space<vmem>>) semaphore(%run_scoped3A : memref<!tpu.dma_semaphore, #tpu.memory_space<semaphore_mem>>) {add = true}
          %dma_wait3A_139 = arith.constant 0 : i32
          %dma_wait3A_140 = tpu.memref_slice %arg8[%add3A_119, %dma_wait3A_139] : memref<40x128xi32, #tpu.memory_space<vmem>> -> memref<1x128xi32, #tpu.memory_space<vmem>>
          %dma_wait3A_141 = tpu.memref_squeeze %dma_wait3A_140 : memref<1x128xi32, #tpu.memory_space<vmem>> -> memref<128xi32, #tpu.memory_space<vmem>>
          %dma_wait3A_142 = arith.constant 0 : i32
          %dma_wait3A_143 = arith.constant 0 : i32
          %dma_wait3A_144 = tpu.memref_slice %arg11[%dma_wait3A_142, %dma_wait3A_143] : memref<10112x128xf32, #tpu.memory_space<vmem_shared>> -> memref<10112x128xf32, #tpu.memory_space<vmem_shared>>
          tpu.wait_indirect_dma semaphore(%run_scoped3A : memref<!tpu.dma_semaphore, #tpu.memory_space<semaphore_mem>>) src(%arg10 : memref<128x128xf32, #tpu.memory_space<vmem>>) dst(%dma_wait3A_144 : memref<10112x128xf32, #tpu.memory_space<vmem_shared>>)
          tpu.yield
        }) : () -> ()
        %add3A_126 = arith.constant 2 : i32
        %add3A_127 = arith.addi %add3A_119, %add3A_126 : i32
        %lt3A_128 = arith.constant 40 : i32
        %lt3A_129 = arith.cmpi slt, %add3A_127, %lt3A_128 : i32
        %convert_element_type3A_130 = arith.extui %lt3A_129 : i1 to i32
        %cond3A_131 = arith.constant 0 : i32
        %cond3A_132 = arith.cmpi ne, %convert_element_type3A_130, %cond3A_131 : i32
        scf.if %cond3A_132 {
          %add3A_133 = arith.constant 2 : i32
          %add3A_134 = arith.addi %add3A_119, %add3A_133 : i32
          %dma_start3A_135 = arith.constant 0 : i32
          %dma_start3A_136 = tpu.memref_slice %arg7[%add3A_134, %dma_start3A_135] : memref<40x128xi32, #tpu.memory_space<vmem>> -> memref<1x128xi32, #tpu.memory_space<vmem>>
          %dma_start3A_137 = tpu.memref_squeeze %dma_start3A_136 : memref<1x128xi32, #tpu.memory_space<vmem>> -> memref<128xi32, #tpu.memory_space<vmem>>
          %dma_start3A_138 = arith.constant 0 : i32
          %dma_start3A_139 = arith.constant 0 : i32
          %dma_start3A_140 = tpu.memref_slice %arg2[%dma_start3A_138, %dma_start3A_139] : memref<10112x128xf32, #tpu.memory_space<hbm>> -> memref<10112x128xf32, #tpu.memory_space<hbm>>
          tpu.enqueue_indirect_dma source(%dma_start3A_140 : memref<10112x128xf32, #tpu.memory_space<hbm>>) target(%arg10 : memref<128x128xf32, #tpu.memory_space<vmem>>) offsets(%dma_start3A_137 : memref<128xi32, #tpu.memory_space<vmem>>) semaphore(%arg13 : memref<!tpu.dma_semaphore, #tpu.memory_space<semaphore_mem>>)
        } else {
        }
      }
      %scan3A_77 = arith.constant 20 : i32
      %add3A_78 = arith.constant 120 : i32
      %add3A_79 = arith.addi %mul3A_14, %add3A_78 : i32
      "tpu.region"() ({
        %run_scoped3A = tpu.sem_alloc : memref<!tpu.dma_semaphore, #tpu.memory_space<semaphore_mem>>
        %dma_start3A_100 = arith.constant 0 : i32
        %dma_start3A_101 = arith.constant 0 : i32
        %dma_start3A_102 = tpu.memref_slice %arg7[%dma_start3A_100, %dma_start3A_101] : memref<40x128xi32, #tpu.memory_space<vmem>> -> memref<32x128xi32, #tpu.memory_space<vmem>>
        %dma_start3A_103 = arith.constant 0 : i32
        %dma_start3A_104 = tpu.memref_slice %arg3[%add3A_79, %dma_start3A_103] : memref<2560x128xi32, #tpu.memory_space<hbm>> -> memref<32x128xi32, #tpu.memory_space<hbm>>
        %dma_start3A_105 = arith.constant 0 : i32
        %dma_start3A_106 = arith.constant 0 : i32
        %dma_start3A_107 = tpu.memref_slice %arg7[%dma_start3A_105, %dma_start3A_106] : memref<40x128xi32, #tpu.memory_space<vmem>> -> memref<32x128xi32, #tpu.memory_space<vmem>>
        %dma_start3A_108 = arith.constant 0 : i32
        %dma_start3A_109 = tpu.memref_slice %arg3[%add3A_79, %dma_start3A_108] : memref<2560x128xi32, #tpu.memory_space<hbm>> -> memref<32x128xi32, #tpu.memory_space<hbm>>
        tpu.enqueue_dma source(%dma_start3A_109 : memref<32x128xi32, #tpu.memory_space<hbm>>) target(%dma_start3A_107 : memref<32x128xi32, #tpu.memory_space<vmem>>) target_semaphore(%run_scoped3A : memref<!tpu.dma_semaphore, #tpu.memory_space<semaphore_mem>>)
        %dma_wait3A = arith.constant 0 : i32
        %dma_wait3A_110 = arith.constant 0 : i32
        %dma_wait3A_111 = tpu.memref_slice %arg7[%dma_wait3A, %dma_wait3A_110] : memref<40x128xi32, #tpu.memory_space<vmem>> -> memref<32x128xi32, #tpu.memory_space<vmem>>
        %dma_wait3A_112 = arith.constant 0 : i32
        %dma_wait3A_113 = tpu.memref_slice %arg3[%add3A_79, %dma_wait3A_112] : memref<2560x128xi32, #tpu.memory_space<hbm>> -> memref<32x128xi32, #tpu.memory_space<hbm>>
        %dma_wait3A_114 = arith.constant 0 : i32
        %dma_wait3A_115 = arith.constant 0 : i32
        %dma_wait3A_116 = tpu.memref_slice %arg7[%dma_wait3A_114, %dma_wait3A_115] : memref<40x128xi32, #tpu.memory_space<vmem>> -> memref<32x128xi32, #tpu.memory_space<vmem>>
        %dma_wait3A_117 = arith.constant 0 : i32
        %dma_wait3A_118 = tpu.memref_slice %arg3[%add3A_79, %dma_wait3A_117] : memref<2560x128xi32, #tpu.memory_space<hbm>> -> memref<32x128xi32, #tpu.memory_space<hbm>>
        tpu.wait_dma2 semaphore(%run_scoped3A : memref<!tpu.dma_semaphore, #tpu.memory_space<semaphore_mem>>) src(%dma_wait3A_118 : memref<32x128xi32, #tpu.memory_space<hbm>>) dst(%dma_wait3A_116 : memref<32x128xi32, #tpu.memory_space<vmem>>)
        tpu.yield
      }) : () -> ()
      "tpu.region"() ({
        %run_scoped3A = tpu.sem_alloc : memref<!tpu.dma_semaphore, #tpu.memory_space<semaphore_mem>>
        %dma_start3A_100 = arith.constant 0 : i32
        %dma_start3A_101 = arith.constant 0 : i32
        %dma_start3A_102 = tpu.memref_slice %arg8[%dma_start3A_100, %dma_start3A_101] : memref<40x128xi32, #tpu.memory_space<vmem>> -> memref<32x128xi32, #tpu.memory_space<vmem>>
        %dma_start3A_103 = arith.constant 0 : i32
        %dma_start3A_104 = tpu.memref_slice %arg4[%add3A_79, %dma_start3A_103] : memref<2560x128xi32, #tpu.memory_space<hbm>> -> memref<32x128xi32, #tpu.memory_space<hbm>>
        %dma_start3A_105 = arith.constant 0 : i32
        %dma_start3A_106 = arith.constant 0 : i32
        %dma_start3A_107 = tpu.memref_slice %arg8[%dma_start3A_105, %dma_start3A_106] : memref<40x128xi32, #tpu.memory_space<vmem>> -> memref<32x128xi32, #tpu.memory_space<vmem>>
        %dma_start3A_108 = arith.constant 0 : i32
        %dma_start3A_109 = tpu.memref_slice %arg4[%add3A_79, %dma_start3A_108] : memref<2560x128xi32, #tpu.memory_space<hbm>> -> memref<32x128xi32, #tpu.memory_space<hbm>>
        tpu.enqueue_dma source(%dma_start3A_109 : memref<32x128xi32, #tpu.memory_space<hbm>>) target(%dma_start3A_107 : memref<32x128xi32, #tpu.memory_space<vmem>>) target_semaphore(%run_scoped3A : memref<!tpu.dma_semaphore, #tpu.memory_space<semaphore_mem>>)
        %dma_wait3A = arith.constant 0 : i32
        %dma_wait3A_110 = arith.constant 0 : i32
        %dma_wait3A_111 = tpu.memref_slice %arg8[%dma_wait3A, %dma_wait3A_110] : memref<40x128xi32, #tpu.memory_space<vmem>> -> memref<32x128xi32, #tpu.memory_space<vmem>>
        %dma_wait3A_112 = arith.constant 0 : i32
        %dma_wait3A_113 = tpu.memref_slice %arg4[%add3A_79, %dma_wait3A_112] : memref<2560x128xi32, #tpu.memory_space<hbm>> -> memref<32x128xi32, #tpu.memory_space<hbm>>
        %dma_wait3A_114 = arith.constant 0 : i32
        %dma_wait3A_115 = arith.constant 0 : i32
        %dma_wait3A_116 = tpu.memref_slice %arg8[%dma_wait3A_114, %dma_wait3A_115] : memref<40x128xi32, #tpu.memory_space<vmem>> -> memref<32x128xi32, #tpu.memory_space<vmem>>
        %dma_wait3A_117 = arith.constant 0 : i32
        %dma_wait3A_118 = tpu.memref_slice %arg4[%add3A_79, %dma_wait3A_117] : memref<2560x128xi32, #tpu.memory_space<hbm>> -> memref<32x128xi32, #tpu.memory_space<hbm>>
        tpu.wait_dma2 semaphore(%run_scoped3A : memref<!tpu.dma_semaphore, #tpu.memory_space<semaphore_mem>>) src(%dma_wait3A_118 : memref<32x128xi32, #tpu.memory_space<hbm>>) dst(%dma_wait3A_116 : memref<32x128xi32, #tpu.memory_space<vmem>>)
        tpu.yield
      }) : () -> ()
      %dma_start3A_80 = arith.constant 0 : i32
      %dma_start3A_81 = arith.constant 0 : i32
      %dma_start3A_82 = tpu.memref_slice %arg7[%dma_start3A_80, %dma_start3A_81] : memref<40x128xi32, #tpu.memory_space<vmem>> -> memref<1x128xi32, #tpu.memory_space<vmem>>
      %dma_start3A_83 = tpu.memref_squeeze %dma_start3A_82 : memref<1x128xi32, #tpu.memory_space<vmem>> -> memref<128xi32, #tpu.memory_space<vmem>>
      %dma_start3A_84 = arith.constant 0 : i32
      %dma_start3A_85 = arith.constant 0 : i32
      %dma_start3A_86 = tpu.memref_slice %arg2[%dma_start3A_84, %dma_start3A_85] : memref<10112x128xf32, #tpu.memory_space<hbm>> -> memref<10112x128xf32, #tpu.memory_space<hbm>>
      tpu.enqueue_indirect_dma source(%dma_start3A_86 : memref<10112x128xf32, #tpu.memory_space<hbm>>) target(%arg9 : memref<128x128xf32, #tpu.memory_space<vmem>>) offsets(%dma_start3A_83 : memref<128xi32, #tpu.memory_space<vmem>>) semaphore(%arg12 : memref<!tpu.dma_semaphore, #tpu.memory_space<semaphore_mem>>)
      %dma_start3A_87 = arith.constant 1 : i32
      %dma_start3A_88 = arith.constant 0 : i32
      %dma_start3A_89 = tpu.memref_slice %arg7[%dma_start3A_87, %dma_start3A_88] : memref<40x128xi32, #tpu.memory_space<vmem>> -> memref<1x128xi32, #tpu.memory_space<vmem>>
      %dma_start3A_90 = tpu.memref_squeeze %dma_start3A_89 : memref<1x128xi32, #tpu.memory_space<vmem>> -> memref<128xi32, #tpu.memory_space<vmem>>
      %dma_start3A_91 = arith.constant 0 : i32
      %dma_start3A_92 = arith.constant 0 : i32
      %dma_start3A_93 = tpu.memref_slice %arg2[%dma_start3A_91, %dma_start3A_92] : memref<10112x128xf32, #tpu.memory_space<hbm>> -> memref<10112x128xf32, #tpu.memory_space<hbm>>
      tpu.enqueue_indirect_dma source(%dma_start3A_93 : memref<10112x128xf32, #tpu.memory_space<hbm>>) target(%arg10 : memref<128x128xf32, #tpu.memory_space<vmem>>) offsets(%dma_start3A_90 : memref<128xi32, #tpu.memory_space<vmem>>) semaphore(%arg13 : memref<!tpu.dma_semaphore, #tpu.memory_space<semaphore_mem>>)
      %scan3A_94 = arith.constant 0 : i32
      %scan3A_95 = arith.constant 0 : i32
      %scan3A_96 = arith.constant 16 : i32
      %scan3A_97 = arith.addi %scan3A_95, %scan3A_96 : i32
      %scan3A_98 = arith.constant 1 : i32
      scf.for %scan3A_100 = %scan3A_95 to %scan3A_97 step %scan3A_98  : i32 {
        %mul3A_101 = arith.constant 2 : i32
        %mul3A_102 = arith.muli %mul3A_101, %scan3A_100 : i32
        %add3A_103 = arith.constant 0 : i32
        %add3A_104 = arith.addi %mul3A_102, %add3A_103 : i32
        %dma_wait3A = arith.constant 0 : i32
        %dma_wait3A_105 = tpu.memref_slice %arg7[%add3A_104, %dma_wait3A] : memref<40x128xi32, #tpu.memory_space<vmem>> -> memref<1x128xi32, #tpu.memory_space<vmem>>
        %dma_wait3A_106 = tpu.memref_squeeze %dma_wait3A_105 : memref<1x128xi32, #tpu.memory_space<vmem>> -> memref<128xi32, #tpu.memory_space<vmem>>
        %dma_wait3A_107 = arith.constant 0 : i32
        %dma_wait3A_108 = arith.constant 0 : i32
        %dma_wait3A_109 = tpu.memref_slice %arg2[%dma_wait3A_107, %dma_wait3A_108] : memref<10112x128xf32, #tpu.memory_space<hbm>> -> memref<10112x128xf32, #tpu.memory_space<hbm>>
        tpu.wait_indirect_dma semaphore(%arg12 : memref<!tpu.dma_semaphore, #tpu.memory_space<semaphore_mem>>) src(%dma_wait3A_109 : memref<10112x128xf32, #tpu.memory_space<hbm>>) dst(%arg9 : memref<128x128xf32, #tpu.memory_space<vmem>>)
        "tpu.region"() ({
          %run_scoped3A = tpu.sem_alloc : memref<!tpu.dma_semaphore, #tpu.memory_space<semaphore_mem>>
          %dma_start3A_133 = arith.constant 0 : i32
          %dma_start3A_134 = tpu.memref_slice %arg8[%add3A_104, %dma_start3A_133] : memref<40x128xi32, #tpu.memory_space<vmem>> -> memref<1x128xi32, #tpu.memory_space<vmem>>
          %dma_start3A_135 = tpu.memref_squeeze %dma_start3A_134 : memref<1x128xi32, #tpu.memory_space<vmem>> -> memref<128xi32, #tpu.memory_space<vmem>>
          %dma_start3A_136 = arith.constant 0 : i32
          %dma_start3A_137 = arith.constant 0 : i32
          %dma_start3A_138 = tpu.memref_slice %arg11[%dma_start3A_136, %dma_start3A_137] : memref<10112x128xf32, #tpu.memory_space<vmem_shared>> -> memref<10112x128xf32, #tpu.memory_space<vmem_shared>>
          tpu.enqueue_indirect_dma source(%arg9 : memref<128x128xf32, #tpu.memory_space<vmem>>) target(%dma_start3A_138 : memref<10112x128xf32, #tpu.memory_space<vmem_shared>>) offsets(%dma_start3A_135 : memref<128xi32, #tpu.memory_space<vmem>>) semaphore(%run_scoped3A : memref<!tpu.dma_semaphore, #tpu.memory_space<semaphore_mem>>) {add = true}
          %dma_wait3A_139 = arith.constant 0 : i32
          %dma_wait3A_140 = tpu.memref_slice %arg8[%add3A_104, %dma_wait3A_139] : memref<40x128xi32, #tpu.memory_space<vmem>> -> memref<1x128xi32, #tpu.memory_space<vmem>>
          %dma_wait3A_141 = tpu.memref_squeeze %dma_wait3A_140 : memref<1x128xi32, #tpu.memory_space<vmem>> -> memref<128xi32, #tpu.memory_space<vmem>>
          %dma_wait3A_142 = arith.constant 0 : i32
          %dma_wait3A_143 = arith.constant 0 : i32
          %dma_wait3A_144 = tpu.memref_slice %arg11[%dma_wait3A_142, %dma_wait3A_143] : memref<10112x128xf32, #tpu.memory_space<vmem_shared>> -> memref<10112x128xf32, #tpu.memory_space<vmem_shared>>
          tpu.wait_indirect_dma semaphore(%run_scoped3A : memref<!tpu.dma_semaphore, #tpu.memory_space<semaphore_mem>>) src(%arg9 : memref<128x128xf32, #tpu.memory_space<vmem>>) dst(%dma_wait3A_144 : memref<10112x128xf32, #tpu.memory_space<vmem_shared>>)
          tpu.yield
        }) : () -> ()
        %add3A_110 = arith.constant 2 : i32
        %add3A_111 = arith.addi %add3A_104, %add3A_110 : i32
        %lt3A = arith.constant 32 : i32
        %lt3A_112 = arith.cmpi slt, %add3A_111, %lt3A : i32
        %convert_element_type3A_113 = arith.extui %lt3A_112 : i1 to i32
        %cond3A_114 = arith.constant 0 : i32
        %cond3A_115 = arith.cmpi ne, %convert_element_type3A_113, %cond3A_114 : i32
        scf.if %cond3A_115 {
          %add3A_133 = arith.constant 2 : i32
          %add3A_134 = arith.addi %add3A_104, %add3A_133 : i32
          %dma_start3A_135 = arith.constant 0 : i32
          %dma_start3A_136 = tpu.memref_slice %arg7[%add3A_134, %dma_start3A_135] : memref<40x128xi32, #tpu.memory_space<vmem>> -> memref<1x128xi32, #tpu.memory_space<vmem>>
          %dma_start3A_137 = tpu.memref_squeeze %dma_start3A_136 : memref<1x128xi32, #tpu.memory_space<vmem>> -> memref<128xi32, #tpu.memory_space<vmem>>
          %dma_start3A_138 = arith.constant 0 : i32
          %dma_start3A_139 = arith.constant 0 : i32
          %dma_start3A_140 = tpu.memref_slice %arg2[%dma_start3A_138, %dma_start3A_139] : memref<10112x128xf32, #tpu.memory_space<hbm>> -> memref<10112x128xf32, #tpu.memory_space<hbm>>
          tpu.enqueue_indirect_dma source(%dma_start3A_140 : memref<10112x128xf32, #tpu.memory_space<hbm>>) target(%arg9 : memref<128x128xf32, #tpu.memory_space<vmem>>) offsets(%dma_start3A_137 : memref<128xi32, #tpu.memory_space<vmem>>) semaphore(%arg12 : memref<!tpu.dma_semaphore, #tpu.memory_space<semaphore_mem>>)
        } else {
        }
        %mul3A_116 = arith.constant 2 : i32
        %mul3A_117 = arith.muli %mul3A_116, %scan3A_100 : i32
        %add3A_118 = arith.constant 1 : i32
        %add3A_119 = arith.addi %mul3A_117, %add3A_118 : i32
        %dma_wait3A_120 = arith.constant 0 : i32
        %dma_wait3A_121 = tpu.memref_slice %arg7[%add3A_119, %dma_wait3A_120] : memref<40x128xi32, #tpu.memory_space<vmem>> -> memref<1x128xi32, #tpu.memory_space<vmem>>
        %dma_wait3A_122 = tpu.memref_squeeze %dma_wait3A_121 : memref<1x128xi32, #tpu.memory_space<vmem>> -> memref<128xi32, #tpu.memory_space<vmem>>
        %dma_wait3A_123 = arith.constant 0 : i32
        %dma_wait3A_124 = arith.constant 0 : i32
        %dma_wait3A_125 = tpu.memref_slice %arg2[%dma_wait3A_123, %dma_wait3A_124] : memref<10112x128xf32, #tpu.memory_space<hbm>> -> memref<10112x128xf32, #tpu.memory_space<hbm>>
        tpu.wait_indirect_dma semaphore(%arg13 : memref<!tpu.dma_semaphore, #tpu.memory_space<semaphore_mem>>) src(%dma_wait3A_125 : memref<10112x128xf32, #tpu.memory_space<hbm>>) dst(%arg10 : memref<128x128xf32, #tpu.memory_space<vmem>>)
        "tpu.region"() ({
          %run_scoped3A = tpu.sem_alloc : memref<!tpu.dma_semaphore, #tpu.memory_space<semaphore_mem>>
          %dma_start3A_133 = arith.constant 0 : i32
          %dma_start3A_134 = tpu.memref_slice %arg8[%add3A_119, %dma_start3A_133] : memref<40x128xi32, #tpu.memory_space<vmem>> -> memref<1x128xi32, #tpu.memory_space<vmem>>
          %dma_start3A_135 = tpu.memref_squeeze %dma_start3A_134 : memref<1x128xi32, #tpu.memory_space<vmem>> -> memref<128xi32, #tpu.memory_space<vmem>>
          %dma_start3A_136 = arith.constant 0 : i32
          %dma_start3A_137 = arith.constant 0 : i32
          %dma_start3A_138 = tpu.memref_slice %arg11[%dma_start3A_136, %dma_start3A_137] : memref<10112x128xf32, #tpu.memory_space<vmem_shared>> -> memref<10112x128xf32, #tpu.memory_space<vmem_shared>>
          tpu.enqueue_indirect_dma source(%arg10 : memref<128x128xf32, #tpu.memory_space<vmem>>) target(%dma_start3A_138 : memref<10112x128xf32, #tpu.memory_space<vmem_shared>>) offsets(%dma_start3A_135 : memref<128xi32, #tpu.memory_space<vmem>>) semaphore(%run_scoped3A : memref<!tpu.dma_semaphore, #tpu.memory_space<semaphore_mem>>) {add = true}
          %dma_wait3A_139 = arith.constant 0 : i32
          %dma_wait3A_140 = tpu.memref_slice %arg8[%add3A_119, %dma_wait3A_139] : memref<40x128xi32, #tpu.memory_space<vmem>> -> memref<1x128xi32, #tpu.memory_space<vmem>>
          %dma_wait3A_141 = tpu.memref_squeeze %dma_wait3A_140 : memref<1x128xi32, #tpu.memory_space<vmem>> -> memref<128xi32, #tpu.memory_space<vmem>>
          %dma_wait3A_142 = arith.constant 0 : i32
          %dma_wait3A_143 = arith.constant 0 : i32
          %dma_wait3A_144 = tpu.memref_slice %arg11[%dma_wait3A_142, %dma_wait3A_143] : memref<10112x128xf32, #tpu.memory_space<vmem_shared>> -> memref<10112x128xf32, #tpu.memory_space<vmem_shared>>
          tpu.wait_indirect_dma semaphore(%run_scoped3A : memref<!tpu.dma_semaphore, #tpu.memory_space<semaphore_mem>>) src(%arg10 : memref<128x128xf32, #tpu.memory_space<vmem>>) dst(%dma_wait3A_144 : memref<10112x128xf32, #tpu.memory_space<vmem_shared>>)
          tpu.yield
        }) : () -> ()
        %add3A_126 = arith.constant 2 : i32
        %add3A_127 = arith.addi %add3A_119, %add3A_126 : i32
        %lt3A_128 = arith.constant 32 : i32
        %lt3A_129 = arith.cmpi slt, %add3A_127, %lt3A_128 : i32
        %convert_element_type3A_130 = arith.extui %lt3A_129 : i1 to i32
        %cond3A_131 = arith.constant 0 : i32
        %cond3A_132 = arith.cmpi ne, %convert_element_type3A_130, %cond3A_131 : i32
        scf.if %cond3A_132 {
          %add3A_133 = arith.constant 2 : i32
          %add3A_134 = arith.addi %add3A_119, %add3A_133 : i32
          %dma_start3A_135 = arith.constant 0 : i32
          %dma_start3A_136 = tpu.memref_slice %arg7[%add3A_134, %dma_start3A_135] : memref<40x128xi32, #tpu.memory_space<vmem>> -> memref<1x128xi32, #tpu.memory_space<vmem>>
          %dma_start3A_137 = tpu.memref_squeeze %dma_start3A_136 : memref<1x128xi32, #tpu.memory_space<vmem>> -> memref<128xi32, #tpu.memory_space<vmem>>
          %dma_start3A_138 = arith.constant 0 : i32
          %dma_start3A_139 = arith.constant 0 : i32
          %dma_start3A_140 = tpu.memref_slice %arg2[%dma_start3A_138, %dma_start3A_139] : memref<10112x128xf32, #tpu.memory_space<hbm>> -> memref<10112x128xf32, #tpu.memory_space<hbm>>
          tpu.enqueue_indirect_dma source(%dma_start3A_140 : memref<10112x128xf32, #tpu.memory_space<hbm>>) target(%arg10 : memref<128x128xf32, #tpu.memory_space<vmem>>) offsets(%dma_start3A_137 : memref<128xi32, #tpu.memory_space<vmem>>) semaphore(%arg13 : memref<!tpu.dma_semaphore, #tpu.memory_space<semaphore_mem>>)
        } else {
        }
      }
      %scan3A_99 = arith.constant 16 : i32
    } else {
    }
    %eq3A_3 = arith.constant 1 : i32
    %eq3A_4 = arith.cmpi eq, %arg0, %eq3A_3 : i32
    %convert_element_type3A_5 = arith.extui %eq3A_4 : i1 to i32
    %cond3A_6 = arith.constant 0 : i32
    %cond3A_7 = arith.cmpi ne, %convert_element_type3A_5, %cond3A_6 : i32
    scf.if %cond3A_7 {
      %mul3A_13 = arith.constant 8 : i32
      %mul3A_14 = arith.muli %arg1, %mul3A_13 : i32
      %add3A = arith.constant 2432 : i32
      %add3A_15 = arith.addi %add3A, %mul3A_14 : i32
      %add3A_16 = arith.constant 0 : i32
      %add3A_17 = arith.addi %add3A_15, %add3A_16 : i32
      "tpu.region"() ({
        %run_scoped3A = tpu.sem_alloc : memref<!tpu.dma_semaphore, #tpu.memory_space<semaphore_mem>>
        %dma_start3A_36 = arith.constant 0 : i32
        %dma_start3A_37 = arith.constant 0 : i32
        %dma_start3A_38 = tpu.memref_slice %arg7[%dma_start3A_36, %dma_start3A_37] : memref<40x128xi32, #tpu.memory_space<vmem>> -> memref<8x128xi32, #tpu.memory_space<vmem>>
        %dma_start3A_39 = arith.constant 0 : i32
        %dma_start3A_40 = tpu.memref_slice %arg3[%add3A_17, %dma_start3A_39] : memref<2560x128xi32, #tpu.memory_space<hbm>> -> memref<8x128xi32, #tpu.memory_space<hbm>>
        %dma_start3A_41 = arith.constant 0 : i32
        %dma_start3A_42 = arith.constant 0 : i32
        %dma_start3A_43 = tpu.memref_slice %arg7[%dma_start3A_41, %dma_start3A_42] : memref<40x128xi32, #tpu.memory_space<vmem>> -> memref<8x128xi32, #tpu.memory_space<vmem>>
        %dma_start3A_44 = arith.constant 0 : i32
        %dma_start3A_45 = tpu.memref_slice %arg3[%add3A_17, %dma_start3A_44] : memref<2560x128xi32, #tpu.memory_space<hbm>> -> memref<8x128xi32, #tpu.memory_space<hbm>>
        tpu.enqueue_dma source(%dma_start3A_45 : memref<8x128xi32, #tpu.memory_space<hbm>>) target(%dma_start3A_43 : memref<8x128xi32, #tpu.memory_space<vmem>>) target_semaphore(%run_scoped3A : memref<!tpu.dma_semaphore, #tpu.memory_space<semaphore_mem>>)
        %dma_wait3A = arith.constant 0 : i32
        %dma_wait3A_46 = arith.constant 0 : i32
        %dma_wait3A_47 = tpu.memref_slice %arg7[%dma_wait3A, %dma_wait3A_46] : memref<40x128xi32, #tpu.memory_space<vmem>> -> memref<8x128xi32, #tpu.memory_space<vmem>>
        %dma_wait3A_48 = arith.constant 0 : i32
        %dma_wait3A_49 = tpu.memref_slice %arg3[%add3A_17, %dma_wait3A_48] : memref<2560x128xi32, #tpu.memory_space<hbm>> -> memref<8x128xi32, #tpu.memory_space<hbm>>
        %dma_wait3A_50 = arith.constant 0 : i32
        %dma_wait3A_51 = arith.constant 0 : i32
        %dma_wait3A_52 = tpu.memref_slice %arg7[%dma_wait3A_50, %dma_wait3A_51] : memref<40x128xi32, #tpu.memory_space<vmem>> -> memref<8x128xi32, #tpu.memory_space<vmem>>
        %dma_wait3A_53 = arith.constant 0 : i32
        %dma_wait3A_54 = tpu.memref_slice %arg3[%add3A_17, %dma_wait3A_53] : memref<2560x128xi32, #tpu.memory_space<hbm>> -> memref<8x128xi32, #tpu.memory_space<hbm>>
        tpu.wait_dma2 semaphore(%run_scoped3A : memref<!tpu.dma_semaphore, #tpu.memory_space<semaphore_mem>>) src(%dma_wait3A_54 : memref<8x128xi32, #tpu.memory_space<hbm>>) dst(%dma_wait3A_52 : memref<8x128xi32, #tpu.memory_space<vmem>>)
        tpu.yield
      }) : () -> ()
      "tpu.region"() ({
        %run_scoped3A = tpu.sem_alloc : memref<!tpu.dma_semaphore, #tpu.memory_space<semaphore_mem>>
        %dma_start3A_36 = arith.constant 0 : i32
        %dma_start3A_37 = arith.constant 0 : i32
        %dma_start3A_38 = tpu.memref_slice %arg8[%dma_start3A_36, %dma_start3A_37] : memref<40x128xi32, #tpu.memory_space<vmem>> -> memref<8x128xi32, #tpu.memory_space<vmem>>
        %dma_start3A_39 = arith.constant 0 : i32
        %dma_start3A_40 = tpu.memref_slice %arg4[%add3A_17, %dma_start3A_39] : memref<2560x128xi32, #tpu.memory_space<hbm>> -> memref<8x128xi32, #tpu.memory_space<hbm>>
        %dma_start3A_41 = arith.constant 0 : i32
        %dma_start3A_42 = arith.constant 0 : i32
        %dma_start3A_43 = tpu.memref_slice %arg8[%dma_start3A_41, %dma_start3A_42] : memref<40x128xi32, #tpu.memory_space<vmem>> -> memref<8x128xi32, #tpu.memory_space<vmem>>
        %dma_start3A_44 = arith.constant 0 : i32
        %dma_start3A_45 = tpu.memref_slice %arg4[%add3A_17, %dma_start3A_44] : memref<2560x128xi32, #tpu.memory_space<hbm>> -> memref<8x128xi32, #tpu.memory_space<hbm>>
        tpu.enqueue_dma source(%dma_start3A_45 : memref<8x128xi32, #tpu.memory_space<hbm>>) target(%dma_start3A_43 : memref<8x128xi32, #tpu.memory_space<vmem>>) target_semaphore(%run_scoped3A : memref<!tpu.dma_semaphore, #tpu.memory_space<semaphore_mem>>)
        %dma_wait3A = arith.constant 0 : i32
        %dma_wait3A_46 = arith.constant 0 : i32
        %dma_wait3A_47 = tpu.memref_slice %arg8[%dma_wait3A, %dma_wait3A_46] : memref<40x128xi32, #tpu.memory_space<vmem>> -> memref<8x128xi32, #tpu.memory_space<vmem>>
        %dma_wait3A_48 = arith.constant 0 : i32
        %dma_wait3A_49 = tpu.memref_slice %arg4[%add3A_17, %dma_wait3A_48] : memref<2560x128xi32, #tpu.memory_space<hbm>> -> memref<8x128xi32, #tpu.memory_space<hbm>>
        %dma_wait3A_50 = arith.constant 0 : i32
        %dma_wait3A_51 = arith.constant 0 : i32
        %dma_wait3A_52 = tpu.memref_slice %arg8[%dma_wait3A_50, %dma_wait3A_51] : memref<40x128xi32, #tpu.memory_space<vmem>> -> memref<8x128xi32, #tpu.memory_space<vmem>>
        %dma_wait3A_53 = arith.constant 0 : i32
        %dma_wait3A_54 = tpu.memref_slice %arg4[%add3A_17, %dma_wait3A_53] : memref<2560x128xi32, #tpu.memory_space<hbm>> -> memref<8x128xi32, #tpu.memory_space<hbm>>
        tpu.wait_dma2 semaphore(%run_scoped3A : memref<!tpu.dma_semaphore, #tpu.memory_space<semaphore_mem>>) src(%dma_wait3A_54 : memref<8x128xi32, #tpu.memory_space<hbm>>) dst(%dma_wait3A_52 : memref<8x128xi32, #tpu.memory_space<vmem>>)
        tpu.yield
      }) : () -> ()
      %dma_start3A = arith.constant 0 : i32
      %dma_start3A_18 = arith.constant 0 : i32
      %dma_start3A_19 = tpu.memref_slice %arg7[%dma_start3A, %dma_start3A_18] : memref<40x128xi32, #tpu.memory_space<vmem>> -> memref<1x128xi32, #tpu.memory_space<vmem>>
      %dma_start3A_20 = tpu.memref_squeeze %dma_start3A_19 : memref<1x128xi32, #tpu.memory_space<vmem>> -> memref<128xi32, #tpu.memory_space<vmem>>
      %dma_start3A_21 = arith.constant 0 : i32
      %dma_start3A_22 = arith.constant 0 : i32
      %dma_start3A_23 = tpu.memref_slice %arg2[%dma_start3A_21, %dma_start3A_22] : memref<10112x128xf32, #tpu.memory_space<hbm>> -> memref<10112x128xf32, #tpu.memory_space<hbm>>
      tpu.enqueue_indirect_dma source(%dma_start3A_23 : memref<10112x128xf32, #tpu.memory_space<hbm>>) target(%arg9 : memref<128x128xf32, #tpu.memory_space<vmem>>) offsets(%dma_start3A_20 : memref<128xi32, #tpu.memory_space<vmem>>) semaphore(%arg12 : memref<!tpu.dma_semaphore, #tpu.memory_space<semaphore_mem>>)
      %dma_start3A_24 = arith.constant 1 : i32
      %dma_start3A_25 = arith.constant 0 : i32
      %dma_start3A_26 = tpu.memref_slice %arg7[%dma_start3A_24, %dma_start3A_25] : memref<40x128xi32, #tpu.memory_space<vmem>> -> memref<1x128xi32, #tpu.memory_space<vmem>>
      %dma_start3A_27 = tpu.memref_squeeze %dma_start3A_26 : memref<1x128xi32, #tpu.memory_space<vmem>> -> memref<128xi32, #tpu.memory_space<vmem>>
      %dma_start3A_28 = arith.constant 0 : i32
      %dma_start3A_29 = arith.constant 0 : i32
      %dma_start3A_30 = tpu.memref_slice %arg2[%dma_start3A_28, %dma_start3A_29] : memref<10112x128xf32, #tpu.memory_space<hbm>> -> memref<10112x128xf32, #tpu.memory_space<hbm>>
      tpu.enqueue_indirect_dma source(%dma_start3A_30 : memref<10112x128xf32, #tpu.memory_space<hbm>>) target(%arg10 : memref<128x128xf32, #tpu.memory_space<vmem>>) offsets(%dma_start3A_27 : memref<128xi32, #tpu.memory_space<vmem>>) semaphore(%arg13 : memref<!tpu.dma_semaphore, #tpu.memory_space<semaphore_mem>>)
      %scan3A = arith.constant 0 : i32
      %scan3A_31 = arith.constant 0 : i32
      %scan3A_32 = arith.constant 4 : i32
      %scan3A_33 = arith.addi %scan3A_31, %scan3A_32 : i32
      %scan3A_34 = arith.constant 1 : i32
      scf.for %scan3A_36 = %scan3A_31 to %scan3A_33 step %scan3A_34  : i32 {
        %mul3A_37 = arith.constant 2 : i32
        %mul3A_38 = arith.muli %mul3A_37, %scan3A_36 : i32
        %add3A_39 = arith.constant 0 : i32
        %add3A_40 = arith.addi %mul3A_38, %add3A_39 : i32
        %dma_wait3A = arith.constant 0 : i32
        %dma_wait3A_41 = tpu.memref_slice %arg7[%add3A_40, %dma_wait3A] : memref<40x128xi32, #tpu.memory_space<vmem>> -> memref<1x128xi32, #tpu.memory_space<vmem>>
        %dma_wait3A_42 = tpu.memref_squeeze %dma_wait3A_41 : memref<1x128xi32, #tpu.memory_space<vmem>> -> memref<128xi32, #tpu.memory_space<vmem>>
        %dma_wait3A_43 = arith.constant 0 : i32
        %dma_wait3A_44 = arith.constant 0 : i32
        %dma_wait3A_45 = tpu.memref_slice %arg2[%dma_wait3A_43, %dma_wait3A_44] : memref<10112x128xf32, #tpu.memory_space<hbm>> -> memref<10112x128xf32, #tpu.memory_space<hbm>>
        tpu.wait_indirect_dma semaphore(%arg12 : memref<!tpu.dma_semaphore, #tpu.memory_space<semaphore_mem>>) src(%dma_wait3A_45 : memref<10112x128xf32, #tpu.memory_space<hbm>>) dst(%arg9 : memref<128x128xf32, #tpu.memory_space<vmem>>)
        "tpu.region"() ({
          %run_scoped3A = tpu.sem_alloc : memref<!tpu.dma_semaphore, #tpu.memory_space<semaphore_mem>>
          %dma_start3A_69 = arith.constant 0 : i32
          %dma_start3A_70 = tpu.memref_slice %arg8[%add3A_40, %dma_start3A_69] : memref<40x128xi32, #tpu.memory_space<vmem>> -> memref<1x128xi32, #tpu.memory_space<vmem>>
          %dma_start3A_71 = tpu.memref_squeeze %dma_start3A_70 : memref<1x128xi32, #tpu.memory_space<vmem>> -> memref<128xi32, #tpu.memory_space<vmem>>
          %dma_start3A_72 = arith.constant 0 : i32
          %dma_start3A_73 = arith.constant 0 : i32
          %dma_start3A_74 = tpu.memref_slice %arg11[%dma_start3A_72, %dma_start3A_73] : memref<10112x128xf32, #tpu.memory_space<vmem_shared>> -> memref<10112x128xf32, #tpu.memory_space<vmem_shared>>
          tpu.enqueue_indirect_dma source(%arg9 : memref<128x128xf32, #tpu.memory_space<vmem>>) target(%dma_start3A_74 : memref<10112x128xf32, #tpu.memory_space<vmem_shared>>) offsets(%dma_start3A_71 : memref<128xi32, #tpu.memory_space<vmem>>) semaphore(%run_scoped3A : memref<!tpu.dma_semaphore, #tpu.memory_space<semaphore_mem>>) {add = true}
          %dma_wait3A_75 = arith.constant 0 : i32
          %dma_wait3A_76 = tpu.memref_slice %arg8[%add3A_40, %dma_wait3A_75] : memref<40x128xi32, #tpu.memory_space<vmem>> -> memref<1x128xi32, #tpu.memory_space<vmem>>
          %dma_wait3A_77 = tpu.memref_squeeze %dma_wait3A_76 : memref<1x128xi32, #tpu.memory_space<vmem>> -> memref<128xi32, #tpu.memory_space<vmem>>
          %dma_wait3A_78 = arith.constant 0 : i32
          %dma_wait3A_79 = arith.constant 0 : i32
          %dma_wait3A_80 = tpu.memref_slice %arg11[%dma_wait3A_78, %dma_wait3A_79] : memref<10112x128xf32, #tpu.memory_space<vmem_shared>> -> memref<10112x128xf32, #tpu.memory_space<vmem_shared>>
          tpu.wait_indirect_dma semaphore(%run_scoped3A : memref<!tpu.dma_semaphore, #tpu.memory_space<semaphore_mem>>) src(%arg9 : memref<128x128xf32, #tpu.memory_space<vmem>>) dst(%dma_wait3A_80 : memref<10112x128xf32, #tpu.memory_space<vmem_shared>>)
          tpu.yield
        }) : () -> ()
        %add3A_46 = arith.constant 2 : i32
        %add3A_47 = arith.addi %add3A_40, %add3A_46 : i32
        %lt3A = arith.constant 8 : i32
        %lt3A_48 = arith.cmpi slt, %add3A_47, %lt3A : i32
        %convert_element_type3A_49 = arith.extui %lt3A_48 : i1 to i32
        %cond3A_50 = arith.constant 0 : i32
        %cond3A_51 = arith.cmpi ne, %convert_element_type3A_49, %cond3A_50 : i32
        scf.if %cond3A_51 {
          %add3A_69 = arith.constant 2 : i32
          %add3A_70 = arith.addi %add3A_40, %add3A_69 : i32
          %dma_start3A_71 = arith.constant 0 : i32
          %dma_start3A_72 = tpu.memref_slice %arg7[%add3A_70, %dma_start3A_71] : memref<40x128xi32, #tpu.memory_space<vmem>> -> memref<1x128xi32, #tpu.memory_space<vmem>>
          %dma_start3A_73 = tpu.memref_squeeze %dma_start3A_72 : memref<1x128xi32, #tpu.memory_space<vmem>> -> memref<128xi32, #tpu.memory_space<vmem>>
          %dma_start3A_74 = arith.constant 0 : i32
          %dma_start3A_75 = arith.constant 0 : i32
          %dma_start3A_76 = tpu.memref_slice %arg2[%dma_start3A_74, %dma_start3A_75] : memref<10112x128xf32, #tpu.memory_space<hbm>> -> memref<10112x128xf32, #tpu.memory_space<hbm>>
          tpu.enqueue_indirect_dma source(%dma_start3A_76 : memref<10112x128xf32, #tpu.memory_space<hbm>>) target(%arg9 : memref<128x128xf32, #tpu.memory_space<vmem>>) offsets(%dma_start3A_73 : memref<128xi32, #tpu.memory_space<vmem>>) semaphore(%arg12 : memref<!tpu.dma_semaphore, #tpu.memory_space<semaphore_mem>>)
        } else {
        }
        %mul3A_52 = arith.constant 2 : i32
        %mul3A_53 = arith.muli %mul3A_52, %scan3A_36 : i32
        %add3A_54 = arith.constant 1 : i32
        %add3A_55 = arith.addi %mul3A_53, %add3A_54 : i32
        %dma_wait3A_56 = arith.constant 0 : i32
        %dma_wait3A_57 = tpu.memref_slice %arg7[%add3A_55, %dma_wait3A_56] : memref<40x128xi32, #tpu.memory_space<vmem>> -> memref<1x128xi32, #tpu.memory_space<vmem>>
        %dma_wait3A_58 = tpu.memref_squeeze %dma_wait3A_57 : memref<1x128xi32, #tpu.memory_space<vmem>> -> memref<128xi32, #tpu.memory_space<vmem>>
        %dma_wait3A_59 = arith.constant 0 : i32
        %dma_wait3A_60 = arith.constant 0 : i32
        %dma_wait3A_61 = tpu.memref_slice %arg2[%dma_wait3A_59, %dma_wait3A_60] : memref<10112x128xf32, #tpu.memory_space<hbm>> -> memref<10112x128xf32, #tpu.memory_space<hbm>>
        tpu.wait_indirect_dma semaphore(%arg13 : memref<!tpu.dma_semaphore, #tpu.memory_space<semaphore_mem>>) src(%dma_wait3A_61 : memref<10112x128xf32, #tpu.memory_space<hbm>>) dst(%arg10 : memref<128x128xf32, #tpu.memory_space<vmem>>)
        "tpu.region"() ({
          %run_scoped3A = tpu.sem_alloc : memref<!tpu.dma_semaphore, #tpu.memory_space<semaphore_mem>>
          %dma_start3A_69 = arith.constant 0 : i32
          %dma_start3A_70 = tpu.memref_slice %arg8[%add3A_55, %dma_start3A_69] : memref<40x128xi32, #tpu.memory_space<vmem>> -> memref<1x128xi32, #tpu.memory_space<vmem>>
          %dma_start3A_71 = tpu.memref_squeeze %dma_start3A_70 : memref<1x128xi32, #tpu.memory_space<vmem>> -> memref<128xi32, #tpu.memory_space<vmem>>
          %dma_start3A_72 = arith.constant 0 : i32
          %dma_start3A_73 = arith.constant 0 : i32
          %dma_start3A_74 = tpu.memref_slice %arg11[%dma_start3A_72, %dma_start3A_73] : memref<10112x128xf32, #tpu.memory_space<vmem_shared>> -> memref<10112x128xf32, #tpu.memory_space<vmem_shared>>
          tpu.enqueue_indirect_dma source(%arg10 : memref<128x128xf32, #tpu.memory_space<vmem>>) target(%dma_start3A_74 : memref<10112x128xf32, #tpu.memory_space<vmem_shared>>) offsets(%dma_start3A_71 : memref<128xi32, #tpu.memory_space<vmem>>) semaphore(%run_scoped3A : memref<!tpu.dma_semaphore, #tpu.memory_space<semaphore_mem>>) {add = true}
          %dma_wait3A_75 = arith.constant 0 : i32
          %dma_wait3A_76 = tpu.memref_slice %arg8[%add3A_55, %dma_wait3A_75] : memref<40x128xi32, #tpu.memory_space<vmem>> -> memref<1x128xi32, #tpu.memory_space<vmem>>
          %dma_wait3A_77 = tpu.memref_squeeze %dma_wait3A_76 : memref<1x128xi32, #tpu.memory_space<vmem>> -> memref<128xi32, #tpu.memory_space<vmem>>
          %dma_wait3A_78 = arith.constant 0 : i32
          %dma_wait3A_79 = arith.constant 0 : i32
          %dma_wait3A_80 = tpu.memref_slice %arg11[%dma_wait3A_78, %dma_wait3A_79] : memref<10112x128xf32, #tpu.memory_space<vmem_shared>> -> memref<10112x128xf32, #tpu.memory_space<vmem_shared>>
          tpu.wait_indirect_dma semaphore(%run_scoped3A : memref<!tpu.dma_semaphore, #tpu.memory_space<semaphore_mem>>) src(%arg10 : memref<128x128xf32, #tpu.memory_space<vmem>>) dst(%dma_wait3A_80 : memref<10112x128xf32, #tpu.memory_space<vmem_shared>>)
          tpu.yield
        }) : () -> ()
        %add3A_62 = arith.constant 2 : i32
        %add3A_63 = arith.addi %add3A_55, %add3A_62 : i32
        %lt3A_64 = arith.constant 8 : i32
        %lt3A_65 = arith.cmpi slt, %add3A_63, %lt3A_64 : i32
        %convert_element_type3A_66 = arith.extui %lt3A_65 : i1 to i32
        %cond3A_67 = arith.constant 0 : i32
        %cond3A_68 = arith.cmpi ne, %convert_element_type3A_66, %cond3A_67 : i32
        scf.if %cond3A_68 {
          %add3A_69 = arith.constant 2 : i32
          %add3A_70 = arith.addi %add3A_55, %add3A_69 : i32
          %dma_start3A_71 = arith.constant 0 : i32
          %dma_start3A_72 = tpu.memref_slice %arg7[%add3A_70, %dma_start3A_71] : memref<40x128xi32, #tpu.memory_space<vmem>> -> memref<1x128xi32, #tpu.memory_space<vmem>>
          %dma_start3A_73 = tpu.memref_squeeze %dma_start3A_72 : memref<1x128xi32, #tpu.memory_space<vmem>> -> memref<128xi32, #tpu.memory_space<vmem>>
          %dma_start3A_74 = arith.constant 0 : i32
          %dma_start3A_75 = arith.constant 0 : i32
          %dma_start3A_76 = tpu.memref_slice %arg2[%dma_start3A_74, %dma_start3A_75] : memref<10112x128xf32, #tpu.memory_space<hbm>> -> memref<10112x128xf32, #tpu.memory_space<hbm>>
          tpu.enqueue_indirect_dma source(%dma_start3A_76 : memref<10112x128xf32, #tpu.memory_space<hbm>>) target(%arg10 : memref<128x128xf32, #tpu.memory_space<vmem>>) offsets(%dma_start3A_73 : memref<128xi32, #tpu.memory_space<vmem>>) semaphore(%arg13 : memref<!tpu.dma_semaphore, #tpu.memory_space<semaphore_mem>>)
        } else {
        }
      }
      %scan3A_35 = arith.constant 4 : i32
    } else {
    }
    %barrier3A_8 = arith.constant 0 : index
    tpu.barrier barrier_id(%barrier3A_8)
    %mul3A_9 = arith.constant 632 : i32
    %mul3A_10 = arith.muli %arg1, %mul3A_9 : i32
    %mul3A_11 = arith.constant 632 : i32
    %mul3A_12 = arith.muli %arg1, %mul3A_11 : i32
    "tpu.region"() ({
      %run_scoped3A = tpu.sem_alloc : memref<!tpu.dma_semaphore, #tpu.memory_space<semaphore_mem>>
      %dma_start3A = arith.constant 0 : i32
      %dma_start3A_13 = tpu.memref_slice %arg6[%arg0, %mul3A_12, %dma_start3A] : memref<2x10112x128xf32, #tpu.memory_space<hbm>> -> memref<1x632x128xf32, #tpu.memory_space<hbm>>
      %dma_start3A_14 = tpu.memref_squeeze %dma_start3A_13 : memref<1x632x128xf32, #tpu.memory_space<hbm>> -> memref<632x128xf32, #tpu.memory_space<hbm>>
      %dma_start3A_15 = arith.constant 0 : i32
      %dma_start3A_16 = tpu.memref_slice %arg11[%mul3A_10, %dma_start3A_15] : memref<10112x128xf32, #tpu.memory_space<vmem_shared>> -> memref<632x128xf32, #tpu.memory_space<vmem_shared>>
      tpu.enqueue_dma source(%dma_start3A_16 : memref<632x128xf32, #tpu.memory_space<vmem_shared>>) target(%dma_start3A_14 : memref<632x128xf32, #tpu.memory_space<hbm>>) target_semaphore(%run_scoped3A : memref<!tpu.dma_semaphore, #tpu.memory_space<semaphore_mem>>)
      %dma_wait3A = arith.constant 0 : i32
      %dma_wait3A_17 = tpu.memref_slice %arg6[%arg0, %mul3A_12, %dma_wait3A] : memref<2x10112x128xf32, #tpu.memory_space<hbm>> -> memref<1x632x128xf32, #tpu.memory_space<hbm>>
      %dma_wait3A_18 = tpu.memref_squeeze %dma_wait3A_17 : memref<1x632x128xf32, #tpu.memory_space<hbm>> -> memref<632x128xf32, #tpu.memory_space<hbm>>
      %dma_wait3A_19 = arith.constant 0 : i32
      %dma_wait3A_20 = tpu.memref_slice %arg11[%mul3A_10, %dma_wait3A_19] : memref<10112x128xf32, #tpu.memory_space<vmem_shared>> -> memref<632x128xf32, #tpu.memory_space<vmem_shared>>
      tpu.wait_dma2 semaphore(%run_scoped3A : memref<!tpu.dma_semaphore, #tpu.memory_space<semaphore_mem>>) src(%dma_wait3A_20 : memref<632x128xf32, #tpu.memory_space<vmem_shared>>) dst(%dma_wait3A_18 : memref<632x128xf32, #tpu.memory_space<hbm>>)
      tpu.yield
    }) : () -> ()
    return
  }
}

#map = affine_map<(d0, d1) -> (0, 0)>
#map1 = affine_map<(d0, d1) -> (0, 0, 0)>
module attributes {stable_mosaic.version = 14 : i64} {
  func.func @k(%arg0: i32, %arg1: i32, %arg2: memref<10112x128xf32, #tpu.memory_space<hbm>>, %arg3: memref<2560x128xi32, #tpu.memory_space<hbm>>, %arg4: memref<2560x128xi32, #tpu.memory_space<hbm>>, %arg5: memref<632x128xf32, #tpu.memory_space<hbm>>, %arg6: memref<2x10112x128xf32, #tpu.memory_space<hbm>>, %arg7: memref<40x128xi32, #tpu.memory_space<vmem>>, %arg8: memref<40x128xi32, #tpu.memory_space<vmem>>, %arg9: memref<128x128xf32, #tpu.memory_space<vmem>>, %arg10: memref<128x128xf32, #tpu.memory_space<vmem>>, %arg11: memref<10112x128xf32, #tpu.memory_space<vmem_shared>>, %arg12: memref<!tpu.dma_semaphore, #tpu.memory_space<semaphore_mem>>, %arg13: memref<!tpu.dma_semaphore, #tpu.memory_space<semaphore_mem>>) attributes {dimension_semantics = [#tpu.dimension_semantics<core_parallel>, #tpu.dimension_semantics<subcore_parallel>], iteration_bounds = array<i64: 2, 16>, scalar_prefetch = 0 : i64, scratch_operands = 7 : i64, tpu.core_type = #tpu.core_type<sc_vector_subcore>, window_params = [{transform_indices = #map}, {transform_indices = #map}, {transform_indices = #map}, {transform_indices = #map}, {transform_indices = #map1}]} {
    %mul3A = arith.constant 632 : i32
    %mul3A_0 = arith.muli %arg1, %mul3A : i32
    "tpu.region"() ({
      %run_scoped3A = tpu.sem_alloc : memref<!tpu.dma_semaphore, #tpu.memory_space<semaphore_mem>>
      %dma_start3A = arith.constant 0 : i32
      %dma_start3A_13 = tpu.memref_slice %arg11[%mul3A_0, %dma_start3A] : memref<10112x128xf32, #tpu.memory_space<vmem_shared>> -> memref<632x128xf32, #tpu.memory_space<vmem_shared>>
      tpu.enqueue_dma source(%arg5 : memref<632x128xf32, #tpu.memory_space<hbm>>) target(%dma_start3A_13 : memref<632x128xf32, #tpu.memory_space<vmem_shared>>) target_semaphore(%run_scoped3A : memref<!tpu.dma_semaphore, #tpu.memory_space<semaphore_mem>>)
      %dma_wait3A = arith.constant 0 : i32
      %dma_wait3A_14 = tpu.memref_slice %arg11[%mul3A_0, %dma_wait3A] : memref<10112x128xf32, #tpu.memory_space<vmem_shared>> -> memref<632x128xf32, #tpu.memory_space<vmem_shared>>
      tpu.wait_dma2 semaphore(%run_scoped3A : memref<!tpu.dma_semaphore, #tpu.memory_space<semaphore_mem>>) src(%arg5 : memref<632x128xf32, #tpu.memory_space<hbm>>) dst(%dma_wait3A_14 : memref<632x128xf32, #tpu.memory_space<vmem_shared>>)
      tpu.yield
    }) : () -> ()
    %barrier3A = arith.constant 0 : index
    tpu.barrier barrier_id(%barrier3A)
    %eq3A = arith.constant 0 : i32
    %eq3A_1 = arith.cmpi eq, %arg0, %eq3A : i32
    %convert_element_type3A = arith.extui %eq3A_1 : i1 to i32
    %cond3A = arith.constant 0 : i32
    %cond3A_2 = arith.cmpi ne, %convert_element_type3A, %cond3A : i32
    scf.if %cond3A_2 {
      %mul3A_13 = arith.constant 152 : i32
      %mul3A_14 = arith.muli %arg1, %mul3A_13 : i32
      %add3A = arith.constant 0 : i32
      %add3A_15 = arith.addi %mul3A_14, %add3A : i32
      "tpu.region"() ({
        %run_scoped3A = tpu.sem_alloc : memref<!tpu.dma_semaphore, #tpu.memory_space<semaphore_mem>>
        %dma_start3A_100 = arith.constant 0 : i32
        %dma_start3A_101 = arith.constant 0 : i32
        %dma_start3A_102 = tpu.memref_slice %arg7[%dma_start3A_100, %dma_start3A_101] : memref<40x128xi32, #tpu.memory_space<vmem>> -> memref<40x128xi32, #tpu.memory_space<vmem>>
        %dma_start3A_103 = arith.constant 0 : i32
        %dma_start3A_104 = tpu.memref_slice %arg3[%add3A_15, %dma_start3A_103] : memref<2560x128xi32, #tpu.memory_space<hbm>> -> memref<40x128xi32, #tpu.memory_space<hbm>>
        %dma_start3A_105 = arith.constant 0 : i32
        %dma_start3A_106 = arith.constant 0 : i32
        %dma_start3A_107 = tpu.memref_slice %arg7[%dma_start3A_105, %dma_start3A_106] : memref<40x128xi32, #tpu.memory_space<vmem>> -> memref<40x128xi32, #tpu.memory_space<vmem>>
        %dma_start3A_108 = arith.constant 0 : i32
        %dma_start3A_109 = tpu.memref_slice %arg3[%add3A_15, %dma_start3A_108] : memref<2560x128xi32, #tpu.memory_space<hbm>> -> memref<40x128xi32, #tpu.memory_space<hbm>>
        tpu.enqueue_dma source(%dma_start3A_109 : memref<40x128xi32, #tpu.memory_space<hbm>>) target(%dma_start3A_107 : memref<40x128xi32, #tpu.memory_space<vmem>>) target_semaphore(%run_scoped3A : memref<!tpu.dma_semaphore, #tpu.memory_space<semaphore_mem>>)
        %dma_wait3A = arith.constant 0 : i32
        %dma_wait3A_110 = arith.constant 0 : i32
        %dma_wait3A_111 = tpu.memref_slice %arg7[%dma_wait3A, %dma_wait3A_110] : memref<40x128xi32, #tpu.memory_space<vmem>> -> memref<40x128xi32, #tpu.memory_space<vmem>>
        %dma_wait3A_112 = arith.constant 0 : i32
        %dma_wait3A_113 = tpu.memref_slice %arg3[%add3A_15, %dma_wait3A_112] : memref<2560x128xi32, #tpu.memory_space<hbm>> -> memref<40x128xi32, #tpu.memory_space<hbm>>
        %dma_wait3A_114 = arith.constant 0 : i32
        %dma_wait3A_115 = arith.constant 0 : i32
        %dma_wait3A_116 = tpu.memref_slice %arg7[%dma_wait3A_114, %dma_wait3A_115] : memref<40x128xi32, #tpu.memory_space<vmem>> -> memref<40x128xi32, #tpu.memory_space<vmem>>
        %dma_wait3A_117 = arith.constant 0 : i32
        %dma_wait3A_118 = tpu.memref_slice %arg3[%add3A_15, %dma_wait3A_117] : memref<2560x128xi32, #tpu.memory_space<hbm>> -> memref<40x128xi32, #tpu.memory_space<hbm>>
        tpu.wait_dma2 semaphore(%run_scoped3A : memref<!tpu.dma_semaphore, #tpu.memory_space<semaphore_mem>>) src(%dma_wait3A_118 : memref<40x128xi32, #tpu.memory_space<hbm>>) dst(%dma_wait3A_116 : memref<40x128xi32, #tpu.memory_space<vmem>>)
        tpu.yield
      }) : () -> ()
      "tpu.region"() ({
        %run_scoped3A = tpu.sem_alloc : memref<!tpu.dma_semaphore, #tpu.memory_space<semaphore_mem>>
        %dma_start3A_100 = arith.constant 0 : i32
        %dma_start3A_101 = arith.constant 0 : i32
        %dma_start3A_102 = tpu.memref_slice %arg8[%dma_start3A_100, %dma_start3A_101] : memref<40x128xi32, #tpu.memory_space<vmem>> -> memref<40x128xi32, #tpu.memory_space<vmem>>
        %dma_start3A_103 = arith.constant 0 : i32
        %dma_start3A_104 = tpu.memref_slice %arg4[%add3A_15, %dma_start3A_103] : memref<2560x128xi32, #tpu.memory_space<hbm>> -> memref<40x128xi32, #tpu.memory_space<hbm>>
        %dma_start3A_105 = arith.constant 0 : i32
        %dma_start3A_106 = arith.constant 0 : i32
        %dma_start3A_107 = tpu.memref_slice %arg8[%dma_start3A_105, %dma_start3A_106] : memref<40x128xi32, #tpu.memory_space<vmem>> -> memref<40x128xi32, #tpu.memory_space<vmem>>
        %dma_start3A_108 = arith.constant 0 : i32
        %dma_start3A_109 = tpu.memref_slice %arg4[%add3A_15, %dma_start3A_108] : memref<2560x128xi32, #tpu.memory_space<hbm>> -> memref<40x128xi32, #tpu.memory_space<hbm>>
        tpu.enqueue_dma source(%dma_start3A_109 : memref<40x128xi32, #tpu.memory_space<hbm>>) target(%dma_start3A_107 : memref<40x128xi32, #tpu.memory_space<vmem>>) target_semaphore(%run_scoped3A : memref<!tpu.dma_semaphore, #tpu.memory_space<semaphore_mem>>)
        %dma_wait3A = arith.constant 0 : i32
        %dma_wait3A_110 = arith.constant 0 : i32
        %dma_wait3A_111 = tpu.memref_slice %arg8[%dma_wait3A, %dma_wait3A_110] : memref<40x128xi32, #tpu.memory_space<vmem>> -> memref<40x128xi32, #tpu.memory_space<vmem>>
        %dma_wait3A_112 = arith.constant 0 : i32
        %dma_wait3A_113 = tpu.memref_slice %arg4[%add3A_15, %dma_wait3A_112] : memref<2560x128xi32, #tpu.memory_space<hbm>> -> memref<40x128xi32, #tpu.memory_space<hbm>>
        %dma_wait3A_114 = arith.constant 0 : i32
        %dma_wait3A_115 = arith.constant 0 : i32
        %dma_wait3A_116 = tpu.memref_slice %arg8[%dma_wait3A_114, %dma_wait3A_115] : memref<40x128xi32, #tpu.memory_space<vmem>> -> memref<40x128xi32, #tpu.memory_space<vmem>>
        %dma_wait3A_117 = arith.constant 0 : i32
        %dma_wait3A_118 = tpu.memref_slice %arg4[%add3A_15, %dma_wait3A_117] : memref<2560x128xi32, #tpu.memory_space<hbm>> -> memref<40x128xi32, #tpu.memory_space<hbm>>
        tpu.wait_dma2 semaphore(%run_scoped3A : memref<!tpu.dma_semaphore, #tpu.memory_space<semaphore_mem>>) src(%dma_wait3A_118 : memref<40x128xi32, #tpu.memory_space<hbm>>) dst(%dma_wait3A_116 : memref<40x128xi32, #tpu.memory_space<vmem>>)
        tpu.yield
      }) : () -> ()
      %dma_start3A = arith.constant 0 : i32
      %dma_start3A_16 = arith.constant 0 : i32
      %dma_start3A_17 = tpu.memref_slice %arg7[%dma_start3A, %dma_start3A_16] : memref<40x128xi32, #tpu.memory_space<vmem>> -> memref<1x128xi32, #tpu.memory_space<vmem>>
      %dma_start3A_18 = tpu.memref_squeeze %dma_start3A_17 : memref<1x128xi32, #tpu.memory_space<vmem>> -> memref<128xi32, #tpu.memory_space<vmem>>
      %dma_start3A_19 = arith.constant 0 : i32
      %dma_start3A_20 = arith.constant 0 : i32
      %dma_start3A_21 = tpu.memref_slice %arg2[%dma_start3A_19, %dma_start3A_20] : memref<10112x128xf32, #tpu.memory_space<hbm>> -> memref<10112x128xf32, #tpu.memory_space<hbm>>
      tpu.enqueue_indirect_dma source(%dma_start3A_21 : memref<10112x128xf32, #tpu.memory_space<hbm>>) target(%arg9 : memref<128x128xf32, #tpu.memory_space<vmem>>) offsets(%dma_start3A_18 : memref<128xi32, #tpu.memory_space<vmem>>) semaphore(%arg12 : memref<!tpu.dma_semaphore, #tpu.memory_space<semaphore_mem>>)
      %dma_start3A_22 = arith.constant 1 : i32
      %dma_start3A_23 = arith.constant 0 : i32
      %dma_start3A_24 = tpu.memref_slice %arg7[%dma_start3A_22, %dma_start3A_23] : memref<40x128xi32, #tpu.memory_space<vmem>> -> memref<1x128xi32, #tpu.memory_space<vmem>>
      %dma_start3A_25 = tpu.memref_squeeze %dma_start3A_24 : memref<1x128xi32, #tpu.memory_space<vmem>> -> memref<128xi32, #tpu.memory_space<vmem>>
      %dma_start3A_26 = arith.constant 0 : i32
      %dma_start3A_27 = arith.constant 0 : i32
      %dma_start3A_28 = tpu.memref_slice %arg2[%dma_start3A_26, %dma_start3A_27] : memref<10112x128xf32, #tpu.memory_space<hbm>> -> memref<10112x128xf32, #tpu.memory_space<hbm>>
      tpu.enqueue_indirect_dma source(%dma_start3A_28 : memref<10112x128xf32, #tpu.memory_space<hbm>>) target(%arg10 : memref<128x128xf32, #tpu.memory_space<vmem>>) offsets(%dma_start3A_25 : memref<128xi32, #tpu.memory_space<vmem>>) semaphore(%arg13 : memref<!tpu.dma_semaphore, #tpu.memory_space<semaphore_mem>>)
      %scan3A = arith.constant 0 : i32
      %scan3A_29 = arith.constant 0 : i32
      %scan3A_30 = arith.constant 20 : i32
      %scan3A_31 = arith.addi %scan3A_29, %scan3A_30 : i32
      %scan3A_32 = arith.constant 1 : i32
      scf.for %scan3A_100 = %scan3A_29 to %scan3A_31 step %scan3A_32  : i32 {
        %mul3A_101 = arith.constant 2 : i32
        %mul3A_102 = arith.muli %mul3A_101, %scan3A_100 : i32
        %add3A_103 = arith.constant 0 : i32
        %add3A_104 = arith.addi %mul3A_102, %add3A_103 : i32
        %dma_wait3A = arith.constant 0 : i32
        %dma_wait3A_105 = tpu.memref_slice %arg7[%add3A_104, %dma_wait3A] : memref<40x128xi32, #tpu.memory_space<vmem>> -> memref<1x128xi32, #tpu.memory_space<vmem>>
        %dma_wait3A_106 = tpu.memref_squeeze %dma_wait3A_105 : memref<1x128xi32, #tpu.memory_space<vmem>> -> memref<128xi32, #tpu.memory_space<vmem>>
        %dma_wait3A_107 = arith.constant 0 : i32
        %dma_wait3A_108 = arith.constant 0 : i32
        %dma_wait3A_109 = tpu.memref_slice %arg2[%dma_wait3A_107, %dma_wait3A_108] : memref<10112x128xf32, #tpu.memory_space<hbm>> -> memref<10112x128xf32, #tpu.memory_space<hbm>>
        tpu.wait_indirect_dma semaphore(%arg12 : memref<!tpu.dma_semaphore, #tpu.memory_space<semaphore_mem>>) src(%dma_wait3A_109 : memref<10112x128xf32, #tpu.memory_space<hbm>>) dst(%arg9 : memref<128x128xf32, #tpu.memory_space<vmem>>)
        "tpu.region"() ({
          %run_scoped3A = tpu.sem_alloc : memref<!tpu.dma_semaphore, #tpu.memory_space<semaphore_mem>>
          %dma_start3A_133 = arith.constant 0 : i32
          %dma_start3A_134 = tpu.memref_slice %arg8[%add3A_104, %dma_start3A_133] : memref<40x128xi32, #tpu.memory_space<vmem>> -> memref<1x128xi32, #tpu.memory_space<vmem>>
          %dma_start3A_135 = tpu.memref_squeeze %dma_start3A_134 : memref<1x128xi32, #tpu.memory_space<vmem>> -> memref<128xi32, #tpu.memory_space<vmem>>
          %dma_start3A_136 = arith.constant 0 : i32
          %dma_start3A_137 = arith.constant 0 : i32
          %dma_start3A_138 = tpu.memref_slice %arg11[%dma_start3A_136, %dma_start3A_137] : memref<10112x128xf32, #tpu.memory_space<vmem_shared>> -> memref<10112x128xf32, #tpu.memory_space<vmem_shared>>
          tpu.enqueue_indirect_dma source(%arg9 : memref<128x128xf32, #tpu.memory_space<vmem>>) target(%dma_start3A_138 : memref<10112x128xf32, #tpu.memory_space<vmem_shared>>) offsets(%dma_start3A_135 : memref<128xi32, #tpu.memory_space<vmem>>) semaphore(%run_scoped3A : memref<!tpu.dma_semaphore, #tpu.memory_space<semaphore_mem>>) {add = true}
          %dma_wait3A_139 = arith.constant 0 : i32
          %dma_wait3A_140 = tpu.memref_slice %arg8[%add3A_104, %dma_wait3A_139] : memref<40x128xi32, #tpu.memory_space<vmem>> -> memref<1x128xi32, #tpu.memory_space<vmem>>
          %dma_wait3A_141 = tpu.memref_squeeze %dma_wait3A_140 : memref<1x128xi32, #tpu.memory_space<vmem>> -> memref<128xi32, #tpu.memory_space<vmem>>
          %dma_wait3A_142 = arith.constant 0 : i32
          %dma_wait3A_143 = arith.constant 0 : i32
          %dma_wait3A_144 = tpu.memref_slice %arg11[%dma_wait3A_142, %dma_wait3A_143] : memref<10112x128xf32, #tpu.memory_space<vmem_shared>> -> memref<10112x128xf32, #tpu.memory_space<vmem_shared>>
          tpu.wait_indirect_dma semaphore(%run_scoped3A : memref<!tpu.dma_semaphore, #tpu.memory_space<semaphore_mem>>) src(%arg9 : memref<128x128xf32, #tpu.memory_space<vmem>>) dst(%dma_wait3A_144 : memref<10112x128xf32, #tpu.memory_space<vmem_shared>>)
          tpu.yield
        }) : () -> ()
        %add3A_110 = arith.constant 2 : i32
        %add3A_111 = arith.addi %add3A_104, %add3A_110 : i32
        %lt3A = arith.constant 40 : i32
        %lt3A_112 = arith.cmpi slt, %add3A_111, %lt3A : i32
        %convert_element_type3A_113 = arith.extui %lt3A_112 : i1 to i32
        %cond3A_114 = arith.constant 0 : i32
        %cond3A_115 = arith.cmpi ne, %convert_element_type3A_113, %cond3A_114 : i32
        scf.if %cond3A_115 {
          %add3A_133 = arith.constant 2 : i32
          %add3A_134 = arith.addi %add3A_104, %add3A_133 : i32
          %dma_start3A_135 = arith.constant 0 : i32
          %dma_start3A_136 = tpu.memref_slice %arg7[%add3A_134, %dma_start3A_135] : memref<40x128xi32, #tpu.memory_space<vmem>> -> memref<1x128xi32, #tpu.memory_space<vmem>>
          %dma_start3A_137 = tpu.memref_squeeze %dma_start3A_136 : memref<1x128xi32, #tpu.memory_space<vmem>> -> memref<128xi32, #tpu.memory_space<vmem>>
          %dma_start3A_138 = arith.constant 0 : i32
          %dma_start3A_139 = arith.constant 0 : i32
          %dma_start3A_140 = tpu.memref_slice %arg2[%dma_start3A_138, %dma_start3A_139] : memref<10112x128xf32, #tpu.memory_space<hbm>> -> memref<10112x128xf32, #tpu.memory_space<hbm>>
          tpu.enqueue_indirect_dma source(%dma_start3A_140 : memref<10112x128xf32, #tpu.memory_space<hbm>>) target(%arg9 : memref<128x128xf32, #tpu.memory_space<vmem>>) offsets(%dma_start3A_137 : memref<128xi32, #tpu.memory_space<vmem>>) semaphore(%arg12 : memref<!tpu.dma_semaphore, #tpu.memory_space<semaphore_mem>>)
        } else {
        }
        %mul3A_116 = arith.constant 2 : i32
        %mul3A_117 = arith.muli %mul3A_116, %scan3A_100 : i32
        %add3A_118 = arith.constant 1 : i32
        %add3A_119 = arith.addi %mul3A_117, %add3A_118 : i32
        %dma_wait3A_120 = arith.constant 0 : i32
        %dma_wait3A_121 = tpu.memref_slice %arg7[%add3A_119, %dma_wait3A_120] : memref<40x128xi32, #tpu.memory_space<vmem>> -> memref<1x128xi32, #tpu.memory_space<vmem>>
        %dma_wait3A_122 = tpu.memref_squeeze %dma_wait3A_121 : memref<1x128xi32, #tpu.memory_space<vmem>> -> memref<128xi32, #tpu.memory_space<vmem>>
        %dma_wait3A_123 = arith.constant 0 : i32
        %dma_wait3A_124 = arith.constant 0 : i32
        %dma_wait3A_125 = tpu.memref_slice %arg2[%dma_wait3A_123, %dma_wait3A_124] : memref<10112x128xf32, #tpu.memory_space<hbm>> -> memref<10112x128xf32, #tpu.memory_space<hbm>>
        tpu.wait_indirect_dma semaphore(%arg13 : memref<!tpu.dma_semaphore, #tpu.memory_space<semaphore_mem>>) src(%dma_wait3A_125 : memref<10112x128xf32, #tpu.memory_space<hbm>>) dst(%arg10 : memref<128x128xf32, #tpu.memory_space<vmem>>)
        "tpu.region"() ({
          %run_scoped3A = tpu.sem_alloc : memref<!tpu.dma_semaphore, #tpu.memory_space<semaphore_mem>>
          %dma_start3A_133 = arith.constant 0 : i32
          %dma_start3A_134 = tpu.memref_slice %arg8[%add3A_119, %dma_start3A_133] : memref<40x128xi32, #tpu.memory_space<vmem>> -> memref<1x128xi32, #tpu.memory_space<vmem>>
          %dma_start3A_135 = tpu.memref_squeeze %dma_start3A_134 : memref<1x128xi32, #tpu.memory_space<vmem>> -> memref<128xi32, #tpu.memory_space<vmem>>
          %dma_start3A_136 = arith.constant 0 : i32
          %dma_start3A_137 = arith.constant 0 : i32
          %dma_start3A_138 = tpu.memref_slice %arg11[%dma_start3A_136, %dma_start3A_137] : memref<10112x128xf32, #tpu.memory_space<vmem_shared>> -> memref<10112x128xf32, #tpu.memory_space<vmem_shared>>
          tpu.enqueue_indirect_dma source(%arg10 : memref<128x128xf32, #tpu.memory_space<vmem>>) target(%dma_start3A_138 : memref<10112x128xf32, #tpu.memory_space<vmem_shared>>) offsets(%dma_start3A_135 : memref<128xi32, #tpu.memory_space<vmem>>) semaphore(%run_scoped3A : memref<!tpu.dma_semaphore, #tpu.memory_space<semaphore_mem>>) {add = true}
          %dma_wait3A_139 = arith.constant 0 : i32
          %dma_wait3A_140 = tpu.memref_slice %arg8[%add3A_119, %dma_wait3A_139] : memref<40x128xi32, #tpu.memory_space<vmem>> -> memref<1x128xi32, #tpu.memory_space<vmem>>
          %dma_wait3A_141 = tpu.memref_squeeze %dma_wait3A_140 : memref<1x128xi32, #tpu.memory_space<vmem>> -> memref<128xi32, #tpu.memory_space<vmem>>
          %dma_wait3A_142 = arith.constant 0 : i32
          %dma_wait3A_143 = arith.constant 0 : i32
          %dma_wait3A_144 = tpu.memref_slice %arg11[%dma_wait3A_142, %dma_wait3A_143] : memref<10112x128xf32, #tpu.memory_space<vmem_shared>> -> memref<10112x128xf32, #tpu.memory_space<vmem_shared>>
          tpu.wait_indirect_dma semaphore(%run_scoped3A : memref<!tpu.dma_semaphore, #tpu.memory_space<semaphore_mem>>) src(%arg10 : memref<128x128xf32, #tpu.memory_space<vmem>>) dst(%dma_wait3A_144 : memref<10112x128xf32, #tpu.memory_space<vmem_shared>>)
          tpu.yield
        }) : () -> ()
        %add3A_126 = arith.constant 2 : i32
        %add3A_127 = arith.addi %add3A_119, %add3A_126 : i32
        %lt3A_128 = arith.constant 40 : i32
        %lt3A_129 = arith.cmpi slt, %add3A_127, %lt3A_128 : i32
        %convert_element_type3A_130 = arith.extui %lt3A_129 : i1 to i32
        %cond3A_131 = arith.constant 0 : i32
        %cond3A_132 = arith.cmpi ne, %convert_element_type3A_130, %cond3A_131 : i32
        scf.if %cond3A_132 {
          %add3A_133 = arith.constant 2 : i32
          %add3A_134 = arith.addi %add3A_119, %add3A_133 : i32
          %dma_start3A_135 = arith.constant 0 : i32
          %dma_start3A_136 = tpu.memref_slice %arg7[%add3A_134, %dma_start3A_135] : memref<40x128xi32, #tpu.memory_space<vmem>> -> memref<1x128xi32, #tpu.memory_space<vmem>>
          %dma_start3A_137 = tpu.memref_squeeze %dma_start3A_136 : memref<1x128xi32, #tpu.memory_space<vmem>> -> memref<128xi32, #tpu.memory_space<vmem>>
          %dma_start3A_138 = arith.constant 0 : i32
          %dma_start3A_139 = arith.constant 0 : i32
          %dma_start3A_140 = tpu.memref_slice %arg2[%dma_start3A_138, %dma_start3A_139] : memref<10112x128xf32, #tpu.memory_space<hbm>> -> memref<10112x128xf32, #tpu.memory_space<hbm>>
          tpu.enqueue_indirect_dma source(%dma_start3A_140 : memref<10112x128xf32, #tpu.memory_space<hbm>>) target(%arg10 : memref<128x128xf32, #tpu.memory_space<vmem>>) offsets(%dma_start3A_137 : memref<128xi32, #tpu.memory_space<vmem>>) semaphore(%arg13 : memref<!tpu.dma_semaphore, #tpu.memory_space<semaphore_mem>>)
        } else {
        }
      }
      %scan3A_33 = arith.constant 20 : i32
      %add3A_34 = arith.constant 40 : i32
      %add3A_35 = arith.addi %mul3A_14, %add3A_34 : i32
      "tpu.region"() ({
        %run_scoped3A = tpu.sem_alloc : memref<!tpu.dma_semaphore, #tpu.memory_space<semaphore_mem>>
        %dma_start3A_100 = arith.constant 0 : i32
        %dma_start3A_101 = arith.constant 0 : i32
        %dma_start3A_102 = tpu.memref_slice %arg7[%dma_start3A_100, %dma_start3A_101] : memref<40x128xi32, #tpu.memory_space<vmem>> -> memref<40x128xi32, #tpu.memory_space<vmem>>
        %dma_start3A_103 = arith.constant 0 : i32
        %dma_start3A_104 = tpu.memref_slice %arg3[%add3A_35, %dma_start3A_103] : memref<2560x128xi32, #tpu.memory_space<hbm>> -> memref<40x128xi32, #tpu.memory_space<hbm>>
        %dma_start3A_105 = arith.constant 0 : i32
        %dma_start3A_106 = arith.constant 0 : i32
        %dma_start3A_107 = tpu.memref_slice %arg7[%dma_start3A_105, %dma_start3A_106] : memref<40x128xi32, #tpu.memory_space<vmem>> -> memref<40x128xi32, #tpu.memory_space<vmem>>
        %dma_start3A_108 = arith.constant 0 : i32
        %dma_start3A_109 = tpu.memref_slice %arg3[%add3A_35, %dma_start3A_108] : memref<2560x128xi32, #tpu.memory_space<hbm>> -> memref<40x128xi32, #tpu.memory_space<hbm>>
        tpu.enqueue_dma source(%dma_start3A_109 : memref<40x128xi32, #tpu.memory_space<hbm>>) target(%dma_start3A_107 : memref<40x128xi32, #tpu.memory_space<vmem>>) target_semaphore(%run_scoped3A : memref<!tpu.dma_semaphore, #tpu.memory_space<semaphore_mem>>)
        %dma_wait3A = arith.constant 0 : i32
        %dma_wait3A_110 = arith.constant 0 : i32
        %dma_wait3A_111 = tpu.memref_slice %arg7[%dma_wait3A, %dma_wait3A_110] : memref<40x128xi32, #tpu.memory_space<vmem>> -> memref<40x128xi32, #tpu.memory_space<vmem>>
        %dma_wait3A_112 = arith.constant 0 : i32
        %dma_wait3A_113 = tpu.memref_slice %arg3[%add3A_35, %dma_wait3A_112] : memref<2560x128xi32, #tpu.memory_space<hbm>> -> memref<40x128xi32, #tpu.memory_space<hbm>>
        %dma_wait3A_114 = arith.constant 0 : i32
        %dma_wait3A_115 = arith.constant 0 : i32
        %dma_wait3A_116 = tpu.memref_slice %arg7[%dma_wait3A_114, %dma_wait3A_115] : memref<40x128xi32, #tpu.memory_space<vmem>> -> memref<40x128xi32, #tpu.memory_space<vmem>>
        %dma_wait3A_117 = arith.constant 0 : i32
        %dma_wait3A_118 = tpu.memref_slice %arg3[%add3A_35, %dma_wait3A_117] : memref<2560x128xi32, #tpu.memory_space<hbm>> -> memref<40x128xi32, #tpu.memory_space<hbm>>
        tpu.wait_dma2 semaphore(%run_scoped3A : memref<!tpu.dma_semaphore, #tpu.memory_space<semaphore_mem>>) src(%dma_wait3A_118 : memref<40x128xi32, #tpu.memory_space<hbm>>) dst(%dma_wait3A_116 : memref<40x128xi32, #tpu.memory_space<vmem>>)
        tpu.yield
      }) : () -> ()
      "tpu.region"() ({
        %run_scoped3A = tpu.sem_alloc : memref<!tpu.dma_semaphore, #tpu.memory_space<semaphore_mem>>
        %dma_start3A_100 = arith.constant 0 : i32
        %dma_start3A_101 = arith.constant 0 : i32
        %dma_start3A_102 = tpu.memref_slice %arg8[%dma_start3A_100, %dma_start3A_101] : memref<40x128xi32, #tpu.memory_space<vmem>> -> memref<40x128xi32, #tpu.memory_space<vmem>>
        %dma_start3A_103 = arith.constant 0 : i32
        %dma_start3A_104 = tpu.memref_slice %arg4[%add3A_35, %dma_start3A_103] : memref<2560x128xi32, #tpu.memory_space<hbm>> -> memref<40x128xi32, #tpu.memory_space<hbm>>
        %dma_start3A_105 = arith.constant 0 : i32
        %dma_start3A_106 = arith.constant 0 : i32
        %dma_start3A_107 = tpu.memref_slice %arg8[%dma_start3A_105, %dma_start3A_106] : memref<40x128xi32, #tpu.memory_space<vmem>> -> memref<40x128xi32, #tpu.memory_space<vmem>>
        %dma_start3A_108 = arith.constant 0 : i32
        %dma_start3A_109 = tpu.memref_slice %arg4[%add3A_35, %dma_start3A_108] : memref<2560x128xi32, #tpu.memory_space<hbm>> -> memref<40x128xi32, #tpu.memory_space<hbm>>
        tpu.enqueue_dma source(%dma_start3A_109 : memref<40x128xi32, #tpu.memory_space<hbm>>) target(%dma_start3A_107 : memref<40x128xi32, #tpu.memory_space<vmem>>) target_semaphore(%run_scoped3A : memref<!tpu.dma_semaphore, #tpu.memory_space<semaphore_mem>>)
        %dma_wait3A = arith.constant 0 : i32
        %dma_wait3A_110 = arith.constant 0 : i32
        %dma_wait3A_111 = tpu.memref_slice %arg8[%dma_wait3A, %dma_wait3A_110] : memref<40x128xi32, #tpu.memory_space<vmem>> -> memref<40x128xi32, #tpu.memory_space<vmem>>
        %dma_wait3A_112 = arith.constant 0 : i32
        %dma_wait3A_113 = tpu.memref_slice %arg4[%add3A_35, %dma_wait3A_112] : memref<2560x128xi32, #tpu.memory_space<hbm>> -> memref<40x128xi32, #tpu.memory_space<hbm>>
        %dma_wait3A_114 = arith.constant 0 : i32
        %dma_wait3A_115 = arith.constant 0 : i32
        %dma_wait3A_116 = tpu.memref_slice %arg8[%dma_wait3A_114, %dma_wait3A_115] : memref<40x128xi32, #tpu.memory_space<vmem>> -> memref<40x128xi32, #tpu.memory_space<vmem>>
        %dma_wait3A_117 = arith.constant 0 : i32
        %dma_wait3A_118 = tpu.memref_slice %arg4[%add3A_35, %dma_wait3A_117] : memref<2560x128xi32, #tpu.memory_space<hbm>> -> memref<40x128xi32, #tpu.memory_space<hbm>>
        tpu.wait_dma2 semaphore(%run_scoped3A : memref<!tpu.dma_semaphore, #tpu.memory_space<semaphore_mem>>) src(%dma_wait3A_118 : memref<40x128xi32, #tpu.memory_space<hbm>>) dst(%dma_wait3A_116 : memref<40x128xi32, #tpu.memory_space<vmem>>)
        tpu.yield
      }) : () -> ()
      %dma_start3A_36 = arith.constant 0 : i32
      %dma_start3A_37 = arith.constant 0 : i32
      %dma_start3A_38 = tpu.memref_slice %arg7[%dma_start3A_36, %dma_start3A_37] : memref<40x128xi32, #tpu.memory_space<vmem>> -> memref<1x128xi32, #tpu.memory_space<vmem>>
      %dma_start3A_39 = tpu.memref_squeeze %dma_start3A_38 : memref<1x128xi32, #tpu.memory_space<vmem>> -> memref<128xi32, #tpu.memory_space<vmem>>
      %dma_start3A_40 = arith.constant 0 : i32
      %dma_start3A_41 = arith.constant 0 : i32
      %dma_start3A_42 = tpu.memref_slice %arg2[%dma_start3A_40, %dma_start3A_41] : memref<10112x128xf32, #tpu.memory_space<hbm>> -> memref<10112x128xf32, #tpu.memory_space<hbm>>
      tpu.enqueue_indirect_dma source(%dma_start3A_42 : memref<10112x128xf32, #tpu.memory_space<hbm>>) target(%arg9 : memref<128x128xf32, #tpu.memory_space<vmem>>) offsets(%dma_start3A_39 : memref<128xi32, #tpu.memory_space<vmem>>) semaphore(%arg12 : memref<!tpu.dma_semaphore, #tpu.memory_space<semaphore_mem>>)
      %dma_start3A_43 = arith.constant 1 : i32
      %dma_start3A_44 = arith.constant 0 : i32
      %dma_start3A_45 = tpu.memref_slice %arg7[%dma_start3A_43, %dma_start3A_44] : memref<40x128xi32, #tpu.memory_space<vmem>> -> memref<1x128xi32, #tpu.memory_space<vmem>>
      %dma_start3A_46 = tpu.memref_squeeze %dma_start3A_45 : memref<1x128xi32, #tpu.memory_space<vmem>> -> memref<128xi32, #tpu.memory_space<vmem>>
      %dma_start3A_47 = arith.constant 0 : i32
      %dma_start3A_48 = arith.constant 0 : i32
      %dma_start3A_49 = tpu.memref_slice %arg2[%dma_start3A_47, %dma_start3A_48] : memref<10112x128xf32, #tpu.memory_space<hbm>> -> memref<10112x128xf32, #tpu.memory_space<hbm>>
      tpu.enqueue_indirect_dma source(%dma_start3A_49 : memref<10112x128xf32, #tpu.memory_space<hbm>>) target(%arg10 : memref<128x128xf32, #tpu.memory_space<vmem>>) offsets(%dma_start3A_46 : memref<128xi32, #tpu.memory_space<vmem>>) semaphore(%arg13 : memref<!tpu.dma_semaphore, #tpu.memory_space<semaphore_mem>>)
      %scan3A_50 = arith.constant 0 : i32
      %scan3A_51 = arith.constant 0 : i32
      %scan3A_52 = arith.constant 20 : i32
      %scan3A_53 = arith.addi %scan3A_51, %scan3A_52 : i32
      %scan3A_54 = arith.constant 1 : i32
      scf.for %scan3A_100 = %scan3A_51 to %scan3A_53 step %scan3A_54  : i32 {
        %mul3A_101 = arith.constant 2 : i32
        %mul3A_102 = arith.muli %mul3A_101, %scan3A_100 : i32
        %add3A_103 = arith.constant 0 : i32
        %add3A_104 = arith.addi %mul3A_102, %add3A_103 : i32
        %dma_wait3A = arith.constant 0 : i32
        %dma_wait3A_105 = tpu.memref_slice %arg7[%add3A_104, %dma_wait3A] : memref<40x128xi32, #tpu.memory_space<vmem>> -> memref<1x128xi32, #tpu.memory_space<vmem>>
        %dma_wait3A_106 = tpu.memref_squeeze %dma_wait3A_105 : memref<1x128xi32, #tpu.memory_space<vmem>> -> memref<128xi32, #tpu.memory_space<vmem>>
        %dma_wait3A_107 = arith.constant 0 : i32
        %dma_wait3A_108 = arith.constant 0 : i32
        %dma_wait3A_109 = tpu.memref_slice %arg2[%dma_wait3A_107, %dma_wait3A_108] : memref<10112x128xf32, #tpu.memory_space<hbm>> -> memref<10112x128xf32, #tpu.memory_space<hbm>>
        tpu.wait_indirect_dma semaphore(%arg12 : memref<!tpu.dma_semaphore, #tpu.memory_space<semaphore_mem>>) src(%dma_wait3A_109 : memref<10112x128xf32, #tpu.memory_space<hbm>>) dst(%arg9 : memref<128x128xf32, #tpu.memory_space<vmem>>)
        "tpu.region"() ({
          %run_scoped3A = tpu.sem_alloc : memref<!tpu.dma_semaphore, #tpu.memory_space<semaphore_mem>>
          %dma_start3A_133 = arith.constant 0 : i32
          %dma_start3A_134 = tpu.memref_slice %arg8[%add3A_104, %dma_start3A_133] : memref<40x128xi32, #tpu.memory_space<vmem>> -> memref<1x128xi32, #tpu.memory_space<vmem>>
          %dma_start3A_135 = tpu.memref_squeeze %dma_start3A_134 : memref<1x128xi32, #tpu.memory_space<vmem>> -> memref<128xi32, #tpu.memory_space<vmem>>
          %dma_start3A_136 = arith.constant 0 : i32
          %dma_start3A_137 = arith.constant 0 : i32
          %dma_start3A_138 = tpu.memref_slice %arg11[%dma_start3A_136, %dma_start3A_137] : memref<10112x128xf32, #tpu.memory_space<vmem_shared>> -> memref<10112x128xf32, #tpu.memory_space<vmem_shared>>
          tpu.enqueue_indirect_dma source(%arg9 : memref<128x128xf32, #tpu.memory_space<vmem>>) target(%dma_start3A_138 : memref<10112x128xf32, #tpu.memory_space<vmem_shared>>) offsets(%dma_start3A_135 : memref<128xi32, #tpu.memory_space<vmem>>) semaphore(%run_scoped3A : memref<!tpu.dma_semaphore, #tpu.memory_space<semaphore_mem>>) {add = true}
          %dma_wait3A_139 = arith.constant 0 : i32
          %dma_wait3A_140 = tpu.memref_slice %arg8[%add3A_104, %dma_wait3A_139] : memref<40x128xi32, #tpu.memory_space<vmem>> -> memref<1x128xi32, #tpu.memory_space<vmem>>
          %dma_wait3A_141 = tpu.memref_squeeze %dma_wait3A_140 : memref<1x128xi32, #tpu.memory_space<vmem>> -> memref<128xi32, #tpu.memory_space<vmem>>
          %dma_wait3A_142 = arith.constant 0 : i32
          %dma_wait3A_143 = arith.constant 0 : i32
          %dma_wait3A_144 = tpu.memref_slice %arg11[%dma_wait3A_142, %dma_wait3A_143] : memref<10112x128xf32, #tpu.memory_space<vmem_shared>> -> memref<10112x128xf32, #tpu.memory_space<vmem_shared>>
          tpu.wait_indirect_dma semaphore(%run_scoped3A : memref<!tpu.dma_semaphore, #tpu.memory_space<semaphore_mem>>) src(%arg9 : memref<128x128xf32, #tpu.memory_space<vmem>>) dst(%dma_wait3A_144 : memref<10112x128xf32, #tpu.memory_space<vmem_shared>>)
          tpu.yield
        }) : () -> ()
        %add3A_110 = arith.constant 2 : i32
        %add3A_111 = arith.addi %add3A_104, %add3A_110 : i32
        %lt3A = arith.constant 40 : i32
        %lt3A_112 = arith.cmpi slt, %add3A_111, %lt3A : i32
        %convert_element_type3A_113 = arith.extui %lt3A_112 : i1 to i32
        %cond3A_114 = arith.constant 0 : i32
        %cond3A_115 = arith.cmpi ne, %convert_element_type3A_113, %cond3A_114 : i32
        scf.if %cond3A_115 {
          %add3A_133 = arith.constant 2 : i32
          %add3A_134 = arith.addi %add3A_104, %add3A_133 : i32
          %dma_start3A_135 = arith.constant 0 : i32
          %dma_start3A_136 = tpu.memref_slice %arg7[%add3A_134, %dma_start3A_135] : memref<40x128xi32, #tpu.memory_space<vmem>> -> memref<1x128xi32, #tpu.memory_space<vmem>>
          %dma_start3A_137 = tpu.memref_squeeze %dma_start3A_136 : memref<1x128xi32, #tpu.memory_space<vmem>> -> memref<128xi32, #tpu.memory_space<vmem>>
          %dma_start3A_138 = arith.constant 0 : i32
          %dma_start3A_139 = arith.constant 0 : i32
          %dma_start3A_140 = tpu.memref_slice %arg2[%dma_start3A_138, %dma_start3A_139] : memref<10112x128xf32, #tpu.memory_space<hbm>> -> memref<10112x128xf32, #tpu.memory_space<hbm>>
          tpu.enqueue_indirect_dma source(%dma_start3A_140 : memref<10112x128xf32, #tpu.memory_space<hbm>>) target(%arg9 : memref<128x128xf32, #tpu.memory_space<vmem>>) offsets(%dma_start3A_137 : memref<128xi32, #tpu.memory_space<vmem>>) semaphore(%arg12 : memref<!tpu.dma_semaphore, #tpu.memory_space<semaphore_mem>>)
        } else {
        }
        %mul3A_116 = arith.constant 2 : i32
        %mul3A_117 = arith.muli %mul3A_116, %scan3A_100 : i32
        %add3A_118 = arith.constant 1 : i32
        %add3A_119 = arith.addi %mul3A_117, %add3A_118 : i32
        %dma_wait3A_120 = arith.constant 0 : i32
        %dma_wait3A_121 = tpu.memref_slice %arg7[%add3A_119, %dma_wait3A_120] : memref<40x128xi32, #tpu.memory_space<vmem>> -> memref<1x128xi32, #tpu.memory_space<vmem>>
        %dma_wait3A_122 = tpu.memref_squeeze %dma_wait3A_121 : memref<1x128xi32, #tpu.memory_space<vmem>> -> memref<128xi32, #tpu.memory_space<vmem>>
        %dma_wait3A_123 = arith.constant 0 : i32
        %dma_wait3A_124 = arith.constant 0 : i32
        %dma_wait3A_125 = tpu.memref_slice %arg2[%dma_wait3A_123, %dma_wait3A_124] : memref<10112x128xf32, #tpu.memory_space<hbm>> -> memref<10112x128xf32, #tpu.memory_space<hbm>>
        tpu.wait_indirect_dma semaphore(%arg13 : memref<!tpu.dma_semaphore, #tpu.memory_space<semaphore_mem>>) src(%dma_wait3A_125 : memref<10112x128xf32, #tpu.memory_space<hbm>>) dst(%arg10 : memref<128x128xf32, #tpu.memory_space<vmem>>)
        "tpu.region"() ({
          %run_scoped3A = tpu.sem_alloc : memref<!tpu.dma_semaphore, #tpu.memory_space<semaphore_mem>>
          %dma_start3A_133 = arith.constant 0 : i32
          %dma_start3A_134 = tpu.memref_slice %arg8[%add3A_119, %dma_start3A_133] : memref<40x128xi32, #tpu.memory_space<vmem>> -> memref<1x128xi32, #tpu.memory_space<vmem>>
          %dma_start3A_135 = tpu.memref_squeeze %dma_start3A_134 : memref<1x128xi32, #tpu.memory_space<vmem>> -> memref<128xi32, #tpu.memory_space<vmem>>
          %dma_start3A_136 = arith.constant 0 : i32
          %dma_start3A_137 = arith.constant 0 : i32
          %dma_start3A_138 = tpu.memref_slice %arg11[%dma_start3A_136, %dma_start3A_137] : memref<10112x128xf32, #tpu.memory_space<vmem_shared>> -> memref<10112x128xf32, #tpu.memory_space<vmem_shared>>
          tpu.enqueue_indirect_dma source(%arg10 : memref<128x128xf32, #tpu.memory_space<vmem>>) target(%dma_start3A_138 : memref<10112x128xf32, #tpu.memory_space<vmem_shared>>) offsets(%dma_start3A_135 : memref<128xi32, #tpu.memory_space<vmem>>) semaphore(%run_scoped3A : memref<!tpu.dma_semaphore, #tpu.memory_space<semaphore_mem>>) {add = true}
          %dma_wait3A_139 = arith.constant 0 : i32
          %dma_wait3A_140 = tpu.memref_slice %arg8[%add3A_119, %dma_wait3A_139] : memref<40x128xi32, #tpu.memory_space<vmem>> -> memref<1x128xi32, #tpu.memory_space<vmem>>
          %dma_wait3A_141 = tpu.memref_squeeze %dma_wait3A_140 : memref<1x128xi32, #tpu.memory_space<vmem>> -> memref<128xi32, #tpu.memory_space<vmem>>
          %dma_wait3A_142 = arith.constant 0 : i32
          %dma_wait3A_143 = arith.constant 0 : i32
          %dma_wait3A_144 = tpu.memref_slice %arg11[%dma_wait3A_142, %dma_wait3A_143] : memref<10112x128xf32, #tpu.memory_space<vmem_shared>> -> memref<10112x128xf32, #tpu.memory_space<vmem_shared>>
          tpu.wait_indirect_dma semaphore(%run_scoped3A : memref<!tpu.dma_semaphore, #tpu.memory_space<semaphore_mem>>) src(%arg10 : memref<128x128xf32, #tpu.memory_space<vmem>>) dst(%dma_wait3A_144 : memref<10112x128xf32, #tpu.memory_space<vmem_shared>>)
          tpu.yield
        }) : () -> ()
        %add3A_126 = arith.constant 2 : i32
        %add3A_127 = arith.addi %add3A_119, %add3A_126 : i32
        %lt3A_128 = arith.constant 40 : i32
        %lt3A_129 = arith.cmpi slt, %add3A_127, %lt3A_128 : i32
        %convert_element_type3A_130 = arith.extui %lt3A_129 : i1 to i32
        %cond3A_131 = arith.constant 0 : i32
        %cond3A_132 = arith.cmpi ne, %convert_element_type3A_130, %cond3A_131 : i32
        scf.if %cond3A_132 {
          %add3A_133 = arith.constant 2 : i32
          %add3A_134 = arith.addi %add3A_119, %add3A_133 : i32
          %dma_start3A_135 = arith.constant 0 : i32
          %dma_start3A_136 = tpu.memref_slice %arg7[%add3A_134, %dma_start3A_135] : memref<40x128xi32, #tpu.memory_space<vmem>> -> memref<1x128xi32, #tpu.memory_space<vmem>>
          %dma_start3A_137 = tpu.memref_squeeze %dma_start3A_136 : memref<1x128xi32, #tpu.memory_space<vmem>> -> memref<128xi32, #tpu.memory_space<vmem>>
          %dma_start3A_138 = arith.constant 0 : i32
          %dma_start3A_139 = arith.constant 0 : i32
          %dma_start3A_140 = tpu.memref_slice %arg2[%dma_start3A_138, %dma_start3A_139] : memref<10112x128xf32, #tpu.memory_space<hbm>> -> memref<10112x128xf32, #tpu.memory_space<hbm>>
          tpu.enqueue_indirect_dma source(%dma_start3A_140 : memref<10112x128xf32, #tpu.memory_space<hbm>>) target(%arg10 : memref<128x128xf32, #tpu.memory_space<vmem>>) offsets(%dma_start3A_137 : memref<128xi32, #tpu.memory_space<vmem>>) semaphore(%arg13 : memref<!tpu.dma_semaphore, #tpu.memory_space<semaphore_mem>>)
        } else {
        }
      }
      %scan3A_55 = arith.constant 20 : i32
      %add3A_56 = arith.constant 80 : i32
      %add3A_57 = arith.addi %mul3A_14, %add3A_56 : i32
      "tpu.region"() ({
        %run_scoped3A = tpu.sem_alloc : memref<!tpu.dma_semaphore, #tpu.memory_space<semaphore_mem>>
        %dma_start3A_100 = arith.constant 0 : i32
        %dma_start3A_101 = arith.constant 0 : i32
        %dma_start3A_102 = tpu.memref_slice %arg7[%dma_start3A_100, %dma_start3A_101] : memref<40x128xi32, #tpu.memory_space<vmem>> -> memref<40x128xi32, #tpu.memory_space<vmem>>
        %dma_start3A_103 = arith.constant 0 : i32
        %dma_start3A_104 = tpu.memref_slice %arg3[%add3A_57, %dma_start3A_103] : memref<2560x128xi32, #tpu.memory_space<hbm>> -> memref<40x128xi32, #tpu.memory_space<hbm>>
        %dma_start3A_105 = arith.constant 0 : i32
        %dma_start3A_106 = arith.constant 0 : i32
        %dma_start3A_107 = tpu.memref_slice %arg7[%dma_start3A_105, %dma_start3A_106] : memref<40x128xi32, #tpu.memory_space<vmem>> -> memref<40x128xi32, #tpu.memory_space<vmem>>
        %dma_start3A_108 = arith.constant 0 : i32
        %dma_start3A_109 = tpu.memref_slice %arg3[%add3A_57, %dma_start3A_108] : memref<2560x128xi32, #tpu.memory_space<hbm>> -> memref<40x128xi32, #tpu.memory_space<hbm>>
        tpu.enqueue_dma source(%dma_start3A_109 : memref<40x128xi32, #tpu.memory_space<hbm>>) target(%dma_start3A_107 : memref<40x128xi32, #tpu.memory_space<vmem>>) target_semaphore(%run_scoped3A : memref<!tpu.dma_semaphore, #tpu.memory_space<semaphore_mem>>)
        %dma_wait3A = arith.constant 0 : i32
        %dma_wait3A_110 = arith.constant 0 : i32
        %dma_wait3A_111 = tpu.memref_slice %arg7[%dma_wait3A, %dma_wait3A_110] : memref<40x128xi32, #tpu.memory_space<vmem>> -> memref<40x128xi32, #tpu.memory_space<vmem>>
        %dma_wait3A_112 = arith.constant 0 : i32
        %dma_wait3A_113 = tpu.memref_slice %arg3[%add3A_57, %dma_wait3A_112] : memref<2560x128xi32, #tpu.memory_space<hbm>> -> memref<40x128xi32, #tpu.memory_space<hbm>>
        %dma_wait3A_114 = arith.constant 0 : i32
        %dma_wait3A_115 = arith.constant 0 : i32
        %dma_wait3A_116 = tpu.memref_slice %arg7[%dma_wait3A_114, %dma_wait3A_115] : memref<40x128xi32, #tpu.memory_space<vmem>> -> memref<40x128xi32, #tpu.memory_space<vmem>>
        %dma_wait3A_117 = arith.constant 0 : i32
        %dma_wait3A_118 = tpu.memref_slice %arg3[%add3A_57, %dma_wait3A_117] : memref<2560x128xi32, #tpu.memory_space<hbm>> -> memref<40x128xi32, #tpu.memory_space<hbm>>
        tpu.wait_dma2 semaphore(%run_scoped3A : memref<!tpu.dma_semaphore, #tpu.memory_space<semaphore_mem>>) src(%dma_wait3A_118 : memref<40x128xi32, #tpu.memory_space<hbm>>) dst(%dma_wait3A_116 : memref<40x128xi32, #tpu.memory_space<vmem>>)
        tpu.yield
      }) : () -> ()
      "tpu.region"() ({
        %run_scoped3A = tpu.sem_alloc : memref<!tpu.dma_semaphore, #tpu.memory_space<semaphore_mem>>
        %dma_start3A_100 = arith.constant 0 : i32
        %dma_start3A_101 = arith.constant 0 : i32
        %dma_start3A_102 = tpu.memref_slice %arg8[%dma_start3A_100, %dma_start3A_101] : memref<40x128xi32, #tpu.memory_space<vmem>> -> memref<40x128xi32, #tpu.memory_space<vmem>>
        %dma_start3A_103 = arith.constant 0 : i32
        %dma_start3A_104 = tpu.memref_slice %arg4[%add3A_57, %dma_start3A_103] : memref<2560x128xi32, #tpu.memory_space<hbm>> -> memref<40x128xi32, #tpu.memory_space<hbm>>
        %dma_start3A_105 = arith.constant 0 : i32
        %dma_start3A_106 = arith.constant 0 : i32
        %dma_start3A_107 = tpu.memref_slice %arg8[%dma_start3A_105, %dma_start3A_106] : memref<40x128xi32, #tpu.memory_space<vmem>> -> memref<40x128xi32, #tpu.memory_space<vmem>>
        %dma_start3A_108 = arith.constant 0 : i32
        %dma_start3A_109 = tpu.memref_slice %arg4[%add3A_57, %dma_start3A_108] : memref<2560x128xi32, #tpu.memory_space<hbm>> -> memref<40x128xi32, #tpu.memory_space<hbm>>
        tpu.enqueue_dma source(%dma_start3A_109 : memref<40x128xi32, #tpu.memory_space<hbm>>) target(%dma_start3A_107 : memref<40x128xi32, #tpu.memory_space<vmem>>) target_semaphore(%run_scoped3A : memref<!tpu.dma_semaphore, #tpu.memory_space<semaphore_mem>>)
        %dma_wait3A = arith.constant 0 : i32
        %dma_wait3A_110 = arith.constant 0 : i32
        %dma_wait3A_111 = tpu.memref_slice %arg8[%dma_wait3A, %dma_wait3A_110] : memref<40x128xi32, #tpu.memory_space<vmem>> -> memref<40x128xi32, #tpu.memory_space<vmem>>
        %dma_wait3A_112 = arith.constant 0 : i32
        %dma_wait3A_113 = tpu.memref_slice %arg4[%add3A_57, %dma_wait3A_112] : memref<2560x128xi32, #tpu.memory_space<hbm>> -> memref<40x128xi32, #tpu.memory_space<hbm>>
        %dma_wait3A_114 = arith.constant 0 : i32
        %dma_wait3A_115 = arith.constant 0 : i32
        %dma_wait3A_116 = tpu.memref_slice %arg8[%dma_wait3A_114, %dma_wait3A_115] : memref<40x128xi32, #tpu.memory_space<vmem>> -> memref<40x128xi32, #tpu.memory_space<vmem>>
        %dma_wait3A_117 = arith.constant 0 : i32
        %dma_wait3A_118 = tpu.memref_slice %arg4[%add3A_57, %dma_wait3A_117] : memref<2560x128xi32, #tpu.memory_space<hbm>> -> memref<40x128xi32, #tpu.memory_space<hbm>>
        tpu.wait_dma2 semaphore(%run_scoped3A : memref<!tpu.dma_semaphore, #tpu.memory_space<semaphore_mem>>) src(%dma_wait3A_118 : memref<40x128xi32, #tpu.memory_space<hbm>>) dst(%dma_wait3A_116 : memref<40x128xi32, #tpu.memory_space<vmem>>)
        tpu.yield
      }) : () -> ()
      %dma_start3A_58 = arith.constant 0 : i32
      %dma_start3A_59 = arith.constant 0 : i32
      %dma_start3A_60 = tpu.memref_slice %arg7[%dma_start3A_58, %dma_start3A_59] : memref<40x128xi32, #tpu.memory_space<vmem>> -> memref<1x128xi32, #tpu.memory_space<vmem>>
      %dma_start3A_61 = tpu.memref_squeeze %dma_start3A_60 : memref<1x128xi32, #tpu.memory_space<vmem>> -> memref<128xi32, #tpu.memory_space<vmem>>
      %dma_start3A_62 = arith.constant 0 : i32
      %dma_start3A_63 = arith.constant 0 : i32
      %dma_start3A_64 = tpu.memref_slice %arg2[%dma_start3A_62, %dma_start3A_63] : memref<10112x128xf32, #tpu.memory_space<hbm>> -> memref<10112x128xf32, #tpu.memory_space<hbm>>
      tpu.enqueue_indirect_dma source(%dma_start3A_64 : memref<10112x128xf32, #tpu.memory_space<hbm>>) target(%arg9 : memref<128x128xf32, #tpu.memory_space<vmem>>) offsets(%dma_start3A_61 : memref<128xi32, #tpu.memory_space<vmem>>) semaphore(%arg12 : memref<!tpu.dma_semaphore, #tpu.memory_space<semaphore_mem>>)
      %dma_start3A_65 = arith.constant 1 : i32
      %dma_start3A_66 = arith.constant 0 : i32
      %dma_start3A_67 = tpu.memref_slice %arg7[%dma_start3A_65, %dma_start3A_66] : memref<40x128xi32, #tpu.memory_space<vmem>> -> memref<1x128xi32, #tpu.memory_space<vmem>>
      %dma_start3A_68 = tpu.memref_squeeze %dma_start3A_67 : memref<1x128xi32, #tpu.memory_space<vmem>> -> memref<128xi32, #tpu.memory_space<vmem>>
      %dma_start3A_69 = arith.constant 0 : i32
      %dma_start3A_70 = arith.constant 0 : i32
      %dma_start3A_71 = tpu.memref_slice %arg2[%dma_start3A_69, %dma_start3A_70] : memref<10112x128xf32, #tpu.memory_space<hbm>> -> memref<10112x128xf32, #tpu.memory_space<hbm>>
      tpu.enqueue_indirect_dma source(%dma_start3A_71 : memref<10112x128xf32, #tpu.memory_space<hbm>>) target(%arg10 : memref<128x128xf32, #tpu.memory_space<vmem>>) offsets(%dma_start3A_68 : memref<128xi32, #tpu.memory_space<vmem>>) semaphore(%arg13 : memref<!tpu.dma_semaphore, #tpu.memory_space<semaphore_mem>>)
      %scan3A_72 = arith.constant 0 : i32
      %scan3A_73 = arith.constant 0 : i32
      %scan3A_74 = arith.constant 20 : i32
      %scan3A_75 = arith.addi %scan3A_73, %scan3A_74 : i32
      %scan3A_76 = arith.constant 1 : i32
      scf.for %scan3A_100 = %scan3A_73 to %scan3A_75 step %scan3A_76  : i32 {
        %mul3A_101 = arith.constant 2 : i32
        %mul3A_102 = arith.muli %mul3A_101, %scan3A_100 : i32
        %add3A_103 = arith.constant 0 : i32
        %add3A_104 = arith.addi %mul3A_102, %add3A_103 : i32
        %dma_wait3A = arith.constant 0 : i32
        %dma_wait3A_105 = tpu.memref_slice %arg7[%add3A_104, %dma_wait3A] : memref<40x128xi32, #tpu.memory_space<vmem>> -> memref<1x128xi32, #tpu.memory_space<vmem>>
        %dma_wait3A_106 = tpu.memref_squeeze %dma_wait3A_105 : memref<1x128xi32, #tpu.memory_space<vmem>> -> memref<128xi32, #tpu.memory_space<vmem>>
        %dma_wait3A_107 = arith.constant 0 : i32
        %dma_wait3A_108 = arith.constant 0 : i32
        %dma_wait3A_109 = tpu.memref_slice %arg2[%dma_wait3A_107, %dma_wait3A_108] : memref<10112x128xf32, #tpu.memory_space<hbm>> -> memref<10112x128xf32, #tpu.memory_space<hbm>>
        tpu.wait_indirect_dma semaphore(%arg12 : memref<!tpu.dma_semaphore, #tpu.memory_space<semaphore_mem>>) src(%dma_wait3A_109 : memref<10112x128xf32, #tpu.memory_space<hbm>>) dst(%arg9 : memref<128x128xf32, #tpu.memory_space<vmem>>)
        "tpu.region"() ({
          %run_scoped3A = tpu.sem_alloc : memref<!tpu.dma_semaphore, #tpu.memory_space<semaphore_mem>>
          %dma_start3A_133 = arith.constant 0 : i32
          %dma_start3A_134 = tpu.memref_slice %arg8[%add3A_104, %dma_start3A_133] : memref<40x128xi32, #tpu.memory_space<vmem>> -> memref<1x128xi32, #tpu.memory_space<vmem>>
          %dma_start3A_135 = tpu.memref_squeeze %dma_start3A_134 : memref<1x128xi32, #tpu.memory_space<vmem>> -> memref<128xi32, #tpu.memory_space<vmem>>
          %dma_start3A_136 = arith.constant 0 : i32
          %dma_start3A_137 = arith.constant 0 : i32
          %dma_start3A_138 = tpu.memref_slice %arg11[%dma_start3A_136, %dma_start3A_137] : memref<10112x128xf32, #tpu.memory_space<vmem_shared>> -> memref<10112x128xf32, #tpu.memory_space<vmem_shared>>
          tpu.enqueue_indirect_dma source(%arg9 : memref<128x128xf32, #tpu.memory_space<vmem>>) target(%dma_start3A_138 : memref<10112x128xf32, #tpu.memory_space<vmem_shared>>) offsets(%dma_start3A_135 : memref<128xi32, #tpu.memory_space<vmem>>) semaphore(%run_scoped3A : memref<!tpu.dma_semaphore, #tpu.memory_space<semaphore_mem>>) {add = true}
          %dma_wait3A_139 = arith.constant 0 : i32
          %dma_wait3A_140 = tpu.memref_slice %arg8[%add3A_104, %dma_wait3A_139] : memref<40x128xi32, #tpu.memory_space<vmem>> -> memref<1x128xi32, #tpu.memory_space<vmem>>
          %dma_wait3A_141 = tpu.memref_squeeze %dma_wait3A_140 : memref<1x128xi32, #tpu.memory_space<vmem>> -> memref<128xi32, #tpu.memory_space<vmem>>
          %dma_wait3A_142 = arith.constant 0 : i32
          %dma_wait3A_143 = arith.constant 0 : i32
          %dma_wait3A_144 = tpu.memref_slice %arg11[%dma_wait3A_142, %dma_wait3A_143] : memref<10112x128xf32, #tpu.memory_space<vmem_shared>> -> memref<10112x128xf32, #tpu.memory_space<vmem_shared>>
          tpu.wait_indirect_dma semaphore(%run_scoped3A : memref<!tpu.dma_semaphore, #tpu.memory_space<semaphore_mem>>) src(%arg9 : memref<128x128xf32, #tpu.memory_space<vmem>>) dst(%dma_wait3A_144 : memref<10112x128xf32, #tpu.memory_space<vmem_shared>>)
          tpu.yield
        }) : () -> ()
        %add3A_110 = arith.constant 2 : i32
        %add3A_111 = arith.addi %add3A_104, %add3A_110 : i32
        %lt3A = arith.constant 40 : i32
        %lt3A_112 = arith.cmpi slt, %add3A_111, %lt3A : i32
        %convert_element_type3A_113 = arith.extui %lt3A_112 : i1 to i32
        %cond3A_114 = arith.constant 0 : i32
        %cond3A_115 = arith.cmpi ne, %convert_element_type3A_113, %cond3A_114 : i32
        scf.if %cond3A_115 {
          %add3A_133 = arith.constant 2 : i32
          %add3A_134 = arith.addi %add3A_104, %add3A_133 : i32
          %dma_start3A_135 = arith.constant 0 : i32
          %dma_start3A_136 = tpu.memref_slice %arg7[%add3A_134, %dma_start3A_135] : memref<40x128xi32, #tpu.memory_space<vmem>> -> memref<1x128xi32, #tpu.memory_space<vmem>>
          %dma_start3A_137 = tpu.memref_squeeze %dma_start3A_136 : memref<1x128xi32, #tpu.memory_space<vmem>> -> memref<128xi32, #tpu.memory_space<vmem>>
          %dma_start3A_138 = arith.constant 0 : i32
          %dma_start3A_139 = arith.constant 0 : i32
          %dma_start3A_140 = tpu.memref_slice %arg2[%dma_start3A_138, %dma_start3A_139] : memref<10112x128xf32, #tpu.memory_space<hbm>> -> memref<10112x128xf32, #tpu.memory_space<hbm>>
          tpu.enqueue_indirect_dma source(%dma_start3A_140 : memref<10112x128xf32, #tpu.memory_space<hbm>>) target(%arg9 : memref<128x128xf32, #tpu.memory_space<vmem>>) offsets(%dma_start3A_137 : memref<128xi32, #tpu.memory_space<vmem>>) semaphore(%arg12 : memref<!tpu.dma_semaphore, #tpu.memory_space<semaphore_mem>>)
        } else {
        }
        %mul3A_116 = arith.constant 2 : i32
        %mul3A_117 = arith.muli %mul3A_116, %scan3A_100 : i32
        %add3A_118 = arith.constant 1 : i32
        %add3A_119 = arith.addi %mul3A_117, %add3A_118 : i32
        %dma_wait3A_120 = arith.constant 0 : i32
        %dma_wait3A_121 = tpu.memref_slice %arg7[%add3A_119, %dma_wait3A_120] : memref<40x128xi32, #tpu.memory_space<vmem>> -> memref<1x128xi32, #tpu.memory_space<vmem>>
        %dma_wait3A_122 = tpu.memref_squeeze %dma_wait3A_121 : memref<1x128xi32, #tpu.memory_space<vmem>> -> memref<128xi32, #tpu.memory_space<vmem>>
        %dma_wait3A_123 = arith.constant 0 : i32
        %dma_wait3A_124 = arith.constant 0 : i32
        %dma_wait3A_125 = tpu.memref_slice %arg2[%dma_wait3A_123, %dma_wait3A_124] : memref<10112x128xf32, #tpu.memory_space<hbm>> -> memref<10112x128xf32, #tpu.memory_space<hbm>>
        tpu.wait_indirect_dma semaphore(%arg13 : memref<!tpu.dma_semaphore, #tpu.memory_space<semaphore_mem>>) src(%dma_wait3A_125 : memref<10112x128xf32, #tpu.memory_space<hbm>>) dst(%arg10 : memref<128x128xf32, #tpu.memory_space<vmem>>)
        "tpu.region"() ({
          %run_scoped3A = tpu.sem_alloc : memref<!tpu.dma_semaphore, #tpu.memory_space<semaphore_mem>>
          %dma_start3A_133 = arith.constant 0 : i32
          %dma_start3A_134 = tpu.memref_slice %arg8[%add3A_119, %dma_start3A_133] : memref<40x128xi32, #tpu.memory_space<vmem>> -> memref<1x128xi32, #tpu.memory_space<vmem>>
          %dma_start3A_135 = tpu.memref_squeeze %dma_start3A_134 : memref<1x128xi32, #tpu.memory_space<vmem>> -> memref<128xi32, #tpu.memory_space<vmem>>
          %dma_start3A_136 = arith.constant 0 : i32
          %dma_start3A_137 = arith.constant 0 : i32
          %dma_start3A_138 = tpu.memref_slice %arg11[%dma_start3A_136, %dma_start3A_137] : memref<10112x128xf32, #tpu.memory_space<vmem_shared>> -> memref<10112x128xf32, #tpu.memory_space<vmem_shared>>
          tpu.enqueue_indirect_dma source(%arg10 : memref<128x128xf32, #tpu.memory_space<vmem>>) target(%dma_start3A_138 : memref<10112x128xf32, #tpu.memory_space<vmem_shared>>) offsets(%dma_start3A_135 : memref<128xi32, #tpu.memory_space<vmem>>) semaphore(%run_scoped3A : memref<!tpu.dma_semaphore, #tpu.memory_space<semaphore_mem>>) {add = true}
          %dma_wait3A_139 = arith.constant 0 : i32
          %dma_wait3A_140 = tpu.memref_slice %arg8[%add3A_119, %dma_wait3A_139] : memref<40x128xi32, #tpu.memory_space<vmem>> -> memref<1x128xi32, #tpu.memory_space<vmem>>
          %dma_wait3A_141 = tpu.memref_squeeze %dma_wait3A_140 : memref<1x128xi32, #tpu.memory_space<vmem>> -> memref<128xi32, #tpu.memory_space<vmem>>
          %dma_wait3A_142 = arith.constant 0 : i32
          %dma_wait3A_143 = arith.constant 0 : i32
          %dma_wait3A_144 = tpu.memref_slice %arg11[%dma_wait3A_142, %dma_wait3A_143] : memref<10112x128xf32, #tpu.memory_space<vmem_shared>> -> memref<10112x128xf32, #tpu.memory_space<vmem_shared>>
          tpu.wait_indirect_dma semaphore(%run_scoped3A : memref<!tpu.dma_semaphore, #tpu.memory_space<semaphore_mem>>) src(%arg10 : memref<128x128xf32, #tpu.memory_space<vmem>>) dst(%dma_wait3A_144 : memref<10112x128xf32, #tpu.memory_space<vmem_shared>>)
          tpu.yield
        }) : () -> ()
        %add3A_126 = arith.constant 2 : i32
        %add3A_127 = arith.addi %add3A_119, %add3A_126 : i32
        %lt3A_128 = arith.constant 40 : i32
        %lt3A_129 = arith.cmpi slt, %add3A_127, %lt3A_128 : i32
        %convert_element_type3A_130 = arith.extui %lt3A_129 : i1 to i32
        %cond3A_131 = arith.constant 0 : i32
        %cond3A_132 = arith.cmpi ne, %convert_element_type3A_130, %cond3A_131 : i32
        scf.if %cond3A_132 {
          %add3A_133 = arith.constant 2 : i32
          %add3A_134 = arith.addi %add3A_119, %add3A_133 : i32
          %dma_start3A_135 = arith.constant 0 : i32
          %dma_start3A_136 = tpu.memref_slice %arg7[%add3A_134, %dma_start3A_135] : memref<40x128xi32, #tpu.memory_space<vmem>> -> memref<1x128xi32, #tpu.memory_space<vmem>>
          %dma_start3A_137 = tpu.memref_squeeze %dma_start3A_136 : memref<1x128xi32, #tpu.memory_space<vmem>> -> memref<128xi32, #tpu.memory_space<vmem>>
          %dma_start3A_138 = arith.constant 0 : i32
          %dma_start3A_139 = arith.constant 0 : i32
          %dma_start3A_140 = tpu.memref_slice %arg2[%dma_start3A_138, %dma_start3A_139] : memref<10112x128xf32, #tpu.memory_space<hbm>> -> memref<10112x128xf32, #tpu.memory_space<hbm>>
          tpu.enqueue_indirect_dma source(%dma_start3A_140 : memref<10112x128xf32, #tpu.memory_space<hbm>>) target(%arg10 : memref<128x128xf32, #tpu.memory_space<vmem>>) offsets(%dma_start3A_137 : memref<128xi32, #tpu.memory_space<vmem>>) semaphore(%arg13 : memref<!tpu.dma_semaphore, #tpu.memory_space<semaphore_mem>>)
        } else {
        }
      }
      %scan3A_77 = arith.constant 20 : i32
      %add3A_78 = arith.constant 120 : i32
      %add3A_79 = arith.addi %mul3A_14, %add3A_78 : i32
      "tpu.region"() ({
        %run_scoped3A = tpu.sem_alloc : memref<!tpu.dma_semaphore, #tpu.memory_space<semaphore_mem>>
        %dma_start3A_100 = arith.constant 0 : i32
        %dma_start3A_101 = arith.constant 0 : i32
        %dma_start3A_102 = tpu.memref_slice %arg7[%dma_start3A_100, %dma_start3A_101] : memref<40x128xi32, #tpu.memory_space<vmem>> -> memref<32x128xi32, #tpu.memory_space<vmem>>
        %dma_start3A_103 = arith.constant 0 : i32
        %dma_start3A_104 = tpu.memref_slice %arg3[%add3A_79, %dma_start3A_103] : memref<2560x128xi32, #tpu.memory_space<hbm>> -> memref<32x128xi32, #tpu.memory_space<hbm>>
        %dma_start3A_105 = arith.constant 0 : i32
        %dma_start3A_106 = arith.constant 0 : i32
        %dma_start3A_107 = tpu.memref_slice %arg7[%dma_start3A_105, %dma_start3A_106] : memref<40x128xi32, #tpu.memory_space<vmem>> -> memref<32x128xi32, #tpu.memory_space<vmem>>
        %dma_start3A_108 = arith.constant 0 : i32
        %dma_start3A_109 = tpu.memref_slice %arg3[%add3A_79, %dma_start3A_108] : memref<2560x128xi32, #tpu.memory_space<hbm>> -> memref<32x128xi32, #tpu.memory_space<hbm>>
        tpu.enqueue_dma source(%dma_start3A_109 : memref<32x128xi32, #tpu.memory_space<hbm>>) target(%dma_start3A_107 : memref<32x128xi32, #tpu.memory_space<vmem>>) target_semaphore(%run_scoped3A : memref<!tpu.dma_semaphore, #tpu.memory_space<semaphore_mem>>)
        %dma_wait3A = arith.constant 0 : i32
        %dma_wait3A_110 = arith.constant 0 : i32
        %dma_wait3A_111 = tpu.memref_slice %arg7[%dma_wait3A, %dma_wait3A_110] : memref<40x128xi32, #tpu.memory_space<vmem>> -> memref<32x128xi32, #tpu.memory_space<vmem>>
        %dma_wait3A_112 = arith.constant 0 : i32
        %dma_wait3A_113 = tpu.memref_slice %arg3[%add3A_79, %dma_wait3A_112] : memref<2560x128xi32, #tpu.memory_space<hbm>> -> memref<32x128xi32, #tpu.memory_space<hbm>>
        %dma_wait3A_114 = arith.constant 0 : i32
        %dma_wait3A_115 = arith.constant 0 : i32
        %dma_wait3A_116 = tpu.memref_slice %arg7[%dma_wait3A_114, %dma_wait3A_115] : memref<40x128xi32, #tpu.memory_space<vmem>> -> memref<32x128xi32, #tpu.memory_space<vmem>>
        %dma_wait3A_117 = arith.constant 0 : i32
        %dma_wait3A_118 = tpu.memref_slice %arg3[%add3A_79, %dma_wait3A_117] : memref<2560x128xi32, #tpu.memory_space<hbm>> -> memref<32x128xi32, #tpu.memory_space<hbm>>
        tpu.wait_dma2 semaphore(%run_scoped3A : memref<!tpu.dma_semaphore, #tpu.memory_space<semaphore_mem>>) src(%dma_wait3A_118 : memref<32x128xi32, #tpu.memory_space<hbm>>) dst(%dma_wait3A_116 : memref<32x128xi32, #tpu.memory_space<vmem>>)
        tpu.yield
      }) : () -> ()
      "tpu.region"() ({
        %run_scoped3A = tpu.sem_alloc : memref<!tpu.dma_semaphore, #tpu.memory_space<semaphore_mem>>
        %dma_start3A_100 = arith.constant 0 : i32
        %dma_start3A_101 = arith.constant 0 : i32
        %dma_start3A_102 = tpu.memref_slice %arg8[%dma_start3A_100, %dma_start3A_101] : memref<40x128xi32, #tpu.memory_space<vmem>> -> memref<32x128xi32, #tpu.memory_space<vmem>>
        %dma_start3A_103 = arith.constant 0 : i32
        %dma_start3A_104 = tpu.memref_slice %arg4[%add3A_79, %dma_start3A_103] : memref<2560x128xi32, #tpu.memory_space<hbm>> -> memref<32x128xi32, #tpu.memory_space<hbm>>
        %dma_start3A_105 = arith.constant 0 : i32
        %dma_start3A_106 = arith.constant 0 : i32
        %dma_start3A_107 = tpu.memref_slice %arg8[%dma_start3A_105, %dma_start3A_106] : memref<40x128xi32, #tpu.memory_space<vmem>> -> memref<32x128xi32, #tpu.memory_space<vmem>>
        %dma_start3A_108 = arith.constant 0 : i32
        %dma_start3A_109 = tpu.memref_slice %arg4[%add3A_79, %dma_start3A_108] : memref<2560x128xi32, #tpu.memory_space<hbm>> -> memref<32x128xi32, #tpu.memory_space<hbm>>
        tpu.enqueue_dma source(%dma_start3A_109 : memref<32x128xi32, #tpu.memory_space<hbm>>) target(%dma_start3A_107 : memref<32x128xi32, #tpu.memory_space<vmem>>) target_semaphore(%run_scoped3A : memref<!tpu.dma_semaphore, #tpu.memory_space<semaphore_mem>>)
        %dma_wait3A = arith.constant 0 : i32
        %dma_wait3A_110 = arith.constant 0 : i32
        %dma_wait3A_111 = tpu.memref_slice %arg8[%dma_wait3A, %dma_wait3A_110] : memref<40x128xi32, #tpu.memory_space<vmem>> -> memref<32x128xi32, #tpu.memory_space<vmem>>
        %dma_wait3A_112 = arith.constant 0 : i32
        %dma_wait3A_113 = tpu.memref_slice %arg4[%add3A_79, %dma_wait3A_112] : memref<2560x128xi32, #tpu.memory_space<hbm>> -> memref<32x128xi32, #tpu.memory_space<hbm>>
        %dma_wait3A_114 = arith.constant 0 : i32
        %dma_wait3A_115 = arith.constant 0 : i32
        %dma_wait3A_116 = tpu.memref_slice %arg8[%dma_wait3A_114, %dma_wait3A_115] : memref<40x128xi32, #tpu.memory_space<vmem>> -> memref<32x128xi32, #tpu.memory_space<vmem>>
        %dma_wait3A_117 = arith.constant 0 : i32
        %dma_wait3A_118 = tpu.memref_slice %arg4[%add3A_79, %dma_wait3A_117] : memref<2560x128xi32, #tpu.memory_space<hbm>> -> memref<32x128xi32, #tpu.memory_space<hbm>>
        tpu.wait_dma2 semaphore(%run_scoped3A : memref<!tpu.dma_semaphore, #tpu.memory_space<semaphore_mem>>) src(%dma_wait3A_118 : memref<32x128xi32, #tpu.memory_space<hbm>>) dst(%dma_wait3A_116 : memref<32x128xi32, #tpu.memory_space<vmem>>)
        tpu.yield
      }) : () -> ()
      %dma_start3A_80 = arith.constant 0 : i32
      %dma_start3A_81 = arith.constant 0 : i32
      %dma_start3A_82 = tpu.memref_slice %arg7[%dma_start3A_80, %dma_start3A_81] : memref<40x128xi32, #tpu.memory_space<vmem>> -> memref<1x128xi32, #tpu.memory_space<vmem>>
      %dma_start3A_83 = tpu.memref_squeeze %dma_start3A_82 : memref<1x128xi32, #tpu.memory_space<vmem>> -> memref<128xi32, #tpu.memory_space<vmem>>
      %dma_start3A_84 = arith.constant 0 : i32
      %dma_start3A_85 = arith.constant 0 : i32
      %dma_start3A_86 = tpu.memref_slice %arg2[%dma_start3A_84, %dma_start3A_85] : memref<10112x128xf32, #tpu.memory_space<hbm>> -> memref<10112x128xf32, #tpu.memory_space<hbm>>
      tpu.enqueue_indirect_dma source(%dma_start3A_86 : memref<10112x128xf32, #tpu.memory_space<hbm>>) target(%arg9 : memref<128x128xf32, #tpu.memory_space<vmem>>) offsets(%dma_start3A_83 : memref<128xi32, #tpu.memory_space<vmem>>) semaphore(%arg12 : memref<!tpu.dma_semaphore, #tpu.memory_space<semaphore_mem>>)
      %dma_start3A_87 = arith.constant 1 : i32
      %dma_start3A_88 = arith.constant 0 : i32
      %dma_start3A_89 = tpu.memref_slice %arg7[%dma_start3A_87, %dma_start3A_88] : memref<40x128xi32, #tpu.memory_space<vmem>> -> memref<1x128xi32, #tpu.memory_space<vmem>>
      %dma_start3A_90 = tpu.memref_squeeze %dma_start3A_89 : memref<1x128xi32, #tpu.memory_space<vmem>> -> memref<128xi32, #tpu.memory_space<vmem>>
      %dma_start3A_91 = arith.constant 0 : i32
      %dma_start3A_92 = arith.constant 0 : i32
      %dma_start3A_93 = tpu.memref_slice %arg2[%dma_start3A_91, %dma_start3A_92] : memref<10112x128xf32, #tpu.memory_space<hbm>> -> memref<10112x128xf32, #tpu.memory_space<hbm>>
      tpu.enqueue_indirect_dma source(%dma_start3A_93 : memref<10112x128xf32, #tpu.memory_space<hbm>>) target(%arg10 : memref<128x128xf32, #tpu.memory_space<vmem>>) offsets(%dma_start3A_90 : memref<128xi32, #tpu.memory_space<vmem>>) semaphore(%arg13 : memref<!tpu.dma_semaphore, #tpu.memory_space<semaphore_mem>>)
      %scan3A_94 = arith.constant 0 : i32
      %scan3A_95 = arith.constant 0 : i32
      %scan3A_96 = arith.constant 16 : i32
      %scan3A_97 = arith.addi %scan3A_95, %scan3A_96 : i32
      %scan3A_98 = arith.constant 1 : i32
      scf.for %scan3A_100 = %scan3A_95 to %scan3A_97 step %scan3A_98  : i32 {
        %mul3A_101 = arith.constant 2 : i32
        %mul3A_102 = arith.muli %mul3A_101, %scan3A_100 : i32
        %add3A_103 = arith.constant 0 : i32
        %add3A_104 = arith.addi %mul3A_102, %add3A_103 : i32
        %dma_wait3A = arith.constant 0 : i32
        %dma_wait3A_105 = tpu.memref_slice %arg7[%add3A_104, %dma_wait3A] : memref<40x128xi32, #tpu.memory_space<vmem>> -> memref<1x128xi32, #tpu.memory_space<vmem>>
        %dma_wait3A_106 = tpu.memref_squeeze %dma_wait3A_105 : memref<1x128xi32, #tpu.memory_space<vmem>> -> memref<128xi32, #tpu.memory_space<vmem>>
        %dma_wait3A_107 = arith.constant 0 : i32
        %dma_wait3A_108 = arith.constant 0 : i32
        %dma_wait3A_109 = tpu.memref_slice %arg2[%dma_wait3A_107, %dma_wait3A_108] : memref<10112x128xf32, #tpu.memory_space<hbm>> -> memref<10112x128xf32, #tpu.memory_space<hbm>>
        tpu.wait_indirect_dma semaphore(%arg12 : memref<!tpu.dma_semaphore, #tpu.memory_space<semaphore_mem>>) src(%dma_wait3A_109 : memref<10112x128xf32, #tpu.memory_space<hbm>>) dst(%arg9 : memref<128x128xf32, #tpu.memory_space<vmem>>)
        "tpu.region"() ({
          %run_scoped3A = tpu.sem_alloc : memref<!tpu.dma_semaphore, #tpu.memory_space<semaphore_mem>>
          %dma_start3A_133 = arith.constant 0 : i32
          %dma_start3A_134 = tpu.memref_slice %arg8[%add3A_104, %dma_start3A_133] : memref<40x128xi32, #tpu.memory_space<vmem>> -> memref<1x128xi32, #tpu.memory_space<vmem>>
          %dma_start3A_135 = tpu.memref_squeeze %dma_start3A_134 : memref<1x128xi32, #tpu.memory_space<vmem>> -> memref<128xi32, #tpu.memory_space<vmem>>
          %dma_start3A_136 = arith.constant 0 : i32
          %dma_start3A_137 = arith.constant 0 : i32
          %dma_start3A_138 = tpu.memref_slice %arg11[%dma_start3A_136, %dma_start3A_137] : memref<10112x128xf32, #tpu.memory_space<vmem_shared>> -> memref<10112x128xf32, #tpu.memory_space<vmem_shared>>
          tpu.enqueue_indirect_dma source(%arg9 : memref<128x128xf32, #tpu.memory_space<vmem>>) target(%dma_start3A_138 : memref<10112x128xf32, #tpu.memory_space<vmem_shared>>) offsets(%dma_start3A_135 : memref<128xi32, #tpu.memory_space<vmem>>) semaphore(%run_scoped3A : memref<!tpu.dma_semaphore, #tpu.memory_space<semaphore_mem>>) {add = true}
          %dma_wait3A_139 = arith.constant 0 : i32
          %dma_wait3A_140 = tpu.memref_slice %arg8[%add3A_104, %dma_wait3A_139] : memref<40x128xi32, #tpu.memory_space<vmem>> -> memref<1x128xi32, #tpu.memory_space<vmem>>
          %dma_wait3A_141 = tpu.memref_squeeze %dma_wait3A_140 : memref<1x128xi32, #tpu.memory_space<vmem>> -> memref<128xi32, #tpu.memory_space<vmem>>
          %dma_wait3A_142 = arith.constant 0 : i32
          %dma_wait3A_143 = arith.constant 0 : i32
          %dma_wait3A_144 = tpu.memref_slice %arg11[%dma_wait3A_142, %dma_wait3A_143] : memref<10112x128xf32, #tpu.memory_space<vmem_shared>> -> memref<10112x128xf32, #tpu.memory_space<vmem_shared>>
          tpu.wait_indirect_dma semaphore(%run_scoped3A : memref<!tpu.dma_semaphore, #tpu.memory_space<semaphore_mem>>) src(%arg9 : memref<128x128xf32, #tpu.memory_space<vmem>>) dst(%dma_wait3A_144 : memref<10112x128xf32, #tpu.memory_space<vmem_shared>>)
          tpu.yield
        }) : () -> ()
        %add3A_110 = arith.constant 2 : i32
        %add3A_111 = arith.addi %add3A_104, %add3A_110 : i32
        %lt3A = arith.constant 32 : i32
        %lt3A_112 = arith.cmpi slt, %add3A_111, %lt3A : i32
        %convert_element_type3A_113 = arith.extui %lt3A_112 : i1 to i32
        %cond3A_114 = arith.constant 0 : i32
        %cond3A_115 = arith.cmpi ne, %convert_element_type3A_113, %cond3A_114 : i32
        scf.if %cond3A_115 {
          %add3A_133 = arith.constant 2 : i32
          %add3A_134 = arith.addi %add3A_104, %add3A_133 : i32
          %dma_start3A_135 = arith.constant 0 : i32
          %dma_start3A_136 = tpu.memref_slice %arg7[%add3A_134, %dma_start3A_135] : memref<40x128xi32, #tpu.memory_space<vmem>> -> memref<1x128xi32, #tpu.memory_space<vmem>>
          %dma_start3A_137 = tpu.memref_squeeze %dma_start3A_136 : memref<1x128xi32, #tpu.memory_space<vmem>> -> memref<128xi32, #tpu.memory_space<vmem>>
          %dma_start3A_138 = arith.constant 0 : i32
          %dma_start3A_139 = arith.constant 0 : i32
          %dma_start3A_140 = tpu.memref_slice %arg2[%dma_start3A_138, %dma_start3A_139] : memref<10112x128xf32, #tpu.memory_space<hbm>> -> memref<10112x128xf32, #tpu.memory_space<hbm>>
          tpu.enqueue_indirect_dma source(%dma_start3A_140 : memref<10112x128xf32, #tpu.memory_space<hbm>>) target(%arg9 : memref<128x128xf32, #tpu.memory_space<vmem>>) offsets(%dma_start3A_137 : memref<128xi32, #tpu.memory_space<vmem>>) semaphore(%arg12 : memref<!tpu.dma_semaphore, #tpu.memory_space<semaphore_mem>>)
        } else {
        }
        %mul3A_116 = arith.constant 2 : i32
        %mul3A_117 = arith.muli %mul3A_116, %scan3A_100 : i32
        %add3A_118 = arith.constant 1 : i32
        %add3A_119 = arith.addi %mul3A_117, %add3A_118 : i32
        %dma_wait3A_120 = arith.constant 0 : i32
        %dma_wait3A_121 = tpu.memref_slice %arg7[%add3A_119, %dma_wait3A_120] : memref<40x128xi32, #tpu.memory_space<vmem>> -> memref<1x128xi32, #tpu.memory_space<vmem>>
        %dma_wait3A_122 = tpu.memref_squeeze %dma_wait3A_121 : memref<1x128xi32, #tpu.memory_space<vmem>> -> memref<128xi32, #tpu.memory_space<vmem>>
        %dma_wait3A_123 = arith.constant 0 : i32
        %dma_wait3A_124 = arith.constant 0 : i32
        %dma_wait3A_125 = tpu.memref_slice %arg2[%dma_wait3A_123, %dma_wait3A_124] : memref<10112x128xf32, #tpu.memory_space<hbm>> -> memref<10112x128xf32, #tpu.memory_space<hbm>>
        tpu.wait_indirect_dma semaphore(%arg13 : memref<!tpu.dma_semaphore, #tpu.memory_space<semaphore_mem>>) src(%dma_wait3A_125 : memref<10112x128xf32, #tpu.memory_space<hbm>>) dst(%arg10 : memref<128x128xf32, #tpu.memory_space<vmem>>)
        "tpu.region"() ({
          %run_scoped3A = tpu.sem_alloc : memref<!tpu.dma_semaphore, #tpu.memory_space<semaphore_mem>>
          %dma_start3A_133 = arith.constant 0 : i32
          %dma_start3A_134 = tpu.memref_slice %arg8[%add3A_119, %dma_start3A_133] : memref<40x128xi32, #tpu.memory_space<vmem>> -> memref<1x128xi32, #tpu.memory_space<vmem>>
          %dma_start3A_135 = tpu.memref_squeeze %dma_start3A_134 : memref<1x128xi32, #tpu.memory_space<vmem>> -> memref<128xi32, #tpu.memory_space<vmem>>
          %dma_start3A_136 = arith.constant 0 : i32
          %dma_start3A_137 = arith.constant 0 : i32
          %dma_start3A_138 = tpu.memref_slice %arg11[%dma_start3A_136, %dma_start3A_137] : memref<10112x128xf32, #tpu.memory_space<vmem_shared>> -> memref<10112x128xf32, #tpu.memory_space<vmem_shared>>
          tpu.enqueue_indirect_dma source(%arg10 : memref<128x128xf32, #tpu.memory_space<vmem>>) target(%dma_start3A_138 : memref<10112x128xf32, #tpu.memory_space<vmem_shared>>) offsets(%dma_start3A_135 : memref<128xi32, #tpu.memory_space<vmem>>) semaphore(%run_scoped3A : memref<!tpu.dma_semaphore, #tpu.memory_space<semaphore_mem>>) {add = true}
          %dma_wait3A_139 = arith.constant 0 : i32
          %dma_wait3A_140 = tpu.memref_slice %arg8[%add3A_119, %dma_wait3A_139] : memref<40x128xi32, #tpu.memory_space<vmem>> -> memref<1x128xi32, #tpu.memory_space<vmem>>
          %dma_wait3A_141 = tpu.memref_squeeze %dma_wait3A_140 : memref<1x128xi32, #tpu.memory_space<vmem>> -> memref<128xi32, #tpu.memory_space<vmem>>
          %dma_wait3A_142 = arith.constant 0 : i32
          %dma_wait3A_143 = arith.constant 0 : i32
          %dma_wait3A_144 = tpu.memref_slice %arg11[%dma_wait3A_142, %dma_wait3A_143] : memref<10112x128xf32, #tpu.memory_space<vmem_shared>> -> memref<10112x128xf32, #tpu.memory_space<vmem_shared>>
          tpu.wait_indirect_dma semaphore(%run_scoped3A : memref<!tpu.dma_semaphore, #tpu.memory_space<semaphore_mem>>) src(%arg10 : memref<128x128xf32, #tpu.memory_space<vmem>>) dst(%dma_wait3A_144 : memref<10112x128xf32, #tpu.memory_space<vmem_shared>>)
          tpu.yield
        }) : () -> ()
        %add3A_126 = arith.constant 2 : i32
        %add3A_127 = arith.addi %add3A_119, %add3A_126 : i32
        %lt3A_128 = arith.constant 32 : i32
        %lt3A_129 = arith.cmpi slt, %add3A_127, %lt3A_128 : i32
        %convert_element_type3A_130 = arith.extui %lt3A_129 : i1 to i32
        %cond3A_131 = arith.constant 0 : i32
        %cond3A_132 = arith.cmpi ne, %convert_element_type3A_130, %cond3A_131 : i32
        scf.if %cond3A_132 {
          %add3A_133 = arith.constant 2 : i32
          %add3A_134 = arith.addi %add3A_119, %add3A_133 : i32
          %dma_start3A_135 = arith.constant 0 : i32
          %dma_start3A_136 = tpu.memref_slice %arg7[%add3A_134, %dma_start3A_135] : memref<40x128xi32, #tpu.memory_space<vmem>> -> memref<1x128xi32, #tpu.memory_space<vmem>>
          %dma_start3A_137 = tpu.memref_squeeze %dma_start3A_136 : memref<1x128xi32, #tpu.memory_space<vmem>> -> memref<128xi32, #tpu.memory_space<vmem>>
          %dma_start3A_138 = arith.constant 0 : i32
          %dma_start3A_139 = arith.constant 0 : i32
          %dma_start3A_140 = tpu.memref_slice %arg2[%dma_start3A_138, %dma_start3A_139] : memref<10112x128xf32, #tpu.memory_space<hbm>> -> memref<10112x128xf32, #tpu.memory_space<hbm>>
          tpu.enqueue_indirect_dma source(%dma_start3A_140 : memref<10112x128xf32, #tpu.memory_space<hbm>>) target(%arg10 : memref<128x128xf32, #tpu.memory_space<vmem>>) offsets(%dma_start3A_137 : memref<128xi32, #tpu.memory_space<vmem>>) semaphore(%arg13 : memref<!tpu.dma_semaphore, #tpu.memory_space<semaphore_mem>>)
        } else {
        }
      }
      %scan3A_99 = arith.constant 16 : i32
    } else {
    }
    %eq3A_3 = arith.constant 1 : i32
    %eq3A_4 = arith.cmpi eq, %arg0, %eq3A_3 : i32
    %convert_element_type3A_5 = arith.extui %eq3A_4 : i1 to i32
    %cond3A_6 = arith.constant 0 : i32
    %cond3A_7 = arith.cmpi ne, %convert_element_type3A_5, %cond3A_6 : i32
    scf.if %cond3A_7 {
      %mul3A_13 = arith.constant 8 : i32
      %mul3A_14 = arith.muli %arg1, %mul3A_13 : i32
      %add3A = arith.constant 2432 : i32
      %add3A_15 = arith.addi %add3A, %mul3A_14 : i32
      %add3A_16 = arith.constant 0 : i32
      %add3A_17 = arith.addi %add3A_15, %add3A_16 : i32
      "tpu.region"() ({
        %run_scoped3A = tpu.sem_alloc : memref<!tpu.dma_semaphore, #tpu.memory_space<semaphore_mem>>
        %dma_start3A_36 = arith.constant 0 : i32
        %dma_start3A_37 = arith.constant 0 : i32
        %dma_start3A_38 = tpu.memref_slice %arg7[%dma_start3A_36, %dma_start3A_37] : memref<40x128xi32, #tpu.memory_space<vmem>> -> memref<8x128xi32, #tpu.memory_space<vmem>>
        %dma_start3A_39 = arith.constant 0 : i32
        %dma_start3A_40 = tpu.memref_slice %arg3[%add3A_17, %dma_start3A_39] : memref<2560x128xi32, #tpu.memory_space<hbm>> -> memref<8x128xi32, #tpu.memory_space<hbm>>
        %dma_start3A_41 = arith.constant 0 : i32
        %dma_start3A_42 = arith.constant 0 : i32
        %dma_start3A_43 = tpu.memref_slice %arg7[%dma_start3A_41, %dma_start3A_42] : memref<40x128xi32, #tpu.memory_space<vmem>> -> memref<8x128xi32, #tpu.memory_space<vmem>>
        %dma_start3A_44 = arith.constant 0 : i32
        %dma_start3A_45 = tpu.memref_slice %arg3[%add3A_17, %dma_start3A_44] : memref<2560x128xi32, #tpu.memory_space<hbm>> -> memref<8x128xi32, #tpu.memory_space<hbm>>
        tpu.enqueue_dma source(%dma_start3A_45 : memref<8x128xi32, #tpu.memory_space<hbm>>) target(%dma_start3A_43 : memref<8x128xi32, #tpu.memory_space<vmem>>) target_semaphore(%run_scoped3A : memref<!tpu.dma_semaphore, #tpu.memory_space<semaphore_mem>>)
        %dma_wait3A = arith.constant 0 : i32
        %dma_wait3A_46 = arith.constant 0 : i32
        %dma_wait3A_47 = tpu.memref_slice %arg7[%dma_wait3A, %dma_wait3A_46] : memref<40x128xi32, #tpu.memory_space<vmem>> -> memref<8x128xi32, #tpu.memory_space<vmem>>
        %dma_wait3A_48 = arith.constant 0 : i32
        %dma_wait3A_49 = tpu.memref_slice %arg3[%add3A_17, %dma_wait3A_48] : memref<2560x128xi32, #tpu.memory_space<hbm>> -> memref<8x128xi32, #tpu.memory_space<hbm>>
        %dma_wait3A_50 = arith.constant 0 : i32
        %dma_wait3A_51 = arith.constant 0 : i32
        %dma_wait3A_52 = tpu.memref_slice %arg7[%dma_wait3A_50, %dma_wait3A_51] : memref<40x128xi32, #tpu.memory_space<vmem>> -> memref<8x128xi32, #tpu.memory_space<vmem>>
        %dma_wait3A_53 = arith.constant 0 : i32
        %dma_wait3A_54 = tpu.memref_slice %arg3[%add3A_17, %dma_wait3A_53] : memref<2560x128xi32, #tpu.memory_space<hbm>> -> memref<8x128xi32, #tpu.memory_space<hbm>>
        tpu.wait_dma2 semaphore(%run_scoped3A : memref<!tpu.dma_semaphore, #tpu.memory_space<semaphore_mem>>) src(%dma_wait3A_54 : memref<8x128xi32, #tpu.memory_space<hbm>>) dst(%dma_wait3A_52 : memref<8x128xi32, #tpu.memory_space<vmem>>)
        tpu.yield
      }) : () -> ()
      "tpu.region"() ({
        %run_scoped3A = tpu.sem_alloc : memref<!tpu.dma_semaphore, #tpu.memory_space<semaphore_mem>>
        %dma_start3A_36 = arith.constant 0 : i32
        %dma_start3A_37 = arith.constant 0 : i32
        %dma_start3A_38 = tpu.memref_slice %arg8[%dma_start3A_36, %dma_start3A_37] : memref<40x128xi32, #tpu.memory_space<vmem>> -> memref<8x128xi32, #tpu.memory_space<vmem>>
        %dma_start3A_39 = arith.constant 0 : i32
        %dma_start3A_40 = tpu.memref_slice %arg4[%add3A_17, %dma_start3A_39] : memref<2560x128xi32, #tpu.memory_space<hbm>> -> memref<8x128xi32, #tpu.memory_space<hbm>>
        %dma_start3A_41 = arith.constant 0 : i32
        %dma_start3A_42 = arith.constant 0 : i32
        %dma_start3A_43 = tpu.memref_slice %arg8[%dma_start3A_41, %dma_start3A_42] : memref<40x128xi32, #tpu.memory_space<vmem>> -> memref<8x128xi32, #tpu.memory_space<vmem>>
        %dma_start3A_44 = arith.constant 0 : i32
        %dma_start3A_45 = tpu.memref_slice %arg4[%add3A_17, %dma_start3A_44] : memref<2560x128xi32, #tpu.memory_space<hbm>> -> memref<8x128xi32, #tpu.memory_space<hbm>>
        tpu.enqueue_dma source(%dma_start3A_45 : memref<8x128xi32, #tpu.memory_space<hbm>>) target(%dma_start3A_43 : memref<8x128xi32, #tpu.memory_space<vmem>>) target_semaphore(%run_scoped3A : memref<!tpu.dma_semaphore, #tpu.memory_space<semaphore_mem>>)
        %dma_wait3A = arith.constant 0 : i32
        %dma_wait3A_46 = arith.constant 0 : i32
        %dma_wait3A_47 = tpu.memref_slice %arg8[%dma_wait3A, %dma_wait3A_46] : memref<40x128xi32, #tpu.memory_space<vmem>> -> memref<8x128xi32, #tpu.memory_space<vmem>>
        %dma_wait3A_48 = arith.constant 0 : i32
        %dma_wait3A_49 = tpu.memref_slice %arg4[%add3A_17, %dma_wait3A_48] : memref<2560x128xi32, #tpu.memory_space<hbm>> -> memref<8x128xi32, #tpu.memory_space<hbm>>
        %dma_wait3A_50 = arith.constant 0 : i32
        %dma_wait3A_51 = arith.constant 0 : i32
        %dma_wait3A_52 = tpu.memref_slice %arg8[%dma_wait3A_50, %dma_wait3A_51] : memref<40x128xi32, #tpu.memory_space<vmem>> -> memref<8x128xi32, #tpu.memory_space<vmem>>
        %dma_wait3A_53 = arith.constant 0 : i32
        %dma_wait3A_54 = tpu.memref_slice %arg4[%add3A_17, %dma_wait3A_53] : memref<2560x128xi32, #tpu.memory_space<hbm>> -> memref<8x128xi32, #tpu.memory_space<hbm>>
        tpu.wait_dma2 semaphore(%run_scoped3A : memref<!tpu.dma_semaphore, #tpu.memory_space<semaphore_mem>>) src(%dma_wait3A_54 : memref<8x128xi32, #tpu.memory_space<hbm>>) dst(%dma_wait3A_52 : memref<8x128xi32, #tpu.memory_space<vmem>>)
        tpu.yield
      }) : () -> ()
      %dma_start3A = arith.constant 0 : i32
      %dma_start3A_18 = arith.constant 0 : i32
      %dma_start3A_19 = tpu.memref_slice %arg7[%dma_start3A, %dma_start3A_18] : memref<40x128xi32, #tpu.memory_space<vmem>> -> memref<1x128xi32, #tpu.memory_space<vmem>>
      %dma_start3A_20 = tpu.memref_squeeze %dma_start3A_19 : memref<1x128xi32, #tpu.memory_space<vmem>> -> memref<128xi32, #tpu.memory_space<vmem>>
      %dma_start3A_21 = arith.constant 0 : i32
      %dma_start3A_22 = arith.constant 0 : i32
      %dma_start3A_23 = tpu.memref_slice %arg2[%dma_start3A_21, %dma_start3A_22] : memref<10112x128xf32, #tpu.memory_space<hbm>> -> memref<10112x128xf32, #tpu.memory_space<hbm>>
      tpu.enqueue_indirect_dma source(%dma_start3A_23 : memref<10112x128xf32, #tpu.memory_space<hbm>>) target(%arg9 : memref<128x128xf32, #tpu.memory_space<vmem>>) offsets(%dma_start3A_20 : memref<128xi32, #tpu.memory_space<vmem>>) semaphore(%arg12 : memref<!tpu.dma_semaphore, #tpu.memory_space<semaphore_mem>>)
      %dma_start3A_24 = arith.constant 1 : i32
      %dma_start3A_25 = arith.constant 0 : i32
      %dma_start3A_26 = tpu.memref_slice %arg7[%dma_start3A_24, %dma_start3A_25] : memref<40x128xi32, #tpu.memory_space<vmem>> -> memref<1x128xi32, #tpu.memory_space<vmem>>
      %dma_start3A_27 = tpu.memref_squeeze %dma_start3A_26 : memref<1x128xi32, #tpu.memory_space<vmem>> -> memref<128xi32, #tpu.memory_space<vmem>>
      %dma_start3A_28 = arith.constant 0 : i32
      %dma_start3A_29 = arith.constant 0 : i32
      %dma_start3A_30 = tpu.memref_slice %arg2[%dma_start3A_28, %dma_start3A_29] : memref<10112x128xf32, #tpu.memory_space<hbm>> -> memref<10112x128xf32, #tpu.memory_space<hbm>>
      tpu.enqueue_indirect_dma source(%dma_start3A_30 : memref<10112x128xf32, #tpu.memory_space<hbm>>) target(%arg10 : memref<128x128xf32, #tpu.memory_space<vmem>>) offsets(%dma_start3A_27 : memref<128xi32, #tpu.memory_space<vmem>>) semaphore(%arg13 : memref<!tpu.dma_semaphore, #tpu.memory_space<semaphore_mem>>)
      %scan3A = arith.constant 0 : i32
      %scan3A_31 = arith.constant 0 : i32
      %scan3A_32 = arith.constant 4 : i32
      %scan3A_33 = arith.addi %scan3A_31, %scan3A_32 : i32
      %scan3A_34 = arith.constant 1 : i32
      scf.for %scan3A_36 = %scan3A_31 to %scan3A_33 step %scan3A_34  : i32 {
        %mul3A_37 = arith.constant 2 : i32
        %mul3A_38 = arith.muli %mul3A_37, %scan3A_36 : i32
        %add3A_39 = arith.constant 0 : i32
        %add3A_40 = arith.addi %mul3A_38, %add3A_39 : i32
        %dma_wait3A = arith.constant 0 : i32
        %dma_wait3A_41 = tpu.memref_slice %arg7[%add3A_40, %dma_wait3A] : memref<40x128xi32, #tpu.memory_space<vmem>> -> memref<1x128xi32, #tpu.memory_space<vmem>>
        %dma_wait3A_42 = tpu.memref_squeeze %dma_wait3A_41 : memref<1x128xi32, #tpu.memory_space<vmem>> -> memref<128xi32, #tpu.memory_space<vmem>>
        %dma_wait3A_43 = arith.constant 0 : i32
        %dma_wait3A_44 = arith.constant 0 : i32
        %dma_wait3A_45 = tpu.memref_slice %arg2[%dma_wait3A_43, %dma_wait3A_44] : memref<10112x128xf32, #tpu.memory_space<hbm>> -> memref<10112x128xf32, #tpu.memory_space<hbm>>
        tpu.wait_indirect_dma semaphore(%arg12 : memref<!tpu.dma_semaphore, #tpu.memory_space<semaphore_mem>>) src(%dma_wait3A_45 : memref<10112x128xf32, #tpu.memory_space<hbm>>) dst(%arg9 : memref<128x128xf32, #tpu.memory_space<vmem>>)
        "tpu.region"() ({
          %run_scoped3A = tpu.sem_alloc : memref<!tpu.dma_semaphore, #tpu.memory_space<semaphore_mem>>
          %dma_start3A_69 = arith.constant 0 : i32
          %dma_start3A_70 = tpu.memref_slice %arg8[%add3A_40, %dma_start3A_69] : memref<40x128xi32, #tpu.memory_space<vmem>> -> memref<1x128xi32, #tpu.memory_space<vmem>>
          %dma_start3A_71 = tpu.memref_squeeze %dma_start3A_70 : memref<1x128xi32, #tpu.memory_space<vmem>> -> memref<128xi32, #tpu.memory_space<vmem>>
          %dma_start3A_72 = arith.constant 0 : i32
          %dma_start3A_73 = arith.constant 0 : i32
          %dma_start3A_74 = tpu.memref_slice %arg11[%dma_start3A_72, %dma_start3A_73] : memref<10112x128xf32, #tpu.memory_space<vmem_shared>> -> memref<10112x128xf32, #tpu.memory_space<vmem_shared>>
          tpu.enqueue_indirect_dma source(%arg9 : memref<128x128xf32, #tpu.memory_space<vmem>>) target(%dma_start3A_74 : memref<10112x128xf32, #tpu.memory_space<vmem_shared>>) offsets(%dma_start3A_71 : memref<128xi32, #tpu.memory_space<vmem>>) semaphore(%run_scoped3A : memref<!tpu.dma_semaphore, #tpu.memory_space<semaphore_mem>>) {add = true}
          %dma_wait3A_75 = arith.constant 0 : i32
          %dma_wait3A_76 = tpu.memref_slice %arg8[%add3A_40, %dma_wait3A_75] : memref<40x128xi32, #tpu.memory_space<vmem>> -> memref<1x128xi32, #tpu.memory_space<vmem>>
          %dma_wait3A_77 = tpu.memref_squeeze %dma_wait3A_76 : memref<1x128xi32, #tpu.memory_space<vmem>> -> memref<128xi32, #tpu.memory_space<vmem>>
          %dma_wait3A_78 = arith.constant 0 : i32
          %dma_wait3A_79 = arith.constant 0 : i32
          %dma_wait3A_80 = tpu.memref_slice %arg11[%dma_wait3A_78, %dma_wait3A_79] : memref<10112x128xf32, #tpu.memory_space<vmem_shared>> -> memref<10112x128xf32, #tpu.memory_space<vmem_shared>>
          tpu.wait_indirect_dma semaphore(%run_scoped3A : memref<!tpu.dma_semaphore, #tpu.memory_space<semaphore_mem>>) src(%arg9 : memref<128x128xf32, #tpu.memory_space<vmem>>) dst(%dma_wait3A_80 : memref<10112x128xf32, #tpu.memory_space<vmem_shared>>)
          tpu.yield
        }) : () -> ()
        %add3A_46 = arith.constant 2 : i32
        %add3A_47 = arith.addi %add3A_40, %add3A_46 : i32
        %lt3A = arith.constant 8 : i32
        %lt3A_48 = arith.cmpi slt, %add3A_47, %lt3A : i32
        %convert_element_type3A_49 = arith.extui %lt3A_48 : i1 to i32
        %cond3A_50 = arith.constant 0 : i32
        %cond3A_51 = arith.cmpi ne, %convert_element_type3A_49, %cond3A_50 : i32
        scf.if %cond3A_51 {
          %add3A_69 = arith.constant 2 : i32
          %add3A_70 = arith.addi %add3A_40, %add3A_69 : i32
          %dma_start3A_71 = arith.constant 0 : i32
          %dma_start3A_72 = tpu.memref_slice %arg7[%add3A_70, %dma_start3A_71] : memref<40x128xi32, #tpu.memory_space<vmem>> -> memref<1x128xi32, #tpu.memory_space<vmem>>
          %dma_start3A_73 = tpu.memref_squeeze %dma_start3A_72 : memref<1x128xi32, #tpu.memory_space<vmem>> -> memref<128xi32, #tpu.memory_space<vmem>>
          %dma_start3A_74 = arith.constant 0 : i32
          %dma_start3A_75 = arith.constant 0 : i32
          %dma_start3A_76 = tpu.memref_slice %arg2[%dma_start3A_74, %dma_start3A_75] : memref<10112x128xf32, #tpu.memory_space<hbm>> -> memref<10112x128xf32, #tpu.memory_space<hbm>>
          tpu.enqueue_indirect_dma source(%dma_start3A_76 : memref<10112x128xf32, #tpu.memory_space<hbm>>) target(%arg9 : memref<128x128xf32, #tpu.memory_space<vmem>>) offsets(%dma_start3A_73 : memref<128xi32, #tpu.memory_space<vmem>>) semaphore(%arg12 : memref<!tpu.dma_semaphore, #tpu.memory_space<semaphore_mem>>)
        } else {
        }
        %mul3A_52 = arith.constant 2 : i32
        %mul3A_53 = arith.muli %mul3A_52, %scan3A_36 : i32
        %add3A_54 = arith.constant 1 : i32
        %add3A_55 = arith.addi %mul3A_53, %add3A_54 : i32
        %dma_wait3A_56 = arith.constant 0 : i32
        %dma_wait3A_57 = tpu.memref_slice %arg7[%add3A_55, %dma_wait3A_56] : memref<40x128xi32, #tpu.memory_space<vmem>> -> memref<1x128xi32, #tpu.memory_space<vmem>>
        %dma_wait3A_58 = tpu.memref_squeeze %dma_wait3A_57 : memref<1x128xi32, #tpu.memory_space<vmem>> -> memref<128xi32, #tpu.memory_space<vmem>>
        %dma_wait3A_59 = arith.constant 0 : i32
        %dma_wait3A_60 = arith.constant 0 : i32
        %dma_wait3A_61 = tpu.memref_slice %arg2[%dma_wait3A_59, %dma_wait3A_60] : memref<10112x128xf32, #tpu.memory_space<hbm>> -> memref<10112x128xf32, #tpu.memory_space<hbm>>
        tpu.wait_indirect_dma semaphore(%arg13 : memref<!tpu.dma_semaphore, #tpu.memory_space<semaphore_mem>>) src(%dma_wait3A_61 : memref<10112x128xf32, #tpu.memory_space<hbm>>) dst(%arg10 : memref<128x128xf32, #tpu.memory_space<vmem>>)
        "tpu.region"() ({
          %run_scoped3A = tpu.sem_alloc : memref<!tpu.dma_semaphore, #tpu.memory_space<semaphore_mem>>
          %dma_start3A_69 = arith.constant 0 : i32
          %dma_start3A_70 = tpu.memref_slice %arg8[%add3A_55, %dma_start3A_69] : memref<40x128xi32, #tpu.memory_space<vmem>> -> memref<1x128xi32, #tpu.memory_space<vmem>>
          %dma_start3A_71 = tpu.memref_squeeze %dma_start3A_70 : memref<1x128xi32, #tpu.memory_space<vmem>> -> memref<128xi32, #tpu.memory_space<vmem>>
          %dma_start3A_72 = arith.constant 0 : i32
          %dma_start3A_73 = arith.constant 0 : i32
          %dma_start3A_74 = tpu.memref_slice %arg11[%dma_start3A_72, %dma_start3A_73] : memref<10112x128xf32, #tpu.memory_space<vmem_shared>> -> memref<10112x128xf32, #tpu.memory_space<vmem_shared>>
          tpu.enqueue_indirect_dma source(%arg10 : memref<128x128xf32, #tpu.memory_space<vmem>>) target(%dma_start3A_74 : memref<10112x128xf32, #tpu.memory_space<vmem_shared>>) offsets(%dma_start3A_71 : memref<128xi32, #tpu.memory_space<vmem>>) semaphore(%run_scoped3A : memref<!tpu.dma_semaphore, #tpu.memory_space<semaphore_mem>>) {add = true}
          %dma_wait3A_75 = arith.constant 0 : i32
          %dma_wait3A_76 = tpu.memref_slice %arg8[%add3A_55, %dma_wait3A_75] : memref<40x128xi32, #tpu.memory_space<vmem>> -> memref<1x128xi32, #tpu.memory_space<vmem>>
          %dma_wait3A_77 = tpu.memref_squeeze %dma_wait3A_76 : memref<1x128xi32, #tpu.memory_space<vmem>> -> memref<128xi32, #tpu.memory_space<vmem>>
          %dma_wait3A_78 = arith.constant 0 : i32
          %dma_wait3A_79 = arith.constant 0 : i32
          %dma_wait3A_80 = tpu.memref_slice %arg11[%dma_wait3A_78, %dma_wait3A_79] : memref<10112x128xf32, #tpu.memory_space<vmem_shared>> -> memref<10112x128xf32, #tpu.memory_space<vmem_shared>>
          tpu.wait_indirect_dma semaphore(%run_scoped3A : memref<!tpu.dma_semaphore, #tpu.memory_space<semaphore_mem>>) src(%arg10 : memref<128x128xf32, #tpu.memory_space<vmem>>) dst(%dma_wait3A_80 : memref<10112x128xf32, #tpu.memory_space<vmem_shared>>)
          tpu.yield
        }) : () -> ()
        %add3A_62 = arith.constant 2 : i32
        %add3A_63 = arith.addi %add3A_55, %add3A_62 : i32
        %lt3A_64 = arith.constant 8 : i32
        %lt3A_65 = arith.cmpi slt, %add3A_63, %lt3A_64 : i32
        %convert_element_type3A_66 = arith.extui %lt3A_65 : i1 to i32
        %cond3A_67 = arith.constant 0 : i32
        %cond3A_68 = arith.cmpi ne, %convert_element_type3A_66, %cond3A_67 : i32
        scf.if %cond3A_68 {
          %add3A_69 = arith.constant 2 : i32
          %add3A_70 = arith.addi %add3A_55, %add3A_69 : i32
          %dma_start3A_71 = arith.constant 0 : i32
          %dma_start3A_72 = tpu.memref_slice %arg7[%add3A_70, %dma_start3A_71] : memref<40x128xi32, #tpu.memory_space<vmem>> -> memref<1x128xi32, #tpu.memory_space<vmem>>
          %dma_start3A_73 = tpu.memref_squeeze %dma_start3A_72 : memref<1x128xi32, #tpu.memory_space<vmem>> -> memref<128xi32, #tpu.memory_space<vmem>>
          %dma_start3A_74 = arith.constant 0 : i32
          %dma_start3A_75 = arith.constant 0 : i32
          %dma_start3A_76 = tpu.memref_slice %arg2[%dma_start3A_74, %dma_start3A_75] : memref<10112x128xf32, #tpu.memory_space<hbm>> -> memref<10112x128xf32, #tpu.memory_space<hbm>>
          tpu.enqueue_indirect_dma source(%dma_start3A_76 : memref<10112x128xf32, #tpu.memory_space<hbm>>) target(%arg10 : memref<128x128xf32, #tpu.memory_space<vmem>>) offsets(%dma_start3A_73 : memref<128xi32, #tpu.memory_space<vmem>>) semaphore(%arg13 : memref<!tpu.dma_semaphore, #tpu.memory_space<semaphore_mem>>)
        } else {
        }
      }
      %scan3A_35 = arith.constant 4 : i32
    } else {
    }
    %barrier3A_8 = arith.constant 0 : index
    tpu.barrier barrier_id(%barrier3A_8)
    %mul3A_9 = arith.constant 632 : i32
    %mul3A_10 = arith.muli %arg1, %mul3A_9 : i32
    %mul3A_11 = arith.constant 632 : i32
    %mul3A_12 = arith.muli %arg1, %mul3A_11 : i32
    "tpu.region"() ({
      %run_scoped3A = tpu.sem_alloc : memref<!tpu.dma_semaphore, #tpu.memory_space<semaphore_mem>>
      %dma_start3A = arith.constant 0 : i32
      %dma_start3A_13 = tpu.memref_slice %arg6[%arg0, %mul3A_12, %dma_start3A] : memref<2x10112x128xf32, #tpu.memory_space<hbm>> -> memref<1x632x128xf32, #tpu.memory_space<hbm>>
      %dma_start3A_14 = tpu.memref_squeeze %dma_start3A_13 : memref<1x632x128xf32, #tpu.memory_space<hbm>> -> memref<632x128xf32, #tpu.memory_space<hbm>>
      %dma_start3A_15 = arith.constant 0 : i32
      %dma_start3A_16 = tpu.memref_slice %arg11[%mul3A_10, %dma_start3A_15] : memref<10112x128xf32, #tpu.memory_space<vmem_shared>> -> memref<632x128xf32, #tpu.memory_space<vmem_shared>>
      tpu.enqueue_dma source(%dma_start3A_16 : memref<632x128xf32, #tpu.memory_space<vmem_shared>>) target(%dma_start3A_14 : memref<632x128xf32, #tpu.memory_space<hbm>>) target_semaphore(%run_scoped3A : memref<!tpu.dma_semaphore, #tpu.memory_space<semaphore_mem>>)
      %dma_wait3A = arith.constant 0 : i32
      %dma_wait3A_17 = tpu.memref_slice %arg6[%arg0, %mul3A_12, %dma_wait3A] : memref<2x10112x128xf32, #tpu.memory_space<hbm>> -> memref<1x632x128xf32, #tpu.memory_space<hbm>>
      %dma_wait3A_18 = tpu.memref_squeeze %dma_wait3A_17 : memref<1x632x128xf32, #tpu.memory_space<hbm>> -> memref<632x128xf32, #tpu.memory_space<hbm>>
      %dma_wait3A_19 = arith.constant 0 : i32
      %dma_wait3A_20 = tpu.memref_slice %arg11[%mul3A_10, %dma_wait3A_19] : memref<10112x128xf32, #tpu.memory_space<vmem_shared>> -> memref<632x128xf32, #tpu.memory_space<vmem_shared>>
      tpu.wait_dma2 semaphore(%run_scoped3A : memref<!tpu.dma_semaphore, #tpu.memory_space<semaphore_mem>>) src(%dma_wait3A_20 : memref<632x128xf32, #tpu.memory_space<vmem_shared>>) dst(%dma_wait3A_18 : memref<632x128xf32, #tpu.memory_space<hbm>>)
      tpu.yield
    }) : () -> ()
    return
  }
}

module attributes {stable_mosaic.version = 14 : i64} {
  func.func @_mm_scale_body(%arg0: i32, %arg1: memref<1000x128xf32, #tpu.memory_space<vmem>>, %arg2: memref<128x128xf32, #tpu.memory_space<vmem>>, %arg3: memref<1000x1xf32, #tpu.memory_space<vmem>>, %arg4: memref<1000x128xf32, #tpu.memory_space<vmem>>) attributes {dimension_semantics = [#tpu.dimension_semantics<arbitrary>], iteration_bounds = array<i64: 10>, scalar_prefetch = 0 : i64, scratch_operands = 0 : i64, tpu.core_type = #tpu.core_type<tc>, window_params = [{transform_indices = @transform_0, window_bounds = array<i64: 1000, 128>}, {pipeline_mode = #tpu.pipeline_mode<synchronous>, transform_indices = @transform_1, window_bounds = array<i64: 128, 128>}, {transform_indices = @transform_2, window_bounds = array<i64: 1000, 1>}, {transform_indices = @transform_3, window_bounds = array<i64: 1000, 128>}]} {
    %get3A = arith.constant 0 : index
    %get3A_0 = arith.constant 0 : index
    %get3A_1 = vector.load %arg1[%get3A, %get3A_0] : memref<1000x128xf32, #tpu.memory_space<vmem>>, vector<1000x128xf32>
    %get3A_2 = arith.constant 0 : index
    %get3A_3 = arith.constant 0 : index
    %get3A_4 = vector.load %arg2[%get3A_2, %get3A_3] : memref<128x128xf32, #tpu.memory_space<vmem>>, vector<128x128xf32>
    %dot_general3A = arith.constant dense<0.000000e+00> : vector<1000x128xf32>
    %dot_general3A_5 = tpu.matmul %get3A_1, %get3A_4, %dot_general3A {dimension_numbers = #tpu.dot_dimension_numbers<[1], [0], [0], [1], [0, 0, 1, 1], [], []>, transpose_lhs_hint = false} : vector<1000x128xf32>, vector<128x128xf32>, vector<1000x128xf32> -> vector<1000x128xf32>
    %get3A_6 = arith.constant 0 : index
    %get3A_7 = arith.constant 0 : index
    %get3A_8 = vector.load %arg3[%get3A_6, %get3A_7] : memref<1000x1xf32, #tpu.memory_space<vmem>>, vector<1000x1xf32>
    %gt3A = arith.constant 0.000000e+00 : f32
    %gt3A_9 = vector.broadcast %gt3A : f32 to vector<1000x1xf32>
    %gt3A_10 = arith.cmpf ogt, %get3A_8, %gt3A_9 : vector<1000x1xf32>
    %max3A = arith.constant 9.99999996E-13 : f32
    %max3A_11 = vector.broadcast %max3A : f32 to vector<1000x1xf32>
    %max3A_12 = arith.maximumf %get3A_8, %max3A_11 : vector<1000x1xf32>
    %rsqrt3A = math.rsqrt %max3A_12 : vector<1000x1xf32>
    %jit3A = arith.constant 0.000000e+00 : f32
    %broadcast_in_dim3A = vector.broadcast %jit3A : f32 to vector<1000x1xf32>
    %select_n3A = arith.select %gt3A_10, %rsqrt3A, %broadcast_in_dim3A : vector<1000x1xi1>, vector<1000x1xf32>
    %mul3A = vector.broadcast %select_n3A : vector<1000x1xf32> to vector<1000x128xf32>
    %mul3A_13 = arith.mulf %dot_general3A_5, %mul3A : vector<1000x128xf32>
    %swap3A = arith.constant 0 : index
    %swap3A_14 = arith.constant 0 : index
    %swap3A_15 = vector.load %arg4[%swap3A, %swap3A_14] : memref<1000x128xf32, #tpu.memory_space<vmem>>, vector<1000x128xf32>
    tpu.vector_store %arg4[%swap3A, %swap3A_14], %mul3A_13 {strides = array<i32>} : memref<1000x128xf32, #tpu.memory_space<vmem>>, vector<1000x128xf32>,
    return
  }
  func.func @transform_0(%arg0: i32) -> (i32, i32) {
    %c0_i32 = arith.constant 0 : i32
    %c0_i32_0 = arith.constant 0 : i32
    return %arg0, %c0_i32 : i32, i32
  }
  func.func @transform_1(%arg0: i32) -> (i32, i32) {
    %c0_i32 = arith.constant 0 : i32
    %c0_i32_0 = arith.constant 0 : i32
    %c0_i32_1 = arith.constant 0 : i32
    return %c0_i32, %c0_i32_0 : i32, i32
  }
  func.func @transform_2(%arg0: i32) -> (i32, i32) {
    %c0_i32 = arith.constant 0 : i32
    %c0_i32_0 = arith.constant 0 : i32
    return %arg0, %c0_i32 : i32, i32
  }
  func.func @transform_3(%arg0: i32) -> (i32, i32) {
    %c0_i32 = arith.constant 0 : i32
    %c0_i32_0 = arith.constant 0 : i32
    return %arg0, %c0_i32 : i32, i32
  }
}

module attributes {stable_mosaic.version = 14 : i64} {
  func.func @_combine_stats_body(%arg0: i32, %arg1: memref<1x1000x128xf32, #tpu.memory_space<vmem>>, %arg2: memref<1x1000x128xf32, #tpu.memory_space<vmem>>, %arg3: memref<1000x1xf32, #tpu.memory_space<vmem>>, %arg4: memref<1x128xf32, #tpu.memory_space<vmem>>, %arg5: memref<1000x128xf32, #tpu.memory_space<vmem>>, %arg6: memref<8x128xf32, #tpu.memory_space<vmem>>, %arg7: memref<8x128xf32, #tpu.memory_space<vmem>>) attributes {dimension_semantics = [#tpu.dimension_semantics<arbitrary>], iteration_bounds = array<i64: 10>, scalar_prefetch = 0 : i64, scratch_operands = 1 : i64, tpu.core_type = #tpu.core_type<tc>, window_params = [{transform_indices = @transform_0, window_bounds = array<i64: 1, 1000, 128>}, {transform_indices = @transform_1, window_bounds = array<i64: 1, 1000, 128>}, {transform_indices = @transform_2, window_bounds = array<i64: 1000, 1>}, {pipeline_mode = #tpu.pipeline_mode<synchronous>, transform_indices = @transform_3, window_bounds = array<i64: 1, 128>}, {transform_indices = @transform_4, window_bounds = array<i64: 1000, 128>}, {pipeline_mode = #tpu.pipeline_mode<synchronous>, transform_indices = @transform_5, window_bounds = array<i64: 8, 128>}]} {
    %get3A = arith.constant 0 : index
    %get3A_0 = arith.constant 0 : index
    %get3A_1 = arith.constant 0 : index
    %get3A_2 = vector.load %arg1[%get3A, %get3A_0, %get3A_1] : memref<1x1000x128xf32, #tpu.memory_space<vmem>>, vector<1x1000x128xf32>
    %get3A_3 = vector.shape_cast %get3A_2 : vector<1x1000x128xf32> to vector<1000x128xf32>
    %get3A_4 = arith.constant 0 : index
    %get3A_5 = arith.constant 0 : index
    %get3A_6 = arith.constant 0 : index
    %get3A_7 = vector.load %arg2[%get3A_4, %get3A_5, %get3A_6] : memref<1x1000x128xf32, #tpu.memory_space<vmem>>, vector<1x1000x128xf32>
    %get3A_8 = vector.shape_cast %get3A_7 : vector<1x1000x128xf32> to vector<1000x128xf32>
    %add3A = arith.addf %get3A_3, %get3A_8 : vector<1000x128xf32>
    %get3A_9 = arith.constant 0 : index
    %get3A_10 = arith.constant 0 : index
    %get3A_11 = vector.load %arg3[%get3A_9, %get3A_10] : memref<1000x1xf32, #tpu.memory_space<vmem>>, vector<1000x1xf32>
    %gt3A = arith.constant 0.000000e+00 : f32
    %gt3A_12 = vector.broadcast %gt3A : f32 to vector<1000x1xf32>
    %gt3A_13 = arith.cmpf ogt, %get3A_11, %gt3A_12 : vector<1000x1xf32>
    %max3A = arith.constant 9.99999996E-13 : f32
    %max3A_14 = vector.broadcast %max3A : f32 to vector<1000x1xf32>
    %max3A_15 = arith.maximumf %get3A_11, %max3A_14 : vector<1000x1xf32>
    %rsqrt3A = math.rsqrt %max3A_15 : vector<1000x1xf32>
    %jit3A = arith.constant 0.000000e+00 : f32
    %broadcast_in_dim3A = vector.broadcast %jit3A : f32 to vector<1000x1xf32>
    %select_n3A = arith.select %gt3A_13, %rsqrt3A, %broadcast_in_dim3A : vector<1000x1xi1>, vector<1000x1xf32>
    %mul3A = vector.broadcast %select_n3A : vector<1000x1xf32> to vector<1000x128xf32>
    %mul3A_16 = arith.mulf %add3A, %mul3A : vector<1000x128xf32>
    %get3A_17 = arith.constant 0 : index
    %get3A_18 = arith.constant 0 : index
    %get3A_19 = vector.load %arg4[%get3A_17, %get3A_18] : memref<1x128xf32, #tpu.memory_space<vmem>>, vector<1x128xf32>
    %add3A_20 = vector.broadcast %get3A_19 : vector<1x128xf32> to vector<1000x128xf32>
    %add3A_21 = arith.addf %mul3A_16, %add3A_20 : vector<1000x128xf32>
    %swap3A = arith.constant 0 : index
    %swap3A_22 = arith.constant 0 : index
    %swap3A_23 = vector.load %arg5[%swap3A, %swap3A_22] : memref<1000x128xf32, #tpu.memory_space<vmem>>, vector<1000x128xf32>
    tpu.vector_store %arg5[%swap3A, %swap3A_22], %add3A_21 {strides = array<i32>} : memref<1000x128xf32, #tpu.memory_space<vmem>>, vector<1000x128xf32>,
    %eq3A = arith.constant 0 : i32
    %eq3A_24 = arith.cmpi eq, %arg0, %eq3A : i32
    %convert_element_type3A = arith.extui %eq3A_24 : i1 to i32
    %cond3A = arith.constant 0 : i32
    %cond3A_25 = arith.cmpi ne, %convert_element_type3A, %cond3A : i32
    scf.if %cond3A_25 {
      %broadcast_in_dim3A_47 = arith.constant 0.000000e+00 : f32
      %broadcast_in_dim3A_48 = vector.broadcast %broadcast_in_dim3A_47 : f32 to vector<8x128xf32>
      %swap3A_49 = arith.constant 0 : index
      %swap3A_50 = arith.constant 0 : index
      %swap3A_51 = vector.load %arg7[%swap3A_49, %swap3A_50] : memref<8x128xf32, #tpu.memory_space<vmem>>, vector<8x128xf32>
      tpu.vector_store %arg7[%swap3A_49, %swap3A_50], %broadcast_in_dim3A_48 {strides = array<i32>} : memref<8x128xf32, #tpu.memory_space<vmem>>, vector<8x128xf32>,
    } else {
    }
    %get3A_26 = arith.constant 0 : index
    %get3A_27 = arith.constant 0 : index
    %get3A_28 = vector.load %arg7[%get3A_26, %get3A_27] : memref<8x128xf32, #tpu.memory_space<vmem>>, vector<8x128xf32>
    %reduce_sum3A = arith.constant dense<0.000000e+00> : vector<128xf32>
    %reduce_sum3A_29 = vector.multi_reduction <add>, %add3A_21, %reduce_sum3A [0] : vector<1000x128xf32> to vector<128xf32>
    %broadcast_in_dim3A_30 = vector.shape_cast %reduce_sum3A_29 : vector<128xf32> to vector<1x128xf32>
    %mul3A_31 = arith.mulf %add3A_21, %add3A_21 : vector<1000x128xf32>
    %reduce_sum3A_32 = arith.constant dense<0.000000e+00> : vector<128xf32>
    %reduce_sum3A_33 = vector.multi_reduction <add>, %mul3A_31, %reduce_sum3A_32 [0] : vector<1000x128xf32> to vector<128xf32>
    %broadcast_in_dim3A_34 = vector.shape_cast %reduce_sum3A_33 : vector<128xf32> to vector<1x128xf32>
    %broadcast_in_dim3A_35 = arith.constant 0.000000e+00 : f32
    %broadcast_in_dim3A_36 = vector.broadcast %broadcast_in_dim3A_35 : f32 to vector<6x128xf32>
    %concatenate3A = tpu.concatenate %broadcast_in_dim3A_30, %broadcast_in_dim3A_34, %broadcast_in_dim3A_36 in 0 : vector<1x128xf32>, vector<1x128xf32>, vector<6x128xf32> -> vector<8x128xf32>
    %add3A_37 = arith.addf %get3A_28, %concatenate3A : vector<8x128xf32>
    %swap3A_38 = arith.constant 0 : index
    %swap3A_39 = arith.constant 0 : index
    %swap3A_40 = vector.load %arg7[%swap3A_38, %swap3A_39] : memref<8x128xf32, #tpu.memory_space<vmem>>, vector<8x128xf32>
    tpu.vector_store %arg7[%swap3A_38, %swap3A_39], %add3A_37 {strides = array<i32>} : memref<8x128xf32, #tpu.memory_space<vmem>>, vector<8x128xf32>,
    %get3A_41 = arith.constant 0 : index
    %get3A_42 = arith.constant 0 : index
    %get3A_43 = vector.load %arg7[%get3A_41, %get3A_42] : memref<8x128xf32, #tpu.memory_space<vmem>>, vector<8x128xf32>
    %swap3A_44 = arith.constant 0 : index
    %swap3A_45 = arith.constant 0 : index
    %swap3A_46 = vector.load %arg6[%swap3A_44, %swap3A_45] : memref<8x128xf32, #tpu.memory_space<vmem>>, vector<8x128xf32>
    tpu.vector_store %arg6[%swap3A_44, %swap3A_45], %get3A_43 {strides = array<i32>} : memref<8x128xf32, #tpu.memory_space<vmem>>, vector<8x128xf32>,
    return
  }
  func.func @transform_0(%arg0: i32) -> (i32, i32, i32) {
    %c0_i32 = arith.constant 0 : i32
    %c0_i32_0 = arith.constant 0 : i32
    %c0_i32_1 = arith.constant 0 : i32
    return %c0_i32, %arg0, %c0_i32_0 : i32, i32, i32
  }
  func.func @transform_1(%arg0: i32) -> (i32, i32, i32) {
    %c1_i32 = arith.constant 1 : i32
    %c0_i32 = arith.constant 0 : i32
    %c0_i32_0 = arith.constant 0 : i32
    return %c1_i32, %arg0, %c0_i32 : i32, i32, i32
  }
  func.func @transform_2(%arg0: i32) -> (i32, i32) {
    %c0_i32 = arith.constant 0 : i32
    %c0_i32_0 = arith.constant 0 : i32
    return %arg0, %c0_i32 : i32, i32
  }
  func.func @transform_3(%arg0: i32) -> (i32, i32) {
    %c0_i32 = arith.constant 0 : i32
    %c0_i32_0 = arith.constant 0 : i32
    %c0_i32_1 = arith.constant 0 : i32
    return %c0_i32, %c0_i32_0 : i32, i32
  }
  func.func @transform_4(%arg0: i32) -> (i32, i32) {
    %c0_i32 = arith.constant 0 : i32
    %c0_i32_0 = arith.constant 0 : i32
    return %arg0, %c0_i32 : i32, i32
  }
  func.func @transform_5(%arg0: i32) -> (i32, i32) {
    %c0_i32 = arith.constant 0 : i32
    %c0_i32_0 = arith.constant 0 : i32
    %c0_i32_1 = arith.constant 0 : i32
    return %c0_i32, %c0_i32_0 : i32, i32
  }
}

module attributes {stable_mosaic.version = 14 : i64} {
  func.func @_bn_relu_mm_scale_body(%arg0: i32, %arg1: memref<1000x128xf32, #tpu.memory_space<vmem>>, %arg2: memref<1x128xf32, #tpu.memory_space<vmem>>, %arg3: memref<1x128xf32, #tpu.memory_space<vmem>>, %arg4: memref<128x128xf32, #tpu.memory_space<vmem>>, %arg5: memref<1000x1xf32, #tpu.memory_space<vmem>>, %arg6: memref<1000x128xf32, #tpu.memory_space<vmem>>) attributes {dimension_semantics = [#tpu.dimension_semantics<arbitrary>], iteration_bounds = array<i64: 10>, scalar_prefetch = 0 : i64, scratch_operands = 0 : i64, tpu.core_type = #tpu.core_type<tc>, window_params = [{transform_indices = @transform_0, window_bounds = array<i64: 1000, 128>}, {pipeline_mode = #tpu.pipeline_mode<synchronous>, transform_indices = @transform_1, window_bounds = array<i64: 1, 128>}, {pipeline_mode = #tpu.pipeline_mode<synchronous>, transform_indices = @transform_2, window_bounds = array<i64: 1, 128>}, {pipeline_mode = #tpu.pipeline_mode<synchronous>, transform_indices = @transform_3, window_bounds = array<i64: 128, 128>}, {transform_indices = @transform_4, window_bounds = array<i64: 1000, 1>}, {transform_indices = @transform_5, window_bounds = array<i64: 1000, 128>}]} {
    %get3A = arith.constant 0 : index
    %get3A_0 = arith.constant 0 : index
    %get3A_1 = vector.load %arg1[%get3A, %get3A_0] : memref<1000x128xf32, #tpu.memory_space<vmem>>, vector<1000x128xf32>
    %get3A_2 = arith.constant 0 : index
    %get3A_3 = arith.constant 0 : index
    %get3A_4 = vector.load %arg2[%get3A_2, %get3A_3] : memref<1x128xf32, #tpu.memory_space<vmem>>, vector<1x128xf32>
    %mul3A = vector.broadcast %get3A_4 : vector<1x128xf32> to vector<1000x128xf32>
    %mul3A_5 = arith.mulf %get3A_1, %mul3A : vector<1000x128xf32>
    %get3A_6 = arith.constant 0 : index
    %get3A_7 = arith.constant 0 : index
    %get3A_8 = vector.load %arg3[%get3A_6, %get3A_7] : memref<1x128xf32, #tpu.memory_space<vmem>>, vector<1x128xf32>
    %add3A = vector.broadcast %get3A_8 : vector<1x128xf32> to vector<1000x128xf32>
    %add3A_9 = arith.addf %mul3A_5, %add3A : vector<1000x128xf32>
    %max3A = arith.constant 0.000000e+00 : f32
    %max3A_10 = vector.broadcast %max3A : f32 to vector<1000x128xf32>
    %max3A_11 = arith.maximumf %add3A_9, %max3A_10 : vector<1000x128xf32>
    %get3A_12 = arith.constant 0 : index
    %get3A_13 = arith.constant 0 : index
    %get3A_14 = vector.load %arg4[%get3A_12, %get3A_13] : memref<128x128xf32, #tpu.memory_space<vmem>>, vector<128x128xf32>
    %dot_general3A = arith.constant dense<0.000000e+00> : vector<1000x128xf32>
    %dot_general3A_15 = tpu.matmul %max3A_11, %get3A_14, %dot_general3A {dimension_numbers = #tpu.dot_dimension_numbers<[1], [0], [0], [1], [0, 0, 1, 1], [], []>, transpose_lhs_hint = false} : vector<1000x128xf32>, vector<128x128xf32>, vector<1000x128xf32> -> vector<1000x128xf32>
    %get3A_16 = arith.constant 0 : index
    %get3A_17 = arith.constant 0 : index
    %get3A_18 = vector.load %arg5[%get3A_16, %get3A_17] : memref<1000x1xf32, #tpu.memory_space<vmem>>, vector<1000x1xf32>
    %gt3A = arith.constant 0.000000e+00 : f32
    %gt3A_19 = vector.broadcast %gt3A : f32 to vector<1000x1xf32>
    %gt3A_20 = arith.cmpf ogt, %get3A_18, %gt3A_19 : vector<1000x1xf32>
    %max3A_21 = arith.constant 9.99999996E-13 : f32
    %max3A_22 = vector.broadcast %max3A_21 : f32 to vector<1000x1xf32>
    %max3A_23 = arith.maximumf %get3A_18, %max3A_22 : vector<1000x1xf32>
    %rsqrt3A = math.rsqrt %max3A_23 : vector<1000x1xf32>
    %jit3A = arith.constant 0.000000e+00 : f32
    %broadcast_in_dim3A = vector.broadcast %jit3A : f32 to vector<1000x1xf32>
    %select_n3A = arith.select %gt3A_20, %rsqrt3A, %broadcast_in_dim3A : vector<1000x1xi1>, vector<1000x1xf32>
    %mul3A_24 = vector.broadcast %select_n3A : vector<1000x1xf32> to vector<1000x128xf32>
    %mul3A_25 = arith.mulf %dot_general3A_15, %mul3A_24 : vector<1000x128xf32>
    %swap3A = arith.constant 0 : index
    %swap3A_26 = arith.constant 0 : index
    %swap3A_27 = vector.load %arg6[%swap3A, %swap3A_26] : memref<1000x128xf32, #tpu.memory_space<vmem>>, vector<1000x128xf32>
    tpu.vector_store %arg6[%swap3A, %swap3A_26], %mul3A_25 {strides = array<i32>} : memref<1000x128xf32, #tpu.memory_space<vmem>>, vector<1000x128xf32>,
    return
  }
  func.func @transform_0(%arg0: i32) -> (i32, i32) {
    %c0_i32 = arith.constant 0 : i32
    %c0_i32_0 = arith.constant 0 : i32
    return %arg0, %c0_i32 : i32, i32
  }
  func.func @transform_1(%arg0: i32) -> (i32, i32) {
    %c0_i32 = arith.constant 0 : i32
    %c0_i32_0 = arith.constant 0 : i32
    %c0_i32_1 = arith.constant 0 : i32
    return %c0_i32, %c0_i32_0 : i32, i32
  }
  func.func @transform_2(%arg0: i32) -> (i32, i32) {
    %c0_i32 = arith.constant 0 : i32
    %c0_i32_0 = arith.constant 0 : i32
    %c0_i32_1 = arith.constant 0 : i32
    return %c0_i32, %c0_i32_0 : i32, i32
  }
  func.func @transform_3(%arg0: i32) -> (i32, i32) {
    %c0_i32 = arith.constant 0 : i32
    %c0_i32_0 = arith.constant 0 : i32
    %c0_i32_1 = arith.constant 0 : i32
    return %c0_i32, %c0_i32_0 : i32, i32
  }
  func.func @transform_4(%arg0: i32) -> (i32, i32) {
    %c0_i32 = arith.constant 0 : i32
    %c0_i32_0 = arith.constant 0 : i32
    return %arg0, %c0_i32 : i32, i32
  }
  func.func @transform_5(%arg0: i32) -> (i32, i32) {
    %c0_i32 = arith.constant 0 : i32
    %c0_i32_0 = arith.constant 0 : i32
    return %arg0, %c0_i32 : i32, i32
  }
}

module attributes {stable_mosaic.version = 14 : i64} {
  func.func @_pool_head_body(%arg0: i32, %arg1: memref<1000x128xf32, #tpu.memory_space<vmem>>, %arg2: memref<1x128xf32, #tpu.memory_space<vmem>>, %arg3: memref<1x128xf32, #tpu.memory_space<vmem>>, %arg4: memref<1000x1xi32, #tpu.memory_space<vmem>>, %arg5: memref<128x128xf32, #tpu.memory_space<vmem>>, %arg6: memref<1x128xf32, #tpu.memory_space<vmem>>, %arg7: memref<16x128xf32, #tpu.memory_space<vmem>>, %arg8: memref<16x128xf32, #tpu.memory_space<vmem>>, %arg9: memref<16x128xf32, #tpu.memory_space<vmem>>) attributes {dimension_semantics = [#tpu.dimension_semantics<arbitrary>], iteration_bounds = array<i64: 10>, scalar_prefetch = 0 : i64, scratch_operands = 2 : i64, tpu.core_type = #tpu.core_type<tc>, window_params = [{transform_indices = @transform_0, window_bounds = array<i64: 1000, 128>}, {pipeline_mode = #tpu.pipeline_mode<synchronous>, transform_indices = @transform_1, window_bounds = array<i64: 1, 128>}, {pipeline_mode = #tpu.pipeline_mode<synchronous>, transform_indices = @transform_2, window_bounds = array<i64: 1, 128>}, {transform_indices = @transform_3, window_bounds = array<i64: 1000, 1>}, {pipeline_mode = #tpu.pipeline_mode<synchronous>, transform_indices = @transform_4, window_bounds = array<i64: 128, 128>}, {pipeline_mode = #tpu.pipeline_mode<synchronous>, transform_indices = @transform_5, window_bounds = array<i64: 1, 128>}, {pipeline_mode = #tpu.pipeline_mode<synchronous>, transform_indices = @transform_6, window_bounds = array<i64: 16, 128>}]} {
    %eq3A = arith.constant 0 : i32
    %eq3A_0 = arith.cmpi eq, %arg0, %eq3A : i32
    %convert_element_type3A = arith.extui %eq3A_0 : i1 to i32
    %cond3A = arith.constant 0 : i32
    %cond3A_1 = arith.cmpi ne, %convert_element_type3A, %cond3A : i32
    scf.if %cond3A_1 {
      %broadcast_in_dim3A_43 = arith.constant 0.000000e+00 : f32
      %broadcast_in_dim3A_44 = vector.broadcast %broadcast_in_dim3A_43 : f32 to vector<16x128xf32>
      %swap3A_45 = arith.constant 0 : index
      %swap3A_46 = arith.constant 0 : index
      %swap3A_47 = vector.load %arg8[%swap3A_45, %swap3A_46] : memref<16x128xf32, #tpu.memory_space<vmem>>, vector<16x128xf32>
      tpu.vector_store %arg8[%swap3A_45, %swap3A_46], %broadcast_in_dim3A_44 {strides = array<i32>} : memref<16x128xf32, #tpu.memory_space<vmem>>, vector<16x128xf32>,
      %broadcast_in_dim3A_48 = arith.constant 0.000000e+00 : f32
      %broadcast_in_dim3A_49 = vector.broadcast %broadcast_in_dim3A_48 : f32 to vector<16x128xf32>
      %swap3A_50 = arith.constant 0 : index
      %swap3A_51 = arith.constant 0 : index
      %swap3A_52 = vector.load %arg9[%swap3A_50, %swap3A_51] : memref<16x128xf32, #tpu.memory_space<vmem>>, vector<16x128xf32>
      tpu.vector_store %arg9[%swap3A_50, %swap3A_51], %broadcast_in_dim3A_49 {strides = array<i32>} : memref<16x128xf32, #tpu.memory_space<vmem>>, vector<16x128xf32>,
    } else {
    }
    %get3A = arith.constant 0 : index
    %get3A_2 = arith.constant 0 : index
    %get3A_3 = vector.load %arg1[%get3A, %get3A_2] : memref<1000x128xf32, #tpu.memory_space<vmem>>, vector<1000x128xf32>
    %get3A_4 = arith.constant 0 : index
    %get3A_5 = arith.constant 0 : index
    %get3A_6 = vector.load %arg2[%get3A_4, %get3A_5] : memref<1x128xf32, #tpu.memory_space<vmem>>, vector<1x128xf32>
    %mul3A = vector.broadcast %get3A_6 : vector<1x128xf32> to vector<1000x128xf32>
    %mul3A_7 = arith.mulf %get3A_3, %mul3A : vector<1000x128xf32>
    %get3A_8 = arith.constant 0 : index
    %get3A_9 = arith.constant 0 : index
    %get3A_10 = vector.load %arg3[%get3A_8, %get3A_9] : memref<1x128xf32, #tpu.memory_space<vmem>>, vector<1x128xf32>
    %add3A = vector.broadcast %get3A_10 : vector<1x128xf32> to vector<1000x128xf32>
    %add3A_11 = arith.addf %mul3A_7, %add3A : vector<1000x128xf32>
    %max3A = arith.constant 0.000000e+00 : f32
    %max3A_12 = vector.broadcast %max3A : f32 to vector<1000x128xf32>
    %max3A_13 = arith.maximumf %add3A_11, %max3A_12 : vector<1000x128xf32>
    %get3A_14 = arith.constant 0 : index
    %get3A_15 = arith.constant 0 : index
    %get3A_16 = vector.load %arg4[%get3A_14, %get3A_15] : memref<1000x1xi32, #tpu.memory_space<vmem>>, vector<1000x1xi32>
    %iota3A = tpu.iota {dimensions = array<i32: 1>} : vector<1000x16xi32>
    %eq3A_17 = vector.broadcast %get3A_16 : vector<1000x1xi32> to vector<1000x16xi32>
    %eq3A_18 = arith.cmpi eq, %eq3A_17, %iota3A : vector<1000x16xi32>
    %convert_element_type3A_19 = arith.extui %eq3A_18 : vector<1000x16xi1> to vector<1000x16xi32>
    %convert_element_type3A_20 = arith.sitofp %convert_element_type3A_19 : vector<1000x16xi32> to vector<1000x16xf32>
    %get3A_21 = arith.constant 0 : index
    %get3A_22 = arith.constant 0 : index
    %get3A_23 = vector.load %arg8[%get3A_21, %get3A_22] : memref<16x128xf32, #tpu.memory_space<vmem>>, vector<16x128xf32>
    %dot_general3A = arith.constant dense<0.000000e+00> : vector<16x128xf32>
    %dot_general3A_24 = tpu.matmul %convert_element_type3A_20, %max3A_13, %dot_general3A {dimension_numbers = #tpu.dot_dimension_numbers<[0], [0], [1], [1], [0, 1, 1, 1], [], []>, transpose_lhs_hint = false} : vector<1000x16xf32>, vector<1000x128xf32>, vector<16x128xf32> -> vector<16x128xf32>
    %add3A_25 = arith.addf %get3A_23, %dot_general3A_24 : vector<16x128xf32>
    %swap3A = arith.constant 0 : index
    %swap3A_26 = arith.constant 0 : index
    %swap3A_27 = vector.load %arg8[%swap3A, %swap3A_26] : memref<16x128xf32, #tpu.memory_space<vmem>>, vector<16x128xf32>
    tpu.vector_store %arg8[%swap3A, %swap3A_26], %add3A_25 {strides = array<i32>} : memref<16x128xf32, #tpu.memory_space<vmem>>, vector<16x128xf32>,
    %get3A_28 = arith.constant 0 : index
    %get3A_29 = arith.constant 0 : index
    %get3A_30 = vector.load %arg9[%get3A_28, %get3A_29] : memref<16x128xf32, #tpu.memory_space<vmem>>, vector<16x128xf32>
    %broadcast_in_dim3A = arith.constant 1.000000e+00 : f32
    %broadcast_in_dim3A_31 = vector.broadcast %broadcast_in_dim3A : f32 to vector<1000x128xf32>
    %dot_general3A_32 = arith.constant dense<0.000000e+00> : vector<16x128xf32>
    %dot_general3A_33 = tpu.matmul %convert_element_type3A_20, %broadcast_in_dim3A_31, %dot_general3A_32 {dimension_numbers = #tpu.dot_dimension_numbers<[0], [0], [1], [1], [0, 1, 1, 1], [], []>, transpose_lhs_hint = false} : vector<1000x16xf32>, vector<1000x128xf32>, vector<16x128xf32> -> vector<16x128xf32>
    %add3A_34 = arith.addf %get3A_30, %dot_general3A_33 : vector<16x128xf32>
    %swap3A_35 = arith.constant 0 : index
    %swap3A_36 = arith.constant 0 : index
    %swap3A_37 = vector.load %arg9[%swap3A_35, %swap3A_36] : memref<16x128xf32, #tpu.memory_space<vmem>>, vector<16x128xf32>
    tpu.vector_store %arg9[%swap3A_35, %swap3A_36], %add3A_34 {strides = array<i32>} : memref<16x128xf32, #tpu.memory_space<vmem>>, vector<16x128xf32>,
    %eq3A_38 = arith.constant 9 : i32
    %eq3A_39 = arith.cmpi eq, %arg0, %eq3A_38 : i32
    %convert_element_type3A_40 = arith.extui %eq3A_39 : i1 to i32
    %cond3A_41 = arith.constant 0 : i32
    %cond3A_42 = arith.cmpi ne, %convert_element_type3A_40, %cond3A_41 : i32
    scf.if %cond3A_42 {
      %get3A_43 = arith.constant 0 : index
      %get3A_44 = arith.constant 0 : index
      %get3A_45 = vector.load %arg8[%get3A_43, %get3A_44] : memref<16x128xf32, #tpu.memory_space<vmem>>, vector<16x128xf32>
      %get3A_46 = arith.constant 0 : index
      %get3A_47 = arith.constant 0 : index
      %get3A_48 = vector.load %arg9[%get3A_46, %get3A_47] : memref<16x128xf32, #tpu.memory_space<vmem>>, vector<16x128xf32>
      %max3A_49 = arith.constant 1.000000e+00 : f32
      %max3A_50 = vector.broadcast %max3A_49 : f32 to vector<16x128xf32>
      %max3A_51 = arith.maximumf %get3A_48, %max3A_50 : vector<16x128xf32>
      %div3A = arith.divf %get3A_45, %max3A_51 : vector<16x128xf32>
      %get3A_52 = arith.constant 0 : index
      %get3A_53 = arith.constant 0 : index
      %get3A_54 = vector.load %arg5[%get3A_52, %get3A_53] : memref<128x128xf32, #tpu.memory_space<vmem>>, vector<128x128xf32>
      %dot_general3A_55 = arith.constant dense<0.000000e+00> : vector<16x128xf32>
      %dot_general3A_56 = tpu.matmul %div3A, %get3A_54, %dot_general3A_55 {dimension_numbers = #tpu.dot_dimension_numbers<[1], [0], [0], [1], [0, 0, 1, 1], [], []>, transpose_lhs_hint = false} : vector<16x128xf32>, vector<128x128xf32>, vector<16x128xf32> -> vector<16x128xf32>
      %get3A_57 = arith.constant 0 : index
      %get3A_58 = arith.constant 0 : index
      %get3A_59 = vector.load %arg6[%get3A_57, %get3A_58] : memref<1x128xf32, #tpu.memory_space<vmem>>, vector<1x128xf32>
      %add3A_60 = vector.broadcast %get3A_59 : vector<1x128xf32> to vector<16x128xf32>
      %add3A_61 = arith.addf %dot_general3A_56, %add3A_60 : vector<16x128xf32>
      %swap3A_62 = arith.constant 0 : index
      %swap3A_63 = arith.constant 0 : index
      %swap3A_64 = vector.load %arg7[%swap3A_62, %swap3A_63] : memref<16x128xf32, #tpu.memory_space<vmem>>, vector<16x128xf32>
      tpu.vector_store %arg7[%swap3A_62, %swap3A_63], %add3A_61 {strides = array<i32>} : memref<16x128xf32, #tpu.memory_space<vmem>>, vector<16x128xf32>,
    } else {
    }
    return
  }
  func.func @transform_0(%arg0: i32) -> (i32, i32) {
    %c0_i32 = arith.constant 0 : i32
    %c0_i32_0 = arith.constant 0 : i32
    return %arg0, %c0_i32 : i32, i32
  }
  func.func @transform_1(%arg0: i32) -> (i32, i32) {
    %c0_i32 = arith.constant 0 : i32
    %c0_i32_0 = arith.constant 0 : i32
    %c0_i32_1 = arith.constant 0 : i32
    return %c0_i32, %c0_i32_0 : i32, i32
  }
  func.func @transform_2(%arg0: i32) -> (i32, i32) {
    %c0_i32 = arith.constant 0 : i32
    %c0_i32_0 = arith.constant 0 : i32
    %c0_i32_1 = arith.constant 0 : i32
    return %c0_i32, %c0_i32_0 : i32, i32
  }
  func.func @transform_3(%arg0: i32) -> (i32, i32) {
    %c0_i32 = arith.constant 0 : i32
    %c0_i32_0 = arith.constant 0 : i32
    return %arg0, %c0_i32 : i32, i32
  }
  func.func @transform_4(%arg0: i32) -> (i32, i32) {
    %c0_i32 = arith.constant 0 : i32
    %c0_i32_0 = arith.constant 0 : i32
    %c0_i32_1 = arith.constant 0 : i32
    return %c0_i32, %c0_i32_0 : i32, i32
  }
  func.func @transform_5(%arg0: i32) -> (i32, i32) {
    %c0_i32 = arith.constant 0 : i32
    %c0_i32_0 = arith.constant 0 : i32
    %c0_i32_1 = arith.constant 0 : i32
    return %c0_i32, %c0_i32_0 : i32, i32
  }
  func.func @transform_6(%arg0: i32) -> (i32, i32) {
    %c0_i32 = arith.constant 0 : i32
    %c0_i32_0 = arith.constant 0 : i32
    %c0_i32_1 = arith.constant 0 : i32
    return %c0_i32, %c0_i32_0 : i32, i32
  }
}

</mosaic_0001>

<sc_bundles>
// kernel: kernel.10.cloned.1.call-start
scs
__scs_entry_jumppad:
0x0: {  	(pc) =	sbr.rel $0x88, $3  }
0x1: {  	(tag) =	ssettag $0x0;
	lr =	simm.s32 $0x1  }
0x2: {  	[smem:$0x3F94] =	sst lr;
	_ =	strace $0xD0000000  }
0x3: {  	_ = 	snop  }
0x4: {  	_ = 	snop  }
0x5: {  	_ = 	snop  }
0x6: {  	_ = 	snop  }
0x7: {  	_ = 	snop  }
__scs_overlays_trampoline_lowered:
0x8: {  	[smem:$0x3FA3] =	sst s0  }
0x9: {  	[smem:$0x3FA4] =	sst s1  }
0xa: {  	[smem:$0x3FA5] =	sst s2  }
0xb: {  	[smem:$0x3FA6] =	sst s3  }
0xc: {  	[smem:$0x3FA7] =	sst s4  }
0xd: {  	[smem:$0x3FA8] =	sst s5  }
0xe: {  	[smem:$0x3FA9] =	sst s6  }
0xf: {  	[smem:$0x3FAA] =	sst s7  }
0x10: {  	[smem:$0x3FAB] =	sst s8  }
0x11: {  	[smem:$0x3FAC] =	sst s9;
	s0 =	simm.s32 @!p0 $0x0  }
0x12: {  	s1 =	sld [smem:$0x3F92];
	s0 =	simm.s32 @p0 $0x1  }
0x13: {  	[smem:$0x3FAD] =	sst s0;
	s0 =	simm.s32 @!p1 $0x0  }
0x14: {  	s2 =	sld [smem:$0x3F91];
	s0 =	simm.s32 @p1 $0x1  }
0x15: {  	[smem:$0x3FAE] =	sst s0;
	s0 =	simm.s32 @!p2 $0x0  }
0x16: {  	s3 =	sld [smem:$0x3FDB];
	s0 =	simm.s32 @p2 $0x1  }
0x17: {  	s4 =	simm.s32 $0x1BF5;
	[smem:$0x3FB0] =	sst s0  }
0x18: {  	s0 =	sld [smem:$0x3F93];
	_ =	swait.ge [sflag:s4], $0x0  }
0x19: {  	s7 =	sld [smem:$0x3F94]  }
0x1a: {  	s8 =	sadd.s32 $0xFFFFE003, lr  }
0x1b: {  	s9 =	sadd.s32 $0xFFFFFEF7, lr;
	s5 =	simm.s32 $0xFFFFFFFF;
	p2 =	slt.u32 s8, $0xFFFFF086  }
0x1c: {  	p1 =	slt.u32 s9, $0xF7A;
	s5 =	simm.s32 @!p2 $0x0  }
0x1d: {  	s5 =	simm.s32 @p1 $0x1;
	p0 =	seq.s32 s7, s2  }
0x1e: {  	s7 =	smul.u32 @!p0 $0xF7A, s2;
	p2 =	seq.s32 @!p0 s5, $0x0  }
0x1f: {  	s9 =	smul.u32 $0xF7A, s1;
	s8 =	simm.s32 @!p0 $0x1BF5;
	p2 =	por !p2, p0  }
0x20: {  	[sflag:s8] =	ssyncset.s32 @!p0 $0xFFFFF086;
	s6 =	sadd.s32 @!p0 s3, s7;
	s7 =	simm.s32 @!p0 $0x108  }
0x21: {  	s3 =	sadd.s32 s3, s9;
	s6 =	sadd.s32 @!p0 $0x88, s6;
	s7 =	simm.s32 @p2 $0x1082  }
0x22: {  	[simem:s7], [sflag:s8] =	dma.local @!p0 [hbm:s6], $0xF7A  }
0x23: {  	s9 =	sor.u32 $0xD0000000, s2;
	s6 =	simm.s32 $0x108;
	_ =	swait.ge @!p0 [sflag:s8], $0x0  }
0x24: {  	s3 =	sadd.s32 $0x88, s3;
	s6 =	simm.s32 @!p1 $0x1082;
	[sflag:s4] =	ssyncset.s32 $0xFFFFF086  }
0x25: {  	[simem:s6], [sflag:s4] =	dma.local [hbm:s3], $0xF7A  }
0x26: {  	[smem:$0x3F94] =	sst s1;
	(tag) =	ssettag s2;
	_ =	strace s9  }
0x27: {  	s1 =	sld [smem:$0x3FA4]  }
0x28: {  	s2 =	sld [smem:$0x3FA5]  }
0x29: {  	s4 =	sld [smem:$0x3FA7]  }
0x2a: {  	p0 =	seq.s32 s5, $0x0;
	s5 =	sld [smem:$0x3FA8]  }
0x2b: {  	s6 =	sld [smem:$0x3FA9]  }
0x2c: {  	s7 =	sld [smem:$0x3FAA]  }
0x2d: {  	s3 =	simm.s32 $0x108;
	s8 =	sld [smem:$0x3FAB]  }
0x2e: {  	s3 =	simm.s32 @!p0 $0x1082;
	s9 =	sld [smem:$0x3FAC]  }
0x2f: {  	lr =	sadd.s32 s0, s3;
	s0 =	sld [smem:$0x3FA3]  }
0x30: {  	s3 =	sld [smem:$0x3FA6]  }
0x31: {  	[smem:$0x3FAF] =	sst s10  }
0x32: {  	s10 =	sld [smem:$0x3FAD];
	_ =	sdelay $0x3  }
0x33: {  	p0 =	seq.s32 s10, $0x1;
	s10 =	sld [smem:$0x3FAF];
	_ =	sdelay $0x3  }
0x34: {  	[smem:$0x3FAF] =	sst s10  }
0x35: {  	s10 =	sld [smem:$0x3FAE];
	_ =	sdelay $0x3  }
0x36: {  	p1 =	seq.s32 s10, $0x1;
	s10 =	sld [smem:$0x3FAF];
	_ =	sdelay $0x3  }
0x37: {  	[smem:$0x3FAF] =	sst s10  }
0x38: {  	s10 =	sld [smem:$0x3FB0]  }
0x39: {  	_ = 	snop;
	(pc) =	sbr.ind lr, $3  }
0x3a: {  	_ = 	snop  }
0x3b: {  	_ = 	snop  }
0x3c: {  	p2 =	seq.s32 s10, $0x1;
	s10 =	sld [smem:$0x3FAF]  }
0x3d: {  	_ =	shalt  }
0x3e: {  	_ =	shalt  }
0x3f: {  	_ =	shalt  }
0x40: {  	_ =	shalt  }
0x41: {  	_ =	shalt  }
0x42: {  	_ =	shalt  }
0x43: {  	_ =	shalt  }
0x44: {  	_ =	shalt  }
0x45: {  	_ =	shalt  }
0x46: {  	_ =	shalt  }
0x47: {  	_ =	shalt  }
0x48: {  	_ =	shalt  }
0x49: {  	_ =	shalt  }
0x4a: {  	_ =	shalt  }
0x4b: {  	_ =	shalt  }
0x4c: {  	_ =	shalt  }
0x4d: {  	_ =	shalt  }
0x4e: {  	_ =	shalt  }
0x4f: {  	_ =	shalt  }
0x50: {  	_ =	shalt  }
0x51: {  	_ =	shalt  }
0x52: {  	_ =	shalt  }
0x53: {  	_ =	shalt  }
0x54: {  	_ =	shalt  }
0x55: {  	_ =	shalt  }
0x56: {  	_ =	shalt  }
0x57: {  	_ =	shalt  }
0x58: {  	_ =	shalt  }
0x59: {  	_ =	shalt  }
0x5a: {  	_ =	shalt  }
0x5b: {  	_ =	shalt  }
0x5c: {  	_ =	shalt  }
0x5d: {  	_ =	shalt  }
0x5e: {  	_ =	shalt  }
0x5f: {  	_ =	shalt  }
0x60: {  	_ =	shalt  }
0x61: {  	_ =	shalt  }
0x62: {  	_ =	shalt  }
0x63: {  	_ =	shalt  }
0x64: {  	_ =	shalt  }
0x65: {  	_ =	shalt  }
0x66: {  	_ =	shalt  }
0x67: {  	_ =	shalt  }
0x68: {  	_ =	shalt  }
0x69: {  	_ =	shalt  }
0x6a: {  	_ =	shalt  }
0x6b: {  	_ =	shalt  }
0x6c: {  	_ =	shalt  }
0x6d: {  	_ =	shalt  }
0x6e: {  	_ =	shalt  }
0x6f: {  	_ =	shalt  }
0x70: {  	_ =	shalt  }
0x71: {  	_ =	shalt  }
0x72: {  	_ =	shalt  }
0x73: {  	_ =	shalt  }
0x74: {  	_ =	shalt  }
0x75: {  	_ =	shalt  }
0x76: {  	_ =	shalt  }
0x77: {  	_ =	shalt  }
0x78: {  	_ =	shalt  }
0x79: {  	_ =	shalt  }
0x7a: {  	_ =	shalt  }
0x7b: {  	_ =	shalt  }
0x7c: {  	_ =	shalt  }
0x7d: {  	_ =	shalt  }
0x7e: {  	_ =	shalt  }
0x7f: {  	_ =	shalt  }
0x80: {  	_ =	shalt  }
0x81: {  	_ =	shalt  }
0x82: {  	_ =	shalt  }
0x83: {  	_ =	shalt  }
0x84: {  	_ =	shalt  }
0x85: {  	_ =	shalt  }
0x86: {  	_ =	shalt  }
0x87: {  	_ =	shalt  }
.Lfunc_end0:
.L_simem_size_0:
called_computation_lowered:
.L_overlay_start_0:
0x88: {  	s2 =	sld [smem:$0x3FD9]  }
0x89: {  	s3 =	sld [smem:$0x3FFE];
	_ =	sdelay $0x1  }
0x8a: {  	s1 =	srdreg.scid  }
0x8b: {  	s0 =	sand.u32 $0x1, s1  }
0x8c: {  	s16 =	sshll.u32 s0, $0xA;
	s2 =	sadd.s32 s3, s2  }
0x8d: {  	s2 =	sadd.s32 s2, s16  }
0x8e: {  	[smem:$0x3FBB] =	sst s2  }
0x8f: {  	_ = 	snop  }
0x90: {  	(tm) =	ssettm $0x1  }
0x91: {  	s17 =	sld [smem:$0x3FFB];
	_ =	sdelay $0x3  }
0x92: {  	_ =	strace s17  }
0x93: {  	s2 =	sld [smem:$0x3FFC];
	_ =	sdelay $0x3  }
0x94: {  	_ =	strace s2  }
0x95: {  	s2 =	sld [smem:$0x3FFD];
	_ =	sdelay $0x3  }
0x96: {  	_ =	strace s2  }
0x97: {  	_ =	strace $0x8FFFFFFF  }
0x98: {  	s18 =	sld [smem:$0x3FDB];
	_ =	sdelay $0x1  }
0x99: {  	s19 =	simm.s32 $_scs_section_size  }
0x9a: {  	s4 =	simm.s32 $_size__tile_overlayer_lowered;
	s5 =	simm.s32 $_tile_overlayer_lowered  }
0x9b: {  	s22 =	simm.s32 $0x1BFF;
	s21 =	sshll.u32 s5, $0x1;
	s2 =	sadd.s32 s19, s18  }
0x9c: {  	s6 =	simm.s32 $0x0;
	s20 =	sshll.u32 s4, $0x1;
	s4 =	sadd.s32 s21, s2  }
0x9d: {  	[timem:s6], [sflag:s22] =	dma.local [hbm:s4], s20  }
0x9e: {  	_ =	swait.ge [sflag:s22], s20  }
0x9f: {  	s3 =	ssub.s32 $0x0, s20;
	[sflag:s22] =	ssyncset.done $0x0  }
0xa0: {  	[sflag:s22] =	ssyncadd.s32 s3;
	_ =	sdelay $0x1  }
0xa1: {  	s23 =	simm.s32 $0x1B8B  }
0xa2: {  	_ =	swait.ge [sflag:s23], $0x1  }
0xa3: {  	[sflag:s23] =	ssyncset.done $0x0  }
0xa4: {  	s25 =	simm.s32 $0x1B8E;
	s24 =	sld [smem:$0x3FFE];
	[sflag:s23] =	ssyncadd.s32 $0xFFFFFFFF  }
0xa5: {  	s26 =	simm.s32 $execute0_lowered;
	[smem:$0x3FD2] =	sst s25  }
0xa6: {  	s4 =	sshll.u32 s26, $0x1;
	_ =	strace $0x80000046;
	[dreg:$0x1] =	wrdreg $0xFFFFFFFF  }
0xa7: {  	s28 =	simm.s32 $_size_execute0_lowered;
	s2 =	sadd.s32 s2, s4;
	[dreg:$0x0] =	wrdreg $0x0  }
0xa8: {  	s4 =	sshll.u32 s28, $0x1;
	[dreg:$0x2] =	wrdreg s2  }
0xa9: {  	[dreg:$0x3] =	wrdreg s4  }
0xaa: {  	[dreg:$0x4] =	wrdreg $0xC0  }
0xab: {  	_ =	task [dreg:s6], $0x5FFFF  }
0xac: {  	[dreg:$0x1] =	wrdreg $0xFFFFFFFF  }
0xad: {  	[dreg:$0x0] =	wrdreg $0x60  }
0xae: {  	[dreg:$0x2] =	wrdreg s24  }
0xaf: {  	[dreg:$0x3] =	wrdreg $0x68000  }
0xb0: {  	[dreg:$0x4] =	wrdreg $0x9  }
0xb1: {  	_ =	task.clear_ibuf [dreg:s6], $0x5FFFF;
	_ =	strace $0x90000046  }
0xb2: {  	s29 =	simm.s32 $0x9;
	_ =	strace $0x80000048  }
0xb3: {  	_ =	swait.ge [sflag:s29], $0x1  }
0xb4: {  	[sflag:s29] =	ssyncadd.s32 $0xFFFFFFFF  }
0xb5: {  	_ =	strace $0x90000048  }
0xb6: {  	_ =	sfence  }
0xb7: {  	s30 =	sld [smem:$0x0];
	_ =	sdelay $0x2  }
0xb8: {  	s31 =	sshll.u32 s1, $0xD;
	s1 =	sshrl.u32 s1, $0x2  }
0xb9: {  	s3 =	sand.u32 $0x4000, s31;
	s1 =	sadd.s32 s1, s30  }
0xba: {  	s0 =	sor.u32 s3, s0;
	s1 =	sshll.u32 s1, $0x11  }
0xbb: {  	s0 =	sor.u32 s1, s0  }
0xbc: {  	s0 =	sadd.s32 $0x8F2B, s0  }
0xbd: {  	[sflag:s0] =	ssyncadd.remote.s32 $0x1  }
0xbe: {  	_ =	sfence.sel $0xFFFF  }
0xbf: {  	[dreg:$0x0] =	wrdreg $0xFFFFFFFF;
	(pc) =	sbr.abs _section_cstart, $3  }
0xc0: {  	[dreg:$0x1] =	wrdreg $0xFFFFFFFF  }
0xc1: {  	_ =	task.clear_ibuf [dreg:s6], $0x2FFFF;
	_ =	strace $0x9FFFFFFF  }
0xc2: {  	(tm) =	ssettm $0x7FFFFFFF  }
0xc3: {  	_ =	shalt  }
tec
execute0_lowered:
.L_overlay_start_1:
0x0: {  	(tag) =	ssettag $0x1  }
0x1: {  	s1 =	srdreg.scid;
	s5 =	rddreg [dreg:$0x0]  }
0x2: {  	s0 =	stileid.u32;
	s2 =	rddreg [dreg:$0x1]  }
0x3: {  	s3 =	simm.s32 $0x0;
	s11 =	simm.s32 $0x80;
	s12 =	simm.s32 $0x2800  }
0x4: {  	s4 =	sand.u32 $0x1, s1;
	s26 =	sshll.u32 s0, $0x1;
	s8 =	smul.u32 $0x13C00, s0  }
0x5: {  	[smem:$0x7FF] =	sst s3;
	s9 =	smul.u32 $0x4F000, s0;
	s31 =	sshll.u32 s0, $0x6  }
0x6: {  	s1 =	sor.u32 s4, s26;
	s7 =	smul.u32 $0x13C000, s4;
	s28 =	ssub.s32 $0x2, s4  }
0x7: {  	s4 =	sadd.s32 $0x17800, s5;
	s6 =	smul.u32 $0x500, s1;
	s1 =	rddreg [dreg:$0x2]  }
0x8: {  	_ =	strace $0x80000047;
	s29 =	sshrl.u32 s28, $0x1;
	s30 =	sshrl.u32 s9, $0x2  }
0x9: {  	s7 =	sadd.s32 s8, s7;
	s8 =	ssub.s32 s28, s29;
	s10 =	sadd.s32 s30, s2  }
0xa: {  	s6 =	sadd.s32 s6, s5;
	s7 =	sshrl.u32 s7, $0x3;
	s8 =	smax.u32 s8, $0x1  }
0xb: {  	s9 =	sshrl.u32 s10, $0x3;
	s10 =	simm.s32 $0x1;
	s7 =	sadd.s32 s7, s5  }
0xc: {  	v0 =	vimm.f32 $1.000000000e+00;
	s5 =	sor.u32 $0x1C01, s31;
	s6 =	sadd.s32 $0xD800, s6;
	s7 =	sadd.s32 $0x1A000, s7  }
.LBB2_1:
0xd: {  	[spmem:s9], [sflag:s5] =	dma.local [hbm:s4], $0x2780  }
0xe: {  	_ =	swait.ge [sflag:s10], $0x2780  }
0xf: {  	[sflag:s10] =	ssyncset.done $0x0  }
0x10: {  	s13 =	simm.s32 $0x0;
	s14 =	simm.s32 $0x200;
	[sflag:s10] =	ssyncadd.s32 $0xFFFFD880  }
.LBB2_2:
0x11: {  	p0 =	sne.s32 s14, $0xFE00;
	[tilespmem:s13+$0x2870] =	vst v0  }
0x12: {  	[tilespmem:s13+$0x2800] =	vst v0  }
0x13: {  	[tilespmem:s13+$0x2810] =	vst v0  }
.Ltmp0:
0x14: {  	[tilespmem:s13+$0x2820] =	vst v0;
	(pc) =	sbr.rel @p0 .LBB2_2-.Ltmp0, $4  }
0x15: {  	[tilespmem:s13+$0x2830] =	vst v0  }
0x16: {  	[tilespmem:s13+$0x2840] =	vst v0  }
0x17: {  	[tilespmem:s13+$0x2850] =	vst v0  }
0x18: {  	[tilespmem:s13+$0x2860] =	vst v0;
	s13 =	sshra.s32 s14, $0x2;
	s14 =	sadd.s32 $0x200, s14  }
0x19: {  	[tilespmem:s13+$0x2870] =	vst v0  }
0x1a: {  	[tilespmem:s13+$0x2800] =	vst v0  }
0x1b: {  	[tilespmem:s13+$0x2810] =	vst v0  }
0x1c: {  	[tilespmem:s13+$0x2820] =	vst v0  }
0x1d: {  	[tilespmem:s13+$0x2830] =	vst v0  }
0x1e: {  	[tilespmem:s13+$0x2840] =	vst v0  }
0x1f: {  	[tilespmem:s13+$0x2850] =	vst v0  }
0x20: {  	[tilespmem:s13+$0x2860] =	vst v0;
	s30 =	simm.s32 $0x0  }
0x21: {  	[tilespmem:s30], [sflag:$0x1] =	stream.linear.gather [hbm4b:s6+s30], $0x2800, $0x38;
	[tilespmem:$0x1A400] =	vst v63  }
0x22: {  	_ =	swait.ge [sflag:s10], $0x2800  }
0x23: {  	[sflag:s10] =	ssyncset.done $0x0  }
0x24: {  	[sflag:s10] =	ssyncadd.s32 $0xFFFFD800  }
0x25: {  	s31 =	simm.s32 $0x0;
	[bflag:$0x0] =	sbarrier.arrive $0xFFFF  }
0x26: {  	[spmem:s2] =	stream.indirect.scatter.add.f32 [tilespmem:s12], [sflag:$0x1], $0x80, s31, s11, $0xb8;
	[tilespmem:$0x1A400] =	vst v63  }
0x27: {  	_ =	swait.ge [sflag:s10], $0x4000  }
0x28: {  	s13 =	simm.s32 $0x200;
	[sflag:s10] =	ssyncset.done $0x0  }
.LBB2_4:
0x29: {  	s14 =	sshra.s32 s13, $0x2;
	[sflag:s10] =	ssyncadd.s32 $0xFFFFC000;
	p0 =	sne.s32 s13, $0x9E00  }
0x2a: {  	[spmem:s2] =	stream.indirect.scatter.add.f32 [tilespmem:s12], [sflag:$0x1], $0x80, s14, s11, $0xb8;
	[tilespmem:$0x1A400] =	vst v63  }
.Ltmp1:
0x2b: {  	_ = 	snop;
	(pc) =	sbr.rel @p0 .LBB2_4-.Ltmp1, $4  }
0x2c: {  	_ = 	snop  }
0x2d: {  	s13 =	sadd.s32 $0x200, s13  }
0x2e: {  	_ =	swait.ge [sflag:s10], $0x4000  }
0x2f: {  	[sflag:s10] =	ssyncset.done $0x0  }
0x30: {  	s3 =	sadd.s32 $0x1, s3  }
0x31: {  	[sflag:s10] =	ssyncadd.s32 $0xFFFFC000;
	p0 =	sne.s32 s3, s8  }
.Ltmp2:
0x32: {  	[bflag:$0x0] =	sbarrier.arrive $0xFFFF;
	(pc) =	sbr.rel @p0 .LBB2_1-.Ltmp2, $4  }
0x33: {  	[hbm:s7], [sflag:s5] =	dma.local [spmem:s9], $0x2780  }
0x34: {  	_ =	swait.ge [sflag:s10], $0x2780  }
0x35: {  	[sflag:s10] =	ssyncset.done $0x0  }
0x36: {  	[sflag:s10] =	ssyncadd.s32 $0xFFFFD880  }
0x37: {  	_ =	sfence.sel $0x180000  }
0x38: {  	[bflag:$0x0] =	sbarrier.arrive $0xFFFF  }
0x39: {  	p0 =	sne.s32 s0, $0x0;
	_ =	strace $0x90000047  }
0x3a: {  	s0 =	sadd.s32 @!p0 $0x100000, s1;
	[bflag:$0x2] =	sbarrier.arrive $0xFFFF  }
0x3b: {  	[sflag:s0] =	ssyncadd.tile.s32 @!p0 $0x1;
	_ =	shalt  }
.Lfunc_end2:
_tile_overlayer_lowered:
.L_overlay_start_2:
0x3c: {  	(tag) =	ssettag $0x2  }
0x3d: {  	s0 =	rddreg [dreg:$0x0];
	s2 =	stileid.u32  }
0x3e: {  	s1 =	rddreg [dreg:$0x1];
	p0 =	sne.s32 s2, $0x0  }
0x3f: {  	s3 =	rddreg [dreg:$0x2];
	[bflag:$0x3] =	sbarrier.arrive $0xFFFF;
	s2 =	simm.s32 @!p0 $0x1C01  }
0x40: {  	[timem:s3], [sflag:s2] =	dma.local @!p0 [hbm:s0], s1  }
0x41: {  	s0 =	simm.s32 @!p0 $0x1  }
0x42: {  	_ =	swait.ge @!p0 [sflag:s0], s1  }
0x43: {  	s1 =	ssub.s32 @!p0 $0x0, s1;
	[sflag:s0] =	ssyncset.done @!p0 $0x0  }
0x44: {  	[sflag:s0] =	ssyncadd.s32 @!p0 s1  }
0x45: {  	[bflag:$0x3] =	sbarrier.arrive $0xFFFF  }
0x46: {  	_ =	shalt  }

// kernel: kernel.13.cloned.1.call-start
scs
__scs_entry_jumppad:
0x0: {  	(pc) =	sbr.rel $0x88, $3  }
0x1: {  	(tag) =	ssettag $0x0;
	lr =	simm.s32 $0x1  }
0x2: {  	[smem:$0x3F94] =	sst lr;
	_ =	strace $0xD0000000  }
0x3: {  	_ = 	snop  }
0x4: {  	_ = 	snop  }
0x5: {  	_ = 	snop  }
0x6: {  	_ = 	snop  }
0x7: {  	_ = 	snop  }
__scs_overlays_trampoline_lowered:
0x8: {  	[smem:$0x3FA3] =	sst s0  }
0x9: {  	[smem:$0x3FA4] =	sst s1  }
0xa: {  	[smem:$0x3FA5] =	sst s2  }
0xb: {  	[smem:$0x3FA6] =	sst s3  }
0xc: {  	[smem:$0x3FA7] =	sst s4  }
0xd: {  	[smem:$0x3FA8] =	sst s5  }
0xe: {  	[smem:$0x3FA9] =	sst s6  }
0xf: {  	[smem:$0x3FAA] =	sst s7  }
0x10: {  	[smem:$0x3FAB] =	sst s8  }
0x11: {  	[smem:$0x3FAC] =	sst s9;
	s0 =	simm.s32 @!p0 $0x0  }
0x12: {  	s1 =	sld [smem:$0x3F92];
	s0 =	simm.s32 @p0 $0x1  }
0x13: {  	[smem:$0x3FAD] =	sst s0;
	s0 =	simm.s32 @!p1 $0x0  }
0x14: {  	s2 =	sld [smem:$0x3F91];
	s0 =	simm.s32 @p1 $0x1  }
0x15: {  	[smem:$0x3FAE] =	sst s0;
	s0 =	simm.s32 @!p2 $0x0  }
0x16: {  	s3 =	sld [smem:$0x3FDB];
	s0 =	simm.s32 @p2 $0x1  }
0x17: {  	s4 =	simm.s32 $0x1BF5;
	[smem:$0x3FB0] =	sst s0  }
0x18: {  	s0 =	sld [smem:$0x3F93];
	_ =	swait.ge [sflag:s4], $0x0  }
0x19: {  	s7 =	sld [smem:$0x3F94]  }
0x1a: {  	s8 =	sadd.s32 $0xFFFFE003, lr  }
0x1b: {  	s9 =	sadd.s32 $0xFFFFFEF7, lr;
	s5 =	simm.s32 $0xFFFFFFFF;
	p2 =	slt.u32 s8, $0xFFFFF086  }
0x1c: {  	p1 =	slt.u32 s9, $0xF7A;
	s5 =	simm.s32 @!p2 $0x0  }
0x1d: {  	s5 =	simm.s32 @p1 $0x1;
	p0 =	seq.s32 s7, s2  }
0x1e: {  	s7 =	smul.u32 @!p0 $0xF7A, s2;
	p2 =	seq.s32 @!p0 s5, $0x0  }
0x1f: {  	s9 =	smul.u32 $0xF7A, s1;
	s8 =	simm.s32 @!p0 $0x1BF5;
	p2 =	por !p2, p0  }
0x20: {  	[sflag:s8] =	ssyncset.s32 @!p0 $0xFFFFF086;
	s6 =	sadd.s32 @!p0 s3, s7;
	s7 =	simm.s32 @!p0 $0x108  }
0x21: {  	s3 =	sadd.s32 s3, s9;
	s6 =	sadd.s32 @!p0 $0x88, s6;
	s7 =	simm.s32 @p2 $0x1082  }
0x22: {  	[simem:s7], [sflag:s8] =	dma.local @!p0 [hbm:s6], $0xF7A  }
0x23: {  	s9 =	sor.u32 $0xD0000000, s2;
	s6 =	simm.s32 $0x108;
	_ =	swait.ge @!p0 [sflag:s8], $0x0  }
0x24: {  	s3 =	sadd.s32 $0x88, s3;
	s6 =	simm.s32 @!p1 $0x1082;
	[sflag:s4] =	ssyncset.s32 $0xFFFFF086  }
0x25: {  	[simem:s6], [sflag:s4] =	dma.local [hbm:s3], $0xF7A  }
0x26: {  	[smem:$0x3F94] =	sst s1;
	(tag) =	ssettag s2;
	_ =	strace s9  }
0x27: {  	s1 =	sld [smem:$0x3FA4]  }
0x28: {  	s2 =	sld [smem:$0x3FA5]  }
0x29: {  	s4 =	sld [smem:$0x3FA7]  }
0x2a: {  	p0 =	seq.s32 s5, $0x0;
	s5 =	sld [smem:$0x3FA8]  }
0x2b: {  	s6 =	sld [smem:$0x3FA9]  }
0x2c: {  	s7 =	sld [smem:$0x3FAA]  }
0x2d: {  	s3 =	simm.s32 $0x108;
	s8 =	sld [smem:$0x3FAB]  }
0x2e: {  	s3 =	simm.s32 @!p0 $0x1082;
	s9 =	sld [smem:$0x3FAC]  }
0x2f: {  	lr =	sadd.s32 s0, s3;
	s0 =	sld [smem:$0x3FA3]  }
0x30: {  	s3 =	sld [smem:$0x3FA6]  }
0x31: {  	[smem:$0x3FAF] =	sst s10  }
0x32: {  	s10 =	sld [smem:$0x3FAD];
	_ =	sdelay $0x3  }
0x33: {  	p0 =	seq.s32 s10, $0x1;
	s10 =	sld [smem:$0x3FAF];
	_ =	sdelay $0x3  }
0x34: {  	[smem:$0x3FAF] =	sst s10  }
0x35: {  	s10 =	sld [smem:$0x3FAE];
	_ =	sdelay $0x3  }
0x36: {  	p1 =	seq.s32 s10, $0x1;
	s10 =	sld [smem:$0x3FAF];
	_ =	sdelay $0x3  }
0x37: {  	[smem:$0x3FAF] =	sst s10  }
0x38: {  	s10 =	sld [smem:$0x3FB0]  }
0x39: {  	_ = 	snop;
	(pc) =	sbr.ind lr, $3  }
0x3a: {  	_ = 	snop  }
0x3b: {  	_ = 	snop  }
0x3c: {  	p2 =	seq.s32 s10, $0x1;
	s10 =	sld [smem:$0x3FAF]  }
0x3d: {  	_ =	shalt  }
0x3e: {  	_ =	shalt  }
0x3f: {  	_ =	shalt  }
0x40: {  	_ =	shalt  }
0x41: {  	_ =	shalt  }
0x42: {  	_ =	shalt  }
0x43: {  	_ =	shalt  }
0x44: {  	_ =	shalt  }
0x45: {  	_ =	shalt  }
0x46: {  	_ =	shalt  }
0x47: {  	_ =	shalt  }
0x48: {  	_ =	shalt  }
0x49: {  	_ =	shalt  }
0x4a: {  	_ =	shalt  }
0x4b: {  	_ =	shalt  }
0x4c: {  	_ =	shalt  }
0x4d: {  	_ =	shalt  }
0x4e: {  	_ =	shalt  }
0x4f: {  	_ =	shalt  }
0x50: {  	_ =	shalt  }
0x51: {  	_ =	shalt  }
0x52: {  	_ =	shalt  }
0x53: {  	_ =	shalt  }
0x54: {  	_ =	shalt  }
0x55: {  	_ =	shalt  }
0x56: {  	_ =	shalt  }
0x57: {  	_ =	shalt  }
0x58: {  	_ =	shalt  }
0x59: {  	_ =	shalt  }
0x5a: {  	_ =	shalt  }
0x5b: {  	_ =	shalt  }
0x5c: {  	_ =	shalt  }
0x5d: {  	_ =	shalt  }
0x5e: {  	_ =	shalt  }
0x5f: {  	_ =	shalt  }
0x60: {  	_ =	shalt  }
0x61: {  	_ =	shalt  }
0x62: {  	_ =	shalt  }
0x63: {  	_ =	shalt  }
0x64: {  	_ =	shalt  }
0x65: {  	_ =	shalt  }
0x66: {  	_ =	shalt  }
0x67: {  	_ =	shalt  }
0x68: {  	_ =	shalt  }
0x69: {  	_ =	shalt  }
0x6a: {  	_ =	shalt  }
0x6b: {  	_ =	shalt  }
0x6c: {  	_ =	shalt  }
0x6d: {  	_ =	shalt  }
0x6e: {  	_ =	shalt  }
0x6f: {  	_ =	shalt  }
0x70: {  	_ =	shalt  }
0x71: {  	_ =	shalt  }
0x72: {  	_ =	shalt  }
0x73: {  	_ =	shalt  }
0x74: {  	_ =	shalt  }
0x75: {  	_ =	shalt  }
0x76: {  	_ =	shalt  }
0x77: {  	_ =	shalt  }
0x78: {  	_ =	shalt  }
0x79: {  	_ =	shalt  }
0x7a: {  	_ =	shalt  }
0x7b: {  	_ =	shalt  }
0x7c: {  	_ =	shalt  }
0x7d: {  	_ =	shalt  }
0x7e: {  	_ =	shalt  }
0x7f: {  	_ =	shalt  }
0x80: {  	_ =	shalt  }
0x81: {  	_ =	shalt  }
0x82: {  	_ =	shalt  }
0x83: {  	_ =	shalt  }
0x84: {  	_ =	shalt  }
0x85: {  	_ =	shalt  }
0x86: {  	_ =	shalt  }
0x87: {  	_ =	shalt  }
.Lfunc_end0:
.L_simem_size_0:
called_computation.1_lowered:
.L_overlay_start_0:
0x88: {  	s2 =	sld [smem:$0x3FD9]  }
0x89: {  	s3 =	sld [smem:$0x3FFE];
	_ =	sdelay $0x1  }
0x8a: {  	s1 =	srdreg.scid  }
0x8b: {  	s0 =	sand.u32 $0x1, s1  }
0x8c: {  	s16 =	sshll.u32 s0, $0xA;
	s2 =	sadd.s32 s3, s2  }
0x8d: {  	s2 =	sadd.s32 s2, s16  }
0x8e: {  	[smem:$0x3FBB] =	sst s2  }
0x8f: {  	_ = 	snop  }
0x90: {  	(tm) =	ssettm $0x1  }
0x91: {  	s17 =	sld [smem:$0x3FFB];
	_ =	sdelay $0x3  }
0x92: {  	_ =	strace s17  }
0x93: {  	s2 =	sld [smem:$0x3FFC];
	_ =	sdelay $0x3  }
0x94: {  	_ =	strace s2  }
0x95: {  	s2 =	sld [smem:$0x3FFD];
	_ =	sdelay $0x3  }
0x96: {  	_ =	strace s2  }
0x97: {  	_ =	strace $0x8FFFFFFF  }
0x98: {  	s18 =	sld [smem:$0x3FDB];
	_ =	sdelay $0x1  }
0x99: {  	s19 =	simm.s32 $_scs_section_size  }
0x9a: {  	s4 =	simm.s32 $_size__tile_overlayer_lowered;
	s5 =	simm.s32 $_tile_overlayer_lowered  }
0x9b: {  	s22 =	simm.s32 $0x1BFF;
	s21 =	sshll.u32 s5, $0x1;
	s2 =	sadd.s32 s19, s18  }
0x9c: {  	s6 =	simm.s32 $0x0;
	s20 =	sshll.u32 s4, $0x1;
	s4 =	sadd.s32 s21, s2  }
0x9d: {  	[timem:s6], [sflag:s22] =	dma.local [hbm:s4], s20  }
0x9e: {  	_ =	swait.ge [sflag:s22], s20  }
0x9f: {  	s3 =	ssub.s32 $0x0, s20;
	[sflag:s22] =	ssyncset.done $0x0  }
0xa0: {  	[sflag:s22] =	ssyncadd.s32 s3;
	_ =	sdelay $0x1  }
0xa1: {  	s23 =	simm.s32 $0x1B8B  }
0xa2: {  	_ =	swait.ge [sflag:s23], $0x1  }
0xa3: {  	[sflag:s23] =	ssyncset.done $0x0  }
0xa4: {  	s25 =	simm.s32 $0x1B8E;
	s24 =	sld [smem:$0x3FFE];
	[sflag:s23] =	ssyncadd.s32 $0xFFFFFFFF  }
0xa5: {  	s26 =	simm.s32 $execute0_lowered;
	[smem:$0x3FD2] =	sst s25  }
0xa6: {  	s4 =	sshll.u32 s26, $0x1;
	_ =	strace $0x80000049;
	[dreg:$0x1] =	wrdreg $0xFFFFFFFF  }
0xa7: {  	s28 =	simm.s32 $_size_execute0_lowered;
	s2 =	sadd.s32 s2, s4;
	[dreg:$0x0] =	wrdreg $0x0  }
0xa8: {  	s4 =	sshll.u32 s28, $0x1;
	[dreg:$0x2] =	wrdreg s2  }
0xa9: {  	[dreg:$0x3] =	wrdreg s4  }
0xaa: {  	[dreg:$0x4] =	wrdreg $0xC0  }
0xab: {  	_ =	task [dreg:s6], $0x5FFFF  }
0xac: {  	[dreg:$0x1] =	wrdreg $0xFFFFFFFF  }
0xad: {  	[dreg:$0x0] =	wrdreg $0x60  }
0xae: {  	[dreg:$0x2] =	wrdreg s24  }
0xaf: {  	[dreg:$0x3] =	wrdreg $0xA8000  }
0xb0: {  	[dreg:$0x4] =	wrdreg $0x9  }
0xb1: {  	_ =	task.clear_ibuf [dreg:s6], $0x5FFFF;
	_ =	strace $0x90000049  }
0xb2: {  	s29 =	simm.s32 $0x9;
	_ =	strace $0x8000004B  }
0xb3: {  	_ =	swait.ge [sflag:s29], $0x1  }
0xb4: {  	[sflag:s29] =	ssyncadd.s32 $0xFFFFFFFF  }
0xb5: {  	_ =	strace $0x9000004B  }
0xb6: {  	_ =	sfence  }
0xb7: {  	s30 =	sld [smem:$0x0];
	_ =	sdelay $0x2  }
0xb8: {  	s31 =	sshll.u32 s1, $0xD;
	s1 =	sshrl.u32 s1, $0x2  }
0xb9: {  	s3 =	sand.u32 $0x4000, s31;
	s1 =	sadd.s32 s1, s30  }
0xba: {  	s0 =	sor.u32 s3, s0;
	s1 =	sshll.u32 s1, $0x11  }
0xbb: {  	s0 =	sor.u32 s1, s0  }
0xbc: {  	s0 =	sadd.s32 $0x8F2B, s0  }
0xbd: {  	[sflag:s0] =	ssyncadd.remote.s32 $0x1  }
0xbe: {  	_ =	sfence.sel $0xFFFF  }
0xbf: {  	[dreg:$0x0] =	wrdreg $0xFFFFFFFF;
	(pc) =	sbr.abs _section_cstart, $3  }
0xc0: {  	[dreg:$0x1] =	wrdreg $0xFFFFFFFF  }
0xc1: {  	_ =	task.clear_ibuf [dreg:s6], $0x2FFFF;
	_ =	strace $0x9FFFFFFF  }
0xc2: {  	(tm) =	ssettm $0x7FFFFFFF  }
0xc3: {  	_ =	shalt  }
tec
execute0_lowered:
.L_overlay_start_1:
0x0: {  	(tag) =	ssettag $0x1  }
0x1: {  	s0 =	rddreg [dreg:$0x0]  }
0x2: {  	s1 =	rddreg [dreg:$0x1];
	s3 =	simm.s32 $0x0;
	s2 =	srdreg.scid  }
0x3: {  	s15 =	stileid.u32;
	s28 =	simm.s32 $0x2;
	s29 =	simm.s32 $0x0  }
0x4: {  	[smem:$0x7FF] =	sst s3;
	s2 =	sand.u32 $0x1, s2;
	s7 =	smul.u32 $0x13C00, s15  }
0x5: {  	s4 =	sadd.s32 $0x1A000, s0;
	s16 =	sadd.s32 $0x3800, s0;
	s9 =	smul.u32 $0x4F000, s15  }
0x6: {  	s17 =	sadd.s32 $0xD800, s0;
	s5 =	sadd.s32 $0x17800, s0;
	s21 =	smul.u32 $0x4C00, s15  }
0x7: {  	s23 =	sshll.u32 s15, $0x6;
	s24 =	smul.u32 $0x980, s15;
	s30 =	sshll.u32 s15, $0x7  }
0x8: {  	s6 =	smul.u32 $0x13C000, s2;
	_ =	strace $0x8000004A;
	s20 =	ssub.s32 $0x2, s2  }
0x9: {  	p0 =	seq.s32 s2, $0x1;
	s2 =	sor.u32 $0x9800, s30;
	s8 =	sshrl.u32 s20, $0x1  }
0xa: {  	s22 =	sshrl.u32 s9, $0x2;
	s14 =	sshrl.u32 s21, $0x3;
	s25 =	sadd.s32 s16, s24  }
0xb: {  	s9 =	sadd.s32 s17, s24;
	s21 =	simm.s32 $0x1400;
	s24 =	simm.s32 $0x6800  }
0xc: {  	s6 =	sadd.s32 s7, s6;
	s19 =	ssub.s32 s20, s8;
	s7 =	sor.u32 $0x1C03, s23  }
0xd: {  	[dreg:$0x3] =	wrdreg s25;
	s26 =	sadd.s32 $0x280, s14;
	s13 =	sadd.s32 $0x500, s14  }
0xe: {  	s31 =	sadd.s32 $0x780, s14;
	s20 =	simm.s32 $0x3;
	s23 =	simm.s32 $0x2800  }
0xf: {  	s25 =	simm.s32 $0x1;
	s6 =	sshrl.u32 s6, $0x3;
	s10 =	sadd.s32 s16, s26  }
.Ltmp0:
0x10: {  	s11 =	sadd.s32 s17, s26;
	s12 =	sadd.s32 s16, s13;
	(pc) =	sbr.rel .LBB2_1-.Ltmp0, $4  }
0x11: {  	s13 =	sadd.s32 s17, s13;
	s14 =	sadd.s32 s16, s31;
	s15 =	sadd.s32 s17, s31  }
0x12: {  	s16 =	sadd.s32 s16, s2;
	s17 =	sadd.s32 s17, s2;
	s19 =	smax.u32 s19, $0x1  }
0x13: {  	s2 =	simm.s32 $0x2700;
	s26 =	simm.s32 $0x2780;
	s0 =	sadd.s32 s6, s0  }
0x14: {  	s6 =	sadd.s32 s22, s1;
	s22 =	simm.s32 $0x80;
	s18 =	sadd.s32 $0x41800, s0  }
.LBB2_11:
0x15: {  	[tilespmem:s3], [sflag:$0x3] =	stream.linear.gather [hbm4b:s16+s3], $0x400, $0x38;
	[tilespmem:$0x1E400] =	vst v63  }
0x16: {  	_ =	swait.ge [sflag:s20], $0x400  }
0x17: {  	[sflag:s20] =	ssyncset.done $0x0  }
0x18: {  	[sflag:s20] =	ssyncadd.s32 $0xFFFFFC00  }
0x19: {  	[tilespmem:s21], [sflag:$0x3] =	stream.linear.gather [hbm4b:s17+s3], $0x400, $0x38;
	[tilespmem:$0x1E400] =	vst v63  }
0x1a: {  	_ =	swait.ge [sflag:s20], $0x400  }
0x1b: {  	[sflag:s20] =	ssyncset.done $0x0  }
0x1c: {  	[sflag:s20] =	ssyncadd.s32 $0xFFFFFC00  }
0x1d: {  	[tilespmem:s23], [sflag:$0x1] =	stream.indirect.gather [hbm4b:s4+s22], $0x80, s3, s22, $0xb8;
	[tilespmem:$0x1E400] =	vst v63  }
0x1e: {  	_ = 	snop  }
0x1f: {  	[tilespmem:s24], [sflag:$0x2] =	stream.indirect.gather [hbm4b:s4+s22], $0x80, s22, s22, $0xb8;
	[tilespmem:$0x1E400] =	vst v63  }
0x20: {  	_ =	swait.ge [sflag:s25], $0x4000  }
0x21: {  	[sflag:s25] =	ssyncset.done $0x0  }
0x22: {  	[sflag:s25] =	ssyncadd.s32 $0xFFFFC000  }
0x23: {  	[spmem:s1] =	stream.indirect.scatter.add.f32 [tilespmem:s23], [sflag:$0x3], $0x80, s21, s22, $0xb8;
	[tilespmem:$0x1E400] =	vst v63  }
0x24: {  	_ =	swait.ge [sflag:s20], $0x4000  }
0x25: {  	[sflag:s20] =	ssyncset.done $0x0  }
0x26: {  	s0 =	simm.s32 $0x100;
	[sflag:s20] =	ssyncadd.s32 $0xFFFFC000  }
0x27: {  	[tilespmem:s23], [sflag:$0x1] =	stream.indirect.gather [hbm4b:s4+s22], $0x80, s0, s22, $0xb8;
	[tilespmem:$0x1E400] =	vst v63  }
0x28: {  	_ =	swait.ge [sflag:s28], $0x4000  }
0x29: {  	[sflag:s28] =	ssyncset.done $0x0  }
0x2a: {  	s8 =	simm.s32 $0x1480;
	[sflag:s28] =	ssyncadd.s32 $0xFFFFC000  }
0x2b: {  	[spmem:s1] =	stream.indirect.scatter.add.f32 [tilespmem:s24], [sflag:$0x3], $0x80, s8, s22, $0xb8;
	[tilespmem:$0x1E400] =	vst v63  }
0x2c: {  	_ =	swait.ge [sflag:s20], $0x4000  }
0x2d: {  	[sflag:s20] =	ssyncset.done $0x0  }
0x2e: {  	s8 =	simm.s32 $0x180;
	[sflag:s20] =	ssyncadd.s32 $0xFFFFC000  }
0x2f: {  	[tilespmem:s24], [sflag:$0x2] =	stream.indirect.gather [hbm4b:s4+s22], $0x80, s8, s22, $0xb8;
	[tilespmem:$0x1E400] =	vst v63  }
0x30: {  	_ =	swait.ge [sflag:s25], $0x4000  }
0x31: {  	[sflag:s25] =	ssyncset.done $0x0  }
0x32: {  	s8 =	simm.s32 $0x1500;
	[sflag:s25] =	ssyncadd.s32 $0xFFFFC000  }
0x33: {  	[spmem:s1] =	stream.indirect.scatter.add.f32 [tilespmem:s23], [sflag:$0x3], $0x80, s8, s22, $0xb8;
	[tilespmem:$0x1E400] =	vst v63  }
0x34: {  	_ =	swait.ge [sflag:s20], $0x4000  }
0x35: {  	[sflag:s20] =	ssyncset.done $0x0  }
0x36: {  	s8 =	simm.s32 $0x200;
	[sflag:s20] =	ssyncadd.s32 $0xFFFFC000  }
0x37: {  	[tilespmem:s23], [sflag:$0x1] =	stream.indirect.gather [hbm4b:s4+s22], $0x80, s8, s22, $0xb8;
	[tilespmem:$0x1E400] =	vst v63  }
0x38: {  	_ =	swait.ge [sflag:s28], $0x4000  }
0x39: {  	[sflag:s28] =	ssyncset.done $0x0  }
0x3a: {  	s8 =	simm.s32 $0x1580;
	[sflag:s28] =	ssyncadd.s32 $0xFFFFC000  }
0x3b: {  	[spmem:s1] =	stream.indirect.scatter.add.f32 [tilespmem:s24], [sflag:$0x3], $0x80, s8, s22, $0xb8;
	[tilespmem:$0x1E400] =	vst v63  }
0x3c: {  	_ =	swait.ge [sflag:s20], $0x4000  }
0x3d: {  	[sflag:s20] =	ssyncset.done $0x0  }
0x3e: {  	s8 =	simm.s32 $0x280;
	[sflag:s20] =	ssyncadd.s32 $0xFFFFC000  }
0x3f: {  	[tilespmem:s24], [sflag:$0x2] =	stream.indirect.gather [hbm4b:s4+s22], $0x80, s8, s22, $0xb8;
	[tilespmem:$0x1E400] =	vst v63  }
0x40: {  	_ =	swait.ge [sflag:s25], $0x4000  }
0x41: {  	[sflag:s25] =	ssyncset.done $0x0  }
0x42: {  	s8 =	simm.s32 $0x1600;
	[sflag:s25] =	ssyncadd.s32 $0xFFFFC000  }
0x43: {  	[spmem:s1] =	stream.indirect.scatter.add.f32 [tilespmem:s23], [sflag:$0x3], $0x80, s8, s22, $0xb8;
	[tilespmem:$0x1E400] =	vst v63  }
0x44: {  	_ =	swait.ge [sflag:s20], $0x4000  }
0x45: {  	[sflag:s20] =	ssyncset.done $0x0  }
0x46: {  	s8 =	simm.s32 $0x300;
	[sflag:s20] =	ssyncadd.s32 $0xFFFFC000  }
0x47: {  	[tilespmem:s23], [sflag:$0x1] =	stream.indirect.gather [hbm4b:s4+s22], $0x80, s8, s22, $0xb8;
	[tilespmem:$0x1E400] =	vst v63  }
0x48: {  	_ =	swait.ge [sflag:s28], $0x4000  }
0x49: {  	[sflag:s28] =	ssyncset.done $0x0  }
0x4a: {  	s8 =	simm.s32 $0x1680;
	[sflag:s28] =	ssyncadd.s32 $0xFFFFC000  }
0x4b: {  	[spmem:s1] =	stream.indirect.scatter.add.f32 [tilespmem:s24], [sflag:$0x3], $0x80, s8, s22, $0xb8;
	[tilespmem:$0x1E400] =	vst v63  }
0x4c: {  	_ =	swait.ge [sflag:s20], $0x4000  }
0x4d: {  	s31 =	simm.s32 $0x1780;
	[sflag:s20] =	ssyncset.done $0x0  }
0x4e: {  	s0 =	simm.s32 $0x1700;
	s8 =	simm.s32 $0x380;
	[sflag:s20] =	ssyncadd.s32 $0xFFFFC000  }
0x4f: {  	[tilespmem:s24], [sflag:$0x2] =	stream.indirect.gather [hbm4b:s4+s22], $0x80, s8, s22, $0xb8;
	[tilespmem:$0x1E400] =	vst v63  }
.LBB2_12:
0x50: {  	_ =	swait.ge [sflag:s25], $0x4000  }
0x51: {  	[sflag:s25] =	ssyncset.done $0x0  }
0x52: {  	[sflag:s25] =	ssyncadd.s32 $0xFFFFC000  }
0x53: {  	[spmem:s1] =	stream.indirect.scatter.add.f32 [tilespmem:s23], [sflag:$0x3], $0x80, s0, s22, $0xb8;
	[tilespmem:$0x1E400] =	vst v63  }
0x54: {  	_ =	swait.ge [sflag:s20], $0x4000  }
0x55: {  	[sflag:s20] =	ssyncset.done $0x0  }
0x56: {  	[sflag:s20] =	ssyncadd.s32 $0xFFFFC000  }
0x57: {  	_ =	swait.ge [sflag:s28], $0x4000  }
0x58: {  	[sflag:s28] =	ssyncset.done $0x0  }
0x59: {  	[sflag:s28] =	ssyncadd.s32 $0xFFFFC000  }
0x5a: {  	[spmem:s1] =	stream.indirect.scatter.add.f32 [tilespmem:s24], [sflag:$0x3], $0x80, s31, s22, $0xb8;
	[tilespmem:$0x1E400] =	vst v63  }
0x5b: {  	_ =	swait.ge [sflag:s20], $0x4000  }
0x5c: {  	s29 =	sadd.s32 $0x1, s29;
	[sflag:s20] =	ssyncset.done $0x0  }
0x5d: {  	p1 =	sne.s32 s29, s19;
	[sflag:s20] =	ssyncadd.s32 $0xFFFFC000  }
.Ltmp1:
0x5e: {  	[bflag:$0x0] =	sbarrier.arrive $0xFFFF;
	(pc) =	sbr.rel @!p1 .LBB2_13-.Ltmp1, $4  }
0x5f: {  	[hbm:s18], [sflag:s7] =	dma.local [spmem:s30], $0x2780  }
0x60: {  	_ =	swait.ge [sflag:s20], $0x2780  }
0x61: {  	[sflag:s20] =	ssyncset.done $0x0  }
0x62: {  	[sflag:s20] =	ssyncadd.s32 $0xFFFFD880  }
.LBB2_1:
0x63: {  	s30 =	sshrl.u32 s6, $0x3  }
0x64: {  	[spmem:s30], [sflag:s7] =	dma.local [hbm:s5], $0x2780  }
.Ltmp2:
0x65: {  	_ =	swait.ge [sflag:s20], $0x2780;
	(pc) =	sbr.rel @p0 .LBB2_11-.Ltmp2, $3  }
0x66: {  	[sflag:s20] =	ssyncset.done $0x0  }
0x67: {  	[sflag:s20] =	ssyncadd.s32 $0xFFFFD880  }
0x68: {  	[bflag:$0x0] =	sbarrier.arrive $0xFFFF;
	_ =	sdelay $0x1  }
0x69: {  	s0 =	simm.s32 $0x0;
	s8 =	rddreg [dreg:$0x3]  }
0x6a: {  	[tilespmem:s0], [sflag:$0x3] =	stream.linear.gather [hbm4b:s8+s0], $0x1400, $0x38;
	[tilespmem:$0x1E400] =	vst v63  }
0x6b: {  	_ =	swait.ge [sflag:s20], $0x1400  }
0x6c: {  	[sflag:s20] =	ssyncset.done $0x0  }
0x6d: {  	[sflag:s20] =	ssyncadd.s32 $0xFFFFEC00  }
0x6e: {  	[tilespmem:s21], [sflag:$0x3] =	stream.linear.gather [hbm4b:s9+s0], $0x1400, $0x38;
	[tilespmem:$0x1E400] =	vst v63  }
0x6f: {  	_ =	swait.ge [sflag:s20], $0x1400  }
0x70: {  	[sflag:s20] =	ssyncset.done $0x0  }
0x71: {  	[sflag:s20] =	ssyncadd.s32 $0xFFFFEC00  }
0x72: {  	[tilespmem:s23], [sflag:$0x1] =	stream.indirect.gather [hbm4b:s4+s22], $0x80, s0, s22, $0xb8;
	[tilespmem:$0x1E400] =	vst v63  }
0x73: {  	_ = 	snop  }
0x74: {  	[tilespmem:s24], [sflag:$0x2] =	stream.indirect.gather [hbm4b:s4+s22], $0x80, s22, s22, $0xb8;
	[tilespmem:$0x1E400] =	vst v63  }
0x75: {  	_ =	swait.ge [sflag:s25], $0x4000  }
0x76: {  	[sflag:s25] =	ssyncset.done $0x0  }
0x77: {  	s8 =	simm.s32 $0x1400;
	[sflag:s25] =	ssyncadd.s32 $0xFFFFC000  }
0x78: {  	[spmem:s1] =	stream.indirect.scatter.add.f32 [tilespmem:s23], [sflag:$0x3], $0x80, s8, s22, $0xb8;
	[tilespmem:$0x1E400] =	vst v63  }
0x79: {  	_ =	swait.ge [sflag:s20], $0x4000  }
0x7a: {  	[sflag:s20] =	ssyncset.done $0x0  }
0x7b: {  	s8 =	simm.s32 $0x100;
	[sflag:s20] =	ssyncadd.s32 $0xFFFFC000  }
0x7c: {  	[tilespmem:s23], [sflag:$0x1] =	stream.indirect.gather [hbm4b:s4+s22], $0x80, s8, s22, $0xb8;
	[tilespmem:$0x1E400] =	vst v63  }
0x7d: {  	_ =	swait.ge [sflag:s28], $0x4000  }
0x7e: {  	[sflag:s28] =	ssyncset.done $0x0  }
0x7f: {  	s8 =	simm.s32 $0x1480;
	[sflag:s28] =	ssyncadd.s32 $0xFFFFC000  }
0x80: {  	[spmem:s1] =	stream.indirect.scatter.add.f32 [tilespmem:s24], [sflag:$0x3], $0x80, s8, s22, $0xb8;
	[tilespmem:$0x1E400] =	vst v63  }
0x81: {  	_ =	swait.ge [sflag:s20], $0x4000  }
0x82: {  	[sflag:s20] =	ssyncset.done $0x0  }
0x83: {  	s31 =	simm.s32 $0x400;
	s0 =	simm.s32 $0x180;
	[sflag:s20] =	ssyncadd.s32 $0xFFFFC000  }
.LBB2_3:
0x84: {  	[tilespmem:s24], [sflag:$0x2] =	stream.indirect.gather [hbm4b:s4+s22], $0x80, s0, s22, $0xb8;
	[tilespmem:$0x1E400] =	vst v63  }
0x85: {  	s0 =	smov.u32 s31  }
0x86: {  	p1 =	sne.s32 s31, $0x4800;
	s31 =	sadd.s32 $0x400, s31;
	_ =	swait.ge [sflag:s25], $0x4000  }
0x87: {  	s0 =	sshra.s32 s0, $0x2;
	[sflag:s25] =	ssyncset.done $0x0  }
0x88: {  	s8 =	sadd.s32 $0x1400, s0;
	[sflag:s25] =	ssyncadd.s32 $0xFFFFC000  }
0x89: {  	[spmem:s1] =	stream.indirect.scatter.add.f32 [tilespmem:s23], [sflag:$0x3], $0x80, s8, s22, $0xb8;
	[tilespmem:$0x1E400] =	vst v63  }
0x8a: {  	_ =	swait.ge [sflag:s20], $0x4000  }
0x8b: {  	[sflag:s20] =	ssyncset.done $0x0  }
0x8c: {  	s8 =	sadd.s32 $0x100, s0;
	[sflag:s20] =	ssyncadd.s32 $0xFFFFC000  }
0x8d: {  	[tilespmem:s23], [sflag:$0x1] =	stream.indirect.gather [hbm4b:s4+s22], $0x80, s8, s22, $0xb8;
	[tilespmem:$0x1E400] =	vst v63  }
0x8e: {  	_ =	swait.ge [sflag:s28], $0x4000  }
0x8f: {  	[sflag:s28] =	ssyncset.done $0x0  }
.Ltmp3:
0x90: {  	s8 =	sadd.s32 $0x1480, s0;
	[sflag:s28] =	ssyncadd.s32 $0xFFFFC000;
	(pc) =	sbr.rel @p1 .LBB2_3-.Ltmp3, $4  }
0x91: {  	[spmem:s1] =	stream.indirect.scatter.add.f32 [tilespmem:s24], [sflag:$0x3], $0x80, s8, s22, $0xb8;
	[tilespmem:$0x1E400] =	vst v63  }
0x92: {  	_ =	swait.ge [sflag:s20], $0x4000  }
0x93: {  	[sflag:s20] =	ssyncset.done $0x0  }
0x94: {  	s0 =	sadd.s32 $0x180, s0;
	[sflag:s20] =	ssyncadd.s32 $0xFFFFC000  }
0x95: {  	[tilespmem:s24], [sflag:$0x2] =	stream.indirect.gather [hbm4b:s4+s22], $0x80, s0, s22, $0xb8;
	[tilespmem:$0x1E400] =	vst v63  }
0x96: {  	_ =	swait.ge [sflag:s25], $0x4000  }
0x97: {  	[sflag:s25] =	ssyncset.done $0x0  }
0x98: {  	[sflag:s25] =	ssyncadd.s32 $0xFFFFC000  }
0x99: {  	[spmem:s1] =	stream.indirect.scatter.add.f32 [tilespmem:s23], [sflag:$0x3], $0x80, s2, s22, $0xb8;
	[tilespmem:$0x1E400] =	vst v63  }
0x9a: {  	_ =	swait.ge [sflag:s20], $0x4000  }
0x9b: {  	[sflag:s20] =	ssyncset.done $0x0  }
0x9c: {  	[sflag:s20] =	ssyncadd.s32 $0xFFFFC000  }
0x9d: {  	_ =	swait.ge [sflag:s28], $0x4000  }
0x9e: {  	[sflag:s28] =	ssyncset.done $0x0  }
0x9f: {  	[sflag:s28] =	ssyncadd.s32 $0xFFFFC000  }
0xa0: {  	[spmem:s1] =	stream.indirect.scatter.add.f32 [tilespmem:s24], [sflag:$0x3], $0x80, s26, s22, $0xb8;
	[tilespmem:$0x1E400] =	vst v63  }
0xa1: {  	_ =	swait.ge [sflag:s20], $0x4000  }
0xa2: {  	[sflag:s20] =	ssyncset.done $0x0  }
0xa3: {  	s8 =	simm.s32 $0x0;
	[sflag:s20] =	ssyncadd.s32 $0xFFFFC000  }
0xa4: {  	[tilespmem:s8], [sflag:$0x3] =	stream.linear.gather [hbm4b:s10+s8], $0x1400, $0x38;
	[tilespmem:$0x1E400] =	vst v63  }
0xa5: {  	_ =	swait.ge [sflag:s20], $0x1400  }
0xa6: {  	[sflag:s20] =	ssyncset.done $0x0  }
0xa7: {  	[sflag:s20] =	ssyncadd.s32 $0xFFFFEC00  }
0xa8: {  	[tilespmem:s21], [sflag:$0x3] =	stream.linear.gather [hbm4b:s11+s8], $0x1400, $0x38;
	[tilespmem:$0x1E400] =	vst v63  }
0xa9: {  	_ =	swait.ge [sflag:s20], $0x1400  }
0xaa: {  	[sflag:s20] =	ssyncset.done $0x0  }
0xab: {  	[sflag:s20] =	ssyncadd.s32 $0xFFFFEC00  }
0xac: {  	[tilespmem:s23], [sflag:$0x1] =	stream.indirect.gather [hbm4b:s4+s22], $0x80, s8, s22, $0xb8;
	[tilespmem:$0x1E400] =	vst v63  }
0xad: {  	_ = 	snop  }
0xae: {  	[tilespmem:s24], [sflag:$0x2] =	stream.indirect.gather [hbm4b:s4+s22], $0x80, s22, s22, $0xb8;
	[tilespmem:$0x1E400] =	vst v63  }
0xaf: {  	_ =	swait.ge [sflag:s25], $0x4000  }
0xb0: {  	[sflag:s25] =	ssyncset.done $0x0  }
0xb1: {  	s8 =	simm.s32 $0x1400;
	[sflag:s25] =	ssyncadd.s32 $0xFFFFC000  }
0xb2: {  	[spmem:s1] =	stream.indirect.scatter.add.f32 [tilespmem:s23], [sflag:$0x3], $0x80, s8, s22, $0xb8;
	[tilespmem:$0x1E400] =	vst v63  }
0xb3: {  	_ =	swait.ge [sflag:s20], $0x4000  }
0xb4: {  	[sflag:s20] =	ssyncset.done $0x0  }
0xb5: {  	s8 =	simm.s32 $0x100;
	[sflag:s20] =	ssyncadd.s32 $0xFFFFC000  }
0xb6: {  	[tilespmem:s23], [sflag:$0x1] =	stream.indirect.gather [hbm4b:s4+s22], $0x80, s8, s22, $0xb8;
	[tilespmem:$0x1E400] =	vst v63  }
0xb7: {  	_ =	swait.ge [sflag:s28], $0x4000  }
0xb8: {  	[sflag:s28] =	ssyncset.done $0x0  }
0xb9: {  	s8 =	simm.s32 $0x1480;
	[sflag:s28] =	ssyncadd.s32 $0xFFFFC000  }
0xba: {  	[spmem:s1] =	stream.indirect.scatter.add.f32 [tilespmem:s24], [sflag:$0x3], $0x80, s8, s22, $0xb8;
	[tilespmem:$0x1E400] =	vst v63  }
0xbb: {  	_ =	swait.ge [sflag:s20], $0x4000  }
0xbc: {  	[sflag:s20] =	ssyncset.done $0x0  }
0xbd: {  	s31 =	simm.s32 $0x400;
	s0 =	simm.s32 $0x180;
	[sflag:s20] =	ssyncadd.s32 $0xFFFFC000  }
.LBB2_5:
0xbe: {  	[tilespmem:s24], [sflag:$0x2] =	stream.indirect.gather [hbm4b:s4+s22], $0x80, s0, s22, $0xb8;
	[tilespmem:$0x1E400] =	vst v63  }
0xbf: {  	s0 =	smov.u32 s31  }
0xc0: {  	p1 =	sne.s32 s31, $0x4800;
	s31 =	sadd.s32 $0x400, s31;
	_ =	swait.ge [sflag:s25], $0x4000  }
0xc1: {  	s0 =	sshra.s32 s0, $0x2;
	[sflag:s25] =	ssyncset.done $0x0  }
0xc2: {  	s8 =	sadd.s32 $0x1400, s0;
	[sflag:s25] =	ssyncadd.s32 $0xFFFFC000  }
0xc3: {  	[spmem:s1] =	stream.indirect.scatter.add.f32 [tilespmem:s23], [sflag:$0x3], $0x80, s8, s22, $0xb8;
	[tilespmem:$0x1E400] =	vst v63  }
0xc4: {  	_ =	swait.ge [sflag:s20], $0x4000  }
0xc5: {  	[sflag:s20] =	ssyncset.done $0x0  }
0xc6: {  	s8 =	sadd.s32 $0x100, s0;
	[sflag:s20] =	ssyncadd.s32 $0xFFFFC000  }
0xc7: {  	[tilespmem:s23], [sflag:$0x1] =	stream.indirect.gather [hbm4b:s4+s22], $0x80, s8, s22, $0xb8;
	[tilespmem:$0x1E400] =	vst v63  }
0xc8: {  	_ =	swait.ge [sflag:s28], $0x4000  }
0xc9: {  	[sflag:s28] =	ssyncset.done $0x0  }
.Ltmp4:
0xca: {  	s8 =	sadd.s32 $0x1480, s0;
	[sflag:s28] =	ssyncadd.s32 $0xFFFFC000;
	(pc) =	sbr.rel @p1 .LBB2_5-.Ltmp4, $4  }
0xcb: {  	[spmem:s1] =	stream.indirect.scatter.add.f32 [tilespmem:s24], [sflag:$0x3], $0x80, s8, s22, $0xb8;
	[tilespmem:$0x1E400] =	vst v63  }
0xcc: {  	_ =	swait.ge [sflag:s20], $0x4000  }
0xcd: {  	[sflag:s20] =	ssyncset.done $0x0  }
0xce: {  	s0 =	sadd.s32 $0x180, s0;
	[sflag:s20] =	ssyncadd.s32 $0xFFFFC000  }
0xcf: {  	[tilespmem:s24], [sflag:$0x2] =	stream.indirect.gather [hbm4b:s4+s22], $0x80, s0, s22, $0xb8;
	[tilespmem:$0x1E400] =	vst v63  }
0xd0: {  	_ =	swait.ge [sflag:s25], $0x4000  }
0xd1: {  	[sflag:s25] =	ssyncset.done $0x0  }
0xd2: {  	[sflag:s25] =	ssyncadd.s32 $0xFFFFC000  }
0xd3: {  	[spmem:s1] =	stream.indirect.scatter.add.f32 [tilespmem:s23], [sflag:$0x3], $0x80, s2, s22, $0xb8;
	[tilespmem:$0x1E400] =	vst v63  }
0xd4: {  	_ =	swait.ge [sflag:s20], $0x4000  }
0xd5: {  	[sflag:s20] =	ssyncset.done $0x0  }
0xd6: {  	[sflag:s20] =	ssyncadd.s32 $0xFFFFC000  }
0xd7: {  	_ =	swait.ge [sflag:s28], $0x4000  }
0xd8: {  	[sflag:s28] =	ssyncset.done $0x0  }
0xd9: {  	[sflag:s28] =	ssyncadd.s32 $0xFFFFC000  }
0xda: {  	[spmem:s1] =	stream.indirect.scatter.add.f32 [tilespmem:s24], [sflag:$0x3], $0x80, s26, s22, $0xb8;
	[tilespmem:$0x1E400] =	vst v63  }
0xdb: {  	_ =	swait.ge [sflag:s20], $0x4000  }
0xdc: {  	[sflag:s20] =	ssyncset.done $0x0  }
0xdd: {  	s8 =	simm.s32 $0x0;
	[sflag:s20] =	ssyncadd.s32 $0xFFFFC000  }
0xde: {  	[tilespmem:s8], [sflag:$0x3] =	stream.linear.gather [hbm4b:s12+s8], $0x1400, $0x38;
	[tilespmem:$0x1E400] =	vst v63  }
0xdf: {  	_ =	swait.ge [sflag:s20], $0x1400  }
0xe0: {  	[sflag:s20] =	ssyncset.done $0x0  }
0xe1: {  	[sflag:s20] =	ssyncadd.s32 $0xFFFFEC00  }
0xe2: {  	[tilespmem:s21], [sflag:$0x3] =	stream.linear.gather [hbm4b:s13+s8], $0x1400, $0x38;
	[tilespmem:$0x1E400] =	vst v63  }
0xe3: {  	_ =	swait.ge [sflag:s20], $0x1400  }
0xe4: {  	[sflag:s20] =	ssyncset.done $0x0  }
0xe5: {  	[sflag:s20] =	ssyncadd.s32 $0xFFFFEC00  }
0xe6: {  	[tilespmem:s23], [sflag:$0x1] =	stream.indirect.gather [hbm4b:s4+s22], $0x80, s8, s22, $0xb8;
	[tilespmem:$0x1E400] =	vst v63  }
0xe7: {  	_ = 	snop  }
0xe8: {  	[tilespmem:s24], [sflag:$0x2] =	stream.indirect.gather [hbm4b:s4+s22], $0x80, s22, s22, $0xb8;
	[tilespmem:$0x1E400] =	vst v63  }
0xe9: {  	_ =	swait.ge [sflag:s25], $0x4000  }
0xea: {  	[sflag:s25] =	ssyncset.done $0x0  }
0xeb: {  	s8 =	simm.s32 $0x1400;
	[sflag:s25] =	ssyncadd.s32 $0xFFFFC000  }
0xec: {  	[spmem:s1] =	stream.indirect.scatter.add.f32 [tilespmem:s23], [sflag:$0x3], $0x80, s8, s22, $0xb8;
	[tilespmem:$0x1E400] =	vst v63  }
0xed: {  	_ =	swait.ge [sflag:s20], $0x4000  }
0xee: {  	[sflag:s20] =	ssyncset.done $0x0  }
0xef: {  	s8 =	simm.s32 $0x100;
	[sflag:s20] =	ssyncadd.s32 $0xFFFFC000  }
0xf0: {  	[tilespmem:s23], [sflag:$0x1] =	stream.indirect.gather [hbm4b:s4+s22], $0x80, s8, s22, $0xb8;
	[tilespmem:$0x1E400] =	vst v63  }
0xf1: {  	_ =	swait.ge [sflag:s28], $0x4000  }
0xf2: {  	[sflag:s28] =	ssyncset.done $0x0  }
0xf3: {  	s8 =	simm.s32 $0x1480;
	[sflag:s28] =	ssyncadd.s32 $0xFFFFC000  }
0xf4: {  	[spmem:s1] =	stream.indirect.scatter.add.f32 [tilespmem:s24], [sflag:$0x3], $0x80, s8, s22, $0xb8;
	[tilespmem:$0x1E400] =	vst v63  }
0xf5: {  	_ =	swait.ge [sflag:s20], $0x4000  }
0xf6: {  	[sflag:s20] =	ssyncset.done $0x0  }
0xf7: {  	s31 =	simm.s32 $0x400;
	s0 =	simm.s32 $0x180;
	[sflag:s20] =	ssyncadd.s32 $0xFFFFC000  }
.LBB2_7:
0xf8: {  	[tilespmem:s24], [sflag:$0x2] =	stream.indirect.gather [hbm4b:s4+s22], $0x80, s0, s22, $0xb8;
	[tilespmem:$0x1E400] =	vst v63  }
0xf9: {  	s0 =	smov.u32 s31  }
0xfa: {  	p1 =	sne.s32 s31, $0x4800;
	s31 =	sadd.s32 $0x400, s31;
	_ =	swait.ge [sflag:s25], $0x4000  }
0xfb: {  	s0 =	sshra.s32 s0, $0x2;
	[sflag:s25] =	ssyncset.done $0x0  }
0xfc: {  	s8 =	sadd.s32 $0x1400, s0;
	[sflag:s25] =	ssyncadd.s32 $0xFFFFC000  }
0xfd: {  	[spmem:s1] =	stream.indirect.scatter.add.f32 [tilespmem:s23], [sflag:$0x3], $0x80, s8, s22, $0xb8;
	[tilespmem:$0x1E400] =	vst v63  }
0xfe: {  	_ =	swait.ge [sflag:s20], $0x4000  }
0xff: {  	[sflag:s20] =	ssyncset.done $0x0  }
0x100: {  	s8 =	sadd.s32 $0x100, s0;
	[sflag:s20] =	ssyncadd.s32 $0xFFFFC000  }
0x101: {  	[tilespmem:s23], [sflag:$0x1] =	stream.indirect.gather [hbm4b:s4+s22], $0x80, s8, s22, $0xb8;
	[tilespmem:$0x1E400] =	vst v63  }
0x102: {  	_ =	swait.ge [sflag:s28], $0x4000  }
0x103: {  	[sflag:s28] =	ssyncset.done $0x0  }
.Ltmp5:
0x104: {  	s8 =	sadd.s32 $0x1480, s0;
	[sflag:s28] =	ssyncadd.s32 $0xFFFFC000;
	(pc) =	sbr.rel @p1 .LBB2_7-.Ltmp5, $4  }
0x105: {  	[spmem:s1] =	stream.indirect.scatter.add.f32 [tilespmem:s24], [sflag:$0x3], $0x80, s8, s22, $0xb8;
	[tilespmem:$0x1E400] =	vst v63  }
0x106: {  	_ =	swait.ge [sflag:s20], $0x4000  }
0x107: {  	[sflag:s20] =	ssyncset.done $0x0  }
0x108: {  	s0 =	sadd.s32 $0x180, s0;
	[sflag:s20] =	ssyncadd.s32 $0xFFFFC000  }
0x109: {  	[tilespmem:s24], [sflag:$0x2] =	stream.indirect.gather [hbm4b:s4+s22], $0x80, s0, s22, $0xb8;
	[tilespmem:$0x1E400] =	vst v63  }
0x10a: {  	_ =	swait.ge [sflag:s25], $0x4000  }
0x10b: {  	[sflag:s25] =	ssyncset.done $0x0  }
0x10c: {  	[sflag:s25] =	ssyncadd.s32 $0xFFFFC000  }
0x10d: {  	[spmem:s1] =	stream.indirect.scatter.add.f32 [tilespmem:s23], [sflag:$0x3], $0x80, s2, s22, $0xb8;
	[tilespmem:$0x1E400] =	vst v63  }
0x10e: {  	_ =	swait.ge [sflag:s20], $0x4000  }
0x10f: {  	[sflag:s20] =	ssyncset.done $0x0  }
0x110: {  	[sflag:s20] =	ssyncadd.s32 $0xFFFFC000  }
0x111: {  	_ =	swait.ge [sflag:s28], $0x4000  }
0x112: {  	[sflag:s28] =	ssyncset.done $0x0  }
0x113: {  	[sflag:s28] =	ssyncadd.s32 $0xFFFFC000  }
0x114: {  	[spmem:s1] =	stream.indirect.scatter.add.f32 [tilespmem:s24], [sflag:$0x3], $0x80, s26, s22, $0xb8;
	[tilespmem:$0x1E400] =	vst v63  }
0x115: {  	_ =	swait.ge [sflag:s20], $0x4000  }
0x116: {  	[sflag:s20] =	ssyncset.done $0x0  }
0x117: {  	s8 =	simm.s32 $0x0;
	[sflag:s20] =	ssyncadd.s32 $0xFFFFC000  }
0x118: {  	[tilespmem:s8], [sflag:$0x3] =	stream.linear.gather [hbm4b:s14+s8], $0x1000, $0x38;
	[tilespmem:$0x1E400] =	vst v63  }
0x119: {  	_ =	swait.ge [sflag:s20], $0x1000  }
0x11a: {  	[sflag:s20] =	ssyncset.done $0x0  }
0x11b: {  	[sflag:s20] =	ssyncadd.s32 $0xFFFFF000  }
0x11c: {  	[tilespmem:s21], [sflag:$0x3] =	stream.linear.gather [hbm4b:s15+s8], $0x1000, $0x38;
	[tilespmem:$0x1E400] =	vst v63  }
0x11d: {  	_ =	swait.ge [sflag:s20], $0x1000  }
0x11e: {  	[sflag:s20] =	ssyncset.done $0x0  }
0x11f: {  	[sflag:s20] =	ssyncadd.s32 $0xFFFFF000  }
0x120: {  	[tilespmem:s23], [sflag:$0x1] =	stream.indirect.gather [hbm4b:s4+s22], $0x80, s8, s22, $0xb8;
	[tilespmem:$0x1E400] =	vst v63  }
0x121: {  	_ = 	snop  }
0x122: {  	[tilespmem:s24], [sflag:$0x2] =	stream.indirect.gather [hbm4b:s4+s22], $0x80, s22, s22, $0xb8;
	[tilespmem:$0x1E400] =	vst v63  }
0x123: {  	_ =	swait.ge [sflag:s25], $0x4000  }
0x124: {  	[sflag:s25] =	ssyncset.done $0x0  }
0x125: {  	s8 =	simm.s32 $0x1400;
	[sflag:s25] =	ssyncadd.s32 $0xFFFFC000  }
0x126: {  	[spmem:s1] =	stream.indirect.scatter.add.f32 [tilespmem:s23], [sflag:$0x3], $0x80, s8, s22, $0xb8;
	[tilespmem:$0x1E400] =	vst v63  }
0x127: {  	_ =	swait.ge [sflag:s20], $0x4000  }
0x128: {  	[sflag:s20] =	ssyncset.done $0x0  }
0x129: {  	s8 =	simm.s32 $0x100;
	[sflag:s20] =	ssyncadd.s32 $0xFFFFC000  }
0x12a: {  	[tilespmem:s23], [sflag:$0x1] =	stream.indirect.gather [hbm4b:s4+s22], $0x80, s8, s22, $0xb8;
	[tilespmem:$0x1E400] =	vst v63  }
0x12b: {  	_ =	swait.ge [sflag:s28], $0x4000  }
0x12c: {  	p1 =	por $0x0, $0x0;
	[sflag:s28] =	ssyncset.done $0x0  }
.Ltmp6:
0x12d: {  	s8 =	simm.s32 $0x1480;
	[sflag:s28] =	ssyncadd.s32 $0xFFFFC000;
	(pc) =	sbr.rel @p1 .LBB2_10-.Ltmp6, $4  }
0x12e: {  	[spmem:s1] =	stream.indirect.scatter.add.f32 [tilespmem:s24], [sflag:$0x3], $0x80, s8, s22, $0xb8;
	[tilespmem:$0x1E400] =	vst v63  }
0x12f: {  	_ =	swait.ge [sflag:s20], $0x4000  }
0x130: {  	[sflag:s20] =	ssyncset.done $0x0  }
0x131: {  	s31 =	simm.s32 $0x400;
	s0 =	simm.s32 $0x180;
	[sflag:s20] =	ssyncadd.s32 $0xFFFFC000  }
.LBB2_9:
0x132: {  	[tilespmem:s24], [sflag:$0x2] =	stream.indirect.gather [hbm4b:s4+s22], $0x80, s0, s22, $0xb8;
	[tilespmem:$0x1E400] =	vst v63  }
0x133: {  	s0 =	smov.u32 s31  }
0x134: {  	p1 =	seq.s32 s31, $0x3800;
	s31 =	sadd.s32 $0x400, s31;
	_ =	swait.ge [sflag:s25], $0x4000  }
0x135: {  	s0 =	sshra.s32 s0, $0x2;
	[sflag:s25] =	ssyncset.done $0x0  }
0x136: {  	s8 =	sadd.s32 $0x1400, s0;
	[sflag:s25] =	ssyncadd.s32 $0xFFFFC000  }
0x137: {  	[spmem:s1] =	stream.indirect.scatter.add.f32 [tilespmem:s23], [sflag:$0x3], $0x80, s8, s22, $0xb8;
	[tilespmem:$0x1E400] =	vst v63  }
0x138: {  	_ =	swait.ge [sflag:s20], $0x4000  }
0x139: {  	[sflag:s20] =	ssyncset.done $0x0  }
0x13a: {  	s8 =	sadd.s32 $0x100, s0;
	[sflag:s20] =	ssyncadd.s32 $0xFFFFC000  }
0x13b: {  	[tilespmem:s23], [sflag:$0x1] =	stream.indirect.gather [hbm4b:s4+s22], $0x80, s8, s22, $0xb8;
	[tilespmem:$0x1E400] =	vst v63  }
0x13c: {  	_ =	swait.ge [sflag:s28], $0x4000  }
0x13d: {  	[sflag:s28] =	ssyncset.done $0x0  }
.Ltmp7:
0x13e: {  	s8 =	sadd.s32 $0x1480, s0;
	[sflag:s28] =	ssyncadd.s32 $0xFFFFC000;
	(pc) =	sbr.rel @!p1 .LBB2_9-.Ltmp7, $4  }
0x13f: {  	[spmem:s1] =	stream.indirect.scatter.add.f32 [tilespmem:s24], [sflag:$0x3], $0x80, s8, s22, $0xb8;
	[tilespmem:$0x1E400] =	vst v63  }
0x140: {  	_ =	swait.ge [sflag:s20], $0x4000  }
0x141: {  	[sflag:s20] =	ssyncset.done $0x0  }
0x142: {  	s0 =	sadd.s32 $0x180, s0;
	[sflag:s20] =	ssyncadd.s32 $0xFFFFC000  }
.LBB2_10:
.Ltmp8:
0x143: {  	(pc) =	sbr.rel .LBB2_12-.Ltmp8, $3  }
0x144: {  	_ =	sdelay $0x1  }
0x145: {  	[tilespmem:s24], [sflag:$0x2] =	stream.indirect.gather [hbm4b:s4+s22], $0x80, s0, s22, $0xb8;
	[tilespmem:$0x1E400] =	vst v63  }
0x146: {  	s31 =	simm.s32 $0x2380;
	s0 =	simm.s32 $0x2300  }
.LBB2_13:
0x147: {  	_ =	sfence.sel $0x180000  }
0x148: {  	[bflag:$0x0] =	sbarrier.arrive $0xFFFF  }
0x149: {  	_ =	strace $0x9000004A  }
0x14a: {  	s0 =	stileid.u32;
	[bflag:$0x2] =	sbarrier.arrive $0xFFFF  }
0x14b: {  	p0 =	sne.s32 s0, $0x0;
	s0 =	rddreg [dreg:$0x2]  }
0x14c: {  	s0 =	sadd.s32 @!p0 $0x100000, s0  }
0x14d: {  	[sflag:s0] =	ssyncadd.tile.s32 @!p0 $0x1;
	_ =	shalt  }
.Lfunc_end2:
_tile_overlayer_lowered:
.L_overlay_start_2:
0x14e: {  	(tag) =	ssettag $0x2  }
0x14f: {  	s0 =	rddreg [dreg:$0x0];
	s2 =	stileid.u32  }
0x150: {  	s1 =	rddreg [dreg:$0x1];
	p0 =	sne.s32 s2, $0x0  }
0x151: {  	s3 =	rddreg [dreg:$0x2];
	[bflag:$0x3] =	sbarrier.arrive $0xFFFF;
	s2 =	simm.s32 @!p0 $0x1C03  }
0x152: {  	[timem:s3], [sflag:s2] =	dma.local @!p0 [hbm:s0], s1  }
0x153: {  	s0 =	simm.s32 @!p0 $0x3  }
0x154: {  	_ =	swait.ge @!p0 [sflag:s0], s1  }
0x155: {  	s1 =	ssub.s32 @!p0 $0x0, s1;
	[sflag:s0] =	ssyncset.done @!p0 $0x0  }
0x156: {  	[sflag:s0] =	ssyncadd.s32 @!p0 s1  }
0x157: {  	[bflag:$0x3] =	sbarrier.arrive $0xFFFF  }
0x158: {  	_ =	shalt  }

// kernel: kernel.16.cloned.1.call-start
scs
__scs_entry_jumppad:
0x0: {  	(pc) =	sbr.rel $0x88, $3  }
0x1: {  	(tag) =	ssettag $0x0;
	lr =	simm.s32 $0x1  }
0x2: {  	[smem:$0x3F94] =	sst lr;
	_ =	strace $0xD0000000  }
0x3: {  	_ = 	snop  }
0x4: {  	_ = 	snop  }
0x5: {  	_ = 	snop  }
0x6: {  	_ = 	snop  }
0x7: {  	_ = 	snop  }
__scs_overlays_trampoline_lowered:
0x8: {  	[smem:$0x3FA3] =	sst s0  }
0x9: {  	[smem:$0x3FA4] =	sst s1  }
0xa: {  	[smem:$0x3FA5] =	sst s2  }
0xb: {  	[smem:$0x3FA6] =	sst s3  }
0xc: {  	[smem:$0x3FA7] =	sst s4  }
0xd: {  	[smem:$0x3FA8] =	sst s5  }
0xe: {  	[smem:$0x3FA9] =	sst s6  }
0xf: {  	[smem:$0x3FAA] =	sst s7  }
0x10: {  	[smem:$0x3FAB] =	sst s8  }
0x11: {  	[smem:$0x3FAC] =	sst s9;
	s0 =	simm.s32 @!p0 $0x0  }
0x12: {  	s1 =	sld [smem:$0x3F92];
	s0 =	simm.s32 @p0 $0x1  }
0x13: {  	[smem:$0x3FAD] =	sst s0;
	s0 =	simm.s32 @!p1 $0x0  }
0x14: {  	s2 =	sld [smem:$0x3F91];
	s0 =	simm.s32 @p1 $0x1  }
0x15: {  	[smem:$0x3FAE] =	sst s0;
	s0 =	simm.s32 @!p2 $0x0  }
0x16: {  	s3 =	sld [smem:$0x3FDB];
	s0 =	simm.s32 @p2 $0x1  }
0x17: {  	s4 =	simm.s32 $0x1BF5;
	[smem:$0x3FB0] =	sst s0  }
0x18: {  	s0 =	sld [smem:$0x3F93];
	_ =	swait.ge [sflag:s4], $0x0  }
0x19: {  	s7 =	sld [smem:$0x3F94]  }
0x1a: {  	s8 =	sadd.s32 $0xFFFFE003, lr  }
0x1b: {  	s9 =	sadd.s32 $0xFFFFFEF7, lr;
	s5 =	simm.s32 $0xFFFFFFFF;
	p2 =	slt.u32 s8, $0xFFFFF086  }
0x1c: {  	p1 =	slt.u32 s9, $0xF7A;
	s5 =	simm.s32 @!p2 $0x0  }
0x1d: {  	s5 =	simm.s32 @p1 $0x1;
	p0 =	seq.s32 s7, s2  }
0x1e: {  	s7 =	smul.u32 @!p0 $0xF7A, s2;
	p2 =	seq.s32 @!p0 s5, $0x0  }
0x1f: {  	s9 =	smul.u32 $0xF7A, s1;
	s8 =	simm.s32 @!p0 $0x1BF5;
	p2 =	por !p2, p0  }
0x20: {  	[sflag:s8] =	ssyncset.s32 @!p0 $0xFFFFF086;
	s6 =	sadd.s32 @!p0 s3, s7;
	s7 =	simm.s32 @!p0 $0x108  }
0x21: {  	s3 =	sadd.s32 s3, s9;
	s6 =	sadd.s32 @!p0 $0x88, s6;
	s7 =	simm.s32 @p2 $0x1082  }
0x22: {  	[simem:s7], [sflag:s8] =	dma.local @!p0 [hbm:s6], $0xF7A  }
0x23: {  	s9 =	sor.u32 $0xD0000000, s2;
	s6 =	simm.s32 $0x108;
	_ =	swait.ge @!p0 [sflag:s8], $0x0  }
0x24: {  	s3 =	sadd.s32 $0x88, s3;
	s6 =	simm.s32 @!p1 $0x1082;
	[sflag:s4] =	ssyncset.s32 $0xFFFFF086  }
0x25: {  	[simem:s6], [sflag:s4] =	dma.local [hbm:s3], $0xF7A  }
0x26: {  	[smem:$0x3F94] =	sst s1;
	(tag) =	ssettag s2;
	_ =	strace s9  }
0x27: {  	s1 =	sld [smem:$0x3FA4]  }
0x28: {  	s2 =	sld [smem:$0x3FA5]  }
0x29: {  	s4 =	sld [smem:$0x3FA7]  }
0x2a: {  	p0 =	seq.s32 s5, $0x0;
	s5 =	sld [smem:$0x3FA8]  }
0x2b: {  	s6 =	sld [smem:$0x3FA9]  }
0x2c: {  	s7 =	sld [smem:$0x3FAA]  }
0x2d: {  	s3 =	simm.s32 $0x108;
	s8 =	sld [smem:$0x3FAB]  }
0x2e: {  	s3 =	simm.s32 @!p0 $0x1082;
	s9 =	sld [smem:$0x3FAC]  }
0x2f: {  	lr =	sadd.s32 s0, s3;
	s0 =	sld [smem:$0x3FA3]  }
0x30: {  	s3 =	sld [smem:$0x3FA6]  }
0x31: {  	[smem:$0x3FAF] =	sst s10  }
0x32: {  	s10 =	sld [smem:$0x3FAD];
	_ =	sdelay $0x3  }
0x33: {  	p0 =	seq.s32 s10, $0x1;
	s10 =	sld [smem:$0x3FAF];
	_ =	sdelay $0x3  }
0x34: {  	[smem:$0x3FAF] =	sst s10  }
0x35: {  	s10 =	sld [smem:$0x3FAE];
	_ =	sdelay $0x3  }
0x36: {  	p1 =	seq.s32 s10, $0x1;
	s10 =	sld [smem:$0x3FAF];
	_ =	sdelay $0x3  }
0x37: {  	[smem:$0x3FAF] =	sst s10  }
0x38: {  	s10 =	sld [smem:$0x3FB0]  }
0x39: {  	_ = 	snop;
	(pc) =	sbr.ind lr, $3  }
0x3a: {  	_ = 	snop  }
0x3b: {  	_ = 	snop  }
0x3c: {  	p2 =	seq.s32 s10, $0x1;
	s10 =	sld [smem:$0x3FAF]  }
0x3d: {  	_ =	shalt  }
0x3e: {  	_ =	shalt  }
0x3f: {  	_ =	shalt  }
0x40: {  	_ =	shalt  }
0x41: {  	_ =	shalt  }
0x42: {  	_ =	shalt  }
0x43: {  	_ =	shalt  }
0x44: {  	_ =	shalt  }
0x45: {  	_ =	shalt  }
0x46: {  	_ =	shalt  }
0x47: {  	_ =	shalt  }
0x48: {  	_ =	shalt  }
0x49: {  	_ =	shalt  }
0x4a: {  	_ =	shalt  }
0x4b: {  	_ =	shalt  }
0x4c: {  	_ =	shalt  }
0x4d: {  	_ =	shalt  }
0x4e: {  	_ =	shalt  }
0x4f: {  	_ =	shalt  }
0x50: {  	_ =	shalt  }
0x51: {  	_ =	shalt  }
0x52: {  	_ =	shalt  }
0x53: {  	_ =	shalt  }
0x54: {  	_ =	shalt  }
0x55: {  	_ =	shalt  }
0x56: {  	_ =	shalt  }
0x57: {  	_ =	shalt  }
0x58: {  	_ =	shalt  }
0x59: {  	_ =	shalt  }
0x5a: {  	_ =	shalt  }
0x5b: {  	_ =	shalt  }
0x5c: {  	_ =	shalt  }
0x5d: {  	_ =	shalt  }
0x5e: {  	_ =	shalt  }
0x5f: {  	_ =	shalt  }
0x60: {  	_ =	shalt  }
0x61: {  	_ =	shalt  }
0x62: {  	_ =	shalt  }
0x63: {  	_ =	shalt  }
0x64: {  	_ =	shalt  }
0x65: {  	_ =	shalt  }
0x66: {  	_ =	shalt  }
0x67: {  	_ =	shalt  }
0x68: {  	_ =	shalt  }
0x69: {  	_ =	shalt  }
0x6a: {  	_ =	shalt  }
0x6b: {  	_ =	shalt  }
0x6c: {  	_ =	shalt  }
0x6d: {  	_ =	shalt  }
0x6e: {  	_ =	shalt  }
0x6f: {  	_ =	shalt  }
0x70: {  	_ =	shalt  }
0x71: {  	_ =	shalt  }
0x72: {  	_ =	shalt  }
0x73: {  	_ =	shalt  }
0x74: {  	_ =	shalt  }
0x75: {  	_ =	shalt  }
0x76: {  	_ =	shalt  }
0x77: {  	_ =	shalt  }
0x78: {  	_ =	shalt  }
0x79: {  	_ =	shalt  }
0x7a: {  	_ =	shalt  }
0x7b: {  	_ =	shalt  }
0x7c: {  	_ =	shalt  }
0x7d: {  	_ =	shalt  }
0x7e: {  	_ =	shalt  }
0x7f: {  	_ =	shalt  }
0x80: {  	_ =	shalt  }
0x81: {  	_ =	shalt  }
0x82: {  	_ =	shalt  }
0x83: {  	_ =	shalt  }
0x84: {  	_ =	shalt  }
0x85: {  	_ =	shalt  }
0x86: {  	_ =	shalt  }
0x87: {  	_ =	shalt  }
.Lfunc_end0:
.L_simem_size_0:
called_computation.2_lowered:
.L_overlay_start_0:
0x88: {  	s2 =	sld [smem:$0x3FD9]  }
0x89: {  	s3 =	sld [smem:$0x3FFE];
	_ =	sdelay $0x1  }
0x8a: {  	s1 =	srdreg.scid  }
0x8b: {  	s0 =	sand.u32 $0x1, s1  }
0x8c: {  	s16 =	sshll.u32 s0, $0xA;
	s2 =	sadd.s32 s3, s2  }
0x8d: {  	s2 =	sadd.s32 s2, s16  }
0x8e: {  	[smem:$0x3FBB] =	sst s2  }
0x8f: {  	_ = 	snop  }
0x90: {  	(tm) =	ssettm $0x1  }
0x91: {  	s17 =	sld [smem:$0x3FFB];
	_ =	sdelay $0x3  }
0x92: {  	_ =	strace s17  }
0x93: {  	s2 =	sld [smem:$0x3FFC];
	_ =	sdelay $0x3  }
0x94: {  	_ =	strace s2  }
0x95: {  	s2 =	sld [smem:$0x3FFD];
	_ =	sdelay $0x3  }
0x96: {  	_ =	strace s2  }
0x97: {  	_ =	strace $0x8FFFFFFF  }
0x98: {  	s18 =	sld [smem:$0x3FDB];
	_ =	sdelay $0x1  }
0x99: {  	s19 =	simm.s32 $_scs_section_size  }
0x9a: {  	s4 =	simm.s32 $_size__tile_overlayer_lowered;
	s5 =	simm.s32 $_tile_overlayer_lowered  }
0x9b: {  	s22 =	simm.s32 $0x1BFF;
	s21 =	sshll.u32 s5, $0x1;
	s2 =	sadd.s32 s19, s18  }
0x9c: {  	s6 =	simm.s32 $0x0;
	s20 =	sshll.u32 s4, $0x1;
	s4 =	sadd.s32 s21, s2  }
0x9d: {  	[timem:s6], [sflag:s22] =	dma.local [hbm:s4], s20  }
0x9e: {  	_ =	swait.ge [sflag:s22], s20  }
0x9f: {  	s3 =	ssub.s32 $0x0, s20;
	[sflag:s22] =	ssyncset.done $0x0  }
0xa0: {  	[sflag:s22] =	ssyncadd.s32 s3;
	_ =	sdelay $0x1  }
0xa1: {  	s23 =	simm.s32 $0x1B8B  }
0xa2: {  	_ =	swait.ge [sflag:s23], $0x1  }
0xa3: {  	[sflag:s23] =	ssyncset.done $0x0  }
0xa4: {  	s25 =	simm.s32 $0x1B8E;
	s24 =	sld [smem:$0x3FFE];
	[sflag:s23] =	ssyncadd.s32 $0xFFFFFFFF  }
0xa5: {  	s26 =	simm.s32 $execute0_lowered;
	[smem:$0x3FD2] =	sst s25  }
0xa6: {  	s4 =	sshll.u32 s26, $0x1;
	_ =	strace $0x8000004C;
	[dreg:$0x1] =	wrdreg $0xFFFFFFFF  }
0xa7: {  	s28 =	simm.s32 $_size_execute0_lowered;
	s2 =	sadd.s32 s2, s4;
	[dreg:$0x0] =	wrdreg $0x0  }
0xa8: {  	s4 =	sshll.u32 s28, $0x1;
	[dreg:$0x2] =	wrdreg s2  }
0xa9: {  	[dreg:$0x3] =	wrdreg s4  }
0xaa: {  	[dreg:$0x4] =	wrdreg $0xC0  }
0xab: {  	_ =	task [dreg:s6], $0x5FFFF  }
0xac: {  	[dreg:$0x1] =	wrdreg $0xFFFFFFFF  }
0xad: {  	[dreg:$0x0] =	wrdreg $0x60  }
0xae: {  	[dreg:$0x2] =	wrdreg s24  }
0xaf: {  	[dreg:$0x3] =	wrdreg $0xA8000  }
0xb0: {  	[dreg:$0x4] =	wrdreg $0x9  }
0xb1: {  	_ =	task.clear_ibuf [dreg:s6], $0x5FFFF;
	_ =	strace $0x9000004C  }
0xb2: {  	s29 =	simm.s32 $0x9;
	_ =	strace $0x8000004E  }
0xb3: {  	_ =	swait.ge [sflag:s29], $0x1  }
0xb4: {  	[sflag:s29] =	ssyncadd.s32 $0xFFFFFFFF  }
0xb5: {  	_ =	strace $0x9000004E  }
0xb6: {  	_ =	sfence  }
0xb7: {  	s30 =	sld [smem:$0x0];
	_ =	sdelay $0x2  }
0xb8: {  	s31 =	sshll.u32 s1, $0xD;
	s1 =	sshrl.u32 s1, $0x2  }
0xb9: {  	s3 =	sand.u32 $0x4000, s31;
	s1 =	sadd.s32 s1, s30  }
0xba: {  	s0 =	sor.u32 s3, s0;
	s1 =	sshll.u32 s1, $0x11  }
0xbb: {  	s0 =	sor.u32 s1, s0  }
0xbc: {  	s0 =	sadd.s32 $0x8F2B, s0  }
0xbd: {  	[sflag:s0] =	ssyncadd.remote.s32 $0x1  }
0xbe: {  	_ =	sfence.sel $0xFFFF  }
0xbf: {  	[dreg:$0x0] =	wrdreg $0xFFFFFFFF;
	(pc) =	sbr.abs _section_cstart, $3  }
0xc0: {  	[dreg:$0x1] =	wrdreg $0xFFFFFFFF  }
0xc1: {  	_ =	task.clear_ibuf [dreg:s6], $0x2FFFF;
	_ =	strace $0x9FFFFFFF  }
0xc2: {  	(tm) =	ssettm $0x7FFFFFFF  }
0xc3: {  	_ =	shalt  }
tec
execute0_lowered:
.L_overlay_start_1:
0x0: {  	(tag) =	ssettag $0x1  }
0x1: {  	s0 =	rddreg [dreg:$0x0]  }
0x2: {  	s1 =	rddreg [dreg:$0x1];
	s3 =	simm.s32 $0x0;
	s2 =	srdreg.scid  }
0x3: {  	s15 =	stileid.u32;
	s28 =	simm.s32 $0x2;
	s29 =	simm.s32 $0x0  }
0x4: {  	[smem:$0x7FF] =	sst s3;
	s2 =	sand.u32 $0x1, s2;
	s7 =	smul.u32 $0x13C00, s15  }
0x5: {  	s4 =	sadd.s32 $0x1A000, s0;
	s16 =	sadd.s32 $0x3800, s0;
	s9 =	smul.u32 $0x4F000, s15  }
0x6: {  	s17 =	sadd.s32 $0xD800, s0;
	s5 =	sadd.s32 $0x17800, s0;
	s21 =	smul.u32 $0x4C00, s15  }
0x7: {  	s23 =	sshll.u32 s15, $0x6;
	s24 =	smul.u32 $0x980, s15;
	s30 =	sshll.u32 s15, $0x7  }
0x8: {  	s6 =	smul.u32 $0x13C000, s2;
	_ =	strace $0x8000004D;
	s20 =	ssub.s32 $0x2, s2  }
0x9: {  	p0 =	seq.s32 s2, $0x1;
	s2 =	sor.u32 $0x9800, s30;
	s8 =	sshrl.u32 s20, $0x1  }
0xa: {  	s22 =	sshrl.u32 s9, $0x2;
	s14 =	sshrl.u32 s21, $0x3;
	s25 =	sadd.s32 s16, s24  }
0xb: {  	s9 =	sadd.s32 s17, s24;
	s21 =	simm.s32 $0x1400;
	s24 =	simm.s32 $0x6800  }
0xc: {  	s6 =	sadd.s32 s7, s6;
	s19 =	ssub.s32 s20, s8;
	s7 =	sor.u32 $0x1C03, s23  }
0xd: {  	[dreg:$0x3] =	wrdreg s25;
	s26 =	sadd.s32 $0x280, s14;
	s13 =	sadd.s32 $0x500, s14  }
0xe: {  	s31 =	sadd.s32 $0x780, s14;
	s20 =	simm.s32 $0x3;
	s23 =	simm.s32 $0x2800  }
0xf: {  	s25 =	simm.s32 $0x1;
	s6 =	sshrl.u32 s6, $0x3;
	s10 =	sadd.s32 s16, s26  }
.Ltmp0:
0x10: {  	s11 =	sadd.s32 s17, s26;
	s12 =	sadd.s32 s16, s13;
	(pc) =	sbr.rel .LBB2_1-.Ltmp0, $4  }
0x11: {  	s13 =	sadd.s32 s17, s13;
	s14 =	sadd.s32 s16, s31;
	s15 =	sadd.s32 s17, s31  }
0x12: {  	s16 =	sadd.s32 s16, s2;
	s17 =	sadd.s32 s17, s2;
	s19 =	smax.u32 s19, $0x1  }
0x13: {  	s2 =	simm.s32 $0x2700;
	s26 =	simm.s32 $0x2780;
	s0 =	sadd.s32 s6, s0  }
0x14: {  	s6 =	sadd.s32 s22, s1;
	s22 =	simm.s32 $0x80;
	s18 =	sadd.s32 $0x41800, s0  }
.LBB2_11:
0x15: {  	[tilespmem:s3], [sflag:$0x3] =	stream.linear.gather [hbm4b:s16+s3], $0x400, $0x38;
	[tilespmem:$0x1E400] =	vst v63  }
0x16: {  	_ =	swait.ge [sflag:s20], $0x400  }
0x17: {  	[sflag:s20] =	ssyncset.done $0x0  }
0x18: {  	[sflag:s20] =	ssyncadd.s32 $0xFFFFFC00  }
0x19: {  	[tilespmem:s21], [sflag:$0x3] =	stream.linear.gather [hbm4b:s17+s3], $0x400, $0x38;
	[tilespmem:$0x1E400] =	vst v63  }
0x1a: {  	_ =	swait.ge [sflag:s20], $0x400  }
0x1b: {  	[sflag:s20] =	ssyncset.done $0x0  }
0x1c: {  	[sflag:s20] =	ssyncadd.s32 $0xFFFFFC00  }
0x1d: {  	[tilespmem:s23], [sflag:$0x1] =	stream.indirect.gather [hbm4b:s4+s22], $0x80, s3, s22, $0xb8;
	[tilespmem:$0x1E400] =	vst v63  }
0x1e: {  	_ = 	snop  }
0x1f: {  	[tilespmem:s24], [sflag:$0x2] =	stream.indirect.gather [hbm4b:s4+s22], $0x80, s22, s22, $0xb8;
	[tilespmem:$0x1E400] =	vst v63  }
0x20: {  	_ =	swait.ge [sflag:s25], $0x4000  }
0x21: {  	[sflag:s25] =	ssyncset.done $0x0  }
0x22: {  	[sflag:s25] =	ssyncadd.s32 $0xFFFFC000  }
0x23: {  	[spmem:s1] =	stream.indirect.scatter.add.f32 [tilespmem:s23], [sflag:$0x3], $0x80, s21, s22, $0xb8;
	[tilespmem:$0x1E400] =	vst v63  }
0x24: {  	_ =	swait.ge [sflag:s20], $0x4000  }
0x25: {  	[sflag:s20] =	ssyncset.done $0x0  }
0x26: {  	s0 =	simm.s32 $0x100;
	[sflag:s20] =	ssyncadd.s32 $0xFFFFC000  }
0x27: {  	[tilespmem:s23], [sflag:$0x1] =	stream.indirect.gather [hbm4b:s4+s22], $0x80, s0, s22, $0xb8;
	[tilespmem:$0x1E400] =	vst v63  }
0x28: {  	_ =	swait.ge [sflag:s28], $0x4000  }
0x29: {  	[sflag:s28] =	ssyncset.done $0x0  }
0x2a: {  	s8 =	simm.s32 $0x1480;
	[sflag:s28] =	ssyncadd.s32 $0xFFFFC000  }
0x2b: {  	[spmem:s1] =	stream.indirect.scatter.add.f32 [tilespmem:s24], [sflag:$0x3], $0x80, s8, s22, $0xb8;
	[tilespmem:$0x1E400] =	vst v63  }
0x2c: {  	_ =	swait.ge [sflag:s20], $0x4000  }
0x2d: {  	[sflag:s20] =	ssyncset.done $0x0  }
0x2e: {  	s8 =	simm.s32 $0x180;
	[sflag:s20] =	ssyncadd.s32 $0xFFFFC000  }
0x2f: {  	[tilespmem:s24], [sflag:$0x2] =	stream.indirect.gather [hbm4b:s4+s22], $0x80, s8, s22, $0xb8;
	[tilespmem:$0x1E400] =	vst v63  }
0x30: {  	_ =	swait.ge [sflag:s25], $0x4000  }
0x31: {  	[sflag:s25] =	ssyncset.done $0x0  }
0x32: {  	s8 =	simm.s32 $0x1500;
	[sflag:s25] =	ssyncadd.s32 $0xFFFFC000  }
0x33: {  	[spmem:s1] =	stream.indirect.scatter.add.f32 [tilespmem:s23], [sflag:$0x3], $0x80, s8, s22, $0xb8;
	[tilespmem:$0x1E400] =	vst v63  }
0x34: {  	_ =	swait.ge [sflag:s20], $0x4000  }
0x35: {  	[sflag:s20] =	ssyncset.done $0x0  }
0x36: {  	s8 =	simm.s32 $0x200;
	[sflag:s20] =	ssyncadd.s32 $0xFFFFC000  }
0x37: {  	[tilespmem:s23], [sflag:$0x1] =	stream.indirect.gather [hbm4b:s4+s22], $0x80, s8, s22, $0xb8;
	[tilespmem:$0x1E400] =	vst v63  }
0x38: {  	_ =	swait.ge [sflag:s28], $0x4000  }
0x39: {  	[sflag:s28] =	ssyncset.done $0x0  }
0x3a: {  	s8 =	simm.s32 $0x1580;
	[sflag:s28] =	ssyncadd.s32 $0xFFFFC000  }
0x3b: {  	[spmem:s1] =	stream.indirect.scatter.add.f32 [tilespmem:s24], [sflag:$0x3], $0x80, s8, s22, $0xb8;
	[tilespmem:$0x1E400] =	vst v63  }
0x3c: {  	_ =	swait.ge [sflag:s20], $0x4000  }
0x3d: {  	[sflag:s20] =	ssyncset.done $0x0  }
0x3e: {  	s8 =	simm.s32 $0x280;
	[sflag:s20] =	ssyncadd.s32 $0xFFFFC000  }
0x3f: {  	[tilespmem:s24], [sflag:$0x2] =	stream.indirect.gather [hbm4b:s4+s22], $0x80, s8, s22, $0xb8;
	[tilespmem:$0x1E400] =	vst v63  }
0x40: {  	_ =	swait.ge [sflag:s25], $0x4000  }
0x41: {  	[sflag:s25] =	ssyncset.done $0x0  }
0x42: {  	s8 =	simm.s32 $0x1600;
	[sflag:s25] =	ssyncadd.s32 $0xFFFFC000  }
0x43: {  	[spmem:s1] =	stream.indirect.scatter.add.f32 [tilespmem:s23], [sflag:$0x3], $0x80, s8, s22, $0xb8;
	[tilespmem:$0x1E400] =	vst v63  }
0x44: {  	_ =	swait.ge [sflag:s20], $0x4000  }
0x45: {  	[sflag:s20] =	ssyncset.done $0x0  }
0x46: {  	s8 =	simm.s32 $0x300;
	[sflag:s20] =	ssyncadd.s32 $0xFFFFC000  }
0x47: {  	[tilespmem:s23], [sflag:$0x1] =	stream.indirect.gather [hbm4b:s4+s22], $0x80, s8, s22, $0xb8;
	[tilespmem:$0x1E400] =	vst v63  }
0x48: {  	_ =	swait.ge [sflag:s28], $0x4000  }
0x49: {  	[sflag:s28] =	ssyncset.done $0x0  }
0x4a: {  	s8 =	simm.s32 $0x1680;
	[sflag:s28] =	ssyncadd.s32 $0xFFFFC000  }
0x4b: {  	[spmem:s1] =	stream.indirect.scatter.add.f32 [tilespmem:s24], [sflag:$0x3], $0x80, s8, s22, $0xb8;
	[tilespmem:$0x1E400] =	vst v63  }
0x4c: {  	_ =	swait.ge [sflag:s20], $0x4000  }
0x4d: {  	s31 =	simm.s32 $0x1780;
	[sflag:s20] =	ssyncset.done $0x0  }
0x4e: {  	s0 =	simm.s32 $0x1700;
	s8 =	simm.s32 $0x380;
	[sflag:s20] =	ssyncadd.s32 $0xFFFFC000  }
0x4f: {  	[tilespmem:s24], [sflag:$0x2] =	stream.indirect.gather [hbm4b:s4+s22], $0x80, s8, s22, $0xb8;
	[tilespmem:$0x1E400] =	vst v63  }
.LBB2_12:
0x50: {  	_ =	swait.ge [sflag:s25], $0x4000  }
0x51: {  	[sflag:s25] =	ssyncset.done $0x0  }
0x52: {  	[sflag:s25] =	ssyncadd.s32 $0xFFFFC000  }
0x53: {  	[spmem:s1] =	stream.indirect.scatter.add.f32 [tilespmem:s23], [sflag:$0x3], $0x80, s0, s22, $0xb8;
	[tilespmem:$0x1E400] =	vst v63  }
0x54: {  	_ =	swait.ge [sflag:s20], $0x4000  }
0x55: {  	[sflag:s20] =	ssyncset.done $0x0  }
0x56: {  	[sflag:s20] =	ssyncadd.s32 $0xFFFFC000  }
0x57: {  	_ =	swait.ge [sflag:s28], $0x4000  }
0x58: {  	[sflag:s28] =	ssyncset.done $0x0  }
0x59: {  	[sflag:s28] =	ssyncadd.s32 $0xFFFFC000  }
0x5a: {  	[spmem:s1] =	stream.indirect.scatter.add.f32 [tilespmem:s24], [sflag:$0x3], $0x80, s31, s22, $0xb8;
	[tilespmem:$0x1E400] =	vst v63  }
0x5b: {  	_ =	swait.ge [sflag:s20], $0x4000  }
0x5c: {  	s29 =	sadd.s32 $0x1, s29;
	[sflag:s20] =	ssyncset.done $0x0  }
0x5d: {  	p1 =	sne.s32 s29, s19;
	[sflag:s20] =	ssyncadd.s32 $0xFFFFC000  }
.Ltmp1:
0x5e: {  	[bflag:$0x0] =	sbarrier.arrive $0xFFFF;
	(pc) =	sbr.rel @!p1 .LBB2_13-.Ltmp1, $4  }
0x5f: {  	[hbm:s18], [sflag:s7] =	dma.local [spmem:s30], $0x2780  }
0x60: {  	_ =	swait.ge [sflag:s20], $0x2780  }
0x61: {  	[sflag:s20] =	ssyncset.done $0x0  }
0x62: {  	[sflag:s20] =	ssyncadd.s32 $0xFFFFD880  }
.LBB2_1:
0x63: {  	s30 =	sshrl.u32 s6, $0x3  }
0x64: {  	[spmem:s30], [sflag:s7] =	dma.local [hbm:s5], $0x2780  }
.Ltmp2:
0x65: {  	_ =	swait.ge [sflag:s20], $0x2780;
	(pc) =	sbr.rel @p0 .LBB2_11-.Ltmp2, $3  }
0x66: {  	[sflag:s20] =	ssyncset.done $0x0  }
0x67: {  	[sflag:s20] =	ssyncadd.s32 $0xFFFFD880  }
0x68: {  	[bflag:$0x0] =	sbarrier.arrive $0xFFFF;
	_ =	sdelay $0x1  }
0x69: {  	s0 =	simm.s32 $0x0;
	s8 =	rddreg [dreg:$0x3]  }
0x6a: {  	[tilespmem:s0], [sflag:$0x3] =	stream.linear.gather [hbm4b:s8+s0], $0x1400, $0x38;
	[tilespmem:$0x1E400] =	vst v63  }
0x6b: {  	_ =	swait.ge [sflag:s20], $0x1400  }
0x6c: {  	[sflag:s20] =	ssyncset.done $0x0  }
0x6d: {  	[sflag:s20] =	ssyncadd.s32 $0xFFFFEC00  }
0x6e: {  	[tilespmem:s21], [sflag:$0x3] =	stream.linear.gather [hbm4b:s9+s0], $0x1400, $0x38;
	[tilespmem:$0x1E400] =	vst v63  }
0x6f: {  	_ =	swait.ge [sflag:s20], $0x1400  }
0x70: {  	[sflag:s20] =	ssyncset.done $0x0  }
0x71: {  	[sflag:s20] =	ssyncadd.s32 $0xFFFFEC00  }
0x72: {  	[tilespmem:s23], [sflag:$0x1] =	stream.indirect.gather [hbm4b:s4+s22], $0x80, s0, s22, $0xb8;
	[tilespmem:$0x1E400] =	vst v63  }
0x73: {  	_ = 	snop  }
0x74: {  	[tilespmem:s24], [sflag:$0x2] =	stream.indirect.gather [hbm4b:s4+s22], $0x80, s22, s22, $0xb8;
	[tilespmem:$0x1E400] =	vst v63  }
0x75: {  	_ =	swait.ge [sflag:s25], $0x4000  }
0x76: {  	[sflag:s25] =	ssyncset.done $0x0  }
0x77: {  	s8 =	simm.s32 $0x1400;
	[sflag:s25] =	ssyncadd.s32 $0xFFFFC000  }
0x78: {  	[spmem:s1] =	stream.indirect.scatter.add.f32 [tilespmem:s23], [sflag:$0x3], $0x80, s8, s22, $0xb8;
	[tilespmem:$0x1E400] =	vst v63  }
0x79: {  	_ =	swait.ge [sflag:s20], $0x4000  }
0x7a: {  	[sflag:s20] =	ssyncset.done $0x0  }
0x7b: {  	s8 =	simm.s32 $0x100;
	[sflag:s20] =	ssyncadd.s32 $0xFFFFC000  }
0x7c: {  	[tilespmem:s23], [sflag:$0x1] =	stream.indirect.gather [hbm4b:s4+s22], $0x80, s8, s22, $0xb8;
	[tilespmem:$0x1E400] =	vst v63  }
0x7d: {  	_ =	swait.ge [sflag:s28], $0x4000  }
0x7e: {  	[sflag:s28] =	ssyncset.done $0x0  }
0x7f: {  	s8 =	simm.s32 $0x1480;
	[sflag:s28] =	ssyncadd.s32 $0xFFFFC000  }
0x80: {  	[spmem:s1] =	stream.indirect.scatter.add.f32 [tilespmem:s24], [sflag:$0x3], $0x80, s8, s22, $0xb8;
	[tilespmem:$0x1E400] =	vst v63  }
0x81: {  	_ =	swait.ge [sflag:s20], $0x4000  }
0x82: {  	[sflag:s20] =	ssyncset.done $0x0  }
0x83: {  	s31 =	simm.s32 $0x400;
	s0 =	simm.s32 $0x180;
	[sflag:s20] =	ssyncadd.s32 $0xFFFFC000  }
.LBB2_3:
0x84: {  	[tilespmem:s24], [sflag:$0x2] =	stream.indirect.gather [hbm4b:s4+s22], $0x80, s0, s22, $0xb8;
	[tilespmem:$0x1E400] =	vst v63  }
0x85: {  	s0 =	smov.u32 s31  }
0x86: {  	p1 =	sne.s32 s31, $0x4800;
	s31 =	sadd.s32 $0x400, s31;
	_ =	swait.ge [sflag:s25], $0x4000  }
0x87: {  	s0 =	sshra.s32 s0, $0x2;
	[sflag:s25] =	ssyncset.done $0x0  }
0x88: {  	s8 =	sadd.s32 $0x1400, s0;
	[sflag:s25] =	ssyncadd.s32 $0xFFFFC000  }
0x89: {  	[spmem:s1] =	stream.indirect.scatter.add.f32 [tilespmem:s23], [sflag:$0x3], $0x80, s8, s22, $0xb8;
	[tilespmem:$0x1E400] =	vst v63  }
0x8a: {  	_ =	swait.ge [sflag:s20], $0x4000  }
0x8b: {  	[sflag:s20] =	ssyncset.done $0x0  }
0x8c: {  	s8 =	sadd.s32 $0x100, s0;
	[sflag:s20] =	ssyncadd.s32 $0xFFFFC000  }
0x8d: {  	[tilespmem:s23], [sflag:$0x1] =	stream.indirect.gather [hbm4b:s4+s22], $0x80, s8, s22, $0xb8;
	[tilespmem:$0x1E400] =	vst v63  }
0x8e: {  	_ =	swait.ge [sflag:s28], $0x4000  }
0x8f: {  	[sflag:s28] =	ssyncset.done $0x0  }
.Ltmp3:
0x90: {  	s8 =	sadd.s32 $0x1480, s0;
	[sflag:s28] =	ssyncadd.s32 $0xFFFFC000;
	(pc) =	sbr.rel @p1 .LBB2_3-.Ltmp3, $4  }
0x91: {  	[spmem:s1] =	stream.indirect.scatter.add.f32 [tilespmem:s24], [sflag:$0x3], $0x80, s8, s22, $0xb8;
	[tilespmem:$0x1E400] =	vst v63  }
0x92: {  	_ =	swait.ge [sflag:s20], $0x4000  }
0x93: {  	[sflag:s20] =	ssyncset.done $0x0  }
0x94: {  	s0 =	sadd.s32 $0x180, s0;
	[sflag:s20] =	ssyncadd.s32 $0xFFFFC000  }
0x95: {  	[tilespmem:s24], [sflag:$0x2] =	stream.indirect.gather [hbm4b:s4+s22], $0x80, s0, s22, $0xb8;
	[tilespmem:$0x1E400] =	vst v63  }
0x96: {  	_ =	swait.ge [sflag:s25], $0x4000  }
0x97: {  	[sflag:s25] =	ssyncset.done $0x0  }
0x98: {  	[sflag:s25] =	ssyncadd.s32 $0xFFFFC000  }
0x99: {  	[spmem:s1] =	stream.indirect.scatter.add.f32 [tilespmem:s23], [sflag:$0x3], $0x80, s2, s22, $0xb8;
	[tilespmem:$0x1E400] =	vst v63  }
0x9a: {  	_ =	swait.ge [sflag:s20], $0x4000  }
0x9b: {  	[sflag:s20] =	ssyncset.done $0x0  }
0x9c: {  	[sflag:s20] =	ssyncadd.s32 $0xFFFFC000  }
0x9d: {  	_ =	swait.ge [sflag:s28], $0x4000  }
0x9e: {  	[sflag:s28] =	ssyncset.done $0x0  }
0x9f: {  	[sflag:s28] =	ssyncadd.s32 $0xFFFFC000  }
0xa0: {  	[spmem:s1] =	stream.indirect.scatter.add.f32 [tilespmem:s24], [sflag:$0x3], $0x80, s26, s22, $0xb8;
	[tilespmem:$0x1E400] =	vst v63  }
0xa1: {  	_ =	swait.ge [sflag:s20], $0x4000  }
0xa2: {  	[sflag:s20] =	ssyncset.done $0x0  }
0xa3: {  	s8 =	simm.s32 $0x0;
	[sflag:s20] =	ssyncadd.s32 $0xFFFFC000  }
0xa4: {  	[tilespmem:s8], [sflag:$0x3] =	stream.linear.gather [hbm4b:s10+s8], $0x1400, $0x38;
	[tilespmem:$0x1E400] =	vst v63  }
0xa5: {  	_ =	swait.ge [sflag:s20], $0x1400  }
0xa6: {  	[sflag:s20] =	ssyncset.done $0x0  }
0xa7: {  	[sflag:s20] =	ssyncadd.s32 $0xFFFFEC00  }
0xa8: {  	[tilespmem:s21], [sflag:$0x3] =	stream.linear.gather [hbm4b:s11+s8], $0x1400, $0x38;
	[tilespmem:$0x1E400] =	vst v63  }
0xa9: {  	_ =	swait.ge [sflag:s20], $0x1400  }
0xaa: {  	[sflag:s20] =	ssyncset.done $0x0  }
0xab: {  	[sflag:s20] =	ssyncadd.s32 $0xFFFFEC00  }
0xac: {  	[tilespmem:s23], [sflag:$0x1] =	stream.indirect.gather [hbm4b:s4+s22], $0x80, s8, s22, $0xb8;
	[tilespmem:$0x1E400] =	vst v63  }
0xad: {  	_ = 	snop  }
0xae: {  	[tilespmem:s24], [sflag:$0x2] =	stream.indirect.gather [hbm4b:s4+s22], $0x80, s22, s22, $0xb8;
	[tilespmem:$0x1E400] =	vst v63  }
0xaf: {  	_ =	swait.ge [sflag:s25], $0x4000  }
0xb0: {  	[sflag:s25] =	ssyncset.done $0x0  }
0xb1: {  	s8 =	simm.s32 $0x1400;
	[sflag:s25] =	ssyncadd.s32 $0xFFFFC000  }
0xb2: {  	[spmem:s1] =	stream.indirect.scatter.add.f32 [tilespmem:s23], [sflag:$0x3], $0x80, s8, s22, $0xb8;
	[tilespmem:$0x1E400] =	vst v63  }
0xb3: {  	_ =	swait.ge [sflag:s20], $0x4000  }
0xb4: {  	[sflag:s20] =	ssyncset.done $0x0  }
0xb5: {  	s8 =	simm.s32 $0x100;
	[sflag:s20] =	ssyncadd.s32 $0xFFFFC000  }
0xb6: {  	[tilespmem:s23], [sflag:$0x1] =	stream.indirect.gather [hbm4b:s4+s22], $0x80, s8, s22, $0xb8;
	[tilespmem:$0x1E400] =	vst v63  }
0xb7: {  	_ =	swait.ge [sflag:s28], $0x4000  }
0xb8: {  	[sflag:s28] =	ssyncset.done $0x0  }
0xb9: {  	s8 =	simm.s32 $0x1480;
	[sflag:s28] =	ssyncadd.s32 $0xFFFFC000  }
0xba: {  	[spmem:s1] =	stream.indirect.scatter.add.f32 [tilespmem:s24], [sflag:$0x3], $0x80, s8, s22, $0xb8;
	[tilespmem:$0x1E400] =	vst v63  }
0xbb: {  	_ =	swait.ge [sflag:s20], $0x4000  }
0xbc: {  	[sflag:s20] =	ssyncset.done $0x0  }
0xbd: {  	s31 =	simm.s32 $0x400;
	s0 =	simm.s32 $0x180;
	[sflag:s20] =	ssyncadd.s32 $0xFFFFC000  }
.LBB2_5:
0xbe: {  	[tilespmem:s24], [sflag:$0x2] =	stream.indirect.gather [hbm4b:s4+s22], $0x80, s0, s22, $0xb8;
	[tilespmem:$0x1E400] =	vst v63  }
0xbf: {  	s0 =	smov.u32 s31  }
0xc0: {  	p1 =	sne.s32 s31, $0x4800;
	s31 =	sadd.s32 $0x400, s31;
	_ =	swait.ge [sflag:s25], $0x4000  }
0xc1: {  	s0 =	sshra.s32 s0, $0x2;
	[sflag:s25] =	ssyncset.done $0x0  }
0xc2: {  	s8 =	sadd.s32 $0x1400, s0;
	[sflag:s25] =	ssyncadd.s32 $0xFFFFC000  }
0xc3: {  	[spmem:s1] =	stream.indirect.scatter.add.f32 [tilespmem:s23], [sflag:$0x3], $0x80, s8, s22, $0xb8;
	[tilespmem:$0x1E400] =	vst v63  }
0xc4: {  	_ =	swait.ge [sflag:s20], $0x4000  }
0xc5: {  	[sflag:s20] =	ssyncset.done $0x0  }
0xc6: {  	s8 =	sadd.s32 $0x100, s0;
	[sflag:s20] =	ssyncadd.s32 $0xFFFFC000  }
0xc7: {  	[tilespmem:s23], [sflag:$0x1] =	stream.indirect.gather [hbm4b:s4+s22], $0x80, s8, s22, $0xb8;
	[tilespmem:$0x1E400] =	vst v63  }
0xc8: {  	_ =	swait.ge [sflag:s28], $0x4000  }
0xc9: {  	[sflag:s28] =	ssyncset.done $0x0  }
.Ltmp4:
0xca: {  	s8 =	sadd.s32 $0x1480, s0;
	[sflag:s28] =	ssyncadd.s32 $0xFFFFC000;
	(pc) =	sbr.rel @p1 .LBB2_5-.Ltmp4, $4  }
0xcb: {  	[spmem:s1] =	stream.indirect.scatter.add.f32 [tilespmem:s24], [sflag:$0x3], $0x80, s8, s22, $0xb8;
	[tilespmem:$0x1E400] =	vst v63  }
0xcc: {  	_ =	swait.ge [sflag:s20], $0x4000  }
0xcd: {  	[sflag:s20] =	ssyncset.done $0x0  }
0xce: {  	s0 =	sadd.s32 $0x180, s0;
	[sflag:s20] =	ssyncadd.s32 $0xFFFFC000  }
0xcf: {  	[tilespmem:s24], [sflag:$0x2] =	stream.indirect.gather [hbm4b:s4+s22], $0x80, s0, s22, $0xb8;
	[tilespmem:$0x1E400] =	vst v63  }
0xd0: {  	_ =	swait.ge [sflag:s25], $0x4000  }
0xd1: {  	[sflag:s25] =	ssyncset.done $0x0  }
0xd2: {  	[sflag:s25] =	ssyncadd.s32 $0xFFFFC000  }
0xd3: {  	[spmem:s1] =	stream.indirect.scatter.add.f32 [tilespmem:s23], [sflag:$0x3], $0x80, s2, s22, $0xb8;
	[tilespmem:$0x1E400] =	vst v63  }
0xd4: {  	_ =	swait.ge [sflag:s20], $0x4000  }
0xd5: {  	[sflag:s20] =	ssyncset.done $0x0  }
0xd6: {  	[sflag:s20] =	ssyncadd.s32 $0xFFFFC000  }
0xd7: {  	_ =	swait.ge [sflag:s28], $0x4000  }
0xd8: {  	[sflag:s28] =	ssyncset.done $0x0  }
0xd9: {  	[sflag:s28] =	ssyncadd.s32 $0xFFFFC000  }
0xda: {  	[spmem:s1] =	stream.indirect.scatter.add.f32 [tilespmem:s24], [sflag:$0x3], $0x80, s26, s22, $0xb8;
	[tilespmem:$0x1E400] =	vst v63  }
0xdb: {  	_ =	swait.ge [sflag:s20], $0x4000  }
0xdc: {  	[sflag:s20] =	ssyncset.done $0x0  }
0xdd: {  	s8 =	simm.s32 $0x0;
	[sflag:s20] =	ssyncadd.s32 $0xFFFFC000  }
0xde: {  	[tilespmem:s8], [sflag:$0x3] =	stream.linear.gather [hbm4b:s12+s8], $0x1400, $0x38;
	[tilespmem:$0x1E400] =	vst v63  }
0xdf: {  	_ =	swait.ge [sflag:s20], $0x1400  }
0xe0: {  	[sflag:s20] =	ssyncset.done $0x0  }
0xe1: {  	[sflag:s20] =	ssyncadd.s32 $0xFFFFEC00  }
0xe2: {  	[tilespmem:s21], [sflag:$0x3] =	stream.linear.gather [hbm4b:s13+s8], $0x1400, $0x38;
	[tilespmem:$0x1E400] =	vst v63  }
0xe3: {  	_ =	swait.ge [sflag:s20], $0x1400  }
0xe4: {  	[sflag:s20] =	ssyncset.done $0x0  }
0xe5: {  	[sflag:s20] =	ssyncadd.s32 $0xFFFFEC00  }
0xe6: {  	[tilespmem:s23], [sflag:$0x1] =	stream.indirect.gather [hbm4b:s4+s22], $0x80, s8, s22, $0xb8;
	[tilespmem:$0x1E400] =	vst v63  }
0xe7: {  	_ = 	snop  }
0xe8: {  	[tilespmem:s24], [sflag:$0x2] =	stream.indirect.gather [hbm4b:s4+s22], $0x80, s22, s22, $0xb8;
	[tilespmem:$0x1E400] =	vst v63  }
0xe9: {  	_ =	swait.ge [sflag:s25], $0x4000  }
0xea: {  	[sflag:s25] =	ssyncset.done $0x0  }
0xeb: {  	s8 =	simm.s32 $0x1400;
	[sflag:s25] =	ssyncadd.s32 $0xFFFFC000  }
0xec: {  	[spmem:s1] =	stream.indirect.scatter.add.f32 [tilespmem:s23], [sflag:$0x3], $0x80, s8, s22, $0xb8;
	[tilespmem:$0x1E400] =	vst v63  }
0xed: {  	_ =	swait.ge [sflag:s20], $0x4000  }
0xee: {  	[sflag:s20] =	ssyncset.done $0x0  }
0xef: {  	s8 =	simm.s32 $0x100;
	[sflag:s20] =	ssyncadd.s32 $0xFFFFC000  }
0xf0: {  	[tilespmem:s23], [sflag:$0x1] =	stream.indirect.gather [hbm4b:s4+s22], $0x80, s8, s22, $0xb8;
	[tilespmem:$0x1E400] =	vst v63  }
0xf1: {  	_ =	swait.ge [sflag:s28], $0x4000  }
0xf2: {  	[sflag:s28] =	ssyncset.done $0x0  }
0xf3: {  	s8 =	simm.s32 $0x1480;
	[sflag:s28] =	ssyncadd.s32 $0xFFFFC000  }
0xf4: {  	[spmem:s1] =	stream.indirect.scatter.add.f32 [tilespmem:s24], [sflag:$0x3], $0x80, s8, s22, $0xb8;
	[tilespmem:$0x1E400] =	vst v63  }
0xf5: {  	_ =	swait.ge [sflag:s20], $0x4000  }
0xf6: {  	[sflag:s20] =	ssyncset.done $0x0  }
0xf7: {  	s31 =	simm.s32 $0x400;
	s0 =	simm.s32 $0x180;
	[sflag:s20] =	ssyncadd.s32 $0xFFFFC000  }
.LBB2_7:
0xf8: {  	[tilespmem:s24], [sflag:$0x2] =	stream.indirect.gather [hbm4b:s4+s22], $0x80, s0, s22, $0xb8;
	[tilespmem:$0x1E400] =	vst v63  }
0xf9: {  	s0 =	smov.u32 s31  }
0xfa: {  	p1 =	sne.s32 s31, $0x4800;
	s31 =	sadd.s32 $0x400, s31;
	_ =	swait.ge [sflag:s25], $0x4000  }
0xfb: {  	s0 =	sshra.s32 s0, $0x2;
	[sflag:s25] =	ssyncset.done $0x0  }
0xfc: {  	s8 =	sadd.s32 $0x1400, s0;
	[sflag:s25] =	ssyncadd.s32 $0xFFFFC000  }
0xfd: {  	[spmem:s1] =	stream.indirect.scatter.add.f32 [tilespmem:s23], [sflag:$0x3], $0x80, s8, s22, $0xb8;
	[tilespmem:$0x1E400] =	vst v63  }
0xfe: {  	_ =	swait.ge [sflag:s20], $0x4000  }
0xff: {  	[sflag:s20] =	ssyncset.done $0x0  }
0x100: {  	s8 =	sadd.s32 $0x100, s0;
	[sflag:s20] =	ssyncadd.s32 $0xFFFFC000  }
0x101: {  	[tilespmem:s23], [sflag:$0x1] =	stream.indirect.gather [hbm4b:s4+s22], $0x80, s8, s22, $0xb8;
	[tilespmem:$0x1E400] =	vst v63  }
0x102: {  	_ =	swait.ge [sflag:s28], $0x4000  }
0x103: {  	[sflag:s28] =	ssyncset.done $0x0  }
.Ltmp5:
0x104: {  	s8 =	sadd.s32 $0x1480, s0;
	[sflag:s28] =	ssyncadd.s32 $0xFFFFC000;
	(pc) =	sbr.rel @p1 .LBB2_7-.Ltmp5, $4  }
0x105: {  	[spmem:s1] =	stream.indirect.scatter.add.f32 [tilespmem:s24], [sflag:$0x3], $0x80, s8, s22, $0xb8;
	[tilespmem:$0x1E400] =	vst v63  }
0x106: {  	_ =	swait.ge [sflag:s20], $0x4000  }
0x107: {  	[sflag:s20] =	ssyncset.done $0x0  }
0x108: {  	s0 =	sadd.s32 $0x180, s0;
	[sflag:s20] =	ssyncadd.s32 $0xFFFFC000  }
0x109: {  	[tilespmem:s24], [sflag:$0x2] =	stream.indirect.gather [hbm4b:s4+s22], $0x80, s0, s22, $0xb8;
	[tilespmem:$0x1E400] =	vst v63  }
0x10a: {  	_ =	swait.ge [sflag:s25], $0x4000  }
0x10b: {  	[sflag:s25] =	ssyncset.done $0x0  }
0x10c: {  	[sflag:s25] =	ssyncadd.s32 $0xFFFFC000  }
0x10d: {  	[spmem:s1] =	stream.indirect.scatter.add.f32 [tilespmem:s23], [sflag:$0x3], $0x80, s2, s22, $0xb8;
	[tilespmem:$0x1E400] =	vst v63  }
0x10e: {  	_ =	swait.ge [sflag:s20], $0x4000  }
0x10f: {  	[sflag:s20] =	ssyncset.done $0x0  }
0x110: {  	[sflag:s20] =	ssyncadd.s32 $0xFFFFC000  }
0x111: {  	_ =	swait.ge [sflag:s28], $0x4000  }
0x112: {  	[sflag:s28] =	ssyncset.done $0x0  }
0x113: {  	[sflag:s28] =	ssyncadd.s32 $0xFFFFC000  }
0x114: {  	[spmem:s1] =	stream.indirect.scatter.add.f32 [tilespmem:s24], [sflag:$0x3], $0x80, s26, s22, $0xb8;
	[tilespmem:$0x1E400] =	vst v63  }
0x115: {  	_ =	swait.ge [sflag:s20], $0x4000  }
0x116: {  	[sflag:s20] =	ssyncset.done $0x0  }
0x117: {  	s8 =	simm.s32 $0x0;
	[sflag:s20] =	ssyncadd.s32 $0xFFFFC000  }
0x118: {  	[tilespmem:s8], [sflag:$0x3] =	stream.linear.gather [hbm4b:s14+s8], $0x1000, $0x38;
	[tilespmem:$0x1E400] =	vst v63  }
0x119: {  	_ =	swait.ge [sflag:s20], $0x1000  }
0x11a: {  	[sflag:s20] =	ssyncset.done $0x0  }
0x11b: {  	[sflag:s20] =	ssyncadd.s32 $0xFFFFF000  }
0x11c: {  	[tilespmem:s21], [sflag:$0x3] =	stream.linear.gather [hbm4b:s15+s8], $0x1000, $0x38;
	[tilespmem:$0x1E400] =	vst v63  }
0x11d: {  	_ =	swait.ge [sflag:s20], $0x1000  }
0x11e: {  	[sflag:s20] =	ssyncset.done $0x0  }
0x11f: {  	[sflag:s20] =	ssyncadd.s32 $0xFFFFF000  }
0x120: {  	[tilespmem:s23], [sflag:$0x1] =	stream.indirect.gather [hbm4b:s4+s22], $0x80, s8, s22, $0xb8;
	[tilespmem:$0x1E400] =	vst v63  }
0x121: {  	_ = 	snop  }
0x122: {  	[tilespmem:s24], [sflag:$0x2] =	stream.indirect.gather [hbm4b:s4+s22], $0x80, s22, s22, $0xb8;
	[tilespmem:$0x1E400] =	vst v63  }
0x123: {  	_ =	swait.ge [sflag:s25], $0x4000  }
0x124: {  	[sflag:s25] =	ssyncset.done $0x0  }
0x125: {  	s8 =	simm.s32 $0x1400;
	[sflag:s25] =	ssyncadd.s32 $0xFFFFC000  }
0x126: {  	[spmem:s1] =	stream.indirect.scatter.add.f32 [tilespmem:s23], [sflag:$0x3], $0x80, s8, s22, $0xb8;
	[tilespmem:$0x1E400] =	vst v63  }
0x127: {  	_ =	swait.ge [sflag:s20], $0x4000  }
0x128: {  	[sflag:s20] =	ssyncset.done $0x0  }
0x129: {  	s8 =	simm.s32 $0x100;
	[sflag:s20] =	ssyncadd.s32 $0xFFFFC000  }
0x12a: {  	[tilespmem:s23], [sflag:$0x1] =	stream.indirect.gather [hbm4b:s4+s22], $0x80, s8, s22, $0xb8;
	[tilespmem:$0x1E400] =	vst v63  }
0x12b: {  	_ =	swait.ge [sflag:s28], $0x4000  }
0x12c: {  	p1 =	por $0x0, $0x0;
	[sflag:s28] =	ssyncset.done $0x0  }
.Ltmp6:
0x12d: {  	s8 =	simm.s32 $0x1480;
	[sflag:s28] =	ssyncadd.s32 $0xFFFFC000;
	(pc) =	sbr.rel @p1 .LBB2_10-.Ltmp6, $4  }
0x12e: {  	[spmem:s1] =	stream.indirect.scatter.add.f32 [tilespmem:s24], [sflag:$0x3], $0x80, s8, s22, $0xb8;
	[tilespmem:$0x1E400] =	vst v63  }
0x12f: {  	_ =	swait.ge [sflag:s20], $0x4000  }
0x130: {  	[sflag:s20] =	ssyncset.done $0x0  }
0x131: {  	s31 =	simm.s32 $0x400;
	s0 =	simm.s32 $0x180;
	[sflag:s20] =	ssyncadd.s32 $0xFFFFC000  }
.LBB2_9:
0x132: {  	[tilespmem:s24], [sflag:$0x2] =	stream.indirect.gather [hbm4b:s4+s22], $0x80, s0, s22, $0xb8;
	[tilespmem:$0x1E400] =	vst v63  }
0x133: {  	s0 =	smov.u32 s31  }
0x134: {  	p1 =	seq.s32 s31, $0x3800;
	s31 =	sadd.s32 $0x400, s31;
	_ =	swait.ge [sflag:s25], $0x4000  }
0x135: {  	s0 =	sshra.s32 s0, $0x2;
	[sflag:s25] =	ssyncset.done $0x0  }
0x136: {  	s8 =	sadd.s32 $0x1400, s0;
	[sflag:s25] =	ssyncadd.s32 $0xFFFFC000  }
0x137: {  	[spmem:s1] =	stream.indirect.scatter.add.f32 [tilespmem:s23], [sflag:$0x3], $0x80, s8, s22, $0xb8;
	[tilespmem:$0x1E400] =	vst v63  }
0x138: {  	_ =	swait.ge [sflag:s20], $0x4000  }
0x139: {  	[sflag:s20] =	ssyncset.done $0x0  }
0x13a: {  	s8 =	sadd.s32 $0x100, s0;
	[sflag:s20] =	ssyncadd.s32 $0xFFFFC000  }
0x13b: {  	[tilespmem:s23], [sflag:$0x1] =	stream.indirect.gather [hbm4b:s4+s22], $0x80, s8, s22, $0xb8;
	[tilespmem:$0x1E400] =	vst v63  }
0x13c: {  	_ =	swait.ge [sflag:s28], $0x4000  }
0x13d: {  	[sflag:s28] =	ssyncset.done $0x0  }
.Ltmp7:
0x13e: {  	s8 =	sadd.s32 $0x1480, s0;
	[sflag:s28] =	ssyncadd.s32 $0xFFFFC000;
	(pc) =	sbr.rel @!p1 .LBB2_9-.Ltmp7, $4  }
0x13f: {  	[spmem:s1] =	stream.indirect.scatter.add.f32 [tilespmem:s24], [sflag:$0x3], $0x80, s8, s22, $0xb8;
	[tilespmem:$0x1E400] =	vst v63  }
0x140: {  	_ =	swait.ge [sflag:s20], $0x4000  }
0x141: {  	[sflag:s20] =	ssyncset.done $0x0  }
0x142: {  	s0 =	sadd.s32 $0x180, s0;
	[sflag:s20] =	ssyncadd.s32 $0xFFFFC000  }
.LBB2_10:
.Ltmp8:
0x143: {  	(pc) =	sbr.rel .LBB2_12-.Ltmp8, $3  }
0x144: {  	_ =	sdelay $0x1  }
0x145: {  	[tilespmem:s24], [sflag:$0x2] =	stream.indirect.gather [hbm4b:s4+s22], $0x80, s0, s22, $0xb8;
	[tilespmem:$0x1E400] =	vst v63  }
0x146: {  	s31 =	simm.s32 $0x2380;
	s0 =	simm.s32 $0x2300  }
.LBB2_13:
0x147: {  	_ =	sfence.sel $0x180000  }
0x148: {  	[bflag:$0x0] =	sbarrier.arrive $0xFFFF  }
0x149: {  	_ =	strace $0x9000004D  }
0x14a: {  	s0 =	stileid.u32;
	[bflag:$0x2] =	sbarrier.arrive $0xFFFF  }
0x14b: {  	p0 =	sne.s32 s0, $0x0;
	s0 =	rddreg [dreg:$0x2]  }
0x14c: {  	s0 =	sadd.s32 @!p0 $0x100000, s0  }
0x14d: {  	[sflag:s0] =	ssyncadd.tile.s32 @!p0 $0x1;
	_ =	shalt  }
.Lfunc_end2:
_tile_overlayer_lowered:
.L_overlay_start_2:
0x14e: {  	(tag) =	ssettag $0x2  }
0x14f: {  	s0 =	rddreg [dreg:$0x0];
	s2 =	stileid.u32  }
0x150: {  	s1 =	rddreg [dreg:$0x1];
	p0 =	sne.s32 s2, $0x0  }
0x151: {  	s3 =	rddreg [dreg:$0x2];
	[bflag:$0x3] =	sbarrier.arrive $0xFFFF;
	s2 =	simm.s32 @!p0 $0x1C03  }
0x152: {  	[timem:s3], [sflag:s2] =	dma.local @!p0 [hbm:s0], s1  }
0x153: {  	s0 =	simm.s32 @!p0 $0x3  }
0x154: {  	_ =	swait.ge @!p0 [sflag:s0], s1  }
0x155: {  	s1 =	ssub.s32 @!p0 $0x0, s1;
	[sflag:s0] =	ssyncset.done @!p0 $0x0  }
0x156: {  	[sflag:s0] =	ssyncadd.s32 @!p0 s1  }
0x157: {  	[bflag:$0x3] =	sbarrier.arrive $0xFFFF  }
0x158: {  	_ =	shalt  }

</sc_bundles>
